<compile_context>
chip_gen: v7x
topology: tpu7x:2x2x1
jax: 0.10.2.dev20260603
libtpu: 0.0.44.dev20260713+nightly
codegen_flags: <defaults>
</compile_context>

<pallas_src>
import functools

import jax
import jax.numpy as jnp
from jax import lax
from jax.experimental import pallas as pl
from jax.experimental.pallas import tpu as pltpu
from jax.experimental.pallas import tpu_sc as plsc

N = 10000
E = 320000
DIN = 128
DH = DIN // 2
DE = 16
DOUT = 128

NC = 2
NS = 16
NW = NC * NS
NACC = 10240
RPT_A = NACC // NS

EPS = E // NS
CHA = 80
NCHA = EPS // CHA
NGRP = NCHA // 5

EPT = E // NW
CHC = 50
NCHC = EPT // CHC
NPS = N // NS

_mesh = plsc.VectorSubcoreMesh(
    core_axis_name="c", subcore_axis_name="s", num_cores=NC, num_subcores=NS)
_sc_params = pltpu.CompilerParams(
    use_tc_tiling_on_sc=False, needs_layout_passes=False)


@functools.partial(
    pl.kernel,
    out_type=(
        jax.ShapeDtypeStruct((NC, NACC, DH), jnp.float32),
        jax.ShapeDtypeStruct((NACC, DE), jnp.float32),
        jax.ShapeDtypeStruct((NS, N), jnp.float32),
    ),
    mesh=_mesh,
    scratch_types=[
        [pltpu.VMEM((5, CHA), jnp.int32) for _ in range(2)],
        pltpu.VMEM((NCHA, CHA), jnp.int32),
        [pltpu.VMEM((CHA, DH), jnp.float32) for _ in range(5)],
        [pltpu.VMEM((CHA, DE), jnp.float32) for _ in range(5)],
        pltpu.VMEM((N,), jnp.float32),
        pltpu.VMEM_SHARED((NACC, DH), jnp.float32),
        pltpu.VMEM_SHARED((NACC, DE), jnp.float32),
        [pltpu.SemaphoreType.DMA for _ in range(2)],
        [pltpu.SemaphoreType.DMA for _ in range(5)],
        [pltpu.SemaphoreType.DMA for _ in range(5)],
        [pltpu.SemaphoreType.DMA for _ in range(5)],
        [pltpu.SemaphoreType.DMA for _ in range(5)],
    ],
    compiler_params=_sc_params,
)
def _scatter_kernel(nf_view, efeats2, src_r, dst_r, zn, ze,
                    out_n, out_e, out_deg,
                    isr, idx_d, rows, erows, deg_l,
                    acc_n, acc_e, isl, gs, ss, el, es):
    cid = lax.axis_index("c")
    sid = lax.axis_index("s")
    on_c0 = cid == 0
    on_c1 = cid == 1
    cvec = jnp.zeros((16,), jnp.int32) + cid
    two = jnp.full((16,), 2, jnp.int32)

    r0 = sid * RPT_A
    pltpu.async_copy(zn.at[pl.ds(r0, RPT_A)], acc_n.at[pl.ds(r0, RPT_A)],
                     gs[4])
    pltpu.async_copy(dst_r.at[sid], idx_d, ss[4])

    @pl.when(on_c0)
    def _():
        pltpu.async_copy(ze.at[pl.ds(r0, RPT_A)],
                         acc_e.at[pl.ds(r0, RPT_A)], el[4])

    pltpu.make_async_copy(zn.at[pl.ds(r0, RPT_A)],
                          acc_n.at[pl.ds(r0, RPT_A)], gs[4]).wait()
    pltpu.make_async_copy(dst_r.at[sid], idx_d, ss[4]).wait()

    @pl.when(on_c0)
    def _():
        pltpu.make_async_copy(ze.at[pl.ds(r0, RPT_A)],
                              acc_e.at[pl.ds(r0, RPT_A)], el[4]).wait()

    ebase = sid * EPS

    def isl_start(g, e):
        pltpu.async_copy(src_r.at[sid].at[pl.ds(g * 5, 5)], isr[e], isl[e])

    def isl_wait(e):
        pltpu.make_async_copy(src_r.at[sid].at[pl.ds(0, 5)],
                              isr[e], isl[e]).wait()
        for r in range(5):
            for k in range(CHA // 16):
                sl = pl.ds(k * 16, 16)
                isr[e][r, sl] = isr[e][r, sl] * two + cvec

    def g_start(row_ref, b):
        pltpu.async_copy(nf_view.at[row_ref], rows[b], gs[b])

    def g_wait(b):
        pltpu.make_async_copy(nf_view.at[isr[0].at[0]], rows[b],
                              gs[b]).wait()

    def e_start(j, b):
        pltpu.async_copy(efeats2.at[pl.ds(ebase + j * CHA, CHA)],
                         erows[b], el[b])

    def e_wait(b):
        pltpu.make_async_copy(efeats2.at[pl.ds(0, CHA)],
                              erows[b], el[b]).wait()

    def s_start(j, b):
        pltpu.async_copy(rows[b], acc_n.at[idx_d.at[j]], ss[b], add=True)

    def s_drain(b):
        pltpu.make_async_copy(rows[b], acc_n.at[idx_d.at[0]], ss[b]).wait()

    def es_start(j, b):
        pltpu.async_copy(erows[b], acc_e.at[idx_d.at[j]], es[b], add=True)

    def es_drain(b):
        pltpu.make_async_copy(erows[b], acc_e.at[idx_d.at[0]],
                              es[b]).wait()

    isl_start(0, 0)
    isl_start(1, 1)
    isl_wait(0)
    for b in range(3):
        g_start(isr[0].at[b], b)

    @pl.when(on_c0)
    def _():
        for b in range(3):
            e_start(b, b)

    @pl.when(on_c1)
    def _():
        zero16 = jnp.zeros((16,), jnp.float32)

        @pl.loop(0, N // 16)
        def _z(g):
            deg_l[pl.ds(g * 16, 16)] = zero16

        ones16 = jnp.ones((16,), jnp.float32)

        @pl.loop(0, NCHA)
        def _hist(r):
            for k in range(CHA // 16):
                d = idx_d[r, pl.ds(k * 16, 16)]
                plsc.addupdate_scatter(deg_l, [d], ones16)

    @pl.loop(0, NGRP // 2)
    def _dgrp(G):
        for e in range(2):
            g = G * 2 + e
            if e == 0:
                isl_wait(1)
            else:
                @pl.when(G < NGRP // 2 - 1)
                def _():
                    isl_wait(0)
            for b in range(5):
                j = g * 5 + b
                g_wait(b)
                s_start(j, b)

                @pl.when(on_c0)
                def _():
                    e_wait(b)
                    es_start(j, b)

                b3 = (b + 3) % 5
                @pl.when((j >= 2) & (j + 3 < NCHA))
                def _():
                    s_drain(b3)

                @pl.when(on_c0 & (j >= 2) & (j + 3 < NCHA))
                def _():
                    es_drain(b3)

                @pl.when(j + 3 < NCHA)
                def _():
                    if b < 2:
                        g_start(isr[e].at[b + 3], b3)
                    else:
                        g_start(isr[1 - e].at[b - 2], b3)

                @pl.when(on_c0 & (j + 3 < NCHA))
                def _():
                    e_start(j + 3, b3)
            @pl.when(g + 2 < NGRP)
            def _():
                isl_start(g + 2, e)

    for b in range(5):
        s_drain(b)

        @pl.when(on_c0)
        def _():
            es_drain(b)

    plsc.subcore_barrier()

    pltpu.sync_copy(acc_n.at[pl.ds(r0, RPT_A)],
                    out_n.at[cid].at[pl.ds(r0, RPT_A)])

    @pl.when(on_c0)
    def _():
        pltpu.sync_copy(acc_e.at[pl.ds(r0, RPT_A)],
                        out_e.at[pl.ds(r0, RPT_A)])

    @pl.when(on_c1)
    def _():
        pltpu.sync_copy(deg_l, out_deg.at[sid])


BLK = 1000


def _dense_body(snp, sep, degp, nf, wmsg, bmsg, wapp, bapp, nh_out, hh_out):
    snl = snp[0]
    snr = snp[1]
    se = sep[...]
    deg = jnp.sum(degp[...], axis=1)[:, None]
    inv = 1.0 / jnp.maximum(deg, 1.0)
    w1l = wmsg[:DH, :]
    w1r = wmsg[DH:DIN, :]
    w2 = wmsg[DIN:, :]
    msum = (jnp.dot(snl * inv, w1l, preferred_element_type=jnp.float32)
            + jnp.dot(snr * inv, w1r, preferred_element_type=jnp.float32)
            + jnp.dot(se * inv, w2, preferred_element_type=jnp.float32))
    hn = msum + jnp.where(deg > 0.0, 1.0, 0.0) * bmsg[0]
    wa1 = wapp[:DIN, :]
    wa2 = wapp[DIN:, :]
    pre = (jnp.dot(nf[0], wa1, preferred_element_type=jnp.float32)
           + jnp.dot(hn, wa2, preferred_element_type=jnp.float32)
           + bapp[0])
    nh = jnp.maximum(pre, 0.0)
    nh_out[0] = nh
    hh_out[0] = 0.5 * nh


def _dense(snp, sep, degt, nfeats3, W_msg, b_msg, W_apply, b_apply):
    grid = (N // BLK,)
    return pl.pallas_call(
        _dense_body,
        grid=grid,
        in_specs=[
            pl.BlockSpec((NC, BLK, DH), lambda i: (0, i, 0)),
            pl.BlockSpec((BLK, DE), lambda i: (i, 0)),
            pl.BlockSpec((BLK, NS), lambda i: (i, 0)),
            pl.BlockSpec((1, BLK, DIN), lambda i: (0, i, 0)),
            pl.BlockSpec((DIN + DE, DOUT), lambda i: (0, 0)),
            pl.BlockSpec((1, DOUT), lambda i: (0, 0)),
            pl.BlockSpec((DIN + DOUT, DOUT), lambda i: (0, 0)),
            pl.BlockSpec((1, DOUT), lambda i: (0, 0)),
        ],
        out_specs=[
            pl.BlockSpec((1, BLK, DOUT), lambda i: (0, i, 0)),
            pl.BlockSpec((1, BLK, DOUT), lambda i: (0, i, 0)),
        ],
        out_shape=[
            jax.ShapeDtypeStruct((1, N, DOUT), jnp.float32),
            jax.ShapeDtypeStruct((1, N, DOUT), jnp.float32),
        ],
    )(snp, sep, degt, nfeats3, W_msg, b_msg, W_apply, b_apply)


@functools.partial(
    pl.kernel,
    out_type=jax.ShapeDtypeStruct((E, DOUT), jnp.float32),
    mesh=_mesh,
    scratch_types=[
        pltpu.VMEM((NCHC, CHC), jnp.int32),
        pltpu.VMEM((NCHC, CHC), jnp.int32),
        [pltpu.VMEM((CHC, DOUT), jnp.float32) for _ in range(4)],
        pltpu.VMEM_SHARED((N, DOUT), jnp.float32),
        [pltpu.SemaphoreType.DMA for _ in range(4)],
        [pltpu.SemaphoreType.DMA for _ in range(4)],
        [pltpu.SemaphoreType.DMA for _ in range(4)],
    ],
    compiler_params=_sc_params,
)
def _edge_kernel(hh, src_r, dst_r, out,
                 idx_s, idx_d, bufo, hh_s, ga, gb, os):
    cid = lax.axis_index("c")
    sid = lax.axis_index("s")
    tid = cid * NS + sid

    pltpu.async_copy(hh.at[pl.ds(sid * NPS, NPS)],
                     hh_s.at[pl.ds(sid * NPS, NPS)], ga[0])
    pltpu.async_copy(src_r.at[tid], idx_s, gb[0])
    pltpu.async_copy(dst_r.at[tid], idx_d, os[0])
    pltpu.make_async_copy(hh.at[pl.ds(sid * NPS, NPS)],
                          hh_s.at[pl.ds(sid * NPS, NPS)], ga[0]).wait()
    pltpu.make_async_copy(src_r.at[tid], idx_s, gb[0]).wait()
    pltpu.make_async_copy(dst_r.at[tid], idx_d, os[0]).wait()

    plsc.subcore_barrier()

    ebase = tid * EPT

    def ga_start(j, b):
        pltpu.async_copy(hh_s.at[idx_s.at[j]], bufo[b], ga[b])

    def ga_wait(b):
        pltpu.make_async_copy(hh_s.at[idx_s.at[0]], bufo[b], ga[b]).wait()

    def gb_start(j, b):
        pltpu.async_copy(hh_s.at[idx_d.at[j]], bufo[b], gb[b], add=True)

    def gb_wait(b):
        pltpu.make_async_copy(hh_s.at[idx_d.at[0]], bufo[b], gb[b]).wait()

    def o_start(j, b):
        pltpu.async_copy(bufo[b], out.at[pl.ds(ebase + j * CHC, CHC)],
                         os[b])

    def o_wait(b):
        pltpu.make_async_copy(bufo[b],
                              out.at[pl.ds(ebase, CHC)], os[b]).wait()

    ga_start(0, 0)
    ga_start(1, 1)

    @pl.loop(0, NCHC // 4)
    def _grp(G):
        for b in range(4):
            j = G * 4 + b
            ga_wait(b)
            gb_start(j, b)
            gb_wait(b)
            o_start(j, b)
            b2 = (b + 2) % 4

            @pl.when(j + 2 < NCHC)
            def _():
                @pl.when(j >= 2)
                def _():
                    o_wait(b2)

                ga_start(j + 2, b2)

    for k in range(4):
        o_wait((NCHC - 4 + k) % 4)


@jax.jit
def kernel(nfeats, efeats, edge_index, W_msg, b_msg, W_apply, b_apply):
    nfeats2 = nfeats.reshape(N, DIN)
    efeats2 = efeats.reshape(E, DE)
    src = edge_index[0].astype(jnp.int32)
    dst = edge_index[1].astype(jnp.int32)

    nf_view = nfeats2.reshape(2 * N, DH)

    zn = jnp.zeros((NACC, DH), jnp.float32)
    ze = jnp.zeros((NACC, DE), jnp.float32)

    snp, sep, degp = _scatter_kernel(
        nf_view, efeats2,
        src.reshape(NS, NCHA, CHA), dst.reshape(NS, NCHA, CHA), zn, ze)

    nh3, hh3 = _dense(snp, sep, degp.T, nfeats2[None], W_msg,
                      b_msg[None], W_apply, b_apply[None])
    new_h = nh3.reshape(N, 1, DOUT)
    hh = hh3.reshape(N, DOUT)

    e_out = _edge_kernel(hh, src.reshape(NW, NCHC, CHC),
                         dst.reshape(NW, NCHC, CHC))
    return new_h, e_out.reshape(E, 1, DOUT)

# --- scband reference (transcript-rebuilt; emitter-appended) ---
"""Pipeline reference for scband-sagelayer-85152021611243 (READ-ONLY COPY).

The authoritative reference and input builder live on the scoring server;
editing this copy changes nothing except your own understanding.
"""

import jax, jax.numpy as jnp
import numpy as np

N = 10000
E = 320000
DIN = 128
DE = 16
DOUT = 128


def setup_inputs(seed: int = 0) -> dict:
    key = jax.random.key(seed)
    ks = jax.random.split(key, 7)
    nfeats = jax.random.normal(ks[0], (N, 1, DIN), dtype=jnp.float32)
    efeats = jax.random.normal(ks[1], (E, 1, DE), dtype=jnp.float32)
    edge_index = jax.random.randint(ks[2], (2, E), 0, N)
    # W_msg: Linear(DIN + DE -> DOUT); stored as [in, out] for x @ W + b
    lim1 = 1.0 / np.sqrt(DIN + DE)
    W_msg = jax.random.uniform(ks[3], (DIN + DE, DOUT), minval=-lim1, maxval=lim1, dtype=jnp.float32)
    b_msg = jnp.zeros((DOUT,), dtype=jnp.float32)
    # W_apply: Linear(DIN + DOUT -> DOUT)
    lim2 = 1.0 / np.sqrt(DIN + DOUT)
    W_apply = jax.random.uniform(ks[4], (DIN + DOUT, DOUT), minval=-lim2, maxval=lim2, dtype=jnp.float32)
    b_apply = jnp.zeros((DOUT,), dtype=jnp.float32)
    return {
        'nfeats': nfeats,
        'efeats': efeats,
        'edge_index': edge_index,
        'W_msg': W_msg,
        'b_msg': b_msg,
        'W_apply': W_apply,
        'b_apply': b_apply,
    }


def reference(nfeats, efeats, edge_index, W_msg, b_msg, W_apply, b_apply):
    src = edge_index[0]
    dst = edge_index[1]
    # message: m = W_msg(cat([h_src, e], dim=2))  -> [E, 1, DOUT]
    src_h = jnp.take(nfeats, src, axis=0)
    m = jnp.concatenate([src_h, efeats], axis=2) @ W_msg + b_msg
    # aggregate: fn.mean('m', 'h_neigh') over incoming edges per dst node
    msum = jax.ops.segment_sum(m, dst, num_segments=N)
    deg = jax.ops.segment_sum(jnp.ones((E,), dtype=m.dtype), dst, num_segments=N)
    h_neigh = msum / jnp.clip(deg, 1.0)[:, None, None]
    # apply: h' = relu(W_apply(cat([h, h_neigh], dim=2)))
    new_h = jax.nn.relu(jnp.concatenate([nfeats, h_neigh], axis=2) @ W_apply + b_apply)
    # update_edge_features: e_uv = 0.5 * (h'_u + h'_v)
    e_new = (jnp.take(new_h, src, axis=0) + jnp.take(new_h, dst, axis=0)) / 2.0
    return (new_h, e_new)

if __name__ == "__main__":
    import jax
    _d = setup_inputs()
    print(jax.jit(kernel)(*tuple(_d.values())))

</pallas_src>

<mosaic_0001>
#map = affine_map<(d0, d1) -> (0, 0)>
#map1 = affine_map<(d0, d1) -> (0, 0, 0)>
module attributes {stable_mosaic.version = 14 : i64} {
  func.func @_scatter_kernel(%arg0: i32, %arg1: i32, %arg2: memref<20000x64xf32, #tpu.memory_space<hbm>>, %arg3: memref<320000x16xf32, #tpu.memory_space<hbm>>, %arg4: memref<16x250x80xi32, #tpu.memory_space<hbm>>, %arg5: memref<16x250x80xi32, #tpu.memory_space<hbm>>, %arg6: memref<10240x64xf32, #tpu.memory_space<hbm>>, %arg7: memref<10240x16xf32, #tpu.memory_space<hbm>>, %arg8: memref<2x10240x64xf32, #tpu.memory_space<hbm>>, %arg9: memref<10240x16xf32, #tpu.memory_space<hbm>>, %arg10: memref<16x10000xf32, #tpu.memory_space<hbm>>, %arg11: memref<5x80xi32, #tpu.memory_space<vmem>>, %arg12: memref<5x80xi32, #tpu.memory_space<vmem>>, %arg13: memref<250x80xi32, #tpu.memory_space<vmem>>, %arg14: memref<80x64xf32, #tpu.memory_space<vmem>>, %arg15: memref<80x64xf32, #tpu.memory_space<vmem>>, %arg16: memref<80x64xf32, #tpu.memory_space<vmem>>, %arg17: memref<80x64xf32, #tpu.memory_space<vmem>>, %arg18: memref<80x64xf32, #tpu.memory_space<vmem>>, %arg19: memref<80x16xf32, #tpu.memory_space<vmem>>, %arg20: memref<80x16xf32, #tpu.memory_space<vmem>>, %arg21: memref<80x16xf32, #tpu.memory_space<vmem>>, %arg22: memref<80x16xf32, #tpu.memory_space<vmem>>, %arg23: memref<80x16xf32, #tpu.memory_space<vmem>>, %arg24: memref<10000xf32, #tpu.memory_space<vmem>>, %arg25: memref<10240x64xf32, #tpu.memory_space<vmem_shared>>, %arg26: memref<10240x16xf32, #tpu.memory_space<vmem_shared>>, %arg27: memref<!tpu.dma_semaphore, #tpu.memory_space<semaphore_mem>>, %arg28: memref<!tpu.dma_semaphore, #tpu.memory_space<semaphore_mem>>, %arg29: memref<!tpu.dma_semaphore, #tpu.memory_space<semaphore_mem>>, %arg30: memref<!tpu.dma_semaphore, #tpu.memory_space<semaphore_mem>>, %arg31: memref<!tpu.dma_semaphore, #tpu.memory_space<semaphore_mem>>, %arg32: memref<!tpu.dma_semaphore, #tpu.memory_space<semaphore_mem>>, %arg33: memref<!tpu.dma_semaphore, #tpu.memory_space<semaphore_mem>>, %arg34: memref<!tpu.dma_semaphore, #tpu.memory_space<semaphore_mem>>, %arg35: memref<!tpu.dma_semaphore, #tpu.memory_space<semaphore_mem>>, %arg36: memref<!tpu.dma_semaphore, #tpu.memory_space<semaphore_mem>>, %arg37: memref<!tpu.dma_semaphore, #tpu.memory_space<semaphore_mem>>, %arg38: memref<!tpu.dma_semaphore, #tpu.memory_space<semaphore_mem>>, %arg39: memref<!tpu.dma_semaphore, #tpu.memory_space<semaphore_mem>>, %arg40: memref<!tpu.dma_semaphore, #tpu.memory_space<semaphore_mem>>, %arg41: memref<!tpu.dma_semaphore, #tpu.memory_space<semaphore_mem>>, %arg42: memref<!tpu.dma_semaphore, #tpu.memory_space<semaphore_mem>>, %arg43: memref<!tpu.dma_semaphore, #tpu.memory_space<semaphore_mem>>, %arg44: memref<!tpu.dma_semaphore, #tpu.memory_space<semaphore_mem>>, %arg45: memref<!tpu.dma_semaphore, #tpu.memory_space<semaphore_mem>>, %arg46: memref<!tpu.dma_semaphore, #tpu.memory_space<semaphore_mem>>, %arg47: memref<!tpu.dma_semaphore, #tpu.memory_space<semaphore_mem>>, %arg48: memref<!tpu.dma_semaphore, #tpu.memory_space<semaphore_mem>>) attributes {dimension_semantics = [#tpu.dimension_semantics<core_parallel>, #tpu.dimension_semantics<subcore_parallel>], iteration_bounds = array<i64: 2, 16>, scalar_prefetch = 0 : i64, scratch_operands = 38 : i64, tpu.core_type = #tpu.core_type<sc_vector_subcore>, window_params = [{transform_indices = #map}, {transform_indices = #map}, {transform_indices = #map1}, {transform_indices = #map1}, {transform_indices = #map}, {transform_indices = #map}, {transform_indices = #map1}, {transform_indices = #map}, {transform_indices = #map}]} {
    %eq3A = arith.constant 0 : i32
    %eq3A_0 = arith.cmpi eq, %arg0, %eq3A : i32
    %eq3A_1 = arith.constant 1 : i32
    %eq3A_2 = arith.cmpi eq, %arg0, %eq3A_1 : i32
    %broadcast_in_dim3A = arith.constant 0 : i32
    %broadcast_in_dim3A_3 = vector.broadcast %broadcast_in_dim3A : i32 to vector<16xi32>
    %add3A = vector.broadcast %arg0 : i32 to vector<16xi32>
    %add3A_4 = arith.addi %broadcast_in_dim3A_3, %add3A : vector<16xi32>
    %broadcast_in_dim3A_5 = arith.constant 2 : i32
    %broadcast_in_dim3A_6 = vector.broadcast %broadcast_in_dim3A_5 : i32 to vector<16xi32>
    %mul3A = arith.constant 640 : i32
    %mul3A_7 = arith.muli %arg1, %mul3A : i32
    %dma_start3A = arith.constant 0 : i32
    %dma_start3A_8 = tpu.memref_slice %arg25[%mul3A_7, %dma_start3A] : memref<10240x64xf32, #tpu.memory_space<vmem_shared>> -> memref<640x64xf32, #tpu.memory_space<vmem_shared>>
    %dma_start3A_9 = arith.constant 0 : i32
    %dma_start3A_10 = tpu.memref_slice %arg6[%mul3A_7, %dma_start3A_9] : memref<10240x64xf32, #tpu.memory_space<hbm>> -> memref<640x64xf32, #tpu.memory_space<hbm>>
    tpu.enqueue_dma source(%dma_start3A_10 : memref<640x64xf32, #tpu.memory_space<hbm>>) target(%dma_start3A_8 : memref<640x64xf32, #tpu.memory_space<vmem_shared>>) target_semaphore(%arg33 : memref<!tpu.dma_semaphore, #tpu.memory_space<semaphore_mem>>)
    %dma_start3A_11 = arith.constant 0 : i32
    %dma_start3A_12 = arith.constant 0 : i32
    %dma_start3A_13 = tpu.memref_slice %arg5[%arg1, %dma_start3A_11, %dma_start3A_12] : memref<16x250x80xi32, #tpu.memory_space<hbm>> -> memref<1x250x80xi32, #tpu.memory_space<hbm>>
    %dma_start3A_14 = tpu.memref_squeeze %dma_start3A_13 : memref<1x250x80xi32, #tpu.memory_space<hbm>> -> memref<250x80xi32, #tpu.memory_space<hbm>>
    %dma_start3A_15 = arith.constant 0 : i32
    %dma_start3A_16 = arith.constant 0 : i32
    %dma_start3A_17 = tpu.memref_slice %arg5[%arg1, %dma_start3A_15, %dma_start3A_16] : memref<16x250x80xi32, #tpu.memory_space<hbm>> -> memref<1x250x80xi32, #tpu.memory_space<hbm>>
    %dma_start3A_18 = tpu.memref_squeeze %dma_start3A_17 : memref<1x250x80xi32, #tpu.memory_space<hbm>> -> memref<250x80xi32, #tpu.memory_space<hbm>>
    tpu.enqueue_dma source(%dma_start3A_18 : memref<250x80xi32, #tpu.memory_space<hbm>>) target(%arg13 : memref<250x80xi32, #tpu.memory_space<vmem>>) target_semaphore(%arg38 : memref<!tpu.dma_semaphore, #tpu.memory_space<semaphore_mem>>)
    %convert_element_type3A = arith.extui %eq3A_0 : i1 to i32
    %cond3A = arith.constant 0 : i32
    %cond3A_19 = arith.cmpi ne, %convert_element_type3A, %cond3A : i32
    scf.if %cond3A_19 {
      %dma_start3A_413 = arith.constant 0 : i32
      %dma_start3A_414 = tpu.memref_slice %arg26[%mul3A_7, %dma_start3A_413] : memref<10240x16xf32, #tpu.memory_space<vmem_shared>> -> memref<640x16xf32, #tpu.memory_space<vmem_shared>>
      %dma_start3A_415 = arith.constant 0 : i32
      %dma_start3A_416 = tpu.memref_slice %arg7[%mul3A_7, %dma_start3A_415] : memref<10240x16xf32, #tpu.memory_space<hbm>> -> memref<640x16xf32, #tpu.memory_space<hbm>>
      tpu.enqueue_dma source(%dma_start3A_416 : memref<640x16xf32, #tpu.memory_space<hbm>>) target(%dma_start3A_414 : memref<640x16xf32, #tpu.memory_space<vmem_shared>>) target_semaphore(%arg43 : memref<!tpu.dma_semaphore, #tpu.memory_space<semaphore_mem>>)
    } else {
    }
    %dma_wait3A = arith.constant 0 : i32
    %dma_wait3A_20 = tpu.memref_slice %arg25[%mul3A_7, %dma_wait3A] : memref<10240x64xf32, #tpu.memory_space<vmem_shared>> -> memref<640x64xf32, #tpu.memory_space<vmem_shared>>
    %dma_wait3A_21 = arith.constant 0 : i32
    %dma_wait3A_22 = tpu.memref_slice %arg6[%mul3A_7, %dma_wait3A_21] : memref<10240x64xf32, #tpu.memory_space<hbm>> -> memref<640x64xf32, #tpu.memory_space<hbm>>
    tpu.wait_dma2 semaphore(%arg33 : memref<!tpu.dma_semaphore, #tpu.memory_space<semaphore_mem>>) src(%dma_wait3A_22 : memref<640x64xf32, #tpu.memory_space<hbm>>) dst(%dma_wait3A_20 : memref<640x64xf32, #tpu.memory_space<vmem_shared>>)
    %dma_wait3A_23 = arith.constant 0 : i32
    %dma_wait3A_24 = arith.constant 0 : i32
    %dma_wait3A_25 = tpu.memref_slice %arg5[%arg1, %dma_wait3A_23, %dma_wait3A_24] : memref<16x250x80xi32, #tpu.memory_space<hbm>> -> memref<1x250x80xi32, #tpu.memory_space<hbm>>
    %dma_wait3A_26 = tpu.memref_squeeze %dma_wait3A_25 : memref<1x250x80xi32, #tpu.memory_space<hbm>> -> memref<250x80xi32, #tpu.memory_space<hbm>>
    %dma_wait3A_27 = arith.constant 0 : i32
    %dma_wait3A_28 = arith.constant 0 : i32
    %dma_wait3A_29 = tpu.memref_slice %arg5[%arg1, %dma_wait3A_27, %dma_wait3A_28] : memref<16x250x80xi32, #tpu.memory_space<hbm>> -> memref<1x250x80xi32, #tpu.memory_space<hbm>>
    %dma_wait3A_30 = tpu.memref_squeeze %dma_wait3A_29 : memref<1x250x80xi32, #tpu.memory_space<hbm>> -> memref<250x80xi32, #tpu.memory_space<hbm>>
    tpu.wait_dma2 semaphore(%arg38 : memref<!tpu.dma_semaphore, #tpu.memory_space<semaphore_mem>>) src(%dma_wait3A_30 : memref<250x80xi32, #tpu.memory_space<hbm>>) dst(%arg13 : memref<250x80xi32, #tpu.memory_space<vmem>>)
    %convert_element_type3A_31 = arith.extui %eq3A_0 : i1 to i32
    %cond3A_32 = arith.constant 0 : i32
    %cond3A_33 = arith.cmpi ne, %convert_element_type3A_31, %cond3A_32 : i32
    scf.if %cond3A_33 {
      %dma_wait3A_413 = arith.constant 0 : i32
      %dma_wait3A_414 = tpu.memref_slice %arg26[%mul3A_7, %dma_wait3A_413] : memref<10240x16xf32, #tpu.memory_space<vmem_shared>> -> memref<640x16xf32, #tpu.memory_space<vmem_shared>>
      %dma_wait3A_415 = arith.constant 0 : i32
      %dma_wait3A_416 = tpu.memref_slice %arg7[%mul3A_7, %dma_wait3A_415] : memref<10240x16xf32, #tpu.memory_space<hbm>> -> memref<640x16xf32, #tpu.memory_space<hbm>>
      tpu.wait_dma2 semaphore(%arg43 : memref<!tpu.dma_semaphore, #tpu.memory_space<semaphore_mem>>) src(%dma_wait3A_416 : memref<640x16xf32, #tpu.memory_space<hbm>>) dst(%dma_wait3A_414 : memref<640x16xf32, #tpu.memory_space<vmem_shared>>)
    } else {
    }
    %mul3A_34 = arith.constant 20000 : i32
    %mul3A_35 = arith.muli %arg1, %mul3A_34 : i32
    %dma_start3A_36 = arith.constant 0 : i32
    %dma_start3A_37 = arith.constant 0 : i32
    %dma_start3A_38 = tpu.memref_slice %arg4[%arg1, %dma_start3A_36, %dma_start3A_37] : memref<16x250x80xi32, #tpu.memory_space<hbm>> -> memref<1x250x80xi32, #tpu.memory_space<hbm>>
    %dma_start3A_39 = tpu.memref_squeeze %dma_start3A_38 : memref<1x250x80xi32, #tpu.memory_space<hbm>> -> memref<250x80xi32, #tpu.memory_space<hbm>>
    %dma_start3A_40 = arith.constant 0 : i32
    %dma_start3A_41 = arith.constant 0 : i32
    %dma_start3A_42 = tpu.memref_slice %dma_start3A_39[%dma_start3A_40, %dma_start3A_41] : memref<250x80xi32, #tpu.memory_space<hbm>> -> memref<5x80xi32, #tpu.memory_space<hbm>>
    %dma_start3A_43 = arith.constant 0 : i32
    %dma_start3A_44 = arith.constant 0 : i32
    %dma_start3A_45 = tpu.memref_slice %arg4[%arg1, %dma_start3A_43, %dma_start3A_44] : memref<16x250x80xi32, #tpu.memory_space<hbm>> -> memref<1x250x80xi32, #tpu.memory_space<hbm>>
    %dma_start3A_46 = tpu.memref_squeeze %dma_start3A_45 : memref<1x250x80xi32, #tpu.memory_space<hbm>> -> memref<250x80xi32, #tpu.memory_space<hbm>>
    %dma_start3A_47 = arith.constant 0 : i32
    %dma_start3A_48 = arith.constant 0 : i32
    %dma_start3A_49 = tpu.memref_slice %dma_start3A_46[%dma_start3A_47, %dma_start3A_48] : memref<250x80xi32, #tpu.memory_space<hbm>> -> memref<5x80xi32, #tpu.memory_space<hbm>>
    tpu.enqueue_dma source(%dma_start3A_49 : memref<5x80xi32, #tpu.memory_space<hbm>>) target(%arg11 : memref<5x80xi32, #tpu.memory_space<vmem>>) target_semaphore(%arg27 : memref<!tpu.dma_semaphore, #tpu.memory_space<semaphore_mem>>)
    %dma_start3A_50 = arith.constant 0 : i32
    %dma_start3A_51 = arith.constant 0 : i32
    %dma_start3A_52 = tpu.memref_slice %arg4[%arg1, %dma_start3A_50, %dma_start3A_51] : memref<16x250x80xi32, #tpu.memory_space<hbm>> -> memref<1x250x80xi32, #tpu.memory_space<hbm>>
    %dma_start3A_53 = tpu.memref_squeeze %dma_start3A_52 : memref<1x250x80xi32, #tpu.memory_space<hbm>> -> memref<250x80xi32, #tpu.memory_space<hbm>>
    %dma_start3A_54 = arith.constant 5 : i32
    %dma_start3A_55 = arith.constant 0 : i32
    %dma_start3A_56 = tpu.memref_slice %dma_start3A_53[%dma_start3A_54, %dma_start3A_55] : memref<250x80xi32, #tpu.memory_space<hbm>> -> memref<5x80xi32, #tpu.memory_space<hbm>>
    %dma_start3A_57 = arith.constant 0 : i32
    %dma_start3A_58 = arith.constant 0 : i32
    %dma_start3A_59 = tpu.memref_slice %arg4[%arg1, %dma_start3A_57, %dma_start3A_58] : memref<16x250x80xi32, #tpu.memory_space<hbm>> -> memref<1x250x80xi32, #tpu.memory_space<hbm>>
    %dma_start3A_60 = tpu.memref_squeeze %dma_start3A_59 : memref<1x250x80xi32, #tpu.memory_space<hbm>> -> memref<250x80xi32, #tpu.memory_space<hbm>>
    %dma_start3A_61 = arith.constant 5 : i32
    %dma_start3A_62 = arith.constant 0 : i32
    %dma_start3A_63 = tpu.memref_slice %dma_start3A_60[%dma_start3A_61, %dma_start3A_62] : memref<250x80xi32, #tpu.memory_space<hbm>> -> memref<5x80xi32, #tpu.memory_space<hbm>>
    tpu.enqueue_dma source(%dma_start3A_63 : memref<5x80xi32, #tpu.memory_space<hbm>>) target(%arg12 : memref<5x80xi32, #tpu.memory_space<vmem>>) target_semaphore(%arg28 : memref<!tpu.dma_semaphore, #tpu.memory_space<semaphore_mem>>)
    %dma_wait3A_64 = arith.constant 0 : i32
    %dma_wait3A_65 = arith.constant 0 : i32
    %dma_wait3A_66 = tpu.memref_slice %arg4[%arg1, %dma_wait3A_64, %dma_wait3A_65] : memref<16x250x80xi32, #tpu.memory_space<hbm>> -> memref<1x250x80xi32, #tpu.memory_space<hbm>>
    %dma_wait3A_67 = tpu.memref_squeeze %dma_wait3A_66 : memref<1x250x80xi32, #tpu.memory_space<hbm>> -> memref<250x80xi32, #tpu.memory_space<hbm>>
    %dma_wait3A_68 = arith.constant 0 : i32
    %dma_wait3A_69 = arith.constant 0 : i32
    %dma_wait3A_70 = tpu.memref_slice %dma_wait3A_67[%dma_wait3A_68, %dma_wait3A_69] : memref<250x80xi32, #tpu.memory_space<hbm>> -> memref<5x80xi32, #tpu.memory_space<hbm>>
    %dma_wait3A_71 = arith.constant 0 : i32
    %dma_wait3A_72 = arith.constant 0 : i32
    %dma_wait3A_73 = tpu.memref_slice %arg4[%arg1, %dma_wait3A_71, %dma_wait3A_72] : memref<16x250x80xi32, #tpu.memory_space<hbm>> -> memref<1x250x80xi32, #tpu.memory_space<hbm>>
    %dma_wait3A_74 = tpu.memref_squeeze %dma_wait3A_73 : memref<1x250x80xi32, #tpu.memory_space<hbm>> -> memref<250x80xi32, #tpu.memory_space<hbm>>
    %dma_wait3A_75 = arith.constant 0 : i32
    %dma_wait3A_76 = arith.constant 0 : i32
    %dma_wait3A_77 = tpu.memref_slice %dma_wait3A_74[%dma_wait3A_75, %dma_wait3A_76] : memref<250x80xi32, #tpu.memory_space<hbm>> -> memref<5x80xi32, #tpu.memory_space<hbm>>
    tpu.wait_dma2 semaphore(%arg27 : memref<!tpu.dma_semaphore, #tpu.memory_space<semaphore_mem>>) src(%dma_wait3A_77 : memref<5x80xi32, #tpu.memory_space<hbm>>) dst(%arg11 : memref<5x80xi32, #tpu.memory_space<vmem>>)
    %get3A = arith.constant 0 : i32
    %get3A_78 = arith.index_cast %get3A : i32 to index
    %get3A_79 = arith.constant 0 : index
    %get3A_80 = tpu.vector_load %arg11[%get3A_78, %get3A_79] {strides = array<i32>} : memref<5x80xi32, #tpu.memory_space<vmem>>, vector<16xi32>,
    %mul3A_81 = arith.muli %get3A_80, %broadcast_in_dim3A_6 : vector<16xi32>
    %add3A_82 = arith.addi %mul3A_81, %add3A_4 : vector<16xi32>
    %swap3A = arith.constant 0 : i32
    %swap3A_83 = arith.index_cast %swap3A : i32 to index
    %swap3A_84 = arith.constant 0 : index
    %swap3A_85 = tpu.vector_load %arg11[%swap3A_83, %swap3A_84] {strides = array<i32>} : memref<5x80xi32, #tpu.memory_space<vmem>>, vector<16xi32>,
    tpu.vector_store %arg11[%swap3A_83, %swap3A_84], %add3A_82 {strides = array<i32>} : memref<5x80xi32, #tpu.memory_space<vmem>>, vector<16xi32>,
    %get3A_86 = arith.constant 0 : i32
    %get3A_87 = arith.index_cast %get3A_86 : i32 to index
    %get3A_88 = arith.constant 16 : index
    %get3A_89 = tpu.vector_load %arg11[%get3A_87, %get3A_88] {strides = array<i32>} : memref<5x80xi32, #tpu.memory_space<vmem>>, vector<16xi32>,
    %mul3A_90 = arith.muli %get3A_89, %broadcast_in_dim3A_6 : vector<16xi32>
    %add3A_91 = arith.addi %mul3A_90, %add3A_4 : vector<16xi32>
    %swap3A_92 = arith.constant 0 : i32
    %swap3A_93 = arith.index_cast %swap3A_92 : i32 to index
    %swap3A_94 = arith.constant 16 : index
    %swap3A_95 = tpu.vector_load %arg11[%swap3A_93, %swap3A_94] {strides = array<i32>} : memref<5x80xi32, #tpu.memory_space<vmem>>, vector<16xi32>,
    tpu.vector_store %arg11[%swap3A_93, %swap3A_94], %add3A_91 {strides = array<i32>} : memref<5x80xi32, #tpu.memory_space<vmem>>, vector<16xi32>,
    %get3A_96 = arith.constant 0 : i32
    %get3A_97 = arith.index_cast %get3A_96 : i32 to index
    %get3A_98 = arith.constant 32 : index
    %get3A_99 = tpu.vector_load %arg11[%get3A_97, %get3A_98] {strides = array<i32>} : memref<5x80xi32, #tpu.memory_space<vmem>>, vector<16xi32>,
    %mul3A_100 = arith.muli %get3A_99, %broadcast_in_dim3A_6 : vector<16xi32>
    %add3A_101 = arith.addi %mul3A_100, %add3A_4 : vector<16xi32>
    %swap3A_102 = arith.constant 0 : i32
    %swap3A_103 = arith.index_cast %swap3A_102 : i32 to index
    %swap3A_104 = arith.constant 32 : index
    %swap3A_105 = tpu.vector_load %arg11[%swap3A_103, %swap3A_104] {strides = array<i32>} : memref<5x80xi32, #tpu.memory_space<vmem>>, vector<16xi32>,
    tpu.vector_store %arg11[%swap3A_103, %swap3A_104], %add3A_101 {strides = array<i32>} : memref<5x80xi32, #tpu.memory_space<vmem>>, vector<16xi32>,
    %get3A_106 = arith.constant 0 : i32
    %get3A_107 = arith.index_cast %get3A_106 : i32 to index
    %get3A_108 = arith.constant 48 : index
    %get3A_109 = tpu.vector_load %arg11[%get3A_107, %get3A_108] {strides = array<i32>} : memref<5x80xi32, #tpu.memory_space<vmem>>, vector<16xi32>,
    %mul3A_110 = arith.muli %get3A_109, %broadcast_in_dim3A_6 : vector<16xi32>
    %add3A_111 = arith.addi %mul3A_110, %add3A_4 : vector<16xi32>
    %swap3A_112 = arith.constant 0 : i32
    %swap3A_113 = arith.index_cast %swap3A_112 : i32 to index
    %swap3A_114 = arith.constant 48 : index
    %swap3A_115 = tpu.vector_load %arg11[%swap3A_113, %swap3A_114] {strides = array<i32>} : memref<5x80xi32, #tpu.memory_space<vmem>>, vector<16xi32>,
    tpu.vector_store %arg11[%swap3A_113, %swap3A_114], %add3A_111 {strides = array<i32>} : memref<5x80xi32, #tpu.memory_space<vmem>>, vector<16xi32>,
    %get3A_116 = arith.constant 0 : i32
    %get3A_117 = arith.index_cast %get3A_116 : i32 to index
    %get3A_118 = arith.constant 64 : index
    %get3A_119 = tpu.vector_load %arg11[%get3A_117, %get3A_118] {strides = array<i32>} : memref<5x80xi32, #tpu.memory_space<vmem>>, vector<16xi32>,
    %mul3A_120 = arith.muli %get3A_119, %broadcast_in_dim3A_6 : vector<16xi32>
    %add3A_121 = arith.addi %mul3A_120, %add3A_4 : vector<16xi32>
    %swap3A_122 = arith.constant 0 : i32
    %swap3A_123 = arith.index_cast %swap3A_122 : i32 to index
    %swap3A_124 = arith.constant 64 : index
    %swap3A_125 = tpu.vector_load %arg11[%swap3A_123, %swap3A_124] {strides = array<i32>} : memref<5x80xi32, #tpu.memory_space<vmem>>, vector<16xi32>,
    tpu.vector_store %arg11[%swap3A_123, %swap3A_124], %add3A_121 {strides = array<i32>} : memref<5x80xi32, #tpu.memory_space<vmem>>, vector<16xi32>,
    %get3A_126 = arith.constant 1 : i32
    %get3A_127 = arith.index_cast %get3A_126 : i32 to index
    %get3A_128 = arith.constant 0 : index
    %get3A_129 = tpu.vector_load %arg11[%get3A_127, %get3A_128] {strides = array<i32>} : memref<5x80xi32, #tpu.memory_space<vmem>>, vector<16xi32>,
    %mul3A_130 = arith.muli %get3A_129, %broadcast_in_dim3A_6 : vector<16xi32>
    %add3A_131 = arith.addi %mul3A_130, %add3A_4 : vector<16xi32>
    %swap3A_132 = arith.constant 1 : i32
    %swap3A_133 = arith.index_cast %swap3A_132 : i32 to index
    %swap3A_134 = arith.constant 0 : index
    %swap3A_135 = tpu.vector_load %arg11[%swap3A_133, %swap3A_134] {strides = array<i32>} : memref<5x80xi32, #tpu.memory_space<vmem>>, vector<16xi32>,
    tpu.vector_store %arg11[%swap3A_133, %swap3A_134], %add3A_131 {strides = array<i32>} : memref<5x80xi32, #tpu.memory_space<vmem>>, vector<16xi32>,
    %get3A_136 = arith.constant 1 : i32
    %get3A_137 = arith.index_cast %get3A_136 : i32 to index
    %get3A_138 = arith.constant 16 : index
    %get3A_139 = tpu.vector_load %arg11[%get3A_137, %get3A_138] {strides = array<i32>} : memref<5x80xi32, #tpu.memory_space<vmem>>, vector<16xi32>,
    %mul3A_140 = arith.muli %get3A_139, %broadcast_in_dim3A_6 : vector<16xi32>
    %add3A_141 = arith.addi %mul3A_140, %add3A_4 : vector<16xi32>
    %swap3A_142 = arith.constant 1 : i32
    %swap3A_143 = arith.index_cast %swap3A_142 : i32 to index
    %swap3A_144 = arith.constant 16 : index
    %swap3A_145 = tpu.vector_load %arg11[%swap3A_143, %swap3A_144] {strides = array<i32>} : memref<5x80xi32, #tpu.memory_space<vmem>>, vector<16xi32>,
    tpu.vector_store %arg11[%swap3A_143, %swap3A_144], %add3A_141 {strides = array<i32>} : memref<5x80xi32, #tpu.memory_space<vmem>>, vector<16xi32>,
    %get3A_146 = arith.constant 1 : i32
    %get3A_147 = arith.index_cast %get3A_146 : i32 to index
    %get3A_148 = arith.constant 32 : index
    %get3A_149 = tpu.vector_load %arg11[%get3A_147, %get3A_148] {strides = array<i32>} : memref<5x80xi32, #tpu.memory_space<vmem>>, vector<16xi32>,
    %mul3A_150 = arith.muli %get3A_149, %broadcast_in_dim3A_6 : vector<16xi32>
    %add3A_151 = arith.addi %mul3A_150, %add3A_4 : vector<16xi32>
    %swap3A_152 = arith.constant 1 : i32
    %swap3A_153 = arith.index_cast %swap3A_152 : i32 to index
    %swap3A_154 = arith.constant 32 : index
    %swap3A_155 = tpu.vector_load %arg11[%swap3A_153, %swap3A_154] {strides = array<i32>} : memref<5x80xi32, #tpu.memory_space<vmem>>, vector<16xi32>,
    tpu.vector_store %arg11[%swap3A_153, %swap3A_154], %add3A_151 {strides = array<i32>} : memref<5x80xi32, #tpu.memory_space<vmem>>, vector<16xi32>,
    %get3A_156 = arith.constant 1 : i32
    %get3A_157 = arith.index_cast %get3A_156 : i32 to index
    %get3A_158 = arith.constant 48 : index
    %get3A_159 = tpu.vector_load %arg11[%get3A_157, %get3A_158] {strides = array<i32>} : memref<5x80xi32, #tpu.memory_space<vmem>>, vector<16xi32>,
    %mul3A_160 = arith.muli %get3A_159, %broadcast_in_dim3A_6 : vector<16xi32>
    %add3A_161 = arith.addi %mul3A_160, %add3A_4 : vector<16xi32>
    %swap3A_162 = arith.constant 1 : i32
    %swap3A_163 = arith.index_cast %swap3A_162 : i32 to index
    %swap3A_164 = arith.constant 48 : index
    %swap3A_165 = tpu.vector_load %arg11[%swap3A_163, %swap3A_164] {strides = array<i32>} : memref<5x80xi32, #tpu.memory_space<vmem>>, vector<16xi32>,
    tpu.vector_store %arg11[%swap3A_163, %swap3A_164], %add3A_161 {strides = array<i32>} : memref<5x80xi32, #tpu.memory_space<vmem>>, vector<16xi32>,
    %get3A_166 = arith.constant 1 : i32
    %get3A_167 = arith.index_cast %get3A_166 : i32 to index
    %get3A_168 = arith.constant 64 : index
    %get3A_169 = tpu.vector_load %arg11[%get3A_167, %get3A_168] {strides = array<i32>} : memref<5x80xi32, #tpu.memory_space<vmem>>, vector<16xi32>,
    %mul3A_170 = arith.muli %get3A_169, %broadcast_in_dim3A_6 : vector<16xi32>
    %add3A_171 = arith.addi %mul3A_170, %add3A_4 : vector<16xi32>
    %swap3A_172 = arith.constant 1 : i32
    %swap3A_173 = arith.index_cast %swap3A_172 : i32 to index
    %swap3A_174 = arith.constant 64 : index
    %swap3A_175 = tpu.vector_load %arg11[%swap3A_173, %swap3A_174] {strides = array<i32>} : memref<5x80xi32, #tpu.memory_space<vmem>>, vector<16xi32>,
    tpu.vector_store %arg11[%swap3A_173, %swap3A_174], %add3A_171 {strides = array<i32>} : memref<5x80xi32, #tpu.memory_space<vmem>>, vector<16xi32>,
    %get3A_176 = arith.constant 2 : i32
    %get3A_177 = arith.index_cast %get3A_176 : i32 to index
    %get3A_178 = arith.constant 0 : index
    %get3A_179 = tpu.vector_load %arg11[%get3A_177, %get3A_178] {strides = array<i32>} : memref<5x80xi32, #tpu.memory_space<vmem>>, vector<16xi32>,
    %mul3A_180 = arith.muli %get3A_179, %broadcast_in_dim3A_6 : vector<16xi32>
    %add3A_181 = arith.addi %mul3A_180, %add3A_4 : vector<16xi32>
    %swap3A_182 = arith.constant 2 : i32
    %swap3A_183 = arith.index_cast %swap3A_182 : i32 to index
    %swap3A_184 = arith.constant 0 : index
    %swap3A_185 = tpu.vector_load %arg11[%swap3A_183, %swap3A_184] {strides = array<i32>} : memref<5x80xi32, #tpu.memory_space<vmem>>, vector<16xi32>,
    tpu.vector_store %arg11[%swap3A_183, %swap3A_184], %add3A_181 {strides = array<i32>} : memref<5x80xi32, #tpu.memory_space<vmem>>, vector<16xi32>,
    %get3A_186 = arith.constant 2 : i32
    %get3A_187 = arith.index_cast %get3A_186 : i32 to index
    %get3A_188 = arith.constant 16 : index
    %get3A_189 = tpu.vector_load %arg11[%get3A_187, %get3A_188] {strides = array<i32>} : memref<5x80xi32, #tpu.memory_space<vmem>>, vector<16xi32>,
    %mul3A_190 = arith.muli %get3A_189, %broadcast_in_dim3A_6 : vector<16xi32>
    %add3A_191 = arith.addi %mul3A_190, %add3A_4 : vector<16xi32>
    %swap3A_192 = arith.constant 2 : i32
    %swap3A_193 = arith.index_cast %swap3A_192 : i32 to index
    %swap3A_194 = arith.constant 16 : index
    %swap3A_195 = tpu.vector_load %arg11[%swap3A_193, %swap3A_194] {strides = array<i32>} : memref<5x80xi32, #tpu.memory_space<vmem>>, vector<16xi32>,
    tpu.vector_store %arg11[%swap3A_193, %swap3A_194], %add3A_191 {strides = array<i32>} : memref<5x80xi32, #tpu.memory_space<vmem>>, vector<16xi32>,
    %get3A_196 = arith.constant 2 : i32
    %get3A_197 = arith.index_cast %get3A_196 : i32 to index
    %get3A_198 = arith.constant 32 : index
    %get3A_199 = tpu.vector_load %arg11[%get3A_197, %get3A_198] {strides = array<i32>} : memref<5x80xi32, #tpu.memory_space<vmem>>, vector<16xi32>,
    %mul3A_200 = arith.muli %get3A_199, %broadcast_in_dim3A_6 : vector<16xi32>
    %add3A_201 = arith.addi %mul3A_200, %add3A_4 : vector<16xi32>
    %swap3A_202 = arith.constant 2 : i32
    %swap3A_203 = arith.index_cast %swap3A_202 : i32 to index
    %swap3A_204 = arith.constant 32 : index
    %swap3A_205 = tpu.vector_load %arg11[%swap3A_203, %swap3A_204] {strides = array<i32>} : memref<5x80xi32, #tpu.memory_space<vmem>>, vector<16xi32>,
    tpu.vector_store %arg11[%swap3A_203, %swap3A_204], %add3A_201 {strides = array<i32>} : memref<5x80xi32, #tpu.memory_space<vmem>>, vector<16xi32>,
    %get3A_206 = arith.constant 2 : i32
    %get3A_207 = arith.index_cast %get3A_206 : i32 to index
    %get3A_208 = arith.constant 48 : index
    %get3A_209 = tpu.vector_load %arg11[%get3A_207, %get3A_208] {strides = array<i32>} : memref<5x80xi32, #tpu.memory_space<vmem>>, vector<16xi32>,
    %mul3A_210 = arith.muli %get3A_209, %broadcast_in_dim3A_6 : vector<16xi32>
    %add3A_211 = arith.addi %mul3A_210, %add3A_4 : vector<16xi32>
    %swap3A_212 = arith.constant 2 : i32
    %swap3A_213 = arith.index_cast %swap3A_212 : i32 to index
    %swap3A_214 = arith.constant 48 : index
    %swap3A_215 = tpu.vector_load %arg11[%swap3A_213, %swap3A_214] {strides = array<i32>} : memref<5x80xi32, #tpu.memory_space<vmem>>, vector<16xi32>,
    tpu.vector_store %arg11[%swap3A_213, %swap3A_214], %add3A_211 {strides = array<i32>} : memref<5x80xi32, #tpu.memory_space<vmem>>, vector<16xi32>,
    %get3A_216 = arith.constant 2 : i32
    %get3A_217 = arith.index_cast %get3A_216 : i32 to index
    %get3A_218 = arith.constant 64 : index
    %get3A_219 = tpu.vector_load %arg11[%get3A_217, %get3A_218] {strides = array<i32>} : memref<5x80xi32, #tpu.memory_space<vmem>>, vector<16xi32>,
    %mul3A_220 = arith.muli %get3A_219, %broadcast_in_dim3A_6 : vector<16xi32>
    %add3A_221 = arith.addi %mul3A_220, %add3A_4 : vector<16xi32>
    %swap3A_222 = arith.constant 2 : i32
    %swap3A_223 = arith.index_cast %swap3A_222 : i32 to index
    %swap3A_224 = arith.constant 64 : index
    %swap3A_225 = tpu.vector_load %arg11[%swap3A_223, %swap3A_224] {strides = array<i32>} : memref<5x80xi32, #tpu.memory_space<vmem>>, vector<16xi32>,
    tpu.vector_store %arg11[%swap3A_223, %swap3A_224], %add3A_221 {strides = array<i32>} : memref<5x80xi32, #tpu.memory_space<vmem>>, vector<16xi32>,
    %get3A_226 = arith.constant 3 : i32
    %get3A_227 = arith.index_cast %get3A_226 : i32 to index
    %get3A_228 = arith.constant 0 : index
    %get3A_229 = tpu.vector_load %arg11[%get3A_227, %get3A_228] {strides = array<i32>} : memref<5x80xi32, #tpu.memory_space<vmem>>, vector<16xi32>,
    %mul3A_230 = arith.muli %get3A_229, %broadcast_in_dim3A_6 : vector<16xi32>
    %add3A_231 = arith.addi %mul3A_230, %add3A_4 : vector<16xi32>
    %swap3A_232 = arith.constant 3 : i32
    %swap3A_233 = arith.index_cast %swap3A_232 : i32 to index
    %swap3A_234 = arith.constant 0 : index
    %swap3A_235 = tpu.vector_load %arg11[%swap3A_233, %swap3A_234] {strides = array<i32>} : memref<5x80xi32, #tpu.memory_space<vmem>>, vector<16xi32>,
    tpu.vector_store %arg11[%swap3A_233, %swap3A_234], %add3A_231 {strides = array<i32>} : memref<5x80xi32, #tpu.memory_space<vmem>>, vector<16xi32>,
    %get3A_236 = arith.constant 3 : i32
    %get3A_237 = arith.index_cast %get3A_236 : i32 to index
    %get3A_238 = arith.constant 16 : index
    %get3A_239 = tpu.vector_load %arg11[%get3A_237, %get3A_238] {strides = array<i32>} : memref<5x80xi32, #tpu.memory_space<vmem>>, vector<16xi32>,
    %mul3A_240 = arith.muli %get3A_239, %broadcast_in_dim3A_6 : vector<16xi32>
    %add3A_241 = arith.addi %mul3A_240, %add3A_4 : vector<16xi32>
    %swap3A_242 = arith.constant 3 : i32
    %swap3A_243 = arith.index_cast %swap3A_242 : i32 to index
    %swap3A_244 = arith.constant 16 : index
    %swap3A_245 = tpu.vector_load %arg11[%swap3A_243, %swap3A_244] {strides = array<i32>} : memref<5x80xi32, #tpu.memory_space<vmem>>, vector<16xi32>,
    tpu.vector_store %arg11[%swap3A_243, %swap3A_244], %add3A_241 {strides = array<i32>} : memref<5x80xi32, #tpu.memory_space<vmem>>, vector<16xi32>,
    %get3A_246 = arith.constant 3 : i32
    %get3A_247 = arith.index_cast %get3A_246 : i32 to index
    %get3A_248 = arith.constant 32 : index
    %get3A_249 = tpu.vector_load %arg11[%get3A_247, %get3A_248] {strides = array<i32>} : memref<5x80xi32, #tpu.memory_space<vmem>>, vector<16xi32>,
    %mul3A_250 = arith.muli %get3A_249, %broadcast_in_dim3A_6 : vector<16xi32>
    %add3A_251 = arith.addi %mul3A_250, %add3A_4 : vector<16xi32>
    %swap3A_252 = arith.constant 3 : i32
    %swap3A_253 = arith.index_cast %swap3A_252 : i32 to index
    %swap3A_254 = arith.constant 32 : index
    %swap3A_255 = tpu.vector_load %arg11[%swap3A_253, %swap3A_254] {strides = array<i32>} : memref<5x80xi32, #tpu.memory_space<vmem>>, vector<16xi32>,
    tpu.vector_store %arg11[%swap3A_253, %swap3A_254], %add3A_251 {strides = array<i32>} : memref<5x80xi32, #tpu.memory_space<vmem>>, vector<16xi32>,
    %get3A_256 = arith.constant 3 : i32
    %get3A_257 = arith.index_cast %get3A_256 : i32 to index
    %get3A_258 = arith.constant 48 : index
    %get3A_259 = tpu.vector_load %arg11[%get3A_257, %get3A_258] {strides = array<i32>} : memref<5x80xi32, #tpu.memory_space<vmem>>, vector<16xi32>,
    %mul3A_260 = arith.muli %get3A_259, %broadcast_in_dim3A_6 : vector<16xi32>
    %add3A_261 = arith.addi %mul3A_260, %add3A_4 : vector<16xi32>
    %swap3A_262 = arith.constant 3 : i32
    %swap3A_263 = arith.index_cast %swap3A_262 : i32 to index
    %swap3A_264 = arith.constant 48 : index
    %swap3A_265 = tpu.vector_load %arg11[%swap3A_263, %swap3A_264] {strides = array<i32>} : memref<5x80xi32, #tpu.memory_space<vmem>>, vector<16xi32>,
    tpu.vector_store %arg11[%swap3A_263, %swap3A_264], %add3A_261 {strides = array<i32>} : memref<5x80xi32, #tpu.memory_space<vmem>>, vector<16xi32>,
    %get3A_266 = arith.constant 3 : i32
    %get3A_267 = arith.index_cast %get3A_266 : i32 to index
    %get3A_268 = arith.constant 64 : index
    %get3A_269 = tpu.vector_load %arg11[%get3A_267, %get3A_268] {strides = array<i32>} : memref<5x80xi32, #tpu.memory_space<vmem>>, vector<16xi32>,
    %mul3A_270 = arith.muli %get3A_269, %broadcast_in_dim3A_6 : vector<16xi32>
    %add3A_271 = arith.addi %mul3A_270, %add3A_4 : vector<16xi32>
    %swap3A_272 = arith.constant 3 : i32
    %swap3A_273 = arith.index_cast %swap3A_272 : i32 to index
    %swap3A_274 = arith.constant 64 : index
    %swap3A_275 = tpu.vector_load %arg11[%swap3A_273, %swap3A_274] {strides = array<i32>} : memref<5x80xi32, #tpu.memory_space<vmem>>, vector<16xi32>,
    tpu.vector_store %arg11[%swap3A_273, %swap3A_274], %add3A_271 {strides = array<i32>} : memref<5x80xi32, #tpu.memory_space<vmem>>, vector<16xi32>,
    %get3A_276 = arith.constant 4 : i32
    %get3A_277 = arith.index_cast %get3A_276 : i32 to index
    %get3A_278 = arith.constant 0 : index
    %get3A_279 = tpu.vector_load %arg11[%get3A_277, %get3A_278] {strides = array<i32>} : memref<5x80xi32, #tpu.memory_space<vmem>>, vector<16xi32>,
    %mul3A_280 = arith.muli %get3A_279, %broadcast_in_dim3A_6 : vector<16xi32>
    %add3A_281 = arith.addi %mul3A_280, %add3A_4 : vector<16xi32>
    %swap3A_282 = arith.constant 4 : i32
    %swap3A_283 = arith.index_cast %swap3A_282 : i32 to index
    %swap3A_284 = arith.constant 0 : index
    %swap3A_285 = tpu.vector_load %arg11[%swap3A_283, %swap3A_284] {strides = array<i32>} : memref<5x80xi32, #tpu.memory_space<vmem>>, vector<16xi32>,
    tpu.vector_store %arg11[%swap3A_283, %swap3A_284], %add3A_281 {strides = array<i32>} : memref<5x80xi32, #tpu.memory_space<vmem>>, vector<16xi32>,
    %get3A_286 = arith.constant 4 : i32
    %get3A_287 = arith.index_cast %get3A_286 : i32 to index
    %get3A_288 = arith.constant 16 : index
    %get3A_289 = tpu.vector_load %arg11[%get3A_287, %get3A_288] {strides = array<i32>} : memref<5x80xi32, #tpu.memory_space<vmem>>, vector<16xi32>,
    %mul3A_290 = arith.muli %get3A_289, %broadcast_in_dim3A_6 : vector<16xi32>
    %add3A_291 = arith.addi %mul3A_290, %add3A_4 : vector<16xi32>
    %swap3A_292 = arith.constant 4 : i32
    %swap3A_293 = arith.index_cast %swap3A_292 : i32 to index
    %swap3A_294 = arith.constant 16 : index
    %swap3A_295 = tpu.vector_load %arg11[%swap3A_293, %swap3A_294] {strides = array<i32>} : memref<5x80xi32, #tpu.memory_space<vmem>>, vector<16xi32>,
    tpu.vector_store %arg11[%swap3A_293, %swap3A_294], %add3A_291 {strides = array<i32>} : memref<5x80xi32, #tpu.memory_space<vmem>>, vector<16xi32>,
    %get3A_296 = arith.constant 4 : i32
    %get3A_297 = arith.index_cast %get3A_296 : i32 to index
    %get3A_298 = arith.constant 32 : index
    %get3A_299 = tpu.vector_load %arg11[%get3A_297, %get3A_298] {strides = array<i32>} : memref<5x80xi32, #tpu.memory_space<vmem>>, vector<16xi32>,
    %mul3A_300 = arith.muli %get3A_299, %broadcast_in_dim3A_6 : vector<16xi32>
    %add3A_301 = arith.addi %mul3A_300, %add3A_4 : vector<16xi32>
    %swap3A_302 = arith.constant 4 : i32
    %swap3A_303 = arith.index_cast %swap3A_302 : i32 to index
    %swap3A_304 = arith.constant 32 : index
    %swap3A_305 = tpu.vector_load %arg11[%swap3A_303, %swap3A_304] {strides = array<i32>} : memref<5x80xi32, #tpu.memory_space<vmem>>, vector<16xi32>,
    tpu.vector_store %arg11[%swap3A_303, %swap3A_304], %add3A_301 {strides = array<i32>} : memref<5x80xi32, #tpu.memory_space<vmem>>, vector<16xi32>,
    %get3A_306 = arith.constant 4 : i32
    %get3A_307 = arith.index_cast %get3A_306 : i32 to index
    %get3A_308 = arith.constant 48 : index
    %get3A_309 = tpu.vector_load %arg11[%get3A_307, %get3A_308] {strides = array<i32>} : memref<5x80xi32, #tpu.memory_space<vmem>>, vector<16xi32>,
    %mul3A_310 = arith.muli %get3A_309, %broadcast_in_dim3A_6 : vector<16xi32>
    %add3A_311 = arith.addi %mul3A_310, %add3A_4 : vector<16xi32>
    %swap3A_312 = arith.constant 4 : i32
    %swap3A_313 = arith.index_cast %swap3A_312 : i32 to index
    %swap3A_314 = arith.constant 48 : index
    %swap3A_315 = tpu.vector_load %arg11[%swap3A_313, %swap3A_314] {strides = array<i32>} : memref<5x80xi32, #tpu.memory_space<vmem>>, vector<16xi32>,
    tpu.vector_store %arg11[%swap3A_313, %swap3A_314], %add3A_311 {strides = array<i32>} : memref<5x80xi32, #tpu.memory_space<vmem>>, vector<16xi32>,
    %get3A_316 = arith.constant 4 : i32
    %get3A_317 = arith.index_cast %get3A_316 : i32 to index
    %get3A_318 = arith.constant 64 : index
    %get3A_319 = tpu.vector_load %arg11[%get3A_317, %get3A_318] {strides = array<i32>} : memref<5x80xi32, #tpu.memory_space<vmem>>, vector<16xi32>,
    %mul3A_320 = arith.muli %get3A_319, %broadcast_in_dim3A_6 : vector<16xi32>
    %add3A_321 = arith.addi %mul3A_320, %add3A_4 : vector<16xi32>
    %swap3A_322 = arith.constant 4 : i32
    %swap3A_323 = arith.index_cast %swap3A_322 : i32 to index
    %swap3A_324 = arith.constant 64 : index
    %swap3A_325 = tpu.vector_load %arg11[%swap3A_323, %swap3A_324] {strides = array<i32>} : memref<5x80xi32, #tpu.memory_space<vmem>>, vector<16xi32>,
    tpu.vector_store %arg11[%swap3A_323, %swap3A_324], %add3A_321 {strides = array<i32>} : memref<5x80xi32, #tpu.memory_space<vmem>>, vector<16xi32>,
    %dma_start3A_326 = arith.constant 0 : i32
    %dma_start3A_327 = arith.constant 0 : i32
    %dma_start3A_328 = tpu.memref_slice %arg11[%dma_start3A_326, %dma_start3A_327] : memref<5x80xi32, #tpu.memory_space<vmem>> -> memref<1x80xi32, #tpu.memory_space<vmem>>
    %dma_start3A_329 = tpu.memref_squeeze %dma_start3A_328 : memref<1x80xi32, #tpu.memory_space<vmem>> -> memref<80xi32, #tpu.memory_space<vmem>>
    %dma_start3A_330 = arith.constant 0 : i32
    %dma_start3A_331 = arith.constant 0 : i32
    %dma_start3A_332 = tpu.memref_slice %arg2[%dma_start3A_330, %dma_start3A_331] : memref<20000x64xf32, #tpu.memory_space<hbm>> -> memref<20000x64xf32, #tpu.memory_space<hbm>>
    tpu.enqueue_indirect_dma source(%dma_start3A_332 : memref<20000x64xf32, #tpu.memory_space<hbm>>) target(%arg14 : memref<80x64xf32, #tpu.memory_space<vmem>>) offsets(%dma_start3A_329 : memref<80xi32, #tpu.memory_space<vmem>>) semaphore(%arg29 : memref<!tpu.dma_semaphore, #tpu.memory_space<semaphore_mem>>)
    %dma_start3A_333 = arith.constant 1 : i32
    %dma_start3A_334 = arith.constant 0 : i32
    %dma_start3A_335 = tpu.memref_slice %arg11[%dma_start3A_333, %dma_start3A_334] : memref<5x80xi32, #tpu.memory_space<vmem>> -> memref<1x80xi32, #tpu.memory_space<vmem>>
    %dma_start3A_336 = tpu.memref_squeeze %dma_start3A_335 : memref<1x80xi32, #tpu.memory_space<vmem>> -> memref<80xi32, #tpu.memory_space<vmem>>
    %dma_start3A_337 = arith.constant 0 : i32
    %dma_start3A_338 = arith.constant 0 : i32
    %dma_start3A_339 = tpu.memref_slice %arg2[%dma_start3A_337, %dma_start3A_338] : memref<20000x64xf32, #tpu.memory_space<hbm>> -> memref<20000x64xf32, #tpu.memory_space<hbm>>
    tpu.enqueue_indirect_dma source(%dma_start3A_339 : memref<20000x64xf32, #tpu.memory_space<hbm>>) target(%arg15 : memref<80x64xf32, #tpu.memory_space<vmem>>) offsets(%dma_start3A_336 : memref<80xi32, #tpu.memory_space<vmem>>) semaphore(%arg30 : memref<!tpu.dma_semaphore, #tpu.memory_space<semaphore_mem>>)
    %dma_start3A_340 = arith.constant 2 : i32
    %dma_start3A_341 = arith.constant 0 : i32
    %dma_start3A_342 = tpu.memref_slice %arg11[%dma_start3A_340, %dma_start3A_341] : memref<5x80xi32, #tpu.memory_space<vmem>> -> memref<1x80xi32, #tpu.memory_space<vmem>>
    %dma_start3A_343 = tpu.memref_squeeze %dma_start3A_342 : memref<1x80xi32, #tpu.memory_space<vmem>> -> memref<80xi32, #tpu.memory_space<vmem>>
    %dma_start3A_344 = arith.constant 0 : i32
    %dma_start3A_345 = arith.constant 0 : i32
    %dma_start3A_346 = tpu.memref_slice %arg2[%dma_start3A_344, %dma_start3A_345] : memref<20000x64xf32, #tpu.memory_space<hbm>> -> memref<20000x64xf32, #tpu.memory_space<hbm>>
    tpu.enqueue_indirect_dma source(%dma_start3A_346 : memref<20000x64xf32, #tpu.memory_space<hbm>>) target(%arg16 : memref<80x64xf32, #tpu.memory_space<vmem>>) offsets(%dma_start3A_343 : memref<80xi32, #tpu.memory_space<vmem>>) semaphore(%arg31 : memref<!tpu.dma_semaphore, #tpu.memory_space<semaphore_mem>>)
    %convert_element_type3A_347 = arith.extui %eq3A_0 : i1 to i32
    %cond3A_348 = arith.constant 0 : i32
    %cond3A_349 = arith.cmpi ne, %convert_element_type3A_347, %cond3A_348 : i32
    scf.if %cond3A_349 {
      %add3A_413 = arith.constant 0 : i32
      %add3A_414 = arith.addi %mul3A_35, %add3A_413 : i32
      %dma_start3A_415 = arith.constant 0 : i32
      %dma_start3A_416 = tpu.memref_slice %arg3[%add3A_414, %dma_start3A_415] : memref<320000x16xf32, #tpu.memory_space<hbm>> -> memref<80x16xf32, #tpu.memory_space<hbm>>
      %dma_start3A_417 = arith.constant 0 : i32
      %dma_start3A_418 = tpu.memref_slice %arg3[%add3A_414, %dma_start3A_417] : memref<320000x16xf32, #tpu.memory_space<hbm>> -> memref<80x16xf32, #tpu.memory_space<hbm>>
      tpu.enqueue_dma source(%dma_start3A_418 : memref<80x16xf32, #tpu.memory_space<hbm>>) target(%arg19 : memref<80x16xf32, #tpu.memory_space<vmem>>) target_semaphore(%arg39 : memref<!tpu.dma_semaphore, #tpu.memory_space<semaphore_mem>>)
      %add3A_419 = arith.constant 80 : i32
      %add3A_420 = arith.addi %mul3A_35, %add3A_419 : i32
      %dma_start3A_421 = arith.constant 0 : i32
      %dma_start3A_422 = tpu.memref_slice %arg3[%add3A_420, %dma_start3A_421] : memref<320000x16xf32, #tpu.memory_space<hbm>> -> memref<80x16xf32, #tpu.memory_space<hbm>>
      %dma_start3A_423 = arith.constant 0 : i32
      %dma_start3A_424 = tpu.memref_slice %arg3[%add3A_420, %dma_start3A_423] : memref<320000x16xf32, #tpu.memory_space<hbm>> -> memref<80x16xf32, #tpu.memory_space<hbm>>
      tpu.enqueue_dma source(%dma_start3A_424 : memref<80x16xf32, #tpu.memory_space<hbm>>) target(%arg20 : memref<80x16xf32, #tpu.memory_space<vmem>>) target_semaphore(%arg40 : memref<!tpu.dma_semaphore, #tpu.memory_space<semaphore_mem>>)
      %add3A_425 = arith.constant 160 : i32
      %add3A_426 = arith.addi %mul3A_35, %add3A_425 : i32
      %dma_start3A_427 = arith.constant 0 : i32
      %dma_start3A_428 = tpu.memref_slice %arg3[%add3A_426, %dma_start3A_427] : memref<320000x16xf32, #tpu.memory_space<hbm>> -> memref<80x16xf32, #tpu.memory_space<hbm>>
      %dma_start3A_429 = arith.constant 0 : i32
      %dma_start3A_430 = tpu.memref_slice %arg3[%add3A_426, %dma_start3A_429] : memref<320000x16xf32, #tpu.memory_space<hbm>> -> memref<80x16xf32, #tpu.memory_space<hbm>>
      tpu.enqueue_dma source(%dma_start3A_430 : memref<80x16xf32, #tpu.memory_space<hbm>>) target(%arg21 : memref<80x16xf32, #tpu.memory_space<vmem>>) target_semaphore(%arg41 : memref<!tpu.dma_semaphore, #tpu.memory_space<semaphore_mem>>)
    } else {
    }
    %convert_element_type3A_350 = arith.extui %eq3A_2 : i1 to i32
    %cond3A_351 = arith.constant 0 : i32
    %cond3A_352 = arith.cmpi ne, %convert_element_type3A_350, %cond3A_351 : i32
    scf.if %cond3A_352 {
      %broadcast_in_dim3A_413 = arith.constant 0.000000e+00 : f32
      %broadcast_in_dim3A_414 = vector.broadcast %broadcast_in_dim3A_413 : f32 to vector<16xf32>
      %scan3A_415 = arith.constant 0 : i32
      %scan3A_416 = arith.constant 625 : i32
      %scan3A_417 = arith.addi %scan3A_415, %scan3A_416 : i32
      %scan3A_418 = arith.constant 1 : i32
      scf.for %scan3A_427 = %scan3A_415 to %scan3A_417 step %scan3A_418  : i32 {
        %mul3A_428 = arith.constant 1 : i32
        %mul3A_429 = arith.muli %scan3A_427, %mul3A_428 : i32
        %add3A_430 = arith.constant 0 : i32
        %add3A_431 = arith.addi %add3A_430, %mul3A_429 : i32
        %mul3A_432 = arith.constant 16 : i32
        %mul3A_433 = arith.muli %add3A_431, %mul3A_432 : i32
        %swap3A_434 = arith.index_cast %mul3A_433 : i32 to index
        %swap3A_435 = tpu.vector_load %arg24[%swap3A_434] {strides = array<i32>} : memref<10000xf32, #tpu.memory_space<vmem>>, vector<16xf32>,
        tpu.vector_store %arg24[%swap3A_434], %broadcast_in_dim3A_414 {strides = array<i32>} : memref<10000xf32, #tpu.memory_space<vmem>>, vector<16xf32>,
      }
      %scan3A_419 = arith.constant 625 : i32
      %broadcast_in_dim3A_420 = arith.constant 1.000000e+00 : f32
      %broadcast_in_dim3A_421 = vector.broadcast %broadcast_in_dim3A_420 : f32 to vector<16xf32>
      %scan3A_422 = arith.constant 0 : i32
      %scan3A_423 = arith.constant 250 : i32
      %scan3A_424 = arith.addi %scan3A_422, %scan3A_423 : i32
      %scan3A_425 = arith.constant 1 : i32
      scf.for %scan3A_427 = %scan3A_422 to %scan3A_424 step %scan3A_425  : i32 {
        %mul3A_428 = arith.constant 1 : i32
        %mul3A_429 = arith.muli %scan3A_427, %mul3A_428 : i32
        %add3A_430 = arith.constant 0 : i32
        %add3A_431 = arith.addi %add3A_430, %mul3A_429 : i32
        %get3A_432 = arith.index_cast %add3A_431 : i32 to index
        %get3A_433 = arith.constant 0 : index
        %get3A_434 = tpu.vector_load %arg13[%get3A_432, %get3A_433] {strides = array<i32>} : memref<250x80xi32, #tpu.memory_space<vmem>>, vector<16xi32>,
        tpu.vector_store_idx %arg24[%get3A_434], %broadcast_in_dim3A_421 {add = true} : memref<10000xf32, #tpu.memory_space<vmem>>[vector<16xi32>], vector<16xf32>,
        %get3A_435 = arith.index_cast %add3A_431 : i32 to index
        %get3A_436 = arith.constant 16 : index
        %get3A_437 = tpu.vector_load %arg13[%get3A_435, %get3A_436] {strides = array<i32>} : memref<250x80xi32, #tpu.memory_space<vmem>>, vector<16xi32>,
        tpu.vector_store_idx %arg24[%get3A_437], %broadcast_in_dim3A_421 {add = true} : memref<10000xf32, #tpu.memory_space<vmem>>[vector<16xi32>], vector<16xf32>,
        %get3A_438 = arith.index_cast %add3A_431 : i32 to index
        %get3A_439 = arith.constant 32 : index
        %get3A_440 = tpu.vector_load %arg13[%get3A_438, %get3A_439] {strides = array<i32>} : memref<250x80xi32, #tpu.memory_space<vmem>>, vector<16xi32>,
        tpu.vector_store_idx %arg24[%get3A_440], %broadcast_in_dim3A_421 {add = true} : memref<10000xf32, #tpu.memory_space<vmem>>[vector<16xi32>], vector<16xf32>,
        %get3A_441 = arith.index_cast %add3A_431 : i32 to index
        %get3A_442 = arith.constant 48 : index
        %get3A_443 = tpu.vector_load %arg13[%get3A_441, %get3A_442] {strides = array<i32>} : memref<250x80xi32, #tpu.memory_space<vmem>>, vector<16xi32>,
        tpu.vector_store_idx %arg24[%get3A_443], %broadcast_in_dim3A_421 {add = true} : memref<10000xf32, #tpu.memory_space<vmem>>[vector<16xi32>], vector<16xf32>,
        %get3A_444 = arith.index_cast %add3A_431 : i32 to index
        %get3A_445 = arith.constant 64 : index
        %get3A_446 = tpu.vector_load %arg13[%get3A_444, %get3A_445] {strides = array<i32>} : memref<250x80xi32, #tpu.memory_space<vmem>>, vector<16xi32>,
        tpu.vector_store_idx %arg24[%get3A_446], %broadcast_in_dim3A_421 {add = true} : memref<10000xf32, #tpu.memory_space<vmem>>[vector<16xi32>], vector<16xf32>,
      }
      %scan3A_426 = arith.constant 250 : i32
    } else {
    }
    %scan3A = arith.constant 0 : i32
    %scan3A_353 = arith.constant 25 : i32
    %scan3A_354 = arith.addi %scan3A, %scan3A_353 : i32
    %scan3A_355 = arith.constant 1 : i32
    scf.for %scan3A_413 = %scan3A to %scan3A_354 step %scan3A_355  : i32 {
      %mul3A_414 = arith.constant 1 : i32
      %mul3A_415 = arith.muli %scan3A_413, %mul3A_414 : i32
      %add3A_416 = arith.constant 0 : i32
      %add3A_417 = arith.addi %add3A_416, %mul3A_415 : i32
      %mul3A_418 = arith.constant 2 : i32
      %mul3A_419 = arith.muli %add3A_417, %mul3A_418 : i32
      %add3A_420 = arith.constant 0 : i32
      %add3A_421 = arith.addi %mul3A_419, %add3A_420 : i32
      %dma_wait3A_422 = arith.constant 0 : i32
      %dma_wait3A_423 = arith.constant 0 : i32
      %dma_wait3A_424 = tpu.memref_slice %arg4[%arg1, %dma_wait3A_422, %dma_wait3A_423] : memref<16x250x80xi32, #tpu.memory_space<hbm>> -> memref<1x250x80xi32, #tpu.memory_space<hbm>>
      %dma_wait3A_425 = tpu.memref_squeeze %dma_wait3A_424 : memref<1x250x80xi32, #tpu.memory_space<hbm>> -> memref<250x80xi32, #tpu.memory_space<hbm>>
      %dma_wait3A_426 = arith.constant 0 : i32
      %dma_wait3A_427 = arith.constant 0 : i32
      %dma_wait3A_428 = tpu.memref_slice %dma_wait3A_425[%dma_wait3A_426, %dma_wait3A_427] : memref<250x80xi32, #tpu.memory_space<hbm>> -> memref<5x80xi32, #tpu.memory_space<hbm>>
      %dma_wait3A_429 = arith.constant 0 : i32
      %dma_wait3A_430 = arith.constant 0 : i32
      %dma_wait3A_431 = tpu.memref_slice %arg4[%arg1, %dma_wait3A_429, %dma_wait3A_430] : memref<16x250x80xi32, #tpu.memory_space<hbm>> -> memref<1x250x80xi32, #tpu.memory_space<hbm>>
      %dma_wait3A_432 = tpu.memref_squeeze %dma_wait3A_431 : memref<1x250x80xi32, #tpu.memory_space<hbm>> -> memref<250x80xi32, #tpu.memory_space<hbm>>
      %dma_wait3A_433 = arith.constant 0 : i32
      %dma_wait3A_434 = arith.constant 0 : i32
      %dma_wait3A_435 = tpu.memref_slice %dma_wait3A_432[%dma_wait3A_433, %dma_wait3A_434] : memref<250x80xi32, #tpu.memory_space<hbm>> -> memref<5x80xi32, #tpu.memory_space<hbm>>
      tpu.wait_dma2 semaphore(%arg28 : memref<!tpu.dma_semaphore, #tpu.memory_space<semaphore_mem>>) src(%dma_wait3A_435 : memref<5x80xi32, #tpu.memory_space<hbm>>) dst(%arg12 : memref<5x80xi32, #tpu.memory_space<vmem>>)
      %get3A_436 = arith.constant 0 : i32
      %get3A_437 = arith.index_cast %get3A_436 : i32 to index
      %get3A_438 = arith.constant 0 : index
      %get3A_439 = tpu.vector_load %arg12[%get3A_437, %get3A_438] {strides = array<i32>} : memref<5x80xi32, #tpu.memory_space<vmem>>, vector<16xi32>,
      %mul3A_440 = arith.muli %get3A_439, %broadcast_in_dim3A_6 : vector<16xi32>
      %add3A_441 = arith.addi %mul3A_440, %add3A_4 : vector<16xi32>
      %swap3A_442 = arith.constant 0 : i32
      %swap3A_443 = arith.index_cast %swap3A_442 : i32 to index
      %swap3A_444 = arith.constant 0 : index
      %swap3A_445 = tpu.vector_load %arg12[%swap3A_443, %swap3A_444] {strides = array<i32>} : memref<5x80xi32, #tpu.memory_space<vmem>>, vector<16xi32>,
      tpu.vector_store %arg12[%swap3A_443, %swap3A_444], %add3A_441 {strides = array<i32>} : memref<5x80xi32, #tpu.memory_space<vmem>>, vector<16xi32>,
      %get3A_446 = arith.constant 0 : i32
      %get3A_447 = arith.index_cast %get3A_446 : i32 to index
      %get3A_448 = arith.constant 16 : index
      %get3A_449 = tpu.vector_load %arg12[%get3A_447, %get3A_448] {strides = array<i32>} : memref<5x80xi32, #tpu.memory_space<vmem>>, vector<16xi32>,
      %mul3A_450 = arith.muli %get3A_449, %broadcast_in_dim3A_6 : vector<16xi32>
      %add3A_451 = arith.addi %mul3A_450, %add3A_4 : vector<16xi32>
      %swap3A_452 = arith.constant 0 : i32
      %swap3A_453 = arith.index_cast %swap3A_452 : i32 to index
      %swap3A_454 = arith.constant 16 : index
      %swap3A_455 = tpu.vector_load %arg12[%swap3A_453, %swap3A_454] {strides = array<i32>} : memref<5x80xi32, #tpu.memory_space<vmem>>, vector<16xi32>,
      tpu.vector_store %arg12[%swap3A_453, %swap3A_454], %add3A_451 {strides = array<i32>} : memref<5x80xi32, #tpu.memory_space<vmem>>, vector<16xi32>,
      %get3A_456 = arith.constant 0 : i32
      %get3A_457 = arith.index_cast %get3A_456 : i32 to index
      %get3A_458 = arith.constant 32 : index
      %get3A_459 = tpu.vector_load %arg12[%get3A_457, %get3A_458] {strides = array<i32>} : memref<5x80xi32, #tpu.memory_space<vmem>>, vector<16xi32>,
      %mul3A_460 = arith.muli %get3A_459, %broadcast_in_dim3A_6 : vector<16xi32>
      %add3A_461 = arith.addi %mul3A_460, %add3A_4 : vector<16xi32>
      %swap3A_462 = arith.constant 0 : i32
      %swap3A_463 = arith.index_cast %swap3A_462 : i32 to index
      %swap3A_464 = arith.constant 32 : index
      %swap3A_465 = tpu.vector_load %arg12[%swap3A_463, %swap3A_464] {strides = array<i32>} : memref<5x80xi32, #tpu.memory_space<vmem>>, vector<16xi32>,
      tpu.vector_store %arg12[%swap3A_463, %swap3A_464], %add3A_461 {strides = array<i32>} : memref<5x80xi32, #tpu.memory_space<vmem>>, vector<16xi32>,
      %get3A_466 = arith.constant 0 : i32
      %get3A_467 = arith.index_cast %get3A_466 : i32 to index
      %get3A_468 = arith.constant 48 : index
      %get3A_469 = tpu.vector_load %arg12[%get3A_467, %get3A_468] {strides = array<i32>} : memref<5x80xi32, #tpu.memory_space<vmem>>, vector<16xi32>,
      %mul3A_470 = arith.muli %get3A_469, %broadcast_in_dim3A_6 : vector<16xi32>
      %add3A_471 = arith.addi %mul3A_470, %add3A_4 : vector<16xi32>
      %swap3A_472 = arith.constant 0 : i32
      %swap3A_473 = arith.index_cast %swap3A_472 : i32 to index
      %swap3A_474 = arith.constant 48 : index
      %swap3A_475 = tpu.vector_load %arg12[%swap3A_473, %swap3A_474] {strides = array<i32>} : memref<5x80xi32, #tpu.memory_space<vmem>>, vector<16xi32>,
      tpu.vector_store %arg12[%swap3A_473, %swap3A_474], %add3A_471 {strides = array<i32>} : memref<5x80xi32, #tpu.memory_space<vmem>>, vector<16xi32>,
      %get3A_476 = arith.constant 0 : i32
      %get3A_477 = arith.index_cast %get3A_476 : i32 to index
      %get3A_478 = arith.constant 64 : index
      %get3A_479 = tpu.vector_load %arg12[%get3A_477, %get3A_478] {strides = array<i32>} : memref<5x80xi32, #tpu.memory_space<vmem>>, vector<16xi32>,
      %mul3A_480 = arith.muli %get3A_479, %broadcast_in_dim3A_6 : vector<16xi32>
      %add3A_481 = arith.addi %mul3A_480, %add3A_4 : vector<16xi32>
      %swap3A_482 = arith.constant 0 : i32
      %swap3A_483 = arith.index_cast %swap3A_482 : i32 to index
      %swap3A_484 = arith.constant 64 : index
      %swap3A_485 = tpu.vector_load %arg12[%swap3A_483, %swap3A_484] {strides = array<i32>} : memref<5x80xi32, #tpu.memory_space<vmem>>, vector<16xi32>,
      tpu.vector_store %arg12[%swap3A_483, %swap3A_484], %add3A_481 {strides = array<i32>} : memref<5x80xi32, #tpu.memory_space<vmem>>, vector<16xi32>,
      %get3A_486 = arith.constant 1 : i32
      %get3A_487 = arith.index_cast %get3A_486 : i32 to index
      %get3A_488 = arith.constant 0 : index
      %get3A_489 = tpu.vector_load %arg12[%get3A_487, %get3A_488] {strides = array<i32>} : memref<5x80xi32, #tpu.memory_space<vmem>>, vector<16xi32>,
      %mul3A_490 = arith.muli %get3A_489, %broadcast_in_dim3A_6 : vector<16xi32>
      %add3A_491 = arith.addi %mul3A_490, %add3A_4 : vector<16xi32>
      %swap3A_492 = arith.constant 1 : i32
      %swap3A_493 = arith.index_cast %swap3A_492 : i32 to index
      %swap3A_494 = arith.constant 0 : index
      %swap3A_495 = tpu.vector_load %arg12[%swap3A_493, %swap3A_494] {strides = array<i32>} : memref<5x80xi32, #tpu.memory_space<vmem>>, vector<16xi32>,
      tpu.vector_store %arg12[%swap3A_493, %swap3A_494], %add3A_491 {strides = array<i32>} : memref<5x80xi32, #tpu.memory_space<vmem>>, vector<16xi32>,
      %get3A_496 = arith.constant 1 : i32
      %get3A_497 = arith.index_cast %get3A_496 : i32 to index
      %get3A_498 = arith.constant 16 : index
      %get3A_499 = tpu.vector_load %arg12[%get3A_497, %get3A_498] {strides = array<i32>} : memref<5x80xi32, #tpu.memory_space<vmem>>, vector<16xi32>,
      %mul3A_500 = arith.muli %get3A_499, %broadcast_in_dim3A_6 : vector<16xi32>
      %add3A_501 = arith.addi %mul3A_500, %add3A_4 : vector<16xi32>
      %swap3A_502 = arith.constant 1 : i32
      %swap3A_503 = arith.index_cast %swap3A_502 : i32 to index
      %swap3A_504 = arith.constant 16 : index
      %swap3A_505 = tpu.vector_load %arg12[%swap3A_503, %swap3A_504] {strides = array<i32>} : memref<5x80xi32, #tpu.memory_space<vmem>>, vector<16xi32>,
      tpu.vector_store %arg12[%swap3A_503, %swap3A_504], %add3A_501 {strides = array<i32>} : memref<5x80xi32, #tpu.memory_space<vmem>>, vector<16xi32>,
      %get3A_506 = arith.constant 1 : i32
      %get3A_507 = arith.index_cast %get3A_506 : i32 to index
      %get3A_508 = arith.constant 32 : index
      %get3A_509 = tpu.vector_load %arg12[%get3A_507, %get3A_508] {strides = array<i32>} : memref<5x80xi32, #tpu.memory_space<vmem>>, vector<16xi32>,
      %mul3A_510 = arith.muli %get3A_509, %broadcast_in_dim3A_6 : vector<16xi32>
      %add3A_511 = arith.addi %mul3A_510, %add3A_4 : vector<16xi32>
      %swap3A_512 = arith.constant 1 : i32
      %swap3A_513 = arith.index_cast %swap3A_512 : i32 to index
      %swap3A_514 = arith.constant 32 : index
      %swap3A_515 = tpu.vector_load %arg12[%swap3A_513, %swap3A_514] {strides = array<i32>} : memref<5x80xi32, #tpu.memory_space<vmem>>, vector<16xi32>,
      tpu.vector_store %arg12[%swap3A_513, %swap3A_514], %add3A_511 {strides = array<i32>} : memref<5x80xi32, #tpu.memory_space<vmem>>, vector<16xi32>,
      %get3A_516 = arith.constant 1 : i32
      %get3A_517 = arith.index_cast %get3A_516 : i32 to index
      %get3A_518 = arith.constant 48 : index
      %get3A_519 = tpu.vector_load %arg12[%get3A_517, %get3A_518] {strides = array<i32>} : memref<5x80xi32, #tpu.memory_space<vmem>>, vector<16xi32>,
      %mul3A_520 = arith.muli %get3A_519, %broadcast_in_dim3A_6 : vector<16xi32>
      %add3A_521 = arith.addi %mul3A_520, %add3A_4 : vector<16xi32>
      %swap3A_522 = arith.constant 1 : i32
      %swap3A_523 = arith.index_cast %swap3A_522 : i32 to index
      %swap3A_524 = arith.constant 48 : index
      %swap3A_525 = tpu.vector_load %arg12[%swap3A_523, %swap3A_524] {strides = array<i32>} : memref<5x80xi32, #tpu.memory_space<vmem>>, vector<16xi32>,
      tpu.vector_store %arg12[%swap3A_523, %swap3A_524], %add3A_521 {strides = array<i32>} : memref<5x80xi32, #tpu.memory_space<vmem>>, vector<16xi32>,
      %get3A_526 = arith.constant 1 : i32
      %get3A_527 = arith.index_cast %get3A_526 : i32 to index
      %get3A_528 = arith.constant 64 : index
      %get3A_529 = tpu.vector_load %arg12[%get3A_527, %get3A_528] {strides = array<i32>} : memref<5x80xi32, #tpu.memory_space<vmem>>, vector<16xi32>,
      %mul3A_530 = arith.muli %get3A_529, %broadcast_in_dim3A_6 : vector<16xi32>
      %add3A_531 = arith.addi %mul3A_530, %add3A_4 : vector<16xi32>
      %swap3A_532 = arith.constant 1 : i32
      %swap3A_533 = arith.index_cast %swap3A_532 : i32 to index
      %swap3A_534 = arith.constant 64 : index
      %swap3A_535 = tpu.vector_load %arg12[%swap3A_533, %swap3A_534] {strides = array<i32>} : memref<5x80xi32, #tpu.memory_space<vmem>>, vector<16xi32>,
      tpu.vector_store %arg12[%swap3A_533, %swap3A_534], %add3A_531 {strides = array<i32>} : memref<5x80xi32, #tpu.memory_space<vmem>>, vector<16xi32>,
      %get3A_536 = arith.constant 2 : i32
      %get3A_537 = arith.index_cast %get3A_536 : i32 to index
      %get3A_538 = arith.constant 0 : index
      %get3A_539 = tpu.vector_load %arg12[%get3A_537, %get3A_538] {strides = array<i32>} : memref<5x80xi32, #tpu.memory_space<vmem>>, vector<16xi32>,
      %mul3A_540 = arith.muli %get3A_539, %broadcast_in_dim3A_6 : vector<16xi32>
      %add3A_541 = arith.addi %mul3A_540, %add3A_4 : vector<16xi32>
      %swap3A_542 = arith.constant 2 : i32
      %swap3A_543 = arith.index_cast %swap3A_542 : i32 to index
      %swap3A_544 = arith.constant 0 : index
      %swap3A_545 = tpu.vector_load %arg12[%swap3A_543, %swap3A_544] {strides = array<i32>} : memref<5x80xi32, #tpu.memory_space<vmem>>, vector<16xi32>,
      tpu.vector_store %arg12[%swap3A_543, %swap3A_544], %add3A_541 {strides = array<i32>} : memref<5x80xi32, #tpu.memory_space<vmem>>, vector<16xi32>,
      %get3A_546 = arith.constant 2 : i32
      %get3A_547 = arith.index_cast %get3A_546 : i32 to index
      %get3A_548 = arith.constant 16 : index
      %get3A_549 = tpu.vector_load %arg12[%get3A_547, %get3A_548] {strides = array<i32>} : memref<5x80xi32, #tpu.memory_space<vmem>>, vector<16xi32>,
      %mul3A_550 = arith.muli %get3A_549, %broadcast_in_dim3A_6 : vector<16xi32>
      %add3A_551 = arith.addi %mul3A_550, %add3A_4 : vector<16xi32>
      %swap3A_552 = arith.constant 2 : i32
      %swap3A_553 = arith.index_cast %swap3A_552 : i32 to index
      %swap3A_554 = arith.constant 16 : index
      %swap3A_555 = tpu.vector_load %arg12[%swap3A_553, %swap3A_554] {strides = array<i32>} : memref<5x80xi32, #tpu.memory_space<vmem>>, vector<16xi32>,
      tpu.vector_store %arg12[%swap3A_553, %swap3A_554], %add3A_551 {strides = array<i32>} : memref<5x80xi32, #tpu.memory_space<vmem>>, vector<16xi32>,
      %get3A_556 = arith.constant 2 : i32
      %get3A_557 = arith.index_cast %get3A_556 : i32 to index
      %get3A_558 = arith.constant 32 : index
      %get3A_559 = tpu.vector_load %arg12[%get3A_557, %get3A_558] {strides = array<i32>} : memref<5x80xi32, #tpu.memory_space<vmem>>, vector<16xi32>,
      %mul3A_560 = arith.muli %get3A_559, %broadcast_in_dim3A_6 : vector<16xi32>
      %add3A_561 = arith.addi %mul3A_560, %add3A_4 : vector<16xi32>
      %swap3A_562 = arith.constant 2 : i32
      %swap3A_563 = arith.index_cast %swap3A_562 : i32 to index
      %swap3A_564 = arith.constant 32 : index
      %swap3A_565 = tpu.vector_load %arg12[%swap3A_563, %swap3A_564] {strides = array<i32>} : memref<5x80xi32, #tpu.memory_space<vmem>>, vector<16xi32>,
      tpu.vector_store %arg12[%swap3A_563, %swap3A_564], %add3A_561 {strides = array<i32>} : memref<5x80xi32, #tpu.memory_space<vmem>>, vector<16xi32>,
      %get3A_566 = arith.constant 2 : i32
      %get3A_567 = arith.index_cast %get3A_566 : i32 to index
      %get3A_568 = arith.constant 48 : index
      %get3A_569 = tpu.vector_load %arg12[%get3A_567, %get3A_568] {strides = array<i32>} : memref<5x80xi32, #tpu.memory_space<vmem>>, vector<16xi32>,
      %mul3A_570 = arith.muli %get3A_569, %broadcast_in_dim3A_6 : vector<16xi32>
      %add3A_571 = arith.addi %mul3A_570, %add3A_4 : vector<16xi32>
      %swap3A_572 = arith.constant 2 : i32
      %swap3A_573 = arith.index_cast %swap3A_572 : i32 to index
      %swap3A_574 = arith.constant 48 : index
      %swap3A_575 = tpu.vector_load %arg12[%swap3A_573, %swap3A_574] {strides = array<i32>} : memref<5x80xi32, #tpu.memory_space<vmem>>, vector<16xi32>,
      tpu.vector_store %arg12[%swap3A_573, %swap3A_574], %add3A_571 {strides = array<i32>} : memref<5x80xi32, #tpu.memory_space<vmem>>, vector<16xi32>,
      %get3A_576 = arith.constant 2 : i32
      %get3A_577 = arith.index_cast %get3A_576 : i32 to index
      %get3A_578 = arith.constant 64 : index
      %get3A_579 = tpu.vector_load %arg12[%get3A_577, %get3A_578] {strides = array<i32>} : memref<5x80xi32, #tpu.memory_space<vmem>>, vector<16xi32>,
      %mul3A_580 = arith.muli %get3A_579, %broadcast_in_dim3A_6 : vector<16xi32>
      %add3A_581 = arith.addi %mul3A_580, %add3A_4 : vector<16xi32>
      %swap3A_582 = arith.constant 2 : i32
      %swap3A_583 = arith.index_cast %swap3A_582 : i32 to index
      %swap3A_584 = arith.constant 64 : index
      %swap3A_585 = tpu.vector_load %arg12[%swap3A_583, %swap3A_584] {strides = array<i32>} : memref<5x80xi32, #tpu.memory_space<vmem>>, vector<16xi32>,
      tpu.vector_store %arg12[%swap3A_583, %swap3A_584], %add3A_581 {strides = array<i32>} : memref<5x80xi32, #tpu.memory_space<vmem>>, vector<16xi32>,
      %get3A_586 = arith.constant 3 : i32
      %get3A_587 = arith.index_cast %get3A_586 : i32 to index
      %get3A_588 = arith.constant 0 : index
      %get3A_589 = tpu.vector_load %arg12[%get3A_587, %get3A_588] {strides = array<i32>} : memref<5x80xi32, #tpu.memory_space<vmem>>, vector<16xi32>,
      %mul3A_590 = arith.muli %get3A_589, %broadcast_in_dim3A_6 : vector<16xi32>
      %add3A_591 = arith.addi %mul3A_590, %add3A_4 : vector<16xi32>
      %swap3A_592 = arith.constant 3 : i32
      %swap3A_593 = arith.index_cast %swap3A_592 : i32 to index
      %swap3A_594 = arith.constant 0 : index
      %swap3A_595 = tpu.vector_load %arg12[%swap3A_593, %swap3A_594] {strides = array<i32>} : memref<5x80xi32, #tpu.memory_space<vmem>>, vector<16xi32>,
      tpu.vector_store %arg12[%swap3A_593, %swap3A_594], %add3A_591 {strides = array<i32>} : memref<5x80xi32, #tpu.memory_space<vmem>>, vector<16xi32>,
      %get3A_596 = arith.constant 3 : i32
      %get3A_597 = arith.index_cast %get3A_596 : i32 to index
      %get3A_598 = arith.constant 16 : index
      %get3A_599 = tpu.vector_load %arg12[%get3A_597, %get3A_598] {strides = array<i32>} : memref<5x80xi32, #tpu.memory_space<vmem>>, vector<16xi32>,
      %mul3A_600 = arith.muli %get3A_599, %broadcast_in_dim3A_6 : vector<16xi32>
      %add3A_601 = arith.addi %mul3A_600, %add3A_4 : vector<16xi32>
      %swap3A_602 = arith.constant 3 : i32
      %swap3A_603 = arith.index_cast %swap3A_602 : i32 to index
      %swap3A_604 = arith.constant 16 : index
      %swap3A_605 = tpu.vector_load %arg12[%swap3A_603, %swap3A_604] {strides = array<i32>} : memref<5x80xi32, #tpu.memory_space<vmem>>, vector<16xi32>,
      tpu.vector_store %arg12[%swap3A_603, %swap3A_604], %add3A_601 {strides = array<i32>} : memref<5x80xi32, #tpu.memory_space<vmem>>, vector<16xi32>,
      %get3A_606 = arith.constant 3 : i32
      %get3A_607 = arith.index_cast %get3A_606 : i32 to index
      %get3A_608 = arith.constant 32 : index
      %get3A_609 = tpu.vector_load %arg12[%get3A_607, %get3A_608] {strides = array<i32>} : memref<5x80xi32, #tpu.memory_space<vmem>>, vector<16xi32>,
      %mul3A_610 = arith.muli %get3A_609, %broadcast_in_dim3A_6 : vector<16xi32>
      %add3A_611 = arith.addi %mul3A_610, %add3A_4 : vector<16xi32>
      %swap3A_612 = arith.constant 3 : i32
      %swap3A_613 = arith.index_cast %swap3A_612 : i32 to index
      %swap3A_614 = arith.constant 32 : index
      %swap3A_615 = tpu.vector_load %arg12[%swap3A_613, %swap3A_614] {strides = array<i32>} : memref<5x80xi32, #tpu.memory_space<vmem>>, vector<16xi32>,
      tpu.vector_store %arg12[%swap3A_613, %swap3A_614], %add3A_611 {strides = array<i32>} : memref<5x80xi32, #tpu.memory_space<vmem>>, vector<16xi32>,
      %get3A_616 = arith.constant 3 : i32
      %get3A_617 = arith.index_cast %get3A_616 : i32 to index
      %get3A_618 = arith.constant 48 : index
      %get3A_619 = tpu.vector_load %arg12[%get3A_617, %get3A_618] {strides = array<i32>} : memref<5x80xi32, #tpu.memory_space<vmem>>, vector<16xi32>,
      %mul3A_620 = arith.muli %get3A_619, %broadcast_in_dim3A_6 : vector<16xi32>
      %add3A_621 = arith.addi %mul3A_620, %add3A_4 : vector<16xi32>
      %swap3A_622 = arith.constant 3 : i32
      %swap3A_623 = arith.index_cast %swap3A_622 : i32 to index
      %swap3A_624 = arith.constant 48 : index
      %swap3A_625 = tpu.vector_load %arg12[%swap3A_623, %swap3A_624] {strides = array<i32>} : memref<5x80xi32, #tpu.memory_space<vmem>>, vector<16xi32>,
      tpu.vector_store %arg12[%swap3A_623, %swap3A_624], %add3A_621 {strides = array<i32>} : memref<5x80xi32, #tpu.memory_space<vmem>>, vector<16xi32>,
      %get3A_626 = arith.constant 3 : i32
      %get3A_627 = arith.index_cast %get3A_626 : i32 to index
      %get3A_628 = arith.constant 64 : index
      %get3A_629 = tpu.vector_load %arg12[%get3A_627, %get3A_628] {strides = array<i32>} : memref<5x80xi32, #tpu.memory_space<vmem>>, vector<16xi32>,
      %mul3A_630 = arith.muli %get3A_629, %broadcast_in_dim3A_6 : vector<16xi32>
      %add3A_631 = arith.addi %mul3A_630, %add3A_4 : vector<16xi32>
      %swap3A_632 = arith.constant 3 : i32
      %swap3A_633 = arith.index_cast %swap3A_632 : i32 to index
      %swap3A_634 = arith.constant 64 : index
      %swap3A_635 = tpu.vector_load %arg12[%swap3A_633, %swap3A_634] {strides = array<i32>} : memref<5x80xi32, #tpu.memory_space<vmem>>, vector<16xi32>,
      tpu.vector_store %arg12[%swap3A_633, %swap3A_634], %add3A_631 {strides = array<i32>} : memref<5x80xi32, #tpu.memory_space<vmem>>, vector<16xi32>,
      %get3A_636 = arith.constant 4 : i32
      %get3A_637 = arith.index_cast %get3A_636 : i32 to index
      %get3A_638 = arith.constant 0 : index
      %get3A_639 = tpu.vector_load %arg12[%get3A_637, %get3A_638] {strides = array<i32>} : memref<5x80xi32, #tpu.memory_space<vmem>>, vector<16xi32>,
      %mul3A_640 = arith.muli %get3A_639, %broadcast_in_dim3A_6 : vector<16xi32>
      %add3A_641 = arith.addi %mul3A_640, %add3A_4 : vector<16xi32>
      %swap3A_642 = arith.constant 4 : i32
      %swap3A_643 = arith.index_cast %swap3A_642 : i32 to index
      %swap3A_644 = arith.constant 0 : index
      %swap3A_645 = tpu.vector_load %arg12[%swap3A_643, %swap3A_644] {strides = array<i32>} : memref<5x80xi32, #tpu.memory_space<vmem>>, vector<16xi32>,
      tpu.vector_store %arg12[%swap3A_643, %swap3A_644], %add3A_641 {strides = array<i32>} : memref<5x80xi32, #tpu.memory_space<vmem>>, vector<16xi32>,
      %get3A_646 = arith.constant 4 : i32
      %get3A_647 = arith.index_cast %get3A_646 : i32 to index
      %get3A_648 = arith.constant 16 : index
      %get3A_649 = tpu.vector_load %arg12[%get3A_647, %get3A_648] {strides = array<i32>} : memref<5x80xi32, #tpu.memory_space<vmem>>, vector<16xi32>,
      %mul3A_650 = arith.muli %get3A_649, %broadcast_in_dim3A_6 : vector<16xi32>
      %add3A_651 = arith.addi %mul3A_650, %add3A_4 : vector<16xi32>
      %swap3A_652 = arith.constant 4 : i32
      %swap3A_653 = arith.index_cast %swap3A_652 : i32 to index
      %swap3A_654 = arith.constant 16 : index
      %swap3A_655 = tpu.vector_load %arg12[%swap3A_653, %swap3A_654] {strides = array<i32>} : memref<5x80xi32, #tpu.memory_space<vmem>>, vector<16xi32>,
      tpu.vector_store %arg12[%swap3A_653, %swap3A_654], %add3A_651 {strides = array<i32>} : memref<5x80xi32, #tpu.memory_space<vmem>>, vector<16xi32>,
      %get3A_656 = arith.constant 4 : i32
      %get3A_657 = arith.index_cast %get3A_656 : i32 to index
      %get3A_658 = arith.constant 32 : index
      %get3A_659 = tpu.vector_load %arg12[%get3A_657, %get3A_658] {strides = array<i32>} : memref<5x80xi32, #tpu.memory_space<vmem>>, vector<16xi32>,
      %mul3A_660 = arith.muli %get3A_659, %broadcast_in_dim3A_6 : vector<16xi32>
      %add3A_661 = arith.addi %mul3A_660, %add3A_4 : vector<16xi32>
      %swap3A_662 = arith.constant 4 : i32
      %swap3A_663 = arith.index_cast %swap3A_662 : i32 to index
      %swap3A_664 = arith.constant 32 : index
      %swap3A_665 = tpu.vector_load %arg12[%swap3A_663, %swap3A_664] {strides = array<i32>} : memref<5x80xi32, #tpu.memory_space<vmem>>, vector<16xi32>,
      tpu.vector_store %arg12[%swap3A_663, %swap3A_664], %add3A_661 {strides = array<i32>} : memref<5x80xi32, #tpu.memory_space<vmem>>, vector<16xi32>,
      %get3A_666 = arith.constant 4 : i32
      %get3A_667 = arith.index_cast %get3A_666 : i32 to index
      %get3A_668 = arith.constant 48 : index
      %get3A_669 = tpu.vector_load %arg12[%get3A_667, %get3A_668] {strides = array<i32>} : memref<5x80xi32, #tpu.memory_space<vmem>>, vector<16xi32>,
      %mul3A_670 = arith.muli %get3A_669, %broadcast_in_dim3A_6 : vector<16xi32>
      %add3A_671 = arith.addi %mul3A_670, %add3A_4 : vector<16xi32>
      %swap3A_672 = arith.constant 4 : i32
      %swap3A_673 = arith.index_cast %swap3A_672 : i32 to index
      %swap3A_674 = arith.constant 48 : index
      %swap3A_675 = tpu.vector_load %arg12[%swap3A_673, %swap3A_674] {strides = array<i32>} : memref<5x80xi32, #tpu.memory_space<vmem>>, vector<16xi32>,
      tpu.vector_store %arg12[%swap3A_673, %swap3A_674], %add3A_671 {strides = array<i32>} : memref<5x80xi32, #tpu.memory_space<vmem>>, vector<16xi32>,
      %get3A_676 = arith.constant 4 : i32
      %get3A_677 = arith.index_cast %get3A_676 : i32 to index
      %get3A_678 = arith.constant 64 : index
      %get3A_679 = tpu.vector_load %arg12[%get3A_677, %get3A_678] {strides = array<i32>} : memref<5x80xi32, #tpu.memory_space<vmem>>, vector<16xi32>,
      %mul3A_680 = arith.muli %get3A_679, %broadcast_in_dim3A_6 : vector<16xi32>
      %add3A_681 = arith.addi %mul3A_680, %add3A_4 : vector<16xi32>
      %swap3A_682 = arith.constant 4 : i32
      %swap3A_683 = arith.index_cast %swap3A_682 : i32 to index
      %swap3A_684 = arith.constant 64 : index
      %swap3A_685 = tpu.vector_load %arg12[%swap3A_683, %swap3A_684] {strides = array<i32>} : memref<5x80xi32, #tpu.memory_space<vmem>>, vector<16xi32>,
      tpu.vector_store %arg12[%swap3A_683, %swap3A_684], %add3A_681 {strides = array<i32>} : memref<5x80xi32, #tpu.memory_space<vmem>>, vector<16xi32>,
      %mul3A_686 = arith.constant 5 : i32
      %mul3A_687 = arith.muli %add3A_421, %mul3A_686 : i32
      %add3A_688 = arith.constant 0 : i32
      %add3A_689 = arith.addi %mul3A_687, %add3A_688 : i32
      %dma_wait3A_690 = arith.constant 0 : i32
      %dma_wait3A_691 = arith.constant 0 : i32
      %dma_wait3A_692 = tpu.memref_slice %arg11[%dma_wait3A_690, %dma_wait3A_691] : memref<5x80xi32, #tpu.memory_space<vmem>> -> memref<1x80xi32, #tpu.memory_space<vmem>>
      %dma_wait3A_693 = tpu.memref_squeeze %dma_wait3A_692 : memref<1x80xi32, #tpu.memory_space<vmem>> -> memref<80xi32, #tpu.memory_space<vmem>>
      %dma_wait3A_694 = arith.constant 0 : i32
      %dma_wait3A_695 = arith.constant 0 : i32
      %dma_wait3A_696 = tpu.memref_slice %arg2[%dma_wait3A_694, %dma_wait3A_695] : memref<20000x64xf32, #tpu.memory_space<hbm>> -> memref<20000x64xf32, #tpu.memory_space<hbm>>
      tpu.wait_indirect_dma semaphore(%arg29 : memref<!tpu.dma_semaphore, #tpu.memory_space<semaphore_mem>>) src(%dma_wait3A_696 : memref<20000x64xf32, #tpu.memory_space<hbm>>) dst(%arg14 : memref<80x64xf32, #tpu.memory_space<vmem>>)
      %dma_start3A_697 = arith.constant 0 : i32
      %dma_start3A_698 = tpu.memref_slice %arg13[%add3A_689, %dma_start3A_697] : memref<250x80xi32, #tpu.memory_space<vmem>> -> memref<1x80xi32, #tpu.memory_space<vmem>>
      %dma_start3A_699 = tpu.memref_squeeze %dma_start3A_698 : memref<1x80xi32, #tpu.memory_space<vmem>> -> memref<80xi32, #tpu.memory_space<vmem>>
      %dma_start3A_700 = arith.constant 0 : i32
      %dma_start3A_701 = arith.constant 0 : i32
      %dma_start3A_702 = tpu.memref_slice %arg25[%dma_start3A_700, %dma_start3A_701] : memref<10240x64xf32, #tpu.memory_space<vmem_shared>> -> memref<10240x64xf32, #tpu.memory_space<vmem_shared>>
      tpu.enqueue_indirect_dma source(%arg14 : memref<80x64xf32, #tpu.memory_space<vmem>>) target(%dma_start3A_702 : memref<10240x64xf32, #tpu.memory_space<vmem_shared>>) offsets(%dma_start3A_699 : memref<80xi32, #tpu.memory_space<vmem>>) semaphore(%arg34 : memref<!tpu.dma_semaphore, #tpu.memory_space<semaphore_mem>>) {add = true}
      %convert_element_type3A_703 = arith.extui %eq3A_0 : i1 to i32
      %cond3A_704 = arith.constant 0 : i32
      %cond3A_705 = arith.cmpi ne, %convert_element_type3A_703, %cond3A_704 : i32
      scf.if %cond3A_705 {
        %dma_wait3A_1266 = arith.constant 0 : i32
        %dma_wait3A_1267 = arith.constant 0 : i32
        %dma_wait3A_1268 = tpu.memref_slice %arg3[%dma_wait3A_1266, %dma_wait3A_1267] : memref<320000x16xf32, #tpu.memory_space<hbm>> -> memref<80x16xf32, #tpu.memory_space<hbm>>
        %dma_wait3A_1269 = arith.constant 0 : i32
        %dma_wait3A_1270 = arith.constant 0 : i32
        %dma_wait3A_1271 = tpu.memref_slice %arg3[%dma_wait3A_1269, %dma_wait3A_1270] : memref<320000x16xf32, #tpu.memory_space<hbm>> -> memref<80x16xf32, #tpu.memory_space<hbm>>
        tpu.wait_dma2 semaphore(%arg39 : memref<!tpu.dma_semaphore, #tpu.memory_space<semaphore_mem>>) src(%dma_wait3A_1271 : memref<80x16xf32, #tpu.memory_space<hbm>>) dst(%arg19 : memref<80x16xf32, #tpu.memory_space<vmem>>)
        %dma_start3A_1272 = arith.constant 0 : i32
        %dma_start3A_1273 = tpu.memref_slice %arg13[%add3A_689, %dma_start3A_1272] : memref<250x80xi32, #tpu.memory_space<vmem>> -> memref<1x80xi32, #tpu.memory_space<vmem>>
        %dma_start3A_1274 = tpu.memref_squeeze %dma_start3A_1273 : memref<1x80xi32, #tpu.memory_space<vmem>> -> memref<80xi32, #tpu.memory_space<vmem>>
        %dma_start3A_1275 = arith.constant 0 : i32
        %dma_start3A_1276 = arith.constant 0 : i32
        %dma_start3A_1277 = tpu.memref_slice %arg26[%dma_start3A_1275, %dma_start3A_1276] : memref<10240x16xf32, #tpu.memory_space<vmem_shared>> -> memref<10240x16xf32, #tpu.memory_space<vmem_shared>>
        tpu.enqueue_indirect_dma source(%arg19 : memref<80x16xf32, #tpu.memory_space<vmem>>) target(%dma_start3A_1277 : memref<10240x16xf32, #tpu.memory_space<vmem_shared>>) offsets(%dma_start3A_1274 : memref<80xi32, #tpu.memory_space<vmem>>) semaphore(%arg44 : memref<!tpu.dma_semaphore, #tpu.memory_space<semaphore_mem>>) {add = true}
      } else {
      }
      %ge3A = arith.constant 2 : i32
      %ge3A_706 = arith.cmpi sge, %add3A_689, %ge3A : i32
      %add3A_707 = arith.constant 3 : i32
      %add3A_708 = arith.addi %add3A_689, %add3A_707 : i32
      %lt3A = arith.constant 250 : i32
      %lt3A_709 = arith.cmpi slt, %add3A_708, %lt3A : i32
      %and3A = arith.andi %ge3A_706, %lt3A_709 : i1
      %convert_element_type3A_710 = arith.extui %and3A : i1 to i32
      %cond3A_711 = arith.constant 0 : i32
      %cond3A_712 = arith.cmpi ne, %convert_element_type3A_710, %cond3A_711 : i32
      scf.if %cond3A_712 {
        %dma_wait3A_1266 = arith.constant 0 : i32
        %dma_wait3A_1267 = arith.constant 0 : i32
        %dma_wait3A_1268 = tpu.memref_slice %arg13[%dma_wait3A_1266, %dma_wait3A_1267] : memref<250x80xi32, #tpu.memory_space<vmem>> -> memref<1x80xi32, #tpu.memory_space<vmem>>
        %dma_wait3A_1269 = tpu.memref_squeeze %dma_wait3A_1268 : memref<1x80xi32, #tpu.memory_space<vmem>> -> memref<80xi32, #tpu.memory_space<vmem>>
        %dma_wait3A_1270 = arith.constant 0 : i32
        %dma_wait3A_1271 = arith.constant 0 : i32
        %dma_wait3A_1272 = tpu.memref_slice %arg25[%dma_wait3A_1270, %dma_wait3A_1271] : memref<10240x64xf32, #tpu.memory_space<vmem_shared>> -> memref<10240x64xf32, #tpu.memory_space<vmem_shared>>
        tpu.wait_indirect_dma semaphore(%arg37 : memref<!tpu.dma_semaphore, #tpu.memory_space<semaphore_mem>>) src(%arg17 : memref<80x64xf32, #tpu.memory_space<vmem>>) dst(%dma_wait3A_1272 : memref<10240x64xf32, #tpu.memory_space<vmem_shared>>)
      } else {
      }
      %ge3A_713 = arith.constant 2 : i32
      %ge3A_714 = arith.cmpi sge, %add3A_689, %ge3A_713 : i32
      %and3A_715 = arith.andi %eq3A_0, %ge3A_714 : i1
      %add3A_716 = arith.constant 3 : i32
      %add3A_717 = arith.addi %add3A_689, %add3A_716 : i32
      %lt3A_718 = arith.constant 250 : i32
      %lt3A_719 = arith.cmpi slt, %add3A_717, %lt3A_718 : i32
      %and3A_720 = arith.andi %and3A_715, %lt3A_719 : i1
      %convert_element_type3A_721 = arith.extui %and3A_720 : i1 to i32
      %cond3A_722 = arith.constant 0 : i32
      %cond3A_723 = arith.cmpi ne, %convert_element_type3A_721, %cond3A_722 : i32
      scf.if %cond3A_723 {
        %dma_wait3A_1266 = arith.constant 0 : i32
        %dma_wait3A_1267 = arith.constant 0 : i32
        %dma_wait3A_1268 = tpu.memref_slice %arg13[%dma_wait3A_1266, %dma_wait3A_1267] : memref<250x80xi32, #tpu.memory_space<vmem>> -> memref<1x80xi32, #tpu.memory_space<vmem>>
        %dma_wait3A_1269 = tpu.memref_squeeze %dma_wait3A_1268 : memref<1x80xi32, #tpu.memory_space<vmem>> -> memref<80xi32, #tpu.memory_space<vmem>>
        %dma_wait3A_1270 = arith.constant 0 : i32
        %dma_wait3A_1271 = arith.constant 0 : i32
        %dma_wait3A_1272 = tpu.memref_slice %arg26[%dma_wait3A_1270, %dma_wait3A_1271] : memref<10240x16xf32, #tpu.memory_space<vmem_shared>> -> memref<10240x16xf32, #tpu.memory_space<vmem_shared>>
        tpu.wait_indirect_dma semaphore(%arg47 : memref<!tpu.dma_semaphore, #tpu.memory_space<semaphore_mem>>) src(%arg22 : memref<80x16xf32, #tpu.memory_space<vmem>>) dst(%dma_wait3A_1272 : memref<10240x16xf32, #tpu.memory_space<vmem_shared>>)
      } else {
      }
      %add3A_724 = arith.constant 3 : i32
      %add3A_725 = arith.addi %add3A_689, %add3A_724 : i32
      %lt3A_726 = arith.constant 250 : i32
      %lt3A_727 = arith.cmpi slt, %add3A_725, %lt3A_726 : i32
      %convert_element_type3A_728 = arith.extui %lt3A_727 : i1 to i32
      %cond3A_729 = arith.constant 0 : i32
      %cond3A_730 = arith.cmpi ne, %convert_element_type3A_728, %cond3A_729 : i32
      scf.if %cond3A_730 {
        %dma_start3A_1266 = arith.constant 3 : i32
        %dma_start3A_1267 = arith.constant 0 : i32
        %dma_start3A_1268 = tpu.memref_slice %arg11[%dma_start3A_1266, %dma_start3A_1267] : memref<5x80xi32, #tpu.memory_space<vmem>> -> memref<1x80xi32, #tpu.memory_space<vmem>>
        %dma_start3A_1269 = tpu.memref_squeeze %dma_start3A_1268 : memref<1x80xi32, #tpu.memory_space<vmem>> -> memref<80xi32, #tpu.memory_space<vmem>>
        %dma_start3A_1270 = arith.constant 0 : i32
        %dma_start3A_1271 = arith.constant 0 : i32
        %dma_start3A_1272 = tpu.memref_slice %arg2[%dma_start3A_1270, %dma_start3A_1271] : memref<20000x64xf32, #tpu.memory_space<hbm>> -> memref<20000x64xf32, #tpu.memory_space<hbm>>
        tpu.enqueue_indirect_dma source(%dma_start3A_1272 : memref<20000x64xf32, #tpu.memory_space<hbm>>) target(%arg17 : memref<80x64xf32, #tpu.memory_space<vmem>>) offsets(%dma_start3A_1269 : memref<80xi32, #tpu.memory_space<vmem>>) semaphore(%arg32 : memref<!tpu.dma_semaphore, #tpu.memory_space<semaphore_mem>>)
      } else {
      }
      %add3A_731 = arith.constant 3 : i32
      %add3A_732 = arith.addi %add3A_689, %add3A_731 : i32
      %lt3A_733 = arith.constant 250 : i32
      %lt3A_734 = arith.cmpi slt, %add3A_732, %lt3A_733 : i32
      %and3A_735 = arith.andi %eq3A_0, %lt3A_734 : i1
      %convert_element_type3A_736 = arith.extui %and3A_735 : i1 to i32
      %cond3A_737 = arith.constant 0 : i32
      %cond3A_738 = arith.cmpi ne, %convert_element_type3A_736, %cond3A_737 : i32
      scf.if %cond3A_738 {
        %add3A_1266 = arith.constant 3 : i32
        %add3A_1267 = arith.addi %add3A_689, %add3A_1266 : i32
        %mul3A_1268 = arith.constant 80 : i32
        %mul3A_1269 = arith.muli %add3A_1267, %mul3A_1268 : i32
        %add3A_1270 = arith.addi %mul3A_35, %mul3A_1269 : i32
        %dma_start3A_1271 = arith.constant 0 : i32
        %dma_start3A_1272 = tpu.memref_slice %arg3[%add3A_1270, %dma_start3A_1271] : memref<320000x16xf32, #tpu.memory_space<hbm>> -> memref<80x16xf32, #tpu.memory_space<hbm>>
        %dma_start3A_1273 = arith.constant 0 : i32
        %dma_start3A_1274 = tpu.memref_slice %arg3[%add3A_1270, %dma_start3A_1273] : memref<320000x16xf32, #tpu.memory_space<hbm>> -> memref<80x16xf32, #tpu.memory_space<hbm>>
        tpu.enqueue_dma source(%dma_start3A_1274 : memref<80x16xf32, #tpu.memory_space<hbm>>) target(%arg22 : memref<80x16xf32, #tpu.memory_space<vmem>>) target_semaphore(%arg42 : memref<!tpu.dma_semaphore, #tpu.memory_space<semaphore_mem>>)
      } else {
      }
      %mul3A_739 = arith.constant 5 : i32
      %mul3A_740 = arith.muli %add3A_421, %mul3A_739 : i32
      %add3A_741 = arith.constant 1 : i32
      %add3A_742 = arith.addi %mul3A_740, %add3A_741 : i32
      %dma_wait3A_743 = arith.constant 0 : i32
      %dma_wait3A_744 = arith.constant 0 : i32
      %dma_wait3A_745 = tpu.memref_slice %arg11[%dma_wait3A_743, %dma_wait3A_744] : memref<5x80xi32, #tpu.memory_space<vmem>> -> memref<1x80xi32, #tpu.memory_space<vmem>>
      %dma_wait3A_746 = tpu.memref_squeeze %dma_wait3A_745 : memref<1x80xi32, #tpu.memory_space<vmem>> -> memref<80xi32, #tpu.memory_space<vmem>>
      %dma_wait3A_747 = arith.constant 0 : i32
      %dma_wait3A_748 = arith.constant 0 : i32
      %dma_wait3A_749 = tpu.memref_slice %arg2[%dma_wait3A_747, %dma_wait3A_748] : memref<20000x64xf32, #tpu.memory_space<hbm>> -> memref<20000x64xf32, #tpu.memory_space<hbm>>
      tpu.wait_indirect_dma semaphore(%arg30 : memref<!tpu.dma_semaphore, #tpu.memory_space<semaphore_mem>>) src(%dma_wait3A_749 : memref<20000x64xf32, #tpu.memory_space<hbm>>) dst(%arg15 : memref<80x64xf32, #tpu.memory_space<vmem>>)
      %dma_start3A_750 = arith.constant 0 : i32
      %dma_start3A_751 = tpu.memref_slice %arg13[%add3A_742, %dma_start3A_750] : memref<250x80xi32, #tpu.memory_space<vmem>> -> memref<1x80xi32, #tpu.memory_space<vmem>>
      %dma_start3A_752 = tpu.memref_squeeze %dma_start3A_751 : memref<1x80xi32, #tpu.memory_space<vmem>> -> memref<80xi32, #tpu.memory_space<vmem>>
      %dma_start3A_753 = arith.constant 0 : i32
      %dma_start3A_754 = arith.constant 0 : i32
      %dma_start3A_755 = tpu.memref_slice %arg25[%dma_start3A_753, %dma_start3A_754] : memref<10240x64xf32, #tpu.memory_space<vmem_shared>> -> memref<10240x64xf32, #tpu.memory_space<vmem_shared>>
      tpu.enqueue_indirect_dma source(%arg15 : memref<80x64xf32, #tpu.memory_space<vmem>>) target(%dma_start3A_755 : memref<10240x64xf32, #tpu.memory_space<vmem_shared>>) offsets(%dma_start3A_752 : memref<80xi32, #tpu.memory_space<vmem>>) semaphore(%arg35 : memref<!tpu.dma_semaphore, #tpu.memory_space<semaphore_mem>>) {add = true}
      %convert_element_type3A_756 = arith.extui %eq3A_0 : i1 to i32
      %cond3A_757 = arith.constant 0 : i32
      %cond3A_758 = arith.cmpi ne, %convert_element_type3A_756, %cond3A_757 : i32
      scf.if %cond3A_758 {
        %dma_wait3A_1266 = arith.constant 0 : i32
        %dma_wait3A_1267 = arith.constant 0 : i32
        %dma_wait3A_1268 = tpu.memref_slice %arg3[%dma_wait3A_1266, %dma_wait3A_1267] : memref<320000x16xf32, #tpu.memory_space<hbm>> -> memref<80x16xf32, #tpu.memory_space<hbm>>
        %dma_wait3A_1269 = arith.constant 0 : i32
        %dma_wait3A_1270 = arith.constant 0 : i32
        %dma_wait3A_1271 = tpu.memref_slice %arg3[%dma_wait3A_1269, %dma_wait3A_1270] : memref<320000x16xf32, #tpu.memory_space<hbm>> -> memref<80x16xf32, #tpu.memory_space<hbm>>
        tpu.wait_dma2 semaphore(%arg40 : memref<!tpu.dma_semaphore, #tpu.memory_space<semaphore_mem>>) src(%dma_wait3A_1271 : memref<80x16xf32, #tpu.memory_space<hbm>>) dst(%arg20 : memref<80x16xf32, #tpu.memory_space<vmem>>)
        %dma_start3A_1272 = arith.constant 0 : i32
        %dma_start3A_1273 = tpu.memref_slice %arg13[%add3A_742, %dma_start3A_1272] : memref<250x80xi32, #tpu.memory_space<vmem>> -> memref<1x80xi32, #tpu.memory_space<vmem>>
        %dma_start3A_1274 = tpu.memref_squeeze %dma_start3A_1273 : memref<1x80xi32, #tpu.memory_space<vmem>> -> memref<80xi32, #tpu.memory_space<vmem>>
        %dma_start3A_1275 = arith.constant 0 : i32
        %dma_start3A_1276 = arith.constant 0 : i32
        %dma_start3A_1277 = tpu.memref_slice %arg26[%dma_start3A_1275, %dma_start3A_1276] : memref<10240x16xf32, #tpu.memory_space<vmem_shared>> -> memref<10240x16xf32, #tpu.memory_space<vmem_shared>>
        tpu.enqueue_indirect_dma source(%arg20 : memref<80x16xf32, #tpu.memory_space<vmem>>) target(%dma_start3A_1277 : memref<10240x16xf32, #tpu.memory_space<vmem_shared>>) offsets(%dma_start3A_1274 : memref<80xi32, #tpu.memory_space<vmem>>) semaphore(%arg45 : memref<!tpu.dma_semaphore, #tpu.memory_space<semaphore_mem>>) {add = true}
      } else {
      }
      %ge3A_759 = arith.constant 2 : i32
      %ge3A_760 = arith.cmpi sge, %add3A_742, %ge3A_759 : i32
      %add3A_761 = arith.constant 3 : i32
      %add3A_762 = arith.addi %add3A_742, %add3A_761 : i32
      %lt3A_763 = arith.constant 250 : i32
      %lt3A_764 = arith.cmpi slt, %add3A_762, %lt3A_763 : i32
      %and3A_765 = arith.andi %ge3A_760, %lt3A_764 : i1
      %convert_element_type3A_766 = arith.extui %and3A_765 : i1 to i32
      %cond3A_767 = arith.constant 0 : i32
      %cond3A_768 = arith.cmpi ne, %convert_element_type3A_766, %cond3A_767 : i32
      scf.if %cond3A_768 {
        %dma_wait3A_1266 = arith.constant 0 : i32
        %dma_wait3A_1267 = arith.constant 0 : i32
        %dma_wait3A_1268 = tpu.memref_slice %arg13[%dma_wait3A_1266, %dma_wait3A_1267] : memref<250x80xi32, #tpu.memory_space<vmem>> -> memref<1x80xi32, #tpu.memory_space<vmem>>
        %dma_wait3A_1269 = tpu.memref_squeeze %dma_wait3A_1268 : memref<1x80xi32, #tpu.memory_space<vmem>> -> memref<80xi32, #tpu.memory_space<vmem>>
        %dma_wait3A_1270 = arith.constant 0 : i32
        %dma_wait3A_1271 = arith.constant 0 : i32
        %dma_wait3A_1272 = tpu.memref_slice %arg25[%dma_wait3A_1270, %dma_wait3A_1271] : memref<10240x64xf32, #tpu.memory_space<vmem_shared>> -> memref<10240x64xf32, #tpu.memory_space<vmem_shared>>
        tpu.wait_indirect_dma semaphore(%arg38 : memref<!tpu.dma_semaphore, #tpu.memory_space<semaphore_mem>>) src(%arg18 : memref<80x64xf32, #tpu.memory_space<vmem>>) dst(%dma_wait3A_1272 : memref<10240x64xf32, #tpu.memory_space<vmem_shared>>)
      } else {
      }
      %ge3A_769 = arith.constant 2 : i32
      %ge3A_770 = arith.cmpi sge, %add3A_742, %ge3A_769 : i32
      %and3A_771 = arith.andi %eq3A_0, %ge3A_770 : i1
      %add3A_772 = arith.constant 3 : i32
      %add3A_773 = arith.addi %add3A_742, %add3A_772 : i32
      %lt3A_774 = arith.constant 250 : i32
      %lt3A_775 = arith.cmpi slt, %add3A_773, %lt3A_774 : i32
      %and3A_776 = arith.andi %and3A_771, %lt3A_775 : i1
      %convert_element_type3A_777 = arith.extui %and3A_776 : i1 to i32
      %cond3A_778 = arith.constant 0 : i32
      %cond3A_779 = arith.cmpi ne, %convert_element_type3A_777, %cond3A_778 : i32
      scf.if %cond3A_779 {
        %dma_wait3A_1266 = arith.constant 0 : i32
        %dma_wait3A_1267 = arith.constant 0 : i32
        %dma_wait3A_1268 = tpu.memref_slice %arg13[%dma_wait3A_1266, %dma_wait3A_1267] : memref<250x80xi32, #tpu.memory_space<vmem>> -> memref<1x80xi32, #tpu.memory_space<vmem>>
        %dma_wait3A_1269 = tpu.memref_squeeze %dma_wait3A_1268 : memref<1x80xi32, #tpu.memory_space<vmem>> -> memref<80xi32, #tpu.memory_space<vmem>>
        %dma_wait3A_1270 = arith.constant 0 : i32
        %dma_wait3A_1271 = arith.constant 0 : i32
        %dma_wait3A_1272 = tpu.memref_slice %arg26[%dma_wait3A_1270, %dma_wait3A_1271] : memref<10240x16xf32, #tpu.memory_space<vmem_shared>> -> memref<10240x16xf32, #tpu.memory_space<vmem_shared>>
        tpu.wait_indirect_dma semaphore(%arg48 : memref<!tpu.dma_semaphore, #tpu.memory_space<semaphore_mem>>) src(%arg23 : memref<80x16xf32, #tpu.memory_space<vmem>>) dst(%dma_wait3A_1272 : memref<10240x16xf32, #tpu.memory_space<vmem_shared>>)
      } else {
      }
      %add3A_780 = arith.constant 3 : i32
      %add3A_781 = arith.addi %add3A_742, %add3A_780 : i32
      %lt3A_782 = arith.constant 250 : i32
      %lt3A_783 = arith.cmpi slt, %add3A_781, %lt3A_782 : i32
      %convert_element_type3A_784 = arith.extui %lt3A_783 : i1 to i32
      %cond3A_785 = arith.constant 0 : i32
      %cond3A_786 = arith.cmpi ne, %convert_element_type3A_784, %cond3A_785 : i32
      scf.if %cond3A_786 {
        %dma_start3A_1266 = arith.constant 4 : i32
        %dma_start3A_1267 = arith.constant 0 : i32
        %dma_start3A_1268 = tpu.memref_slice %arg11[%dma_start3A_1266, %dma_start3A_1267] : memref<5x80xi32, #tpu.memory_space<vmem>> -> memref<1x80xi32, #tpu.memory_space<vmem>>
        %dma_start3A_1269 = tpu.memref_squeeze %dma_start3A_1268 : memref<1x80xi32, #tpu.memory_space<vmem>> -> memref<80xi32, #tpu.memory_space<vmem>>
        %dma_start3A_1270 = arith.constant 0 : i32
        %dma_start3A_1271 = arith.constant 0 : i32
        %dma_start3A_1272 = tpu.memref_slice %arg2[%dma_start3A_1270, %dma_start3A_1271] : memref<20000x64xf32, #tpu.memory_space<hbm>> -> memref<20000x64xf32, #tpu.memory_space<hbm>>
        tpu.enqueue_indirect_dma source(%dma_start3A_1272 : memref<20000x64xf32, #tpu.memory_space<hbm>>) target(%arg18 : memref<80x64xf32, #tpu.memory_space<vmem>>) offsets(%dma_start3A_1269 : memref<80xi32, #tpu.memory_space<vmem>>) semaphore(%arg33 : memref<!tpu.dma_semaphore, #tpu.memory_space<semaphore_mem>>)
      } else {
      }
      %add3A_787 = arith.constant 3 : i32
      %add3A_788 = arith.addi %add3A_742, %add3A_787 : i32
      %lt3A_789 = arith.constant 250 : i32
      %lt3A_790 = arith.cmpi slt, %add3A_788, %lt3A_789 : i32
      %and3A_791 = arith.andi %eq3A_0, %lt3A_790 : i1
      %convert_element_type3A_792 = arith.extui %and3A_791 : i1 to i32
      %cond3A_793 = arith.constant 0 : i32
      %cond3A_794 = arith.cmpi ne, %convert_element_type3A_792, %cond3A_793 : i32
      scf.if %cond3A_794 {
        %add3A_1266 = arith.constant 3 : i32
        %add3A_1267 = arith.addi %add3A_742, %add3A_1266 : i32
        %mul3A_1268 = arith.constant 80 : i32
        %mul3A_1269 = arith.muli %add3A_1267, %mul3A_1268 : i32
        %add3A_1270 = arith.addi %mul3A_35, %mul3A_1269 : i32
        %dma_start3A_1271 = arith.constant 0 : i32
        %dma_start3A_1272 = tpu.memref_slice %arg3[%add3A_1270, %dma_start3A_1271] : memref<320000x16xf32, #tpu.memory_space<hbm>> -> memref<80x16xf32, #tpu.memory_space<hbm>>
        %dma_start3A_1273 = arith.constant 0 : i32
        %dma_start3A_1274 = tpu.memref_slice %arg3[%add3A_1270, %dma_start3A_1273] : memref<320000x16xf32, #tpu.memory_space<hbm>> -> memref<80x16xf32, #tpu.memory_space<hbm>>
        tpu.enqueue_dma source(%dma_start3A_1274 : memref<80x16xf32, #tpu.memory_space<hbm>>) target(%arg23 : memref<80x16xf32, #tpu.memory_space<vmem>>) target_semaphore(%arg43 : memref<!tpu.dma_semaphore, #tpu.memory_space<semaphore_mem>>)
      } else {
      }
      %mul3A_795 = arith.constant 5 : i32
      %mul3A_796 = arith.muli %add3A_421, %mul3A_795 : i32
      %add3A_797 = arith.constant 2 : i32
      %add3A_798 = arith.addi %mul3A_796, %add3A_797 : i32
      %dma_wait3A_799 = arith.constant 0 : i32
      %dma_wait3A_800 = arith.constant 0 : i32
      %dma_wait3A_801 = tpu.memref_slice %arg11[%dma_wait3A_799, %dma_wait3A_800] : memref<5x80xi32, #tpu.memory_space<vmem>> -> memref<1x80xi32, #tpu.memory_space<vmem>>
      %dma_wait3A_802 = tpu.memref_squeeze %dma_wait3A_801 : memref<1x80xi32, #tpu.memory_space<vmem>> -> memref<80xi32, #tpu.memory_space<vmem>>
      %dma_wait3A_803 = arith.constant 0 : i32
      %dma_wait3A_804 = arith.constant 0 : i32
      %dma_wait3A_805 = tpu.memref_slice %arg2[%dma_wait3A_803, %dma_wait3A_804] : memref<20000x64xf32, #tpu.memory_space<hbm>> -> memref<20000x64xf32, #tpu.memory_space<hbm>>
      tpu.wait_indirect_dma semaphore(%arg31 : memref<!tpu.dma_semaphore, #tpu.memory_space<semaphore_mem>>) src(%dma_wait3A_805 : memref<20000x64xf32, #tpu.memory_space<hbm>>) dst(%arg16 : memref<80x64xf32, #tpu.memory_space<vmem>>)
      %dma_start3A_806 = arith.constant 0 : i32
      %dma_start3A_807 = tpu.memref_slice %arg13[%add3A_798, %dma_start3A_806] : memref<250x80xi32, #tpu.memory_space<vmem>> -> memref<1x80xi32, #tpu.memory_space<vmem>>
      %dma_start3A_808 = tpu.memref_squeeze %dma_start3A_807 : memref<1x80xi32, #tpu.memory_space<vmem>> -> memref<80xi32, #tpu.memory_space<vmem>>
      %dma_start3A_809 = arith.constant 0 : i32
      %dma_start3A_810 = arith.constant 0 : i32
      %dma_start3A_811 = tpu.memref_slice %arg25[%dma_start3A_809, %dma_start3A_810] : memref<10240x64xf32, #tpu.memory_space<vmem_shared>> -> memref<10240x64xf32, #tpu.memory_space<vmem_shared>>
      tpu.enqueue_indirect_dma source(%arg16 : memref<80x64xf32, #tpu.memory_space<vmem>>) target(%dma_start3A_811 : memref<10240x64xf32, #tpu.memory_space<vmem_shared>>) offsets(%dma_start3A_808 : memref<80xi32, #tpu.memory_space<vmem>>) semaphore(%arg36 : memref<!tpu.dma_semaphore, #tpu.memory_space<semaphore_mem>>) {add = true}
      %convert_element_type3A_812 = arith.extui %eq3A_0 : i1 to i32
      %cond3A_813 = arith.constant 0 : i32
      %cond3A_814 = arith.cmpi ne, %convert_element_type3A_812, %cond3A_813 : i32
      scf.if %cond3A_814 {
        %dma_wait3A_1266 = arith.constant 0 : i32
        %dma_wait3A_1267 = arith.constant 0 : i32
        %dma_wait3A_1268 = tpu.memref_slice %arg3[%dma_wait3A_1266, %dma_wait3A_1267] : memref<320000x16xf32, #tpu.memory_space<hbm>> -> memref<80x16xf32, #tpu.memory_space<hbm>>
        %dma_wait3A_1269 = arith.constant 0 : i32
        %dma_wait3A_1270 = arith.constant 0 : i32
        %dma_wait3A_1271 = tpu.memref_slice %arg3[%dma_wait3A_1269, %dma_wait3A_1270] : memref<320000x16xf32, #tpu.memory_space<hbm>> -> memref<80x16xf32, #tpu.memory_space<hbm>>
        tpu.wait_dma2 semaphore(%arg41 : memref<!tpu.dma_semaphore, #tpu.memory_space<semaphore_mem>>) src(%dma_wait3A_1271 : memref<80x16xf32, #tpu.memory_space<hbm>>) dst(%arg21 : memref<80x16xf32, #tpu.memory_space<vmem>>)
        %dma_start3A_1272 = arith.constant 0 : i32
        %dma_start3A_1273 = tpu.memref_slice %arg13[%add3A_798, %dma_start3A_1272] : memref<250x80xi32, #tpu.memory_space<vmem>> -> memref<1x80xi32, #tpu.memory_space<vmem>>
        %dma_start3A_1274 = tpu.memref_squeeze %dma_start3A_1273 : memref<1x80xi32, #tpu.memory_space<vmem>> -> memref<80xi32, #tpu.memory_space<vmem>>
        %dma_start3A_1275 = arith.constant 0 : i32
        %dma_start3A_1276 = arith.constant 0 : i32
        %dma_start3A_1277 = tpu.memref_slice %arg26[%dma_start3A_1275, %dma_start3A_1276] : memref<10240x16xf32, #tpu.memory_space<vmem_shared>> -> memref<10240x16xf32, #tpu.memory_space<vmem_shared>>
        tpu.enqueue_indirect_dma source(%arg21 : memref<80x16xf32, #tpu.memory_space<vmem>>) target(%dma_start3A_1277 : memref<10240x16xf32, #tpu.memory_space<vmem_shared>>) offsets(%dma_start3A_1274 : memref<80xi32, #tpu.memory_space<vmem>>) semaphore(%arg46 : memref<!tpu.dma_semaphore, #tpu.memory_space<semaphore_mem>>) {add = true}
      } else {
      }
      %ge3A_815 = arith.constant 2 : i32
      %ge3A_816 = arith.cmpi sge, %add3A_798, %ge3A_815 : i32
      %add3A_817 = arith.constant 3 : i32
      %add3A_818 = arith.addi %add3A_798, %add3A_817 : i32
      %lt3A_819 = arith.constant 250 : i32
      %lt3A_820 = arith.cmpi slt, %add3A_818, %lt3A_819 : i32
      %and3A_821 = arith.andi %ge3A_816, %lt3A_820 : i1
      %convert_element_type3A_822 = arith.extui %and3A_821 : i1 to i32
      %cond3A_823 = arith.constant 0 : i32
      %cond3A_824 = arith.cmpi ne, %convert_element_type3A_822, %cond3A_823 : i32
      scf.if %cond3A_824 {
        %dma_wait3A_1266 = arith.constant 0 : i32
        %dma_wait3A_1267 = arith.constant 0 : i32
        %dma_wait3A_1268 = tpu.memref_slice %arg13[%dma_wait3A_1266, %dma_wait3A_1267] : memref<250x80xi32, #tpu.memory_space<vmem>> -> memref<1x80xi32, #tpu.memory_space<vmem>>
        %dma_wait3A_1269 = tpu.memref_squeeze %dma_wait3A_1268 : memref<1x80xi32, #tpu.memory_space<vmem>> -> memref<80xi32, #tpu.memory_space<vmem>>
        %dma_wait3A_1270 = arith.constant 0 : i32
        %dma_wait3A_1271 = arith.constant 0 : i32
        %dma_wait3A_1272 = tpu.memref_slice %arg25[%dma_wait3A_1270, %dma_wait3A_1271] : memref<10240x64xf32, #tpu.memory_space<vmem_shared>> -> memref<10240x64xf32, #tpu.memory_space<vmem_shared>>
        tpu.wait_indirect_dma semaphore(%arg34 : memref<!tpu.dma_semaphore, #tpu.memory_space<semaphore_mem>>) src(%arg14 : memref<80x64xf32, #tpu.memory_space<vmem>>) dst(%dma_wait3A_1272 : memref<10240x64xf32, #tpu.memory_space<vmem_shared>>)
      } else {
      }
      %ge3A_825 = arith.constant 2 : i32
      %ge3A_826 = arith.cmpi sge, %add3A_798, %ge3A_825 : i32
      %and3A_827 = arith.andi %eq3A_0, %ge3A_826 : i1
      %add3A_828 = arith.constant 3 : i32
      %add3A_829 = arith.addi %add3A_798, %add3A_828 : i32
      %lt3A_830 = arith.constant 250 : i32
      %lt3A_831 = arith.cmpi slt, %add3A_829, %lt3A_830 : i32
      %and3A_832 = arith.andi %and3A_827, %lt3A_831 : i1
      %convert_element_type3A_833 = arith.extui %and3A_832 : i1 to i32
      %cond3A_834 = arith.constant 0 : i32
      %cond3A_835 = arith.cmpi ne, %convert_element_type3A_833, %cond3A_834 : i32
      scf.if %cond3A_835 {
        %dma_wait3A_1266 = arith.constant 0 : i32
        %dma_wait3A_1267 = arith.constant 0 : i32
        %dma_wait3A_1268 = tpu.memref_slice %arg13[%dma_wait3A_1266, %dma_wait3A_1267] : memref<250x80xi32, #tpu.memory_space<vmem>> -> memref<1x80xi32, #tpu.memory_space<vmem>>
        %dma_wait3A_1269 = tpu.memref_squeeze %dma_wait3A_1268 : memref<1x80xi32, #tpu.memory_space<vmem>> -> memref<80xi32, #tpu.memory_space<vmem>>
        %dma_wait3A_1270 = arith.constant 0 : i32
        %dma_wait3A_1271 = arith.constant 0 : i32
        %dma_wait3A_1272 = tpu.memref_slice %arg26[%dma_wait3A_1270, %dma_wait3A_1271] : memref<10240x16xf32, #tpu.memory_space<vmem_shared>> -> memref<10240x16xf32, #tpu.memory_space<vmem_shared>>
        tpu.wait_indirect_dma semaphore(%arg44 : memref<!tpu.dma_semaphore, #tpu.memory_space<semaphore_mem>>) src(%arg19 : memref<80x16xf32, #tpu.memory_space<vmem>>) dst(%dma_wait3A_1272 : memref<10240x16xf32, #tpu.memory_space<vmem_shared>>)
      } else {
      }
      %add3A_836 = arith.constant 3 : i32
      %add3A_837 = arith.addi %add3A_798, %add3A_836 : i32
      %lt3A_838 = arith.constant 250 : i32
      %lt3A_839 = arith.cmpi slt, %add3A_837, %lt3A_838 : i32
      %convert_element_type3A_840 = arith.extui %lt3A_839 : i1 to i32
      %cond3A_841 = arith.constant 0 : i32
      %cond3A_842 = arith.cmpi ne, %convert_element_type3A_840, %cond3A_841 : i32
      scf.if %cond3A_842 {
        %dma_start3A_1266 = arith.constant 0 : i32
        %dma_start3A_1267 = arith.constant 0 : i32
        %dma_start3A_1268 = tpu.memref_slice %arg12[%dma_start3A_1266, %dma_start3A_1267] : memref<5x80xi32, #tpu.memory_space<vmem>> -> memref<1x80xi32, #tpu.memory_space<vmem>>
        %dma_start3A_1269 = tpu.memref_squeeze %dma_start3A_1268 : memref<1x80xi32, #tpu.memory_space<vmem>> -> memref<80xi32, #tpu.memory_space<vmem>>
        %dma_start3A_1270 = arith.constant 0 : i32
        %dma_start3A_1271 = arith.constant 0 : i32
        %dma_start3A_1272 = tpu.memref_slice %arg2[%dma_start3A_1270, %dma_start3A_1271] : memref<20000x64xf32, #tpu.memory_space<hbm>> -> memref<20000x64xf32, #tpu.memory_space<hbm>>
        tpu.enqueue_indirect_dma source(%dma_start3A_1272 : memref<20000x64xf32, #tpu.memory_space<hbm>>) target(%arg14 : memref<80x64xf32, #tpu.memory_space<vmem>>) offsets(%dma_start3A_1269 : memref<80xi32, #tpu.memory_space<vmem>>) semaphore(%arg29 : memref<!tpu.dma_semaphore, #tpu.memory_space<semaphore_mem>>)
      } else {
      }
      %add3A_843 = arith.constant 3 : i32
      %add3A_844 = arith.addi %add3A_798, %add3A_843 : i32
      %lt3A_845 = arith.constant 250 : i32
      %lt3A_846 = arith.cmpi slt, %add3A_844, %lt3A_845 : i32
      %and3A_847 = arith.andi %eq3A_0, %lt3A_846 : i1
      %convert_element_type3A_848 = arith.extui %and3A_847 : i1 to i32
      %cond3A_849 = arith.constant 0 : i32
      %cond3A_850 = arith.cmpi ne, %convert_element_type3A_848, %cond3A_849 : i32
      scf.if %cond3A_850 {
        %add3A_1266 = arith.constant 3 : i32
        %add3A_1267 = arith.addi %add3A_798, %add3A_1266 : i32
        %mul3A_1268 = arith.constant 80 : i32
        %mul3A_1269 = arith.muli %add3A_1267, %mul3A_1268 : i32
        %add3A_1270 = arith.addi %mul3A_35, %mul3A_1269 : i32
        %dma_start3A_1271 = arith.constant 0 : i32
        %dma_start3A_1272 = tpu.memref_slice %arg3[%add3A_1270, %dma_start3A_1271] : memref<320000x16xf32, #tpu.memory_space<hbm>> -> memref<80x16xf32, #tpu.memory_space<hbm>>
        %dma_start3A_1273 = arith.constant 0 : i32
        %dma_start3A_1274 = tpu.memref_slice %arg3[%add3A_1270, %dma_start3A_1273] : memref<320000x16xf32, #tpu.memory_space<hbm>> -> memref<80x16xf32, #tpu.memory_space<hbm>>
        tpu.enqueue_dma source(%dma_start3A_1274 : memref<80x16xf32, #tpu.memory_space<hbm>>) target(%arg19 : memref<80x16xf32, #tpu.memory_space<vmem>>) target_semaphore(%arg39 : memref<!tpu.dma_semaphore, #tpu.memory_space<semaphore_mem>>)
      } else {
      }
      %mul3A_851 = arith.constant 5 : i32
      %mul3A_852 = arith.muli %add3A_421, %mul3A_851 : i32
      %add3A_853 = arith.constant 3 : i32
      %add3A_854 = arith.addi %mul3A_852, %add3A_853 : i32
      %dma_wait3A_855 = arith.constant 0 : i32
      %dma_wait3A_856 = arith.constant 0 : i32
      %dma_wait3A_857 = tpu.memref_slice %arg11[%dma_wait3A_855, %dma_wait3A_856] : memref<5x80xi32, #tpu.memory_space<vmem>> -> memref<1x80xi32, #tpu.memory_space<vmem>>
      %dma_wait3A_858 = tpu.memref_squeeze %dma_wait3A_857 : memref<1x80xi32, #tpu.memory_space<vmem>> -> memref<80xi32, #tpu.memory_space<vmem>>
      %dma_wait3A_859 = arith.constant 0 : i32
      %dma_wait3A_860 = arith.constant 0 : i32
      %dma_wait3A_861 = tpu.memref_slice %arg2[%dma_wait3A_859, %dma_wait3A_860] : memref<20000x64xf32, #tpu.memory_space<hbm>> -> memref<20000x64xf32, #tpu.memory_space<hbm>>
      tpu.wait_indirect_dma semaphore(%arg32 : memref<!tpu.dma_semaphore, #tpu.memory_space<semaphore_mem>>) src(%dma_wait3A_861 : memref<20000x64xf32, #tpu.memory_space<hbm>>) dst(%arg17 : memref<80x64xf32, #tpu.memory_space<vmem>>)
      %dma_start3A_862 = arith.constant 0 : i32
      %dma_start3A_863 = tpu.memref_slice %arg13[%add3A_854, %dma_start3A_862] : memref<250x80xi32, #tpu.memory_space<vmem>> -> memref<1x80xi32, #tpu.memory_space<vmem>>
      %dma_start3A_864 = tpu.memref_squeeze %dma_start3A_863 : memref<1x80xi32, #tpu.memory_space<vmem>> -> memref<80xi32, #tpu.memory_space<vmem>>
      %dma_start3A_865 = arith.constant 0 : i32
      %dma_start3A_866 = arith.constant 0 : i32
      %dma_start3A_867 = tpu.memref_slice %arg25[%dma_start3A_865, %dma_start3A_866] : memref<10240x64xf32, #tpu.memory_space<vmem_shared>> -> memref<10240x64xf32, #tpu.memory_space<vmem_shared>>
      tpu.enqueue_indirect_dma source(%arg17 : memref<80x64xf32, #tpu.memory_space<vmem>>) target(%dma_start3A_867 : memref<10240x64xf32, #tpu.memory_space<vmem_shared>>) offsets(%dma_start3A_864 : memref<80xi32, #tpu.memory_space<vmem>>) semaphore(%arg37 : memref<!tpu.dma_semaphore, #tpu.memory_space<semaphore_mem>>) {add = true}
      %convert_element_type3A_868 = arith.extui %eq3A_0 : i1 to i32
      %cond3A_869 = arith.constant 0 : i32
      %cond3A_870 = arith.cmpi ne, %convert_element_type3A_868, %cond3A_869 : i32
      scf.if %cond3A_870 {
        %dma_wait3A_1266 = arith.constant 0 : i32
        %dma_wait3A_1267 = arith.constant 0 : i32
        %dma_wait3A_1268 = tpu.memref_slice %arg3[%dma_wait3A_1266, %dma_wait3A_1267] : memref<320000x16xf32, #tpu.memory_space<hbm>> -> memref<80x16xf32, #tpu.memory_space<hbm>>
        %dma_wait3A_1269 = arith.constant 0 : i32
        %dma_wait3A_1270 = arith.constant 0 : i32
        %dma_wait3A_1271 = tpu.memref_slice %arg3[%dma_wait3A_1269, %dma_wait3A_1270] : memref<320000x16xf32, #tpu.memory_space<hbm>> -> memref<80x16xf32, #tpu.memory_space<hbm>>
        tpu.wait_dma2 semaphore(%arg42 : memref<!tpu.dma_semaphore, #tpu.memory_space<semaphore_mem>>) src(%dma_wait3A_1271 : memref<80x16xf32, #tpu.memory_space<hbm>>) dst(%arg22 : memref<80x16xf32, #tpu.memory_space<vmem>>)
        %dma_start3A_1272 = arith.constant 0 : i32
        %dma_start3A_1273 = tpu.memref_slice %arg13[%add3A_854, %dma_start3A_1272] : memref<250x80xi32, #tpu.memory_space<vmem>> -> memref<1x80xi32, #tpu.memory_space<vmem>>
        %dma_start3A_1274 = tpu.memref_squeeze %dma_start3A_1273 : memref<1x80xi32, #tpu.memory_space<vmem>> -> memref<80xi32, #tpu.memory_space<vmem>>
        %dma_start3A_1275 = arith.constant 0 : i32
        %dma_start3A_1276 = arith.constant 0 : i32
        %dma_start3A_1277 = tpu.memref_slice %arg26[%dma_start3A_1275, %dma_start3A_1276] : memref<10240x16xf32, #tpu.memory_space<vmem_shared>> -> memref<10240x16xf32, #tpu.memory_space<vmem_shared>>
        tpu.enqueue_indirect_dma source(%arg22 : memref<80x16xf32, #tpu.memory_space<vmem>>) target(%dma_start3A_1277 : memref<10240x16xf32, #tpu.memory_space<vmem_shared>>) offsets(%dma_start3A_1274 : memref<80xi32, #tpu.memory_space<vmem>>) semaphore(%arg47 : memref<!tpu.dma_semaphore, #tpu.memory_space<semaphore_mem>>) {add = true}
      } else {
      }
      %ge3A_871 = arith.constant 2 : i32
      %ge3A_872 = arith.cmpi sge, %add3A_854, %ge3A_871 : i32
      %add3A_873 = arith.constant 3 : i32
      %add3A_874 = arith.addi %add3A_854, %add3A_873 : i32
      %lt3A_875 = arith.constant 250 : i32
      %lt3A_876 = arith.cmpi slt, %add3A_874, %lt3A_875 : i32
      %and3A_877 = arith.andi %ge3A_872, %lt3A_876 : i1
      %convert_element_type3A_878 = arith.extui %and3A_877 : i1 to i32
      %cond3A_879 = arith.constant 0 : i32
      %cond3A_880 = arith.cmpi ne, %convert_element_type3A_878, %cond3A_879 : i32
      scf.if %cond3A_880 {
        %dma_wait3A_1266 = arith.constant 0 : i32
        %dma_wait3A_1267 = arith.constant 0 : i32
        %dma_wait3A_1268 = tpu.memref_slice %arg13[%dma_wait3A_1266, %dma_wait3A_1267] : memref<250x80xi32, #tpu.memory_space<vmem>> -> memref<1x80xi32, #tpu.memory_space<vmem>>
        %dma_wait3A_1269 = tpu.memref_squeeze %dma_wait3A_1268 : memref<1x80xi32, #tpu.memory_space<vmem>> -> memref<80xi32, #tpu.memory_space<vmem>>
        %dma_wait3A_1270 = arith.constant 0 : i32
        %dma_wait3A_1271 = arith.constant 0 : i32
        %dma_wait3A_1272 = tpu.memref_slice %arg25[%dma_wait3A_1270, %dma_wait3A_1271] : memref<10240x64xf32, #tpu.memory_space<vmem_shared>> -> memref<10240x64xf32, #tpu.memory_space<vmem_shared>>
        tpu.wait_indirect_dma semaphore(%arg35 : memref<!tpu.dma_semaphore, #tpu.memory_space<semaphore_mem>>) src(%arg15 : memref<80x64xf32, #tpu.memory_space<vmem>>) dst(%dma_wait3A_1272 : memref<10240x64xf32, #tpu.memory_space<vmem_shared>>)
      } else {
      }
      %ge3A_881 = arith.constant 2 : i32
      %ge3A_882 = arith.cmpi sge, %add3A_854, %ge3A_881 : i32
      %and3A_883 = arith.andi %eq3A_0, %ge3A_882 : i1
      %add3A_884 = arith.constant 3 : i32
      %add3A_885 = arith.addi %add3A_854, %add3A_884 : i32
      %lt3A_886 = arith.constant 250 : i32
      %lt3A_887 = arith.cmpi slt, %add3A_885, %lt3A_886 : i32
      %and3A_888 = arith.andi %and3A_883, %lt3A_887 : i1
      %convert_element_type3A_889 = arith.extui %and3A_888 : i1 to i32
      %cond3A_890 = arith.constant 0 : i32
      %cond3A_891 = arith.cmpi ne, %convert_element_type3A_889, %cond3A_890 : i32
      scf.if %cond3A_891 {
        %dma_wait3A_1266 = arith.constant 0 : i32
        %dma_wait3A_1267 = arith.constant 0 : i32
        %dma_wait3A_1268 = tpu.memref_slice %arg13[%dma_wait3A_1266, %dma_wait3A_1267] : memref<250x80xi32, #tpu.memory_space<vmem>> -> memref<1x80xi32, #tpu.memory_space<vmem>>
        %dma_wait3A_1269 = tpu.memref_squeeze %dma_wait3A_1268 : memref<1x80xi32, #tpu.memory_space<vmem>> -> memref<80xi32, #tpu.memory_space<vmem>>
        %dma_wait3A_1270 = arith.constant 0 : i32
        %dma_wait3A_1271 = arith.constant 0 : i32
        %dma_wait3A_1272 = tpu.memref_slice %arg26[%dma_wait3A_1270, %dma_wait3A_1271] : memref<10240x16xf32, #tpu.memory_space<vmem_shared>> -> memref<10240x16xf32, #tpu.memory_space<vmem_shared>>
        tpu.wait_indirect_dma semaphore(%arg45 : memref<!tpu.dma_semaphore, #tpu.memory_space<semaphore_mem>>) src(%arg20 : memref<80x16xf32, #tpu.memory_space<vmem>>) dst(%dma_wait3A_1272 : memref<10240x16xf32, #tpu.memory_space<vmem_shared>>)
      } else {
      }
      %add3A_892 = arith.constant 3 : i32
      %add3A_893 = arith.addi %add3A_854, %add3A_892 : i32
      %lt3A_894 = arith.constant 250 : i32
      %lt3A_895 = arith.cmpi slt, %add3A_893, %lt3A_894 : i32
      %convert_element_type3A_896 = arith.extui %lt3A_895 : i1 to i32
      %cond3A_897 = arith.constant 0 : i32
      %cond3A_898 = arith.cmpi ne, %convert_element_type3A_896, %cond3A_897 : i32
      scf.if %cond3A_898 {
        %dma_start3A_1266 = arith.constant 1 : i32
        %dma_start3A_1267 = arith.constant 0 : i32
        %dma_start3A_1268 = tpu.memref_slice %arg12[%dma_start3A_1266, %dma_start3A_1267] : memref<5x80xi32, #tpu.memory_space<vmem>> -> memref<1x80xi32, #tpu.memory_space<vmem>>
        %dma_start3A_1269 = tpu.memref_squeeze %dma_start3A_1268 : memref<1x80xi32, #tpu.memory_space<vmem>> -> memref<80xi32, #tpu.memory_space<vmem>>
        %dma_start3A_1270 = arith.constant 0 : i32
        %dma_start3A_1271 = arith.constant 0 : i32
        %dma_start3A_1272 = tpu.memref_slice %arg2[%dma_start3A_1270, %dma_start3A_1271] : memref<20000x64xf32, #tpu.memory_space<hbm>> -> memref<20000x64xf32, #tpu.memory_space<hbm>>
        tpu.enqueue_indirect_dma source(%dma_start3A_1272 : memref<20000x64xf32, #tpu.memory_space<hbm>>) target(%arg15 : memref<80x64xf32, #tpu.memory_space<vmem>>) offsets(%dma_start3A_1269 : memref<80xi32, #tpu.memory_space<vmem>>) semaphore(%arg30 : memref<!tpu.dma_semaphore, #tpu.memory_space<semaphore_mem>>)
      } else {
      }
      %add3A_899 = arith.constant 3 : i32
      %add3A_900 = arith.addi %add3A_854, %add3A_899 : i32
      %lt3A_901 = arith.constant 250 : i32
      %lt3A_902 = arith.cmpi slt, %add3A_900, %lt3A_901 : i32
      %and3A_903 = arith.andi %eq3A_0, %lt3A_902 : i1
      %convert_element_type3A_904 = arith.extui %and3A_903 : i1 to i32
      %cond3A_905 = arith.constant 0 : i32
      %cond3A_906 = arith.cmpi ne, %convert_element_type3A_904, %cond3A_905 : i32
      scf.if %cond3A_906 {
        %add3A_1266 = arith.constant 3 : i32
        %add3A_1267 = arith.addi %add3A_854, %add3A_1266 : i32
        %mul3A_1268 = arith.constant 80 : i32
        %mul3A_1269 = arith.muli %add3A_1267, %mul3A_1268 : i32
        %add3A_1270 = arith.addi %mul3A_35, %mul3A_1269 : i32
        %dma_start3A_1271 = arith.constant 0 : i32
        %dma_start3A_1272 = tpu.memref_slice %arg3[%add3A_1270, %dma_start3A_1271] : memref<320000x16xf32, #tpu.memory_space<hbm>> -> memref<80x16xf32, #tpu.memory_space<hbm>>
        %dma_start3A_1273 = arith.constant 0 : i32
        %dma_start3A_1274 = tpu.memref_slice %arg3[%add3A_1270, %dma_start3A_1273] : memref<320000x16xf32, #tpu.memory_space<hbm>> -> memref<80x16xf32, #tpu.memory_space<hbm>>
        tpu.enqueue_dma source(%dma_start3A_1274 : memref<80x16xf32, #tpu.memory_space<hbm>>) target(%arg20 : memref<80x16xf32, #tpu.memory_space<vmem>>) target_semaphore(%arg40 : memref<!tpu.dma_semaphore, #tpu.memory_space<semaphore_mem>>)
      } else {
      }
      %mul3A_907 = arith.constant 5 : i32
      %mul3A_908 = arith.muli %add3A_421, %mul3A_907 : i32
      %add3A_909 = arith.constant 4 : i32
      %add3A_910 = arith.addi %mul3A_908, %add3A_909 : i32
      %dma_wait3A_911 = arith.constant 0 : i32
      %dma_wait3A_912 = arith.constant 0 : i32
      %dma_wait3A_913 = tpu.memref_slice %arg11[%dma_wait3A_911, %dma_wait3A_912] : memref<5x80xi32, #tpu.memory_space<vmem>> -> memref<1x80xi32, #tpu.memory_space<vmem>>
      %dma_wait3A_914 = tpu.memref_squeeze %dma_wait3A_913 : memref<1x80xi32, #tpu.memory_space<vmem>> -> memref<80xi32, #tpu.memory_space<vmem>>
      %dma_wait3A_915 = arith.constant 0 : i32
      %dma_wait3A_916 = arith.constant 0 : i32
      %dma_wait3A_917 = tpu.memref_slice %arg2[%dma_wait3A_915, %dma_wait3A_916] : memref<20000x64xf32, #tpu.memory_space<hbm>> -> memref<20000x64xf32, #tpu.memory_space<hbm>>
      tpu.wait_indirect_dma semaphore(%arg33 : memref<!tpu.dma_semaphore, #tpu.memory_space<semaphore_mem>>) src(%dma_wait3A_917 : memref<20000x64xf32, #tpu.memory_space<hbm>>) dst(%arg18 : memref<80x64xf32, #tpu.memory_space<vmem>>)
      %dma_start3A_918 = arith.constant 0 : i32
      %dma_start3A_919 = tpu.memref_slice %arg13[%add3A_910, %dma_start3A_918] : memref<250x80xi32, #tpu.memory_space<vmem>> -> memref<1x80xi32, #tpu.memory_space<vmem>>
      %dma_start3A_920 = tpu.memref_squeeze %dma_start3A_919 : memref<1x80xi32, #tpu.memory_space<vmem>> -> memref<80xi32, #tpu.memory_space<vmem>>
      %dma_start3A_921 = arith.constant 0 : i32
      %dma_start3A_922 = arith.constant 0 : i32
      %dma_start3A_923 = tpu.memref_slice %arg25[%dma_start3A_921, %dma_start3A_922] : memref<10240x64xf32, #tpu.memory_space<vmem_shared>> -> memref<10240x64xf32, #tpu.memory_space<vmem_shared>>
      tpu.enqueue_indirect_dma source(%arg18 : memref<80x64xf32, #tpu.memory_space<vmem>>) target(%dma_start3A_923 : memref<10240x64xf32, #tpu.memory_space<vmem_shared>>) offsets(%dma_start3A_920 : memref<80xi32, #tpu.memory_space<vmem>>) semaphore(%arg38 : memref<!tpu.dma_semaphore, #tpu.memory_space<semaphore_mem>>) {add = true}
      %convert_element_type3A_924 = arith.extui %eq3A_0 : i1 to i32
      %cond3A_925 = arith.constant 0 : i32
      %cond3A_926 = arith.cmpi ne, %convert_element_type3A_924, %cond3A_925 : i32
      scf.if %cond3A_926 {
        %dma_wait3A_1266 = arith.constant 0 : i32
        %dma_wait3A_1267 = arith.constant 0 : i32
        %dma_wait3A_1268 = tpu.memref_slice %arg3[%dma_wait3A_1266, %dma_wait3A_1267] : memref<320000x16xf32, #tpu.memory_space<hbm>> -> memref<80x16xf32, #tpu.memory_space<hbm>>
        %dma_wait3A_1269 = arith.constant 0 : i32
        %dma_wait3A_1270 = arith.constant 0 : i32
        %dma_wait3A_1271 = tpu.memref_slice %arg3[%dma_wait3A_1269, %dma_wait3A_1270] : memref<320000x16xf32, #tpu.memory_space<hbm>> -> memref<80x16xf32, #tpu.memory_space<hbm>>
        tpu.wait_dma2 semaphore(%arg43 : memref<!tpu.dma_semaphore, #tpu.memory_space<semaphore_mem>>) src(%dma_wait3A_1271 : memref<80x16xf32, #tpu.memory_space<hbm>>) dst(%arg23 : memref<80x16xf32, #tpu.memory_space<vmem>>)
        %dma_start3A_1272 = arith.constant 0 : i32
        %dma_start3A_1273 = tpu.memref_slice %arg13[%add3A_910, %dma_start3A_1272] : memref<250x80xi32, #tpu.memory_space<vmem>> -> memref<1x80xi32, #tpu.memory_space<vmem>>
        %dma_start3A_1274 = tpu.memref_squeeze %dma_start3A_1273 : memref<1x80xi32, #tpu.memory_space<vmem>> -> memref<80xi32, #tpu.memory_space<vmem>>
        %dma_start3A_1275 = arith.constant 0 : i32
        %dma_start3A_1276 = arith.constant 0 : i32
        %dma_start3A_1277 = tpu.memref_slice %arg26[%dma_start3A_1275, %dma_start3A_1276] : memref<10240x16xf32, #tpu.memory_space<vmem_shared>> -> memref<10240x16xf32, #tpu.memory_space<vmem_shared>>
        tpu.enqueue_indirect_dma source(%arg23 : memref<80x16xf32, #tpu.memory_space<vmem>>) target(%dma_start3A_1277 : memref<10240x16xf32, #tpu.memory_space<vmem_shared>>) offsets(%dma_start3A_1274 : memref<80xi32, #tpu.memory_space<vmem>>) semaphore(%arg48 : memref<!tpu.dma_semaphore, #tpu.memory_space<semaphore_mem>>) {add = true}
      } else {
      }
      %ge3A_927 = arith.constant 2 : i32
      %ge3A_928 = arith.cmpi sge, %add3A_910, %ge3A_927 : i32
      %add3A_929 = arith.constant 3 : i32
      %add3A_930 = arith.addi %add3A_910, %add3A_929 : i32
      %lt3A_931 = arith.constant 250 : i32
      %lt3A_932 = arith.cmpi slt, %add3A_930, %lt3A_931 : i32
      %and3A_933 = arith.andi %ge3A_928, %lt3A_932 : i1
      %convert_element_type3A_934 = arith.extui %and3A_933 : i1 to i32
      %cond3A_935 = arith.constant 0 : i32
      %cond3A_936 = arith.cmpi ne, %convert_element_type3A_934, %cond3A_935 : i32
      scf.if %cond3A_936 {
        %dma_wait3A_1266 = arith.constant 0 : i32
        %dma_wait3A_1267 = arith.constant 0 : i32
        %dma_wait3A_1268 = tpu.memref_slice %arg13[%dma_wait3A_1266, %dma_wait3A_1267] : memref<250x80xi32, #tpu.memory_space<vmem>> -> memref<1x80xi32, #tpu.memory_space<vmem>>
        %dma_wait3A_1269 = tpu.memref_squeeze %dma_wait3A_1268 : memref<1x80xi32, #tpu.memory_space<vmem>> -> memref<80xi32, #tpu.memory_space<vmem>>
        %dma_wait3A_1270 = arith.constant 0 : i32
        %dma_wait3A_1271 = arith.constant 0 : i32
        %dma_wait3A_1272 = tpu.memref_slice %arg25[%dma_wait3A_1270, %dma_wait3A_1271] : memref<10240x64xf32, #tpu.memory_space<vmem_shared>> -> memref<10240x64xf32, #tpu.memory_space<vmem_shared>>
        tpu.wait_indirect_dma semaphore(%arg36 : memref<!tpu.dma_semaphore, #tpu.memory_space<semaphore_mem>>) src(%arg16 : memref<80x64xf32, #tpu.memory_space<vmem>>) dst(%dma_wait3A_1272 : memref<10240x64xf32, #tpu.memory_space<vmem_shared>>)
      } else {
      }
      %ge3A_937 = arith.constant 2 : i32
      %ge3A_938 = arith.cmpi sge, %add3A_910, %ge3A_937 : i32
      %and3A_939 = arith.andi %eq3A_0, %ge3A_938 : i1
      %add3A_940 = arith.constant 3 : i32
      %add3A_941 = arith.addi %add3A_910, %add3A_940 : i32
      %lt3A_942 = arith.constant 250 : i32
      %lt3A_943 = arith.cmpi slt, %add3A_941, %lt3A_942 : i32
      %and3A_944 = arith.andi %and3A_939, %lt3A_943 : i1
      %convert_element_type3A_945 = arith.extui %and3A_944 : i1 to i32
      %cond3A_946 = arith.constant 0 : i32
      %cond3A_947 = arith.cmpi ne, %convert_element_type3A_945, %cond3A_946 : i32
      scf.if %cond3A_947 {
        %dma_wait3A_1266 = arith.constant 0 : i32
        %dma_wait3A_1267 = arith.constant 0 : i32
        %dma_wait3A_1268 = tpu.memref_slice %arg13[%dma_wait3A_1266, %dma_wait3A_1267] : memref<250x80xi32, #tpu.memory_space<vmem>> -> memref<1x80xi32, #tpu.memory_space<vmem>>
        %dma_wait3A_1269 = tpu.memref_squeeze %dma_wait3A_1268 : memref<1x80xi32, #tpu.memory_space<vmem>> -> memref<80xi32, #tpu.memory_space<vmem>>
        %dma_wait3A_1270 = arith.constant 0 : i32
        %dma_wait3A_1271 = arith.constant 0 : i32
        %dma_wait3A_1272 = tpu.memref_slice %arg26[%dma_wait3A_1270, %dma_wait3A_1271] : memref<10240x16xf32, #tpu.memory_space<vmem_shared>> -> memref<10240x16xf32, #tpu.memory_space<vmem_shared>>
        tpu.wait_indirect_dma semaphore(%arg46 : memref<!tpu.dma_semaphore, #tpu.memory_space<semaphore_mem>>) src(%arg21 : memref<80x16xf32, #tpu.memory_space<vmem>>) dst(%dma_wait3A_1272 : memref<10240x16xf32, #tpu.memory_space<vmem_shared>>)
      } else {
      }
      %add3A_948 = arith.constant 3 : i32
      %add3A_949 = arith.addi %add3A_910, %add3A_948 : i32
      %lt3A_950 = arith.constant 250 : i32
      %lt3A_951 = arith.cmpi slt, %add3A_949, %lt3A_950 : i32
      %convert_element_type3A_952 = arith.extui %lt3A_951 : i1 to i32
      %cond3A_953 = arith.constant 0 : i32
      %cond3A_954 = arith.cmpi ne, %convert_element_type3A_952, %cond3A_953 : i32
      scf.if %cond3A_954 {
        %dma_start3A_1266 = arith.constant 2 : i32
        %dma_start3A_1267 = arith.constant 0 : i32
        %dma_start3A_1268 = tpu.memref_slice %arg12[%dma_start3A_1266, %dma_start3A_1267] : memref<5x80xi32, #tpu.memory_space<vmem>> -> memref<1x80xi32, #tpu.memory_space<vmem>>
        %dma_start3A_1269 = tpu.memref_squeeze %dma_start3A_1268 : memref<1x80xi32, #tpu.memory_space<vmem>> -> memref<80xi32, #tpu.memory_space<vmem>>
        %dma_start3A_1270 = arith.constant 0 : i32
        %dma_start3A_1271 = arith.constant 0 : i32
        %dma_start3A_1272 = tpu.memref_slice %arg2[%dma_start3A_1270, %dma_start3A_1271] : memref<20000x64xf32, #tpu.memory_space<hbm>> -> memref<20000x64xf32, #tpu.memory_space<hbm>>
        tpu.enqueue_indirect_dma source(%dma_start3A_1272 : memref<20000x64xf32, #tpu.memory_space<hbm>>) target(%arg16 : memref<80x64xf32, #tpu.memory_space<vmem>>) offsets(%dma_start3A_1269 : memref<80xi32, #tpu.memory_space<vmem>>) semaphore(%arg31 : memref<!tpu.dma_semaphore, #tpu.memory_space<semaphore_mem>>)
      } else {
      }
      %add3A_955 = arith.constant 3 : i32
      %add3A_956 = arith.addi %add3A_910, %add3A_955 : i32
      %lt3A_957 = arith.constant 250 : i32
      %lt3A_958 = arith.cmpi slt, %add3A_956, %lt3A_957 : i32
      %and3A_959 = arith.andi %eq3A_0, %lt3A_958 : i1
      %convert_element_type3A_960 = arith.extui %and3A_959 : i1 to i32
      %cond3A_961 = arith.constant 0 : i32
      %cond3A_962 = arith.cmpi ne, %convert_element_type3A_960, %cond3A_961 : i32
      scf.if %cond3A_962 {
        %add3A_1266 = arith.constant 3 : i32
        %add3A_1267 = arith.addi %add3A_910, %add3A_1266 : i32
        %mul3A_1268 = arith.constant 80 : i32
        %mul3A_1269 = arith.muli %add3A_1267, %mul3A_1268 : i32
        %add3A_1270 = arith.addi %mul3A_35, %mul3A_1269 : i32
        %dma_start3A_1271 = arith.constant 0 : i32
        %dma_start3A_1272 = tpu.memref_slice %arg3[%add3A_1270, %dma_start3A_1271] : memref<320000x16xf32, #tpu.memory_space<hbm>> -> memref<80x16xf32, #tpu.memory_space<hbm>>
        %dma_start3A_1273 = arith.constant 0 : i32
        %dma_start3A_1274 = tpu.memref_slice %arg3[%add3A_1270, %dma_start3A_1273] : memref<320000x16xf32, #tpu.memory_space<hbm>> -> memref<80x16xf32, #tpu.memory_space<hbm>>
        tpu.enqueue_dma source(%dma_start3A_1274 : memref<80x16xf32, #tpu.memory_space<hbm>>) target(%arg21 : memref<80x16xf32, #tpu.memory_space<vmem>>) target_semaphore(%arg41 : memref<!tpu.dma_semaphore, #tpu.memory_space<semaphore_mem>>)
      } else {
      }
      %add3A_963 = arith.constant 2 : i32
      %add3A_964 = arith.addi %add3A_421, %add3A_963 : i32
      %lt3A_965 = arith.constant 50 : i32
      %lt3A_966 = arith.cmpi slt, %add3A_964, %lt3A_965 : i32
      %convert_element_type3A_967 = arith.extui %lt3A_966 : i1 to i32
      %cond3A_968 = arith.constant 0 : i32
      %cond3A_969 = arith.cmpi ne, %convert_element_type3A_967, %cond3A_968 : i32
      scf.if %cond3A_969 {
        %add3A_1266 = arith.constant 2 : i32
        %add3A_1267 = arith.addi %add3A_421, %add3A_1266 : i32
        %mul3A_1268 = arith.constant 5 : i32
        %mul3A_1269 = arith.muli %add3A_1267, %mul3A_1268 : i32
        %dma_start3A_1270 = arith.constant 0 : i32
        %dma_start3A_1271 = arith.constant 0 : i32
        %dma_start3A_1272 = tpu.memref_slice %arg4[%arg1, %dma_start3A_1270, %dma_start3A_1271] : memref<16x250x80xi32, #tpu.memory_space<hbm>> -> memref<1x250x80xi32, #tpu.memory_space<hbm>>
        %dma_start3A_1273 = tpu.memref_squeeze %dma_start3A_1272 : memref<1x250x80xi32, #tpu.memory_space<hbm>> -> memref<250x80xi32, #tpu.memory_space<hbm>>
        %dma_start3A_1274 = arith.constant 0 : i32
        %dma_start3A_1275 = tpu.memref_slice %dma_start3A_1273[%mul3A_1269, %dma_start3A_1274] : memref<250x80xi32, #tpu.memory_space<hbm>> -> memref<5x80xi32, #tpu.memory_space<hbm>>
        %dma_start3A_1276 = arith.constant 0 : i32
        %dma_start3A_1277 = arith.constant 0 : i32
        %dma_start3A_1278 = tpu.memref_slice %arg4[%arg1, %dma_start3A_1276, %dma_start3A_1277] : memref<16x250x80xi32, #tpu.memory_space<hbm>> -> memref<1x250x80xi32, #tpu.memory_space<hbm>>
        %dma_start3A_1279 = tpu.memref_squeeze %dma_start3A_1278 : memref<1x250x80xi32, #tpu.memory_space<hbm>> -> memref<250x80xi32, #tpu.memory_space<hbm>>
        %dma_start3A_1280 = arith.constant 0 : i32
        %dma_start3A_1281 = tpu.memref_slice %dma_start3A_1279[%mul3A_1269, %dma_start3A_1280] : memref<250x80xi32, #tpu.memory_space<hbm>> -> memref<5x80xi32, #tpu.memory_space<hbm>>
        tpu.enqueue_dma source(%dma_start3A_1281 : memref<5x80xi32, #tpu.memory_space<hbm>>) target(%arg11 : memref<5x80xi32, #tpu.memory_space<vmem>>) target_semaphore(%arg27 : memref<!tpu.dma_semaphore, #tpu.memory_space<semaphore_mem>>)
      } else {
      }
      %mul3A_970 = arith.constant 2 : i32
      %mul3A_971 = arith.muli %add3A_417, %mul3A_970 : i32
      %add3A_972 = arith.constant 1 : i32
      %add3A_973 = arith.addi %mul3A_971, %add3A_972 : i32
      %lt3A_974 = arith.constant 24 : i32
      %lt3A_975 = arith.cmpi slt, %add3A_417, %lt3A_974 : i32
      %convert_element_type3A_976 = arith.extui %lt3A_975 : i1 to i32
      %cond3A_977 = arith.constant 0 : i32
      %cond3A_978 = arith.cmpi ne, %convert_element_type3A_976, %cond3A_977 : i32
      scf.if %cond3A_978 {
        %dma_wait3A_1266 = arith.constant 0 : i32
        %dma_wait3A_1267 = arith.constant 0 : i32
        %dma_wait3A_1268 = tpu.memref_slice %arg4[%arg1, %dma_wait3A_1266, %dma_wait3A_1267] : memref<16x250x80xi32, #tpu.memory_space<hbm>> -> memref<1x250x80xi32, #tpu.memory_space<hbm>>
        %dma_wait3A_1269 = tpu.memref_squeeze %dma_wait3A_1268 : memref<1x250x80xi32, #tpu.memory_space<hbm>> -> memref<250x80xi32, #tpu.memory_space<hbm>>
        %dma_wait3A_1270 = arith.constant 0 : i32
        %dma_wait3A_1271 = arith.constant 0 : i32
        %dma_wait3A_1272 = tpu.memref_slice %dma_wait3A_1269[%dma_wait3A_1270, %dma_wait3A_1271] : memref<250x80xi32, #tpu.memory_space<hbm>> -> memref<5x80xi32, #tpu.memory_space<hbm>>
        %dma_wait3A_1273 = arith.constant 0 : i32
        %dma_wait3A_1274 = arith.constant 0 : i32
        %dma_wait3A_1275 = tpu.memref_slice %arg4[%arg1, %dma_wait3A_1273, %dma_wait3A_1274] : memref<16x250x80xi32, #tpu.memory_space<hbm>> -> memref<1x250x80xi32, #tpu.memory_space<hbm>>
        %dma_wait3A_1276 = tpu.memref_squeeze %dma_wait3A_1275 : memref<1x250x80xi32, #tpu.memory_space<hbm>> -> memref<250x80xi32, #tpu.memory_space<hbm>>
        %dma_wait3A_1277 = arith.constant 0 : i32
        %dma_wait3A_1278 = arith.constant 0 : i32
        %dma_wait3A_1279 = tpu.memref_slice %dma_wait3A_1276[%dma_wait3A_1277, %dma_wait3A_1278] : memref<250x80xi32, #tpu.memory_space<hbm>> -> memref<5x80xi32, #tpu.memory_space<hbm>>
        tpu.wait_dma2 semaphore(%arg27 : memref<!tpu.dma_semaphore, #tpu.memory_space<semaphore_mem>>) src(%dma_wait3A_1279 : memref<5x80xi32, #tpu.memory_space<hbm>>) dst(%arg11 : memref<5x80xi32, #tpu.memory_space<vmem>>)
        %get3A_1280 = arith.constant 0 : i32
        %get3A_1281 = arith.index_cast %get3A_1280 : i32 to index
        %get3A_1282 = arith.constant 0 : index
        %get3A_1283 = tpu.vector_load %arg11[%get3A_1281, %get3A_1282] {strides = array<i32>} : memref<5x80xi32, #tpu.memory_space<vmem>>, vector<16xi32>,
        %mul3A_1284 = arith.muli %get3A_1283, %broadcast_in_dim3A_6 : vector<16xi32>
        %add3A_1285 = arith.addi %mul3A_1284, %add3A_4 : vector<16xi32>
        %swap3A_1286 = arith.constant 0 : i32
        %swap3A_1287 = arith.index_cast %swap3A_1286 : i32 to index
        %swap3A_1288 = arith.constant 0 : index
        %swap3A_1289 = tpu.vector_load %arg11[%swap3A_1287, %swap3A_1288] {strides = array<i32>} : memref<5x80xi32, #tpu.memory_space<vmem>>, vector<16xi32>,
        tpu.vector_store %arg11[%swap3A_1287, %swap3A_1288], %add3A_1285 {strides = array<i32>} : memref<5x80xi32, #tpu.memory_space<vmem>>, vector<16xi32>,
        %get3A_1290 = arith.constant 0 : i32
        %get3A_1291 = arith.index_cast %get3A_1290 : i32 to index
        %get3A_1292 = arith.constant 16 : index
        %get3A_1293 = tpu.vector_load %arg11[%get3A_1291, %get3A_1292] {strides = array<i32>} : memref<5x80xi32, #tpu.memory_space<vmem>>, vector<16xi32>,
        %mul3A_1294 = arith.muli %get3A_1293, %broadcast_in_dim3A_6 : vector<16xi32>
        %add3A_1295 = arith.addi %mul3A_1294, %add3A_4 : vector<16xi32>
        %swap3A_1296 = arith.constant 0 : i32
        %swap3A_1297 = arith.index_cast %swap3A_1296 : i32 to index
        %swap3A_1298 = arith.constant 16 : index
        %swap3A_1299 = tpu.vector_load %arg11[%swap3A_1297, %swap3A_1298] {strides = array<i32>} : memref<5x80xi32, #tpu.memory_space<vmem>>, vector<16xi32>,
        tpu.vector_store %arg11[%swap3A_1297, %swap3A_1298], %add3A_1295 {strides = array<i32>} : memref<5x80xi32, #tpu.memory_space<vmem>>, vector<16xi32>,
        %get3A_1300 = arith.constant 0 : i32
        %get3A_1301 = arith.index_cast %get3A_1300 : i32 to index
        %get3A_1302 = arith.constant 32 : index
        %get3A_1303 = tpu.vector_load %arg11[%get3A_1301, %get3A_1302] {strides = array<i32>} : memref<5x80xi32, #tpu.memory_space<vmem>>, vector<16xi32>,
        %mul3A_1304 = arith.muli %get3A_1303, %broadcast_in_dim3A_6 : vector<16xi32>
        %add3A_1305 = arith.addi %mul3A_1304, %add3A_4 : vector<16xi32>
        %swap3A_1306 = arith.constant 0 : i32
        %swap3A_1307 = arith.index_cast %swap3A_1306 : i32 to index
        %swap3A_1308 = arith.constant 32 : index
        %swap3A_1309 = tpu.vector_load %arg11[%swap3A_1307, %swap3A_1308] {strides = array<i32>} : memref<5x80xi32, #tpu.memory_space<vmem>>, vector<16xi32>,
        tpu.vector_store %arg11[%swap3A_1307, %swap3A_1308], %add3A_1305 {strides = array<i32>} : memref<5x80xi32, #tpu.memory_space<vmem>>, vector<16xi32>,
        %get3A_1310 = arith.constant 0 : i32
        %get3A_1311 = arith.index_cast %get3A_1310 : i32 to index
        %get3A_1312 = arith.constant 48 : index
        %get3A_1313 = tpu.vector_load %arg11[%get3A_1311, %get3A_1312] {strides = array<i32>} : memref<5x80xi32, #tpu.memory_space<vmem>>, vector<16xi32>,
        %mul3A_1314 = arith.muli %get3A_1313, %broadcast_in_dim3A_6 : vector<16xi32>
        %add3A_1315 = arith.addi %mul3A_1314, %add3A_4 : vector<16xi32>
        %swap3A_1316 = arith.constant 0 : i32
        %swap3A_1317 = arith.index_cast %swap3A_1316 : i32 to index
        %swap3A_1318 = arith.constant 48 : index
        %swap3A_1319 = tpu.vector_load %arg11[%swap3A_1317, %swap3A_1318] {strides = array<i32>} : memref<5x80xi32, #tpu.memory_space<vmem>>, vector<16xi32>,
        tpu.vector_store %arg11[%swap3A_1317, %swap3A_1318], %add3A_1315 {strides = array<i32>} : memref<5x80xi32, #tpu.memory_space<vmem>>, vector<16xi32>,
        %get3A_1320 = arith.constant 0 : i32
        %get3A_1321 = arith.index_cast %get3A_1320 : i32 to index
        %get3A_1322 = arith.constant 64 : index
        %get3A_1323 = tpu.vector_load %arg11[%get3A_1321, %get3A_1322] {strides = array<i32>} : memref<5x80xi32, #tpu.memory_space<vmem>>, vector<16xi32>,
        %mul3A_1324 = arith.muli %get3A_1323, %broadcast_in_dim3A_6 : vector<16xi32>
        %add3A_1325 = arith.addi %mul3A_1324, %add3A_4 : vector<16xi32>
        %swap3A_1326 = arith.constant 0 : i32
        %swap3A_1327 = arith.index_cast %swap3A_1326 : i32 to index
        %swap3A_1328 = arith.constant 64 : index
        %swap3A_1329 = tpu.vector_load %arg11[%swap3A_1327, %swap3A_1328] {strides = array<i32>} : memref<5x80xi32, #tpu.memory_space<vmem>>, vector<16xi32>,
        tpu.vector_store %arg11[%swap3A_1327, %swap3A_1328], %add3A_1325 {strides = array<i32>} : memref<5x80xi32, #tpu.memory_space<vmem>>, vector<16xi32>,
        %get3A_1330 = arith.constant 1 : i32
        %get3A_1331 = arith.index_cast %get3A_1330 : i32 to index
        %get3A_1332 = arith.constant 0 : index
        %get3A_1333 = tpu.vector_load %arg11[%get3A_1331, %get3A_1332] {strides = array<i32>} : memref<5x80xi32, #tpu.memory_space<vmem>>, vector<16xi32>,
        %mul3A_1334 = arith.muli %get3A_1333, %broadcast_in_dim3A_6 : vector<16xi32>
        %add3A_1335 = arith.addi %mul3A_1334, %add3A_4 : vector<16xi32>
        %swap3A_1336 = arith.constant 1 : i32
        %swap3A_1337 = arith.index_cast %swap3A_1336 : i32 to index
        %swap3A_1338 = arith.constant 0 : index
        %swap3A_1339 = tpu.vector_load %arg11[%swap3A_1337, %swap3A_1338] {strides = array<i32>} : memref<5x80xi32, #tpu.memory_space<vmem>>, vector<16xi32>,
        tpu.vector_store %arg11[%swap3A_1337, %swap3A_1338], %add3A_1335 {strides = array<i32>} : memref<5x80xi32, #tpu.memory_space<vmem>>, vector<16xi32>,
        %get3A_1340 = arith.constant 1 : i32
        %get3A_1341 = arith.index_cast %get3A_1340 : i32 to index
        %get3A_1342 = arith.constant 16 : index
        %get3A_1343 = tpu.vector_load %arg11[%get3A_1341, %get3A_1342] {strides = array<i32>} : memref<5x80xi32, #tpu.memory_space<vmem>>, vector<16xi32>,
        %mul3A_1344 = arith.muli %get3A_1343, %broadcast_in_dim3A_6 : vector<16xi32>
        %add3A_1345 = arith.addi %mul3A_1344, %add3A_4 : vector<16xi32>
        %swap3A_1346 = arith.constant 1 : i32
        %swap3A_1347 = arith.index_cast %swap3A_1346 : i32 to index
        %swap3A_1348 = arith.constant 16 : index
        %swap3A_1349 = tpu.vector_load %arg11[%swap3A_1347, %swap3A_1348] {strides = array<i32>} : memref<5x80xi32, #tpu.memory_space<vmem>>, vector<16xi32>,
        tpu.vector_store %arg11[%swap3A_1347, %swap3A_1348], %add3A_1345 {strides = array<i32>} : memref<5x80xi32, #tpu.memory_space<vmem>>, vector<16xi32>,
        %get3A_1350 = arith.constant 1 : i32
        %get3A_1351 = arith.index_cast %get3A_1350 : i32 to index
        %get3A_1352 = arith.constant 32 : index
        %get3A_1353 = tpu.vector_load %arg11[%get3A_1351, %get3A_1352] {strides = array<i32>} : memref<5x80xi32, #tpu.memory_space<vmem>>, vector<16xi32>,
        %mul3A_1354 = arith.muli %get3A_1353, %broadcast_in_dim3A_6 : vector<16xi32>
        %add3A_1355 = arith.addi %mul3A_1354, %add3A_4 : vector<16xi32>
        %swap3A_1356 = arith.constant 1 : i32
        %swap3A_1357 = arith.index_cast %swap3A_1356 : i32 to index
        %swap3A_1358 = arith.constant 32 : index
        %swap3A_1359 = tpu.vector_load %arg11[%swap3A_1357, %swap3A_1358] {strides = array<i32>} : memref<5x80xi32, #tpu.memory_space<vmem>>, vector<16xi32>,
        tpu.vector_store %arg11[%swap3A_1357, %swap3A_1358], %add3A_1355 {strides = array<i32>} : memref<5x80xi32, #tpu.memory_space<vmem>>, vector<16xi32>,
        %get3A_1360 = arith.constant 1 : i32
        %get3A_1361 = arith.index_cast %get3A_1360 : i32 to index
        %get3A_1362 = arith.constant 48 : index
        %get3A_1363 = tpu.vector_load %arg11[%get3A_1361, %get3A_1362] {strides = array<i32>} : memref<5x80xi32, #tpu.memory_space<vmem>>, vector<16xi32>,
        %mul3A_1364 = arith.muli %get3A_1363, %broadcast_in_dim3A_6 : vector<16xi32>
        %add3A_1365 = arith.addi %mul3A_1364, %add3A_4 : vector<16xi32>
        %swap3A_1366 = arith.constant 1 : i32
        %swap3A_1367 = arith.index_cast %swap3A_1366 : i32 to index
        %swap3A_1368 = arith.constant 48 : index
        %swap3A_1369 = tpu.vector_load %arg11[%swap3A_1367, %swap3A_1368] {strides = array<i32>} : memref<5x80xi32, #tpu.memory_space<vmem>>, vector<16xi32>,
        tpu.vector_store %arg11[%swap3A_1367, %swap3A_1368], %add3A_1365 {strides = array<i32>} : memref<5x80xi32, #tpu.memory_space<vmem>>, vector<16xi32>,
        %get3A_1370 = arith.constant 1 : i32
        %get3A_1371 = arith.index_cast %get3A_1370 : i32 to index
        %get3A_1372 = arith.constant 64 : index
        %get3A_1373 = tpu.vector_load %arg11[%get3A_1371, %get3A_1372] {strides = array<i32>} : memref<5x80xi32, #tpu.memory_space<vmem>>, vector<16xi32>,
        %mul3A_1374 = arith.muli %get3A_1373, %broadcast_in_dim3A_6 : vector<16xi32>
        %add3A_1375 = arith.addi %mul3A_1374, %add3A_4 : vector<16xi32>
        %swap3A_1376 = arith.constant 1 : i32
        %swap3A_1377 = arith.index_cast %swap3A_1376 : i32 to index
        %swap3A_1378 = arith.constant 64 : index
        %swap3A_1379 = tpu.vector_load %arg11[%swap3A_1377, %swap3A_1378] {strides = array<i32>} : memref<5x80xi32, #tpu.memory_space<vmem>>, vector<16xi32>,
        tpu.vector_store %arg11[%swap3A_1377, %swap3A_1378], %add3A_1375 {strides = array<i32>} : memref<5x80xi32, #tpu.memory_space<vmem>>, vector<16xi32>,
        %get3A_1380 = arith.constant 2 : i32
        %get3A_1381 = arith.index_cast %get3A_1380 : i32 to index
        %get3A_1382 = arith.constant 0 : index
        %get3A_1383 = tpu.vector_load %arg11[%get3A_1381, %get3A_1382] {strides = array<i32>} : memref<5x80xi32, #tpu.memory_space<vmem>>, vector<16xi32>,
        %mul3A_1384 = arith.muli %get3A_1383, %broadcast_in_dim3A_6 : vector<16xi32>
        %add3A_1385 = arith.addi %mul3A_1384, %add3A_4 : vector<16xi32>
        %swap3A_1386 = arith.constant 2 : i32
        %swap3A_1387 = arith.index_cast %swap3A_1386 : i32 to index
        %swap3A_1388 = arith.constant 0 : index
        %swap3A_1389 = tpu.vector_load %arg11[%swap3A_1387, %swap3A_1388] {strides = array<i32>} : memref<5x80xi32, #tpu.memory_space<vmem>>, vector<16xi32>,
        tpu.vector_store %arg11[%swap3A_1387, %swap3A_1388], %add3A_1385 {strides = array<i32>} : memref<5x80xi32, #tpu.memory_space<vmem>>, vector<16xi32>,
        %get3A_1390 = arith.constant 2 : i32
        %get3A_1391 = arith.index_cast %get3A_1390 : i32 to index
        %get3A_1392 = arith.constant 16 : index
        %get3A_1393 = tpu.vector_load %arg11[%get3A_1391, %get3A_1392] {strides = array<i32>} : memref<5x80xi32, #tpu.memory_space<vmem>>, vector<16xi32>,
        %mul3A_1394 = arith.muli %get3A_1393, %broadcast_in_dim3A_6 : vector<16xi32>
        %add3A_1395 = arith.addi %mul3A_1394, %add3A_4 : vector<16xi32>
        %swap3A_1396 = arith.constant 2 : i32
        %swap3A_1397 = arith.index_cast %swap3A_1396 : i32 to index
        %swap3A_1398 = arith.constant 16 : index
        %swap3A_1399 = tpu.vector_load %arg11[%swap3A_1397, %swap3A_1398] {strides = array<i32>} : memref<5x80xi32, #tpu.memory_space<vmem>>, vector<16xi32>,
        tpu.vector_store %arg11[%swap3A_1397, %swap3A_1398], %add3A_1395 {strides = array<i32>} : memref<5x80xi32, #tpu.memory_space<vmem>>, vector<16xi32>,
        %get3A_1400 = arith.constant 2 : i32
        %get3A_1401 = arith.index_cast %get3A_1400 : i32 to index
        %get3A_1402 = arith.constant 32 : index
        %get3A_1403 = tpu.vector_load %arg11[%get3A_1401, %get3A_1402] {strides = array<i32>} : memref<5x80xi32, #tpu.memory_space<vmem>>, vector<16xi32>,
        %mul3A_1404 = arith.muli %get3A_1403, %broadcast_in_dim3A_6 : vector<16xi32>
        %add3A_1405 = arith.addi %mul3A_1404, %add3A_4 : vector<16xi32>
        %swap3A_1406 = arith.constant 2 : i32
        %swap3A_1407 = arith.index_cast %swap3A_1406 : i32 to index
        %swap3A_1408 = arith.constant 32 : index
        %swap3A_1409 = tpu.vector_load %arg11[%swap3A_1407, %swap3A_1408] {strides = array<i32>} : memref<5x80xi32, #tpu.memory_space<vmem>>, vector<16xi32>,
        tpu.vector_store %arg11[%swap3A_1407, %swap3A_1408], %add3A_1405 {strides = array<i32>} : memref<5x80xi32, #tpu.memory_space<vmem>>, vector<16xi32>,
        %get3A_1410 = arith.constant 2 : i32
        %get3A_1411 = arith.index_cast %get3A_1410 : i32 to index
        %get3A_1412 = arith.constant 48 : index
        %get3A_1413 = tpu.vector_load %arg11[%get3A_1411, %get3A_1412] {strides = array<i32>} : memref<5x80xi32, #tpu.memory_space<vmem>>, vector<16xi32>,
        %mul3A_1414 = arith.muli %get3A_1413, %broadcast_in_dim3A_6 : vector<16xi32>
        %add3A_1415 = arith.addi %mul3A_1414, %add3A_4 : vector<16xi32>
        %swap3A_1416 = arith.constant 2 : i32
        %swap3A_1417 = arith.index_cast %swap3A_1416 : i32 to index
        %swap3A_1418 = arith.constant 48 : index
        %swap3A_1419 = tpu.vector_load %arg11[%swap3A_1417, %swap3A_1418] {strides = array<i32>} : memref<5x80xi32, #tpu.memory_space<vmem>>, vector<16xi32>,
        tpu.vector_store %arg11[%swap3A_1417, %swap3A_1418], %add3A_1415 {strides = array<i32>} : memref<5x80xi32, #tpu.memory_space<vmem>>, vector<16xi32>,
        %get3A_1420 = arith.constant 2 : i32
        %get3A_1421 = arith.index_cast %get3A_1420 : i32 to index
        %get3A_1422 = arith.constant 64 : index
        %get3A_1423 = tpu.vector_load %arg11[%get3A_1421, %get3A_1422] {strides = array<i32>} : memref<5x80xi32, #tpu.memory_space<vmem>>, vector<16xi32>,
        %mul3A_1424 = arith.muli %get3A_1423, %broadcast_in_dim3A_6 : vector<16xi32>
        %add3A_1425 = arith.addi %mul3A_1424, %add3A_4 : vector<16xi32>
        %swap3A_1426 = arith.constant 2 : i32
        %swap3A_1427 = arith.index_cast %swap3A_1426 : i32 to index
        %swap3A_1428 = arith.constant 64 : index
        %swap3A_1429 = tpu.vector_load %arg11[%swap3A_1427, %swap3A_1428] {strides = array<i32>} : memref<5x80xi32, #tpu.memory_space<vmem>>, vector<16xi32>,
        tpu.vector_store %arg11[%swap3A_1427, %swap3A_1428], %add3A_1425 {strides = array<i32>} : memref<5x80xi32, #tpu.memory_space<vmem>>, vector<16xi32>,
        %get3A_1430 = arith.constant 3 : i32
        %get3A_1431 = arith.index_cast %get3A_1430 : i32 to index
        %get3A_1432 = arith.constant 0 : index
        %get3A_1433 = tpu.vector_load %arg11[%get3A_1431, %get3A_1432] {strides = array<i32>} : memref<5x80xi32, #tpu.memory_space<vmem>>, vector<16xi32>,
        %mul3A_1434 = arith.muli %get3A_1433, %broadcast_in_dim3A_6 : vector<16xi32>
        %add3A_1435 = arith.addi %mul3A_1434, %add3A_4 : vector<16xi32>
        %swap3A_1436 = arith.constant 3 : i32
        %swap3A_1437 = arith.index_cast %swap3A_1436 : i32 to index
        %swap3A_1438 = arith.constant 0 : index
        %swap3A_1439 = tpu.vector_load %arg11[%swap3A_1437, %swap3A_1438] {strides = array<i32>} : memref<5x80xi32, #tpu.memory_space<vmem>>, vector<16xi32>,
        tpu.vector_store %arg11[%swap3A_1437, %swap3A_1438], %add3A_1435 {strides = array<i32>} : memref<5x80xi32, #tpu.memory_space<vmem>>, vector<16xi32>,
        %get3A_1440 = arith.constant 3 : i32
        %get3A_1441 = arith.index_cast %get3A_1440 : i32 to index
        %get3A_1442 = arith.constant 16 : index
        %get3A_1443 = tpu.vector_load %arg11[%get3A_1441, %get3A_1442] {strides = array<i32>} : memref<5x80xi32, #tpu.memory_space<vmem>>, vector<16xi32>,
        %mul3A_1444 = arith.muli %get3A_1443, %broadcast_in_dim3A_6 : vector<16xi32>
        %add3A_1445 = arith.addi %mul3A_1444, %add3A_4 : vector<16xi32>
        %swap3A_1446 = arith.constant 3 : i32
        %swap3A_1447 = arith.index_cast %swap3A_1446 : i32 to index
        %swap3A_1448 = arith.constant 16 : index
        %swap3A_1449 = tpu.vector_load %arg11[%swap3A_1447, %swap3A_1448] {strides = array<i32>} : memref<5x80xi32, #tpu.memory_space<vmem>>, vector<16xi32>,
        tpu.vector_store %arg11[%swap3A_1447, %swap3A_1448], %add3A_1445 {strides = array<i32>} : memref<5x80xi32, #tpu.memory_space<vmem>>, vector<16xi32>,
        %get3A_1450 = arith.constant 3 : i32
        %get3A_1451 = arith.index_cast %get3A_1450 : i32 to index
        %get3A_1452 = arith.constant 32 : index
        %get3A_1453 = tpu.vector_load %arg11[%get3A_1451, %get3A_1452] {strides = array<i32>} : memref<5x80xi32, #tpu.memory_space<vmem>>, vector<16xi32>,
        %mul3A_1454 = arith.muli %get3A_1453, %broadcast_in_dim3A_6 : vector<16xi32>
        %add3A_1455 = arith.addi %mul3A_1454, %add3A_4 : vector<16xi32>
        %swap3A_1456 = arith.constant 3 : i32
        %swap3A_1457 = arith.index_cast %swap3A_1456 : i32 to index
        %swap3A_1458 = arith.constant 32 : index
        %swap3A_1459 = tpu.vector_load %arg11[%swap3A_1457, %swap3A_1458] {strides = array<i32>} : memref<5x80xi32, #tpu.memory_space<vmem>>, vector<16xi32>,
        tpu.vector_store %arg11[%swap3A_1457, %swap3A_1458], %add3A_1455 {strides = array<i32>} : memref<5x80xi32, #tpu.memory_space<vmem>>, vector<16xi32>,
        %get3A_1460 = arith.constant 3 : i32
        %get3A_1461 = arith.index_cast %get3A_1460 : i32 to index
        %get3A_1462 = arith.constant 48 : index
        %get3A_1463 = tpu.vector_load %arg11[%get3A_1461, %get3A_1462] {strides = array<i32>} : memref<5x80xi32, #tpu.memory_space<vmem>>, vector<16xi32>,
        %mul3A_1464 = arith.muli %get3A_1463, %broadcast_in_dim3A_6 : vector<16xi32>
        %add3A_1465 = arith.addi %mul3A_1464, %add3A_4 : vector<16xi32>
        %swap3A_1466 = arith.constant 3 : i32
        %swap3A_1467 = arith.index_cast %swap3A_1466 : i32 to index
        %swap3A_1468 = arith.constant 48 : index
        %swap3A_1469 = tpu.vector_load %arg11[%swap3A_1467, %swap3A_1468] {strides = array<i32>} : memref<5x80xi32, #tpu.memory_space<vmem>>, vector<16xi32>,
        tpu.vector_store %arg11[%swap3A_1467, %swap3A_1468], %add3A_1465 {strides = array<i32>} : memref<5x80xi32, #tpu.memory_space<vmem>>, vector<16xi32>,
        %get3A_1470 = arith.constant 3 : i32
        %get3A_1471 = arith.index_cast %get3A_1470 : i32 to index
        %get3A_1472 = arith.constant 64 : index
        %get3A_1473 = tpu.vector_load %arg11[%get3A_1471, %get3A_1472] {strides = array<i32>} : memref<5x80xi32, #tpu.memory_space<vmem>>, vector<16xi32>,
        %mul3A_1474 = arith.muli %get3A_1473, %broadcast_in_dim3A_6 : vector<16xi32>
        %add3A_1475 = arith.addi %mul3A_1474, %add3A_4 : vector<16xi32>
        %swap3A_1476 = arith.constant 3 : i32
        %swap3A_1477 = arith.index_cast %swap3A_1476 : i32 to index
        %swap3A_1478 = arith.constant 64 : index
        %swap3A_1479 = tpu.vector_load %arg11[%swap3A_1477, %swap3A_1478] {strides = array<i32>} : memref<5x80xi32, #tpu.memory_space<vmem>>, vector<16xi32>,
        tpu.vector_store %arg11[%swap3A_1477, %swap3A_1478], %add3A_1475 {strides = array<i32>} : memref<5x80xi32, #tpu.memory_space<vmem>>, vector<16xi32>,
        %get3A_1480 = arith.constant 4 : i32
        %get3A_1481 = arith.index_cast %get3A_1480 : i32 to index
        %get3A_1482 = arith.constant 0 : index
        %get3A_1483 = tpu.vector_load %arg11[%get3A_1481, %get3A_1482] {strides = array<i32>} : memref<5x80xi32, #tpu.memory_space<vmem>>, vector<16xi32>,
        %mul3A_1484 = arith.muli %get3A_1483, %broadcast_in_dim3A_6 : vector<16xi32>
        %add3A_1485 = arith.addi %mul3A_1484, %add3A_4 : vector<16xi32>
        %swap3A_1486 = arith.constant 4 : i32
        %swap3A_1487 = arith.index_cast %swap3A_1486 : i32 to index
        %swap3A_1488 = arith.constant 0 : index
        %swap3A_1489 = tpu.vector_load %arg11[%swap3A_1487, %swap3A_1488] {strides = array<i32>} : memref<5x80xi32, #tpu.memory_space<vmem>>, vector<16xi32>,
        tpu.vector_store %arg11[%swap3A_1487, %swap3A_1488], %add3A_1485 {strides = array<i32>} : memref<5x80xi32, #tpu.memory_space<vmem>>, vector<16xi32>,
        %get3A_1490 = arith.constant 4 : i32
        %get3A_1491 = arith.index_cast %get3A_1490 : i32 to index
        %get3A_1492 = arith.constant 16 : index
        %get3A_1493 = tpu.vector_load %arg11[%get3A_1491, %get3A_1492] {strides = array<i32>} : memref<5x80xi32, #tpu.memory_space<vmem>>, vector<16xi32>,
        %mul3A_1494 = arith.muli %get3A_1493, %broadcast_in_dim3A_6 : vector<16xi32>
        %add3A_1495 = arith.addi %mul3A_1494, %add3A_4 : vector<16xi32>
        %swap3A_1496 = arith.constant 4 : i32
        %swap3A_1497 = arith.index_cast %swap3A_1496 : i32 to index
        %swap3A_1498 = arith.constant 16 : index
        %swap3A_1499 = tpu.vector_load %arg11[%swap3A_1497, %swap3A_1498] {strides = array<i32>} : memref<5x80xi32, #tpu.memory_space<vmem>>, vector<16xi32>,
        tpu.vector_store %arg11[%swap3A_1497, %swap3A_1498], %add3A_1495 {strides = array<i32>} : memref<5x80xi32, #tpu.memory_space<vmem>>, vector<16xi32>,
        %get3A_1500 = arith.constant 4 : i32
        %get3A_1501 = arith.index_cast %get3A_1500 : i32 to index
        %get3A_1502 = arith.constant 32 : index
        %get3A_1503 = tpu.vector_load %arg11[%get3A_1501, %get3A_1502] {strides = array<i32>} : memref<5x80xi32, #tpu.memory_space<vmem>>, vector<16xi32>,
        %mul3A_1504 = arith.muli %get3A_1503, %broadcast_in_dim3A_6 : vector<16xi32>
        %add3A_1505 = arith.addi %mul3A_1504, %add3A_4 : vector<16xi32>
        %swap3A_1506 = arith.constant 4 : i32
        %swap3A_1507 = arith.index_cast %swap3A_1506 : i32 to index
        %swap3A_1508 = arith.constant 32 : index
        %swap3A_1509 = tpu.vector_load %arg11[%swap3A_1507, %swap3A_1508] {strides = array<i32>} : memref<5x80xi32, #tpu.memory_space<vmem>>, vector<16xi32>,
        tpu.vector_store %arg11[%swap3A_1507, %swap3A_1508], %add3A_1505 {strides = array<i32>} : memref<5x80xi32, #tpu.memory_space<vmem>>, vector<16xi32>,
        %get3A_1510 = arith.constant 4 : i32
        %get3A_1511 = arith.index_cast %get3A_1510 : i32 to index
        %get3A_1512 = arith.constant 48 : index
        %get3A_1513 = tpu.vector_load %arg11[%get3A_1511, %get3A_1512] {strides = array<i32>} : memref<5x80xi32, #tpu.memory_space<vmem>>, vector<16xi32>,
        %mul3A_1514 = arith.muli %get3A_1513, %broadcast_in_dim3A_6 : vector<16xi32>
        %add3A_1515 = arith.addi %mul3A_1514, %add3A_4 : vector<16xi32>
        %swap3A_1516 = arith.constant 4 : i32
        %swap3A_1517 = arith.index_cast %swap3A_1516 : i32 to index
        %swap3A_1518 = arith.constant 48 : index
        %swap3A_1519 = tpu.vector_load %arg11[%swap3A_1517, %swap3A_1518] {strides = array<i32>} : memref<5x80xi32, #tpu.memory_space<vmem>>, vector<16xi32>,
        tpu.vector_store %arg11[%swap3A_1517, %swap3A_1518], %add3A_1515 {strides = array<i32>} : memref<5x80xi32, #tpu.memory_space<vmem>>, vector<16xi32>,
        %get3A_1520 = arith.constant 4 : i32
        %get3A_1521 = arith.index_cast %get3A_1520 : i32 to index
        %get3A_1522 = arith.constant 64 : index
        %get3A_1523 = tpu.vector_load %arg11[%get3A_1521, %get3A_1522] {strides = array<i32>} : memref<5x80xi32, #tpu.memory_space<vmem>>, vector<16xi32>,
        %mul3A_1524 = arith.muli %get3A_1523, %broadcast_in_dim3A_6 : vector<16xi32>
        %add3A_1525 = arith.addi %mul3A_1524, %add3A_4 : vector<16xi32>
        %swap3A_1526 = arith.constant 4 : i32
        %swap3A_1527 = arith.index_cast %swap3A_1526 : i32 to index
        %swap3A_1528 = arith.constant 64 : index
        %swap3A_1529 = tpu.vector_load %arg11[%swap3A_1527, %swap3A_1528] {strides = array<i32>} : memref<5x80xi32, #tpu.memory_space<vmem>>, vector<16xi32>,
        tpu.vector_store %arg11[%swap3A_1527, %swap3A_1528], %add3A_1525 {strides = array<i32>} : memref<5x80xi32, #tpu.memory_space<vmem>>, vector<16xi32>,
      } else {
      }
      %mul3A_979 = arith.constant 5 : i32
      %mul3A_980 = arith.muli %add3A_973, %mul3A_979 : i32
      %add3A_981 = arith.constant 0 : i32
      %add3A_982 = arith.addi %mul3A_980, %add3A_981 : i32
      %dma_wait3A_983 = arith.constant 0 : i32
      %dma_wait3A_984 = arith.constant 0 : i32
      %dma_wait3A_985 = tpu.memref_slice %arg11[%dma_wait3A_983, %dma_wait3A_984] : memref<5x80xi32, #tpu.memory_space<vmem>> -> memref<1x80xi32, #tpu.memory_space<vmem>>
      %dma_wait3A_986 = tpu.memref_squeeze %dma_wait3A_985 : memref<1x80xi32, #tpu.memory_space<vmem>> -> memref<80xi32, #tpu.memory_space<vmem>>
      %dma_wait3A_987 = arith.constant 0 : i32
      %dma_wait3A_988 = arith.constant 0 : i32
      %dma_wait3A_989 = tpu.memref_slice %arg2[%dma_wait3A_987, %dma_wait3A_988] : memref<20000x64xf32, #tpu.memory_space<hbm>> -> memref<20000x64xf32, #tpu.memory_space<hbm>>
      tpu.wait_indirect_dma semaphore(%arg29 : memref<!tpu.dma_semaphore, #tpu.memory_space<semaphore_mem>>) src(%dma_wait3A_989 : memref<20000x64xf32, #tpu.memory_space<hbm>>) dst(%arg14 : memref<80x64xf32, #tpu.memory_space<vmem>>)
      %dma_start3A_990 = arith.constant 0 : i32
      %dma_start3A_991 = tpu.memref_slice %arg13[%add3A_982, %dma_start3A_990] : memref<250x80xi32, #tpu.memory_space<vmem>> -> memref<1x80xi32, #tpu.memory_space<vmem>>
      %dma_start3A_992 = tpu.memref_squeeze %dma_start3A_991 : memref<1x80xi32, #tpu.memory_space<vmem>> -> memref<80xi32, #tpu.memory_space<vmem>>
      %dma_start3A_993 = arith.constant 0 : i32
      %dma_start3A_994 = arith.constant 0 : i32
      %dma_start3A_995 = tpu.memref_slice %arg25[%dma_start3A_993, %dma_start3A_994] : memref<10240x64xf32, #tpu.memory_space<vmem_shared>> -> memref<10240x64xf32, #tpu.memory_space<vmem_shared>>
      tpu.enqueue_indirect_dma source(%arg14 : memref<80x64xf32, #tpu.memory_space<vmem>>) target(%dma_start3A_995 : memref<10240x64xf32, #tpu.memory_space<vmem_shared>>) offsets(%dma_start3A_992 : memref<80xi32, #tpu.memory_space<vmem>>) semaphore(%arg34 : memref<!tpu.dma_semaphore, #tpu.memory_space<semaphore_mem>>) {add = true}
      %convert_element_type3A_996 = arith.extui %eq3A_0 : i1 to i32
      %cond3A_997 = arith.constant 0 : i32
      %cond3A_998 = arith.cmpi ne, %convert_element_type3A_996, %cond3A_997 : i32
      scf.if %cond3A_998 {
        %dma_wait3A_1266 = arith.constant 0 : i32
        %dma_wait3A_1267 = arith.constant 0 : i32
        %dma_wait3A_1268 = tpu.memref_slice %arg3[%dma_wait3A_1266, %dma_wait3A_1267] : memref<320000x16xf32, #tpu.memory_space<hbm>> -> memref<80x16xf32, #tpu.memory_space<hbm>>
        %dma_wait3A_1269 = arith.constant 0 : i32
        %dma_wait3A_1270 = arith.constant 0 : i32
        %dma_wait3A_1271 = tpu.memref_slice %arg3[%dma_wait3A_1269, %dma_wait3A_1270] : memref<320000x16xf32, #tpu.memory_space<hbm>> -> memref<80x16xf32, #tpu.memory_space<hbm>>
        tpu.wait_dma2 semaphore(%arg39 : memref<!tpu.dma_semaphore, #tpu.memory_space<semaphore_mem>>) src(%dma_wait3A_1271 : memref<80x16xf32, #tpu.memory_space<hbm>>) dst(%arg19 : memref<80x16xf32, #tpu.memory_space<vmem>>)
        %dma_start3A_1272 = arith.constant 0 : i32
        %dma_start3A_1273 = tpu.memref_slice %arg13[%add3A_982, %dma_start3A_1272] : memref<250x80xi32, #tpu.memory_space<vmem>> -> memref<1x80xi32, #tpu.memory_space<vmem>>
        %dma_start3A_1274 = tpu.memref_squeeze %dma_start3A_1273 : memref<1x80xi32, #tpu.memory_space<vmem>> -> memref<80xi32, #tpu.memory_space<vmem>>
        %dma_start3A_1275 = arith.constant 0 : i32
        %dma_start3A_1276 = arith.constant 0 : i32
        %dma_start3A_1277 = tpu.memref_slice %arg26[%dma_start3A_1275, %dma_start3A_1276] : memref<10240x16xf32, #tpu.memory_space<vmem_shared>> -> memref<10240x16xf32, #tpu.memory_space<vmem_shared>>
        tpu.enqueue_indirect_dma source(%arg19 : memref<80x16xf32, #tpu.memory_space<vmem>>) target(%dma_start3A_1277 : memref<10240x16xf32, #tpu.memory_space<vmem_shared>>) offsets(%dma_start3A_1274 : memref<80xi32, #tpu.memory_space<vmem>>) semaphore(%arg44 : memref<!tpu.dma_semaphore, #tpu.memory_space<semaphore_mem>>) {add = true}
      } else {
      }
      %ge3A_999 = arith.constant 2 : i32
      %ge3A_1000 = arith.cmpi sge, %add3A_982, %ge3A_999 : i32
      %add3A_1001 = arith.constant 3 : i32
      %add3A_1002 = arith.addi %add3A_982, %add3A_1001 : i32
      %lt3A_1003 = arith.constant 250 : i32
      %lt3A_1004 = arith.cmpi slt, %add3A_1002, %lt3A_1003 : i32
      %and3A_1005 = arith.andi %ge3A_1000, %lt3A_1004 : i1
      %convert_element_type3A_1006 = arith.extui %and3A_1005 : i1 to i32
      %cond3A_1007 = arith.constant 0 : i32
      %cond3A_1008 = arith.cmpi ne, %convert_element_type3A_1006, %cond3A_1007 : i32
      scf.if %cond3A_1008 {
        %dma_wait3A_1266 = arith.constant 0 : i32
        %dma_wait3A_1267 = arith.constant 0 : i32
        %dma_wait3A_1268 = tpu.memref_slice %arg13[%dma_wait3A_1266, %dma_wait3A_1267] : memref<250x80xi32, #tpu.memory_space<vmem>> -> memref<1x80xi32, #tpu.memory_space<vmem>>
        %dma_wait3A_1269 = tpu.memref_squeeze %dma_wait3A_1268 : memref<1x80xi32, #tpu.memory_space<vmem>> -> memref<80xi32, #tpu.memory_space<vmem>>
        %dma_wait3A_1270 = arith.constant 0 : i32
        %dma_wait3A_1271 = arith.constant 0 : i32
        %dma_wait3A_1272 = tpu.memref_slice %arg25[%dma_wait3A_1270, %dma_wait3A_1271] : memref<10240x64xf32, #tpu.memory_space<vmem_shared>> -> memref<10240x64xf32, #tpu.memory_space<vmem_shared>>
        tpu.wait_indirect_dma semaphore(%arg37 : memref<!tpu.dma_semaphore, #tpu.memory_space<semaphore_mem>>) src(%arg17 : memref<80x64xf32, #tpu.memory_space<vmem>>) dst(%dma_wait3A_1272 : memref<10240x64xf32, #tpu.memory_space<vmem_shared>>)
      } else {
      }
      %ge3A_1009 = arith.constant 2 : i32
      %ge3A_1010 = arith.cmpi sge, %add3A_982, %ge3A_1009 : i32
      %and3A_1011 = arith.andi %eq3A_0, %ge3A_1010 : i1
      %add3A_1012 = arith.constant 3 : i32
      %add3A_1013 = arith.addi %add3A_982, %add3A_1012 : i32
      %lt3A_1014 = arith.constant 250 : i32
      %lt3A_1015 = arith.cmpi slt, %add3A_1013, %lt3A_1014 : i32
      %and3A_1016 = arith.andi %and3A_1011, %lt3A_1015 : i1
      %convert_element_type3A_1017 = arith.extui %and3A_1016 : i1 to i32
      %cond3A_1018 = arith.constant 0 : i32
      %cond3A_1019 = arith.cmpi ne, %convert_element_type3A_1017, %cond3A_1018 : i32
      scf.if %cond3A_1019 {
        %dma_wait3A_1266 = arith.constant 0 : i32
        %dma_wait3A_1267 = arith.constant 0 : i32
        %dma_wait3A_1268 = tpu.memref_slice %arg13[%dma_wait3A_1266, %dma_wait3A_1267] : memref<250x80xi32, #tpu.memory_space<vmem>> -> memref<1x80xi32, #tpu.memory_space<vmem>>
        %dma_wait3A_1269 = tpu.memref_squeeze %dma_wait3A_1268 : memref<1x80xi32, #tpu.memory_space<vmem>> -> memref<80xi32, #tpu.memory_space<vmem>>
        %dma_wait3A_1270 = arith.constant 0 : i32
        %dma_wait3A_1271 = arith.constant 0 : i32
        %dma_wait3A_1272 = tpu.memref_slice %arg26[%dma_wait3A_1270, %dma_wait3A_1271] : memref<10240x16xf32, #tpu.memory_space<vmem_shared>> -> memref<10240x16xf32, #tpu.memory_space<vmem_shared>>
        tpu.wait_indirect_dma semaphore(%arg47 : memref<!tpu.dma_semaphore, #tpu.memory_space<semaphore_mem>>) src(%arg22 : memref<80x16xf32, #tpu.memory_space<vmem>>) dst(%dma_wait3A_1272 : memref<10240x16xf32, #tpu.memory_space<vmem_shared>>)
      } else {
      }
      %add3A_1020 = arith.constant 3 : i32
      %add3A_1021 = arith.addi %add3A_982, %add3A_1020 : i32
      %lt3A_1022 = arith.constant 250 : i32
      %lt3A_1023 = arith.cmpi slt, %add3A_1021, %lt3A_1022 : i32
      %convert_element_type3A_1024 = arith.extui %lt3A_1023 : i1 to i32
      %cond3A_1025 = arith.constant 0 : i32
      %cond3A_1026 = arith.cmpi ne, %convert_element_type3A_1024, %cond3A_1025 : i32
      scf.if %cond3A_1026 {
        %dma_start3A_1266 = arith.constant 3 : i32
        %dma_start3A_1267 = arith.constant 0 : i32
        %dma_start3A_1268 = tpu.memref_slice %arg12[%dma_start3A_1266, %dma_start3A_1267] : memref<5x80xi32, #tpu.memory_space<vmem>> -> memref<1x80xi32, #tpu.memory_space<vmem>>
        %dma_start3A_1269 = tpu.memref_squeeze %dma_start3A_1268 : memref<1x80xi32, #tpu.memory_space<vmem>> -> memref<80xi32, #tpu.memory_space<vmem>>
        %dma_start3A_1270 = arith.constant 0 : i32
        %dma_start3A_1271 = arith.constant 0 : i32
        %dma_start3A_1272 = tpu.memref_slice %arg2[%dma_start3A_1270, %dma_start3A_1271] : memref<20000x64xf32, #tpu.memory_space<hbm>> -> memref<20000x64xf32, #tpu.memory_space<hbm>>
        tpu.enqueue_indirect_dma source(%dma_start3A_1272 : memref<20000x64xf32, #tpu.memory_space<hbm>>) target(%arg17 : memref<80x64xf32, #tpu.memory_space<vmem>>) offsets(%dma_start3A_1269 : memref<80xi32, #tpu.memory_space<vmem>>) semaphore(%arg32 : memref<!tpu.dma_semaphore, #tpu.memory_space<semaphore_mem>>)
      } else {
      }
      %add3A_1027 = arith.constant 3 : i32
      %add3A_1028 = arith.addi %add3A_982, %add3A_1027 : i32
      %lt3A_1029 = arith.constant 250 : i32
      %lt3A_1030 = arith.cmpi slt, %add3A_1028, %lt3A_1029 : i32
      %and3A_1031 = arith.andi %eq3A_0, %lt3A_1030 : i1
      %convert_element_type3A_1032 = arith.extui %and3A_1031 : i1 to i32
      %cond3A_1033 = arith.constant 0 : i32
      %cond3A_1034 = arith.cmpi ne, %convert_element_type3A_1032, %cond3A_1033 : i32
      scf.if %cond3A_1034 {
        %add3A_1266 = arith.constant 3 : i32
        %add3A_1267 = arith.addi %add3A_982, %add3A_1266 : i32
        %mul3A_1268 = arith.constant 80 : i32
        %mul3A_1269 = arith.muli %add3A_1267, %mul3A_1268 : i32
        %add3A_1270 = arith.addi %mul3A_35, %mul3A_1269 : i32
        %dma_start3A_1271 = arith.constant 0 : i32
        %dma_start3A_1272 = tpu.memref_slice %arg3[%add3A_1270, %dma_start3A_1271] : memref<320000x16xf32, #tpu.memory_space<hbm>> -> memref<80x16xf32, #tpu.memory_space<hbm>>
        %dma_start3A_1273 = arith.constant 0 : i32
        %dma_start3A_1274 = tpu.memref_slice %arg3[%add3A_1270, %dma_start3A_1273] : memref<320000x16xf32, #tpu.memory_space<hbm>> -> memref<80x16xf32, #tpu.memory_space<hbm>>
        tpu.enqueue_dma source(%dma_start3A_1274 : memref<80x16xf32, #tpu.memory_space<hbm>>) target(%arg22 : memref<80x16xf32, #tpu.memory_space<vmem>>) target_semaphore(%arg42 : memref<!tpu.dma_semaphore, #tpu.memory_space<semaphore_mem>>)
      } else {
      }
      %mul3A_1035 = arith.constant 5 : i32
      %mul3A_1036 = arith.muli %add3A_973, %mul3A_1035 : i32
      %add3A_1037 = arith.constant 1 : i32
      %add3A_1038 = arith.addi %mul3A_1036, %add3A_1037 : i32
      %dma_wait3A_1039 = arith.constant 0 : i32
      %dma_wait3A_1040 = arith.constant 0 : i32
      %dma_wait3A_1041 = tpu.memref_slice %arg11[%dma_wait3A_1039, %dma_wait3A_1040] : memref<5x80xi32, #tpu.memory_space<vmem>> -> memref<1x80xi32, #tpu.memory_space<vmem>>
      %dma_wait3A_1042 = tpu.memref_squeeze %dma_wait3A_1041 : memref<1x80xi32, #tpu.memory_space<vmem>> -> memref<80xi32, #tpu.memory_space<vmem>>
      %dma_wait3A_1043 = arith.constant 0 : i32
      %dma_wait3A_1044 = arith.constant 0 : i32
      %dma_wait3A_1045 = tpu.memref_slice %arg2[%dma_wait3A_1043, %dma_wait3A_1044] : memref<20000x64xf32, #tpu.memory_space<hbm>> -> memref<20000x64xf32, #tpu.memory_space<hbm>>
      tpu.wait_indirect_dma semaphore(%arg30 : memref<!tpu.dma_semaphore, #tpu.memory_space<semaphore_mem>>) src(%dma_wait3A_1045 : memref<20000x64xf32, #tpu.memory_space<hbm>>) dst(%arg15 : memref<80x64xf32, #tpu.memory_space<vmem>>)
      %dma_start3A_1046 = arith.constant 0 : i32
      %dma_start3A_1047 = tpu.memref_slice %arg13[%add3A_1038, %dma_start3A_1046] : memref<250x80xi32, #tpu.memory_space<vmem>> -> memref<1x80xi32, #tpu.memory_space<vmem>>
      %dma_start3A_1048 = tpu.memref_squeeze %dma_start3A_1047 : memref<1x80xi32, #tpu.memory_space<vmem>> -> memref<80xi32, #tpu.memory_space<vmem>>
      %dma_start3A_1049 = arith.constant 0 : i32
      %dma_start3A_1050 = arith.constant 0 : i32
      %dma_start3A_1051 = tpu.memref_slice %arg25[%dma_start3A_1049, %dma_start3A_1050] : memref<10240x64xf32, #tpu.memory_space<vmem_shared>> -> memref<10240x64xf32, #tpu.memory_space<vmem_shared>>
      tpu.enqueue_indirect_dma source(%arg15 : memref<80x64xf32, #tpu.memory_space<vmem>>) target(%dma_start3A_1051 : memref<10240x64xf32, #tpu.memory_space<vmem_shared>>) offsets(%dma_start3A_1048 : memref<80xi32, #tpu.memory_space<vmem>>) semaphore(%arg35 : memref<!tpu.dma_semaphore, #tpu.memory_space<semaphore_mem>>) {add = true}
      %convert_element_type3A_1052 = arith.extui %eq3A_0 : i1 to i32
      %cond3A_1053 = arith.constant 0 : i32
      %cond3A_1054 = arith.cmpi ne, %convert_element_type3A_1052, %cond3A_1053 : i32
      scf.if %cond3A_1054 {
        %dma_wait3A_1266 = arith.constant 0 : i32
        %dma_wait3A_1267 = arith.constant 0 : i32
        %dma_wait3A_1268 = tpu.memref_slice %arg3[%dma_wait3A_1266, %dma_wait3A_1267] : memref<320000x16xf32, #tpu.memory_space<hbm>> -> memref<80x16xf32, #tpu.memory_space<hbm>>
        %dma_wait3A_1269 = arith.constant 0 : i32
        %dma_wait3A_1270 = arith.constant 0 : i32
        %dma_wait3A_1271 = tpu.memref_slice %arg3[%dma_wait3A_1269, %dma_wait3A_1270] : memref<320000x16xf32, #tpu.memory_space<hbm>> -> memref<80x16xf32, #tpu.memory_space<hbm>>
        tpu.wait_dma2 semaphore(%arg40 : memref<!tpu.dma_semaphore, #tpu.memory_space<semaphore_mem>>) src(%dma_wait3A_1271 : memref<80x16xf32, #tpu.memory_space<hbm>>) dst(%arg20 : memref<80x16xf32, #tpu.memory_space<vmem>>)
        %dma_start3A_1272 = arith.constant 0 : i32
        %dma_start3A_1273 = tpu.memref_slice %arg13[%add3A_1038, %dma_start3A_1272] : memref<250x80xi32, #tpu.memory_space<vmem>> -> memref<1x80xi32, #tpu.memory_space<vmem>>
        %dma_start3A_1274 = tpu.memref_squeeze %dma_start3A_1273 : memref<1x80xi32, #tpu.memory_space<vmem>> -> memref<80xi32, #tpu.memory_space<vmem>>
        %dma_start3A_1275 = arith.constant 0 : i32
        %dma_start3A_1276 = arith.constant 0 : i32
        %dma_start3A_1277 = tpu.memref_slice %arg26[%dma_start3A_1275, %dma_start3A_1276] : memref<10240x16xf32, #tpu.memory_space<vmem_shared>> -> memref<10240x16xf32, #tpu.memory_space<vmem_shared>>
        tpu.enqueue_indirect_dma source(%arg20 : memref<80x16xf32, #tpu.memory_space<vmem>>) target(%dma_start3A_1277 : memref<10240x16xf32, #tpu.memory_space<vmem_shared>>) offsets(%dma_start3A_1274 : memref<80xi32, #tpu.memory_space<vmem>>) semaphore(%arg45 : memref<!tpu.dma_semaphore, #tpu.memory_space<semaphore_mem>>) {add = true}
      } else {
      }
      %ge3A_1055 = arith.constant 2 : i32
      %ge3A_1056 = arith.cmpi sge, %add3A_1038, %ge3A_1055 : i32
      %add3A_1057 = arith.constant 3 : i32
      %add3A_1058 = arith.addi %add3A_1038, %add3A_1057 : i32
      %lt3A_1059 = arith.constant 250 : i32
      %lt3A_1060 = arith.cmpi slt, %add3A_1058, %lt3A_1059 : i32
      %and3A_1061 = arith.andi %ge3A_1056, %lt3A_1060 : i1
      %convert_element_type3A_1062 = arith.extui %and3A_1061 : i1 to i32
      %cond3A_1063 = arith.constant 0 : i32
      %cond3A_1064 = arith.cmpi ne, %convert_element_type3A_1062, %cond3A_1063 : i32
      scf.if %cond3A_1064 {
        %dma_wait3A_1266 = arith.constant 0 : i32
        %dma_wait3A_1267 = arith.constant 0 : i32
        %dma_wait3A_1268 = tpu.memref_slice %arg13[%dma_wait3A_1266, %dma_wait3A_1267] : memref<250x80xi32, #tpu.memory_space<vmem>> -> memref<1x80xi32, #tpu.memory_space<vmem>>
        %dma_wait3A_1269 = tpu.memref_squeeze %dma_wait3A_1268 : memref<1x80xi32, #tpu.memory_space<vmem>> -> memref<80xi32, #tpu.memory_space<vmem>>
        %dma_wait3A_1270 = arith.constant 0 : i32
        %dma_wait3A_1271 = arith.constant 0 : i32
        %dma_wait3A_1272 = tpu.memref_slice %arg25[%dma_wait3A_1270, %dma_wait3A_1271] : memref<10240x64xf32, #tpu.memory_space<vmem_shared>> -> memref<10240x64xf32, #tpu.memory_space<vmem_shared>>
        tpu.wait_indirect_dma semaphore(%arg38 : memref<!tpu.dma_semaphore, #tpu.memory_space<semaphore_mem>>) src(%arg18 : memref<80x64xf32, #tpu.memory_space<vmem>>) dst(%dma_wait3A_1272 : memref<10240x64xf32, #tpu.memory_space<vmem_shared>>)
      } else {
      }
      %ge3A_1065 = arith.constant 2 : i32
      %ge3A_1066 = arith.cmpi sge, %add3A_1038, %ge3A_1065 : i32
      %and3A_1067 = arith.andi %eq3A_0, %ge3A_1066 : i1
      %add3A_1068 = arith.constant 3 : i32
      %add3A_1069 = arith.addi %add3A_1038, %add3A_1068 : i32
      %lt3A_1070 = arith.constant 250 : i32
      %lt3A_1071 = arith.cmpi slt, %add3A_1069, %lt3A_1070 : i32
      %and3A_1072 = arith.andi %and3A_1067, %lt3A_1071 : i1
      %convert_element_type3A_1073 = arith.extui %and3A_1072 : i1 to i32
      %cond3A_1074 = arith.constant 0 : i32
      %cond3A_1075 = arith.cmpi ne, %convert_element_type3A_1073, %cond3A_1074 : i32
      scf.if %cond3A_1075 {
        %dma_wait3A_1266 = arith.constant 0 : i32
        %dma_wait3A_1267 = arith.constant 0 : i32
        %dma_wait3A_1268 = tpu.memref_slice %arg13[%dma_wait3A_1266, %dma_wait3A_1267] : memref<250x80xi32, #tpu.memory_space<vmem>> -> memref<1x80xi32, #tpu.memory_space<vmem>>
        %dma_wait3A_1269 = tpu.memref_squeeze %dma_wait3A_1268 : memref<1x80xi32, #tpu.memory_space<vmem>> -> memref<80xi32, #tpu.memory_space<vmem>>
        %dma_wait3A_1270 = arith.constant 0 : i32
        %dma_wait3A_1271 = arith.constant 0 : i32
        %dma_wait3A_1272 = tpu.memref_slice %arg26[%dma_wait3A_1270, %dma_wait3A_1271] : memref<10240x16xf32, #tpu.memory_space<vmem_shared>> -> memref<10240x16xf32, #tpu.memory_space<vmem_shared>>
        tpu.wait_indirect_dma semaphore(%arg48 : memref<!tpu.dma_semaphore, #tpu.memory_space<semaphore_mem>>) src(%arg23 : memref<80x16xf32, #tpu.memory_space<vmem>>) dst(%dma_wait3A_1272 : memref<10240x16xf32, #tpu.memory_space<vmem_shared>>)
      } else {
      }
      %add3A_1076 = arith.constant 3 : i32
      %add3A_1077 = arith.addi %add3A_1038, %add3A_1076 : i32
      %lt3A_1078 = arith.constant 250 : i32
      %lt3A_1079 = arith.cmpi slt, %add3A_1077, %lt3A_1078 : i32
      %convert_element_type3A_1080 = arith.extui %lt3A_1079 : i1 to i32
      %cond3A_1081 = arith.constant 0 : i32
      %cond3A_1082 = arith.cmpi ne, %convert_element_type3A_1080, %cond3A_1081 : i32
      scf.if %cond3A_1082 {
        %dma_start3A_1266 = arith.constant 4 : i32
        %dma_start3A_1267 = arith.constant 0 : i32
        %dma_start3A_1268 = tpu.memref_slice %arg12[%dma_start3A_1266, %dma_start3A_1267] : memref<5x80xi32, #tpu.memory_space<vmem>> -> memref<1x80xi32, #tpu.memory_space<vmem>>
        %dma_start3A_1269 = tpu.memref_squeeze %dma_start3A_1268 : memref<1x80xi32, #tpu.memory_space<vmem>> -> memref<80xi32, #tpu.memory_space<vmem>>
        %dma_start3A_1270 = arith.constant 0 : i32
        %dma_start3A_1271 = arith.constant 0 : i32
        %dma_start3A_1272 = tpu.memref_slice %arg2[%dma_start3A_1270, %dma_start3A_1271] : memref<20000x64xf32, #tpu.memory_space<hbm>> -> memref<20000x64xf32, #tpu.memory_space<hbm>>
        tpu.enqueue_indirect_dma source(%dma_start3A_1272 : memref<20000x64xf32, #tpu.memory_space<hbm>>) target(%arg18 : memref<80x64xf32, #tpu.memory_space<vmem>>) offsets(%dma_start3A_1269 : memref<80xi32, #tpu.memory_space<vmem>>) semaphore(%arg33 : memref<!tpu.dma_semaphore, #tpu.memory_space<semaphore_mem>>)
      } else {
      }
      %add3A_1083 = arith.constant 3 : i32
      %add3A_1084 = arith.addi %add3A_1038, %add3A_1083 : i32
      %lt3A_1085 = arith.constant 250 : i32
      %lt3A_1086 = arith.cmpi slt, %add3A_1084, %lt3A_1085 : i32
      %and3A_1087 = arith.andi %eq3A_0, %lt3A_1086 : i1
      %convert_element_type3A_1088 = arith.extui %and3A_1087 : i1 to i32
      %cond3A_1089 = arith.constant 0 : i32
      %cond3A_1090 = arith.cmpi ne, %convert_element_type3A_1088, %cond3A_1089 : i32
      scf.if %cond3A_1090 {
        %add3A_1266 = arith.constant 3 : i32
        %add3A_1267 = arith.addi %add3A_1038, %add3A_1266 : i32
        %mul3A_1268 = arith.constant 80 : i32
        %mul3A_1269 = arith.muli %add3A_1267, %mul3A_1268 : i32
        %add3A_1270 = arith.addi %mul3A_35, %mul3A_1269 : i32
        %dma_start3A_1271 = arith.constant 0 : i32
        %dma_start3A_1272 = tpu.memref_slice %arg3[%add3A_1270, %dma_start3A_1271] : memref<320000x16xf32, #tpu.memory_space<hbm>> -> memref<80x16xf32, #tpu.memory_space<hbm>>
        %dma_start3A_1273 = arith.constant 0 : i32
        %dma_start3A_1274 = tpu.memref_slice %arg3[%add3A_1270, %dma_start3A_1273] : memref<320000x16xf32, #tpu.memory_space<hbm>> -> memref<80x16xf32, #tpu.memory_space<hbm>>
        tpu.enqueue_dma source(%dma_start3A_1274 : memref<80x16xf32, #tpu.memory_space<hbm>>) target(%arg23 : memref<80x16xf32, #tpu.memory_space<vmem>>) target_semaphore(%arg43 : memref<!tpu.dma_semaphore, #tpu.memory_space<semaphore_mem>>)
      } else {
      }
      %mul3A_1091 = arith.constant 5 : i32
      %mul3A_1092 = arith.muli %add3A_973, %mul3A_1091 : i32
      %add3A_1093 = arith.constant 2 : i32
      %add3A_1094 = arith.addi %mul3A_1092, %add3A_1093 : i32
      %dma_wait3A_1095 = arith.constant 0 : i32
      %dma_wait3A_1096 = arith.constant 0 : i32
      %dma_wait3A_1097 = tpu.memref_slice %arg11[%dma_wait3A_1095, %dma_wait3A_1096] : memref<5x80xi32, #tpu.memory_space<vmem>> -> memref<1x80xi32, #tpu.memory_space<vmem>>
      %dma_wait3A_1098 = tpu.memref_squeeze %dma_wait3A_1097 : memref<1x80xi32, #tpu.memory_space<vmem>> -> memref<80xi32, #tpu.memory_space<vmem>>
      %dma_wait3A_1099 = arith.constant 0 : i32
      %dma_wait3A_1100 = arith.constant 0 : i32
      %dma_wait3A_1101 = tpu.memref_slice %arg2[%dma_wait3A_1099, %dma_wait3A_1100] : memref<20000x64xf32, #tpu.memory_space<hbm>> -> memref<20000x64xf32, #tpu.memory_space<hbm>>
      tpu.wait_indirect_dma semaphore(%arg31 : memref<!tpu.dma_semaphore, #tpu.memory_space<semaphore_mem>>) src(%dma_wait3A_1101 : memref<20000x64xf32, #tpu.memory_space<hbm>>) dst(%arg16 : memref<80x64xf32, #tpu.memory_space<vmem>>)
      %dma_start3A_1102 = arith.constant 0 : i32
      %dma_start3A_1103 = tpu.memref_slice %arg13[%add3A_1094, %dma_start3A_1102] : memref<250x80xi32, #tpu.memory_space<vmem>> -> memref<1x80xi32, #tpu.memory_space<vmem>>
      %dma_start3A_1104 = tpu.memref_squeeze %dma_start3A_1103 : memref<1x80xi32, #tpu.memory_space<vmem>> -> memref<80xi32, #tpu.memory_space<vmem>>
      %dma_start3A_1105 = arith.constant 0 : i32
      %dma_start3A_1106 = arith.constant 0 : i32
      %dma_start3A_1107 = tpu.memref_slice %arg25[%dma_start3A_1105, %dma_start3A_1106] : memref<10240x64xf32, #tpu.memory_space<vmem_shared>> -> memref<10240x64xf32, #tpu.memory_space<vmem_shared>>
      tpu.enqueue_indirect_dma source(%arg16 : memref<80x64xf32, #tpu.memory_space<vmem>>) target(%dma_start3A_1107 : memref<10240x64xf32, #tpu.memory_space<vmem_shared>>) offsets(%dma_start3A_1104 : memref<80xi32, #tpu.memory_space<vmem>>) semaphore(%arg36 : memref<!tpu.dma_semaphore, #tpu.memory_space<semaphore_mem>>) {add = true}
      %convert_element_type3A_1108 = arith.extui %eq3A_0 : i1 to i32
      %cond3A_1109 = arith.constant 0 : i32
      %cond3A_1110 = arith.cmpi ne, %convert_element_type3A_1108, %cond3A_1109 : i32
      scf.if %cond3A_1110 {
        %dma_wait3A_1266 = arith.constant 0 : i32
        %dma_wait3A_1267 = arith.constant 0 : i32
        %dma_wait3A_1268 = tpu.memref_slice %arg3[%dma_wait3A_1266, %dma_wait3A_1267] : memref<320000x16xf32, #tpu.memory_space<hbm>> -> memref<80x16xf32, #tpu.memory_space<hbm>>
        %dma_wait3A_1269 = arith.constant 0 : i32
        %dma_wait3A_1270 = arith.constant 0 : i32
        %dma_wait3A_1271 = tpu.memref_slice %arg3[%dma_wait3A_1269, %dma_wait3A_1270] : memref<320000x16xf32, #tpu.memory_space<hbm>> -> memref<80x16xf32, #tpu.memory_space<hbm>>
        tpu.wait_dma2 semaphore(%arg41 : memref<!tpu.dma_semaphore, #tpu.memory_space<semaphore_mem>>) src(%dma_wait3A_1271 : memref<80x16xf32, #tpu.memory_space<hbm>>) dst(%arg21 : memref<80x16xf32, #tpu.memory_space<vmem>>)
        %dma_start3A_1272 = arith.constant 0 : i32
        %dma_start3A_1273 = tpu.memref_slice %arg13[%add3A_1094, %dma_start3A_1272] : memref<250x80xi32, #tpu.memory_space<vmem>> -> memref<1x80xi32, #tpu.memory_space<vmem>>
        %dma_start3A_1274 = tpu.memref_squeeze %dma_start3A_1273 : memref<1x80xi32, #tpu.memory_space<vmem>> -> memref<80xi32, #tpu.memory_space<vmem>>
        %dma_start3A_1275 = arith.constant 0 : i32
        %dma_start3A_1276 = arith.constant 0 : i32
        %dma_start3A_1277 = tpu.memref_slice %arg26[%dma_start3A_1275, %dma_start3A_1276] : memref<10240x16xf32, #tpu.memory_space<vmem_shared>> -> memref<10240x16xf32, #tpu.memory_space<vmem_shared>>
        tpu.enqueue_indirect_dma source(%arg21 : memref<80x16xf32, #tpu.memory_space<vmem>>) target(%dma_start3A_1277 : memref<10240x16xf32, #tpu.memory_space<vmem_shared>>) offsets(%dma_start3A_1274 : memref<80xi32, #tpu.memory_space<vmem>>) semaphore(%arg46 : memref<!tpu.dma_semaphore, #tpu.memory_space<semaphore_mem>>) {add = true}
      } else {
      }
      %ge3A_1111 = arith.constant 2 : i32
      %ge3A_1112 = arith.cmpi sge, %add3A_1094, %ge3A_1111 : i32
      %add3A_1113 = arith.constant 3 : i32
      %add3A_1114 = arith.addi %add3A_1094, %add3A_1113 : i32
      %lt3A_1115 = arith.constant 250 : i32
      %lt3A_1116 = arith.cmpi slt, %add3A_1114, %lt3A_1115 : i32
      %and3A_1117 = arith.andi %ge3A_1112, %lt3A_1116 : i1
      %convert_element_type3A_1118 = arith.extui %and3A_1117 : i1 to i32
      %cond3A_1119 = arith.constant 0 : i32
      %cond3A_1120 = arith.cmpi ne, %convert_element_type3A_1118, %cond3A_1119 : i32
      scf.if %cond3A_1120 {
        %dma_wait3A_1266 = arith.constant 0 : i32
        %dma_wait3A_1267 = arith.constant 0 : i32
        %dma_wait3A_1268 = tpu.memref_slice %arg13[%dma_wait3A_1266, %dma_wait3A_1267] : memref<250x80xi32, #tpu.memory_space<vmem>> -> memref<1x80xi32, #tpu.memory_space<vmem>>
        %dma_wait3A_1269 = tpu.memref_squeeze %dma_wait3A_1268 : memref<1x80xi32, #tpu.memory_space<vmem>> -> memref<80xi32, #tpu.memory_space<vmem>>
        %dma_wait3A_1270 = arith.constant 0 : i32
        %dma_wait3A_1271 = arith.constant 0 : i32
        %dma_wait3A_1272 = tpu.memref_slice %arg25[%dma_wait3A_1270, %dma_wait3A_1271] : memref<10240x64xf32, #tpu.memory_space<vmem_shared>> -> memref<10240x64xf32, #tpu.memory_space<vmem_shared>>
        tpu.wait_indirect_dma semaphore(%arg34 : memref<!tpu.dma_semaphore, #tpu.memory_space<semaphore_mem>>) src(%arg14 : memref<80x64xf32, #tpu.memory_space<vmem>>) dst(%dma_wait3A_1272 : memref<10240x64xf32, #tpu.memory_space<vmem_shared>>)
      } else {
      }
      %ge3A_1121 = arith.constant 2 : i32
      %ge3A_1122 = arith.cmpi sge, %add3A_1094, %ge3A_1121 : i32
      %and3A_1123 = arith.andi %eq3A_0, %ge3A_1122 : i1
      %add3A_1124 = arith.constant 3 : i32
      %add3A_1125 = arith.addi %add3A_1094, %add3A_1124 : i32
      %lt3A_1126 = arith.constant 250 : i32
      %lt3A_1127 = arith.cmpi slt, %add3A_1125, %lt3A_1126 : i32
      %and3A_1128 = arith.andi %and3A_1123, %lt3A_1127 : i1
      %convert_element_type3A_1129 = arith.extui %and3A_1128 : i1 to i32
      %cond3A_1130 = arith.constant 0 : i32
      %cond3A_1131 = arith.cmpi ne, %convert_element_type3A_1129, %cond3A_1130 : i32
      scf.if %cond3A_1131 {
        %dma_wait3A_1266 = arith.constant 0 : i32
        %dma_wait3A_1267 = arith.constant 0 : i32
        %dma_wait3A_1268 = tpu.memref_slice %arg13[%dma_wait3A_1266, %dma_wait3A_1267] : memref<250x80xi32, #tpu.memory_space<vmem>> -> memref<1x80xi32, #tpu.memory_space<vmem>>
        %dma_wait3A_1269 = tpu.memref_squeeze %dma_wait3A_1268 : memref<1x80xi32, #tpu.memory_space<vmem>> -> memref<80xi32, #tpu.memory_space<vmem>>
        %dma_wait3A_1270 = arith.constant 0 : i32
        %dma_wait3A_1271 = arith.constant 0 : i32
        %dma_wait3A_1272 = tpu.memref_slice %arg26[%dma_wait3A_1270, %dma_wait3A_1271] : memref<10240x16xf32, #tpu.memory_space<vmem_shared>> -> memref<10240x16xf32, #tpu.memory_space<vmem_shared>>
        tpu.wait_indirect_dma semaphore(%arg44 : memref<!tpu.dma_semaphore, #tpu.memory_space<semaphore_mem>>) src(%arg19 : memref<80x16xf32, #tpu.memory_space<vmem>>) dst(%dma_wait3A_1272 : memref<10240x16xf32, #tpu.memory_space<vmem_shared>>)
      } else {
      }
      %add3A_1132 = arith.constant 3 : i32
      %add3A_1133 = arith.addi %add3A_1094, %add3A_1132 : i32
      %lt3A_1134 = arith.constant 250 : i32
      %lt3A_1135 = arith.cmpi slt, %add3A_1133, %lt3A_1134 : i32
      %convert_element_type3A_1136 = arith.extui %lt3A_1135 : i1 to i32
      %cond3A_1137 = arith.constant 0 : i32
      %cond3A_1138 = arith.cmpi ne, %convert_element_type3A_1136, %cond3A_1137 : i32
      scf.if %cond3A_1138 {
        %dma_start3A_1266 = arith.constant 0 : i32
        %dma_start3A_1267 = arith.constant 0 : i32
        %dma_start3A_1268 = tpu.memref_slice %arg11[%dma_start3A_1266, %dma_start3A_1267] : memref<5x80xi32, #tpu.memory_space<vmem>> -> memref<1x80xi32, #tpu.memory_space<vmem>>
        %dma_start3A_1269 = tpu.memref_squeeze %dma_start3A_1268 : memref<1x80xi32, #tpu.memory_space<vmem>> -> memref<80xi32, #tpu.memory_space<vmem>>
        %dma_start3A_1270 = arith.constant 0 : i32
        %dma_start3A_1271 = arith.constant 0 : i32
        %dma_start3A_1272 = tpu.memref_slice %arg2[%dma_start3A_1270, %dma_start3A_1271] : memref<20000x64xf32, #tpu.memory_space<hbm>> -> memref<20000x64xf32, #tpu.memory_space<hbm>>
        tpu.enqueue_indirect_dma source(%dma_start3A_1272 : memref<20000x64xf32, #tpu.memory_space<hbm>>) target(%arg14 : memref<80x64xf32, #tpu.memory_space<vmem>>) offsets(%dma_start3A_1269 : memref<80xi32, #tpu.memory_space<vmem>>) semaphore(%arg29 : memref<!tpu.dma_semaphore, #tpu.memory_space<semaphore_mem>>)
      } else {
      }
      %add3A_1139 = arith.constant 3 : i32
      %add3A_1140 = arith.addi %add3A_1094, %add3A_1139 : i32
      %lt3A_1141 = arith.constant 250 : i32
      %lt3A_1142 = arith.cmpi slt, %add3A_1140, %lt3A_1141 : i32
      %and3A_1143 = arith.andi %eq3A_0, %lt3A_1142 : i1
      %convert_element_type3A_1144 = arith.extui %and3A_1143 : i1 to i32
      %cond3A_1145 = arith.constant 0 : i32
      %cond3A_1146 = arith.cmpi ne, %convert_element_type3A_1144, %cond3A_1145 : i32
      scf.if %cond3A_1146 {
        %add3A_1266 = arith.constant 3 : i32
        %add3A_1267 = arith.addi %add3A_1094, %add3A_1266 : i32
        %mul3A_1268 = arith.constant 80 : i32
        %mul3A_1269 = arith.muli %add3A_1267, %mul3A_1268 : i32
        %add3A_1270 = arith.addi %mul3A_35, %mul3A_1269 : i32
        %dma_start3A_1271 = arith.constant 0 : i32
        %dma_start3A_1272 = tpu.memref_slice %arg3[%add3A_1270, %dma_start3A_1271] : memref<320000x16xf32, #tpu.memory_space<hbm>> -> memref<80x16xf32, #tpu.memory_space<hbm>>
        %dma_start3A_1273 = arith.constant 0 : i32
        %dma_start3A_1274 = tpu.memref_slice %arg3[%add3A_1270, %dma_start3A_1273] : memref<320000x16xf32, #tpu.memory_space<hbm>> -> memref<80x16xf32, #tpu.memory_space<hbm>>
        tpu.enqueue_dma source(%dma_start3A_1274 : memref<80x16xf32, #tpu.memory_space<hbm>>) target(%arg19 : memref<80x16xf32, #tpu.memory_space<vmem>>) target_semaphore(%arg39 : memref<!tpu.dma_semaphore, #tpu.memory_space<semaphore_mem>>)
      } else {
      }
      %mul3A_1147 = arith.constant 5 : i32
      %mul3A_1148 = arith.muli %add3A_973, %mul3A_1147 : i32
      %add3A_1149 = arith.constant 3 : i32
      %add3A_1150 = arith.addi %mul3A_1148, %add3A_1149 : i32
      %dma_wait3A_1151 = arith.constant 0 : i32
      %dma_wait3A_1152 = arith.constant 0 : i32
      %dma_wait3A_1153 = tpu.memref_slice %arg11[%dma_wait3A_1151, %dma_wait3A_1152] : memref<5x80xi32, #tpu.memory_space<vmem>> -> memref<1x80xi32, #tpu.memory_space<vmem>>
      %dma_wait3A_1154 = tpu.memref_squeeze %dma_wait3A_1153 : memref<1x80xi32, #tpu.memory_space<vmem>> -> memref<80xi32, #tpu.memory_space<vmem>>
      %dma_wait3A_1155 = arith.constant 0 : i32
      %dma_wait3A_1156 = arith.constant 0 : i32
      %dma_wait3A_1157 = tpu.memref_slice %arg2[%dma_wait3A_1155, %dma_wait3A_1156] : memref<20000x64xf32, #tpu.memory_space<hbm>> -> memref<20000x64xf32, #tpu.memory_space<hbm>>
      tpu.wait_indirect_dma semaphore(%arg32 : memref<!tpu.dma_semaphore, #tpu.memory_space<semaphore_mem>>) src(%dma_wait3A_1157 : memref<20000x64xf32, #tpu.memory_space<hbm>>) dst(%arg17 : memref<80x64xf32, #tpu.memory_space<vmem>>)
      %dma_start3A_1158 = arith.constant 0 : i32
      %dma_start3A_1159 = tpu.memref_slice %arg13[%add3A_1150, %dma_start3A_1158] : memref<250x80xi32, #tpu.memory_space<vmem>> -> memref<1x80xi32, #tpu.memory_space<vmem>>
      %dma_start3A_1160 = tpu.memref_squeeze %dma_start3A_1159 : memref<1x80xi32, #tpu.memory_space<vmem>> -> memref<80xi32, #tpu.memory_space<vmem>>
      %dma_start3A_1161 = arith.constant 0 : i32
      %dma_start3A_1162 = arith.constant 0 : i32
      %dma_start3A_1163 = tpu.memref_slice %arg25[%dma_start3A_1161, %dma_start3A_1162] : memref<10240x64xf32, #tpu.memory_space<vmem_shared>> -> memref<10240x64xf32, #tpu.memory_space<vmem_shared>>
      tpu.enqueue_indirect_dma source(%arg17 : memref<80x64xf32, #tpu.memory_space<vmem>>) target(%dma_start3A_1163 : memref<10240x64xf32, #tpu.memory_space<vmem_shared>>) offsets(%dma_start3A_1160 : memref<80xi32, #tpu.memory_space<vmem>>) semaphore(%arg37 : memref<!tpu.dma_semaphore, #tpu.memory_space<semaphore_mem>>) {add = true}
      %convert_element_type3A_1164 = arith.extui %eq3A_0 : i1 to i32
      %cond3A_1165 = arith.constant 0 : i32
      %cond3A_1166 = arith.cmpi ne, %convert_element_type3A_1164, %cond3A_1165 : i32
      scf.if %cond3A_1166 {
        %dma_wait3A_1266 = arith.constant 0 : i32
        %dma_wait3A_1267 = arith.constant 0 : i32
        %dma_wait3A_1268 = tpu.memref_slice %arg3[%dma_wait3A_1266, %dma_wait3A_1267] : memref<320000x16xf32, #tpu.memory_space<hbm>> -> memref<80x16xf32, #tpu.memory_space<hbm>>
        %dma_wait3A_1269 = arith.constant 0 : i32
        %dma_wait3A_1270 = arith.constant 0 : i32
        %dma_wait3A_1271 = tpu.memref_slice %arg3[%dma_wait3A_1269, %dma_wait3A_1270] : memref<320000x16xf32, #tpu.memory_space<hbm>> -> memref<80x16xf32, #tpu.memory_space<hbm>>
        tpu.wait_dma2 semaphore(%arg42 : memref<!tpu.dma_semaphore, #tpu.memory_space<semaphore_mem>>) src(%dma_wait3A_1271 : memref<80x16xf32, #tpu.memory_space<hbm>>) dst(%arg22 : memref<80x16xf32, #tpu.memory_space<vmem>>)
        %dma_start3A_1272 = arith.constant 0 : i32
        %dma_start3A_1273 = tpu.memref_slice %arg13[%add3A_1150, %dma_start3A_1272] : memref<250x80xi32, #tpu.memory_space<vmem>> -> memref<1x80xi32, #tpu.memory_space<vmem>>
        %dma_start3A_1274 = tpu.memref_squeeze %dma_start3A_1273 : memref<1x80xi32, #tpu.memory_space<vmem>> -> memref<80xi32, #tpu.memory_space<vmem>>
        %dma_start3A_1275 = arith.constant 0 : i32
        %dma_start3A_1276 = arith.constant 0 : i32
        %dma_start3A_1277 = tpu.memref_slice %arg26[%dma_start3A_1275, %dma_start3A_1276] : memref<10240x16xf32, #tpu.memory_space<vmem_shared>> -> memref<10240x16xf32, #tpu.memory_space<vmem_shared>>
        tpu.enqueue_indirect_dma source(%arg22 : memref<80x16xf32, #tpu.memory_space<vmem>>) target(%dma_start3A_1277 : memref<10240x16xf32, #tpu.memory_space<vmem_shared>>) offsets(%dma_start3A_1274 : memref<80xi32, #tpu.memory_space<vmem>>) semaphore(%arg47 : memref<!tpu.dma_semaphore, #tpu.memory_space<semaphore_mem>>) {add = true}
      } else {
      }
      %ge3A_1167 = arith.constant 2 : i32
      %ge3A_1168 = arith.cmpi sge, %add3A_1150, %ge3A_1167 : i32
      %add3A_1169 = arith.constant 3 : i32
      %add3A_1170 = arith.addi %add3A_1150, %add3A_1169 : i32
      %lt3A_1171 = arith.constant 250 : i32
      %lt3A_1172 = arith.cmpi slt, %add3A_1170, %lt3A_1171 : i32
      %and3A_1173 = arith.andi %ge3A_1168, %lt3A_1172 : i1
      %convert_element_type3A_1174 = arith.extui %and3A_1173 : i1 to i32
      %cond3A_1175 = arith.constant 0 : i32
      %cond3A_1176 = arith.cmpi ne, %convert_element_type3A_1174, %cond3A_1175 : i32
      scf.if %cond3A_1176 {
        %dma_wait3A_1266 = arith.constant 0 : i32
        %dma_wait3A_1267 = arith.constant 0 : i32
        %dma_wait3A_1268 = tpu.memref_slice %arg13[%dma_wait3A_1266, %dma_wait3A_1267] : memref<250x80xi32, #tpu.memory_space<vmem>> -> memref<1x80xi32, #tpu.memory_space<vmem>>
        %dma_wait3A_1269 = tpu.memref_squeeze %dma_wait3A_1268 : memref<1x80xi32, #tpu.memory_space<vmem>> -> memref<80xi32, #tpu.memory_space<vmem>>
        %dma_wait3A_1270 = arith.constant 0 : i32
        %dma_wait3A_1271 = arith.constant 0 : i32
        %dma_wait3A_1272 = tpu.memref_slice %arg25[%dma_wait3A_1270, %dma_wait3A_1271] : memref<10240x64xf32, #tpu.memory_space<vmem_shared>> -> memref<10240x64xf32, #tpu.memory_space<vmem_shared>>
        tpu.wait_indirect_dma semaphore(%arg35 : memref<!tpu.dma_semaphore, #tpu.memory_space<semaphore_mem>>) src(%arg15 : memref<80x64xf32, #tpu.memory_space<vmem>>) dst(%dma_wait3A_1272 : memref<10240x64xf32, #tpu.memory_space<vmem_shared>>)
      } else {
      }
      %ge3A_1177 = arith.constant 2 : i32
      %ge3A_1178 = arith.cmpi sge, %add3A_1150, %ge3A_1177 : i32
      %and3A_1179 = arith.andi %eq3A_0, %ge3A_1178 : i1
      %add3A_1180 = arith.constant 3 : i32
      %add3A_1181 = arith.addi %add3A_1150, %add3A_1180 : i32
      %lt3A_1182 = arith.constant 250 : i32
      %lt3A_1183 = arith.cmpi slt, %add3A_1181, %lt3A_1182 : i32
      %and3A_1184 = arith.andi %and3A_1179, %lt3A_1183 : i1
      %convert_element_type3A_1185 = arith.extui %and3A_1184 : i1 to i32
      %cond3A_1186 = arith.constant 0 : i32
      %cond3A_1187 = arith.cmpi ne, %convert_element_type3A_1185, %cond3A_1186 : i32
      scf.if %cond3A_1187 {
        %dma_wait3A_1266 = arith.constant 0 : i32
        %dma_wait3A_1267 = arith.constant 0 : i32
        %dma_wait3A_1268 = tpu.memref_slice %arg13[%dma_wait3A_1266, %dma_wait3A_1267] : memref<250x80xi32, #tpu.memory_space<vmem>> -> memref<1x80xi32, #tpu.memory_space<vmem>>
        %dma_wait3A_1269 = tpu.memref_squeeze %dma_wait3A_1268 : memref<1x80xi32, #tpu.memory_space<vmem>> -> memref<80xi32, #tpu.memory_space<vmem>>
        %dma_wait3A_1270 = arith.constant 0 : i32
        %dma_wait3A_1271 = arith.constant 0 : i32
        %dma_wait3A_1272 = tpu.memref_slice %arg26[%dma_wait3A_1270, %dma_wait3A_1271] : memref<10240x16xf32, #tpu.memory_space<vmem_shared>> -> memref<10240x16xf32, #tpu.memory_space<vmem_shared>>
        tpu.wait_indirect_dma semaphore(%arg45 : memref<!tpu.dma_semaphore, #tpu.memory_space<semaphore_mem>>) src(%arg20 : memref<80x16xf32, #tpu.memory_space<vmem>>) dst(%dma_wait3A_1272 : memref<10240x16xf32, #tpu.memory_space<vmem_shared>>)
      } else {
      }
      %add3A_1188 = arith.constant 3 : i32
      %add3A_1189 = arith.addi %add3A_1150, %add3A_1188 : i32
      %lt3A_1190 = arith.constant 250 : i32
      %lt3A_1191 = arith.cmpi slt, %add3A_1189, %lt3A_1190 : i32
      %convert_element_type3A_1192 = arith.extui %lt3A_1191 : i1 to i32
      %cond3A_1193 = arith.constant 0 : i32
      %cond3A_1194 = arith.cmpi ne, %convert_element_type3A_1192, %cond3A_1193 : i32
      scf.if %cond3A_1194 {
        %dma_start3A_1266 = arith.constant 1 : i32
        %dma_start3A_1267 = arith.constant 0 : i32
        %dma_start3A_1268 = tpu.memref_slice %arg11[%dma_start3A_1266, %dma_start3A_1267] : memref<5x80xi32, #tpu.memory_space<vmem>> -> memref<1x80xi32, #tpu.memory_space<vmem>>
        %dma_start3A_1269 = tpu.memref_squeeze %dma_start3A_1268 : memref<1x80xi32, #tpu.memory_space<vmem>> -> memref<80xi32, #tpu.memory_space<vmem>>
        %dma_start3A_1270 = arith.constant 0 : i32
        %dma_start3A_1271 = arith.constant 0 : i32
        %dma_start3A_1272 = tpu.memref_slice %arg2[%dma_start3A_1270, %dma_start3A_1271] : memref<20000x64xf32, #tpu.memory_space<hbm>> -> memref<20000x64xf32, #tpu.memory_space<hbm>>
        tpu.enqueue_indirect_dma source(%dma_start3A_1272 : memref<20000x64xf32, #tpu.memory_space<hbm>>) target(%arg15 : memref<80x64xf32, #tpu.memory_space<vmem>>) offsets(%dma_start3A_1269 : memref<80xi32, #tpu.memory_space<vmem>>) semaphore(%arg30 : memref<!tpu.dma_semaphore, #tpu.memory_space<semaphore_mem>>)
      } else {
      }
      %add3A_1195 = arith.constant 3 : i32
      %add3A_1196 = arith.addi %add3A_1150, %add3A_1195 : i32
      %lt3A_1197 = arith.constant 250 : i32
      %lt3A_1198 = arith.cmpi slt, %add3A_1196, %lt3A_1197 : i32
      %and3A_1199 = arith.andi %eq3A_0, %lt3A_1198 : i1
      %convert_element_type3A_1200 = arith.extui %and3A_1199 : i1 to i32
      %cond3A_1201 = arith.constant 0 : i32
      %cond3A_1202 = arith.cmpi ne, %convert_element_type3A_1200, %cond3A_1201 : i32
      scf.if %cond3A_1202 {
        %add3A_1266 = arith.constant 3 : i32
        %add3A_1267 = arith.addi %add3A_1150, %add3A_1266 : i32
        %mul3A_1268 = arith.constant 80 : i32
        %mul3A_1269 = arith.muli %add3A_1267, %mul3A_1268 : i32
        %add3A_1270 = arith.addi %mul3A_35, %mul3A_1269 : i32
        %dma_start3A_1271 = arith.constant 0 : i32
        %dma_start3A_1272 = tpu.memref_slice %arg3[%add3A_1270, %dma_start3A_1271] : memref<320000x16xf32, #tpu.memory_space<hbm>> -> memref<80x16xf32, #tpu.memory_space<hbm>>
        %dma_start3A_1273 = arith.constant 0 : i32
        %dma_start3A_1274 = tpu.memref_slice %arg3[%add3A_1270, %dma_start3A_1273] : memref<320000x16xf32, #tpu.memory_space<hbm>> -> memref<80x16xf32, #tpu.memory_space<hbm>>
        tpu.enqueue_dma source(%dma_start3A_1274 : memref<80x16xf32, #tpu.memory_space<hbm>>) target(%arg20 : memref<80x16xf32, #tpu.memory_space<vmem>>) target_semaphore(%arg40 : memref<!tpu.dma_semaphore, #tpu.memory_space<semaphore_mem>>)
      } else {
      }
      %mul3A_1203 = arith.constant 5 : i32
      %mul3A_1204 = arith.muli %add3A_973, %mul3A_1203 : i32
      %add3A_1205 = arith.constant 4 : i32
      %add3A_1206 = arith.addi %mul3A_1204, %add3A_1205 : i32
      %dma_wait3A_1207 = arith.constant 0 : i32
      %dma_wait3A_1208 = arith.constant 0 : i32
      %dma_wait3A_1209 = tpu.memref_slice %arg11[%dma_wait3A_1207, %dma_wait3A_1208] : memref<5x80xi32, #tpu.memory_space<vmem>> -> memref<1x80xi32, #tpu.memory_space<vmem>>
      %dma_wait3A_1210 = tpu.memref_squeeze %dma_wait3A_1209 : memref<1x80xi32, #tpu.memory_space<vmem>> -> memref<80xi32, #tpu.memory_space<vmem>>
      %dma_wait3A_1211 = arith.constant 0 : i32
      %dma_wait3A_1212 = arith.constant 0 : i32
      %dma_wait3A_1213 = tpu.memref_slice %arg2[%dma_wait3A_1211, %dma_wait3A_1212] : memref<20000x64xf32, #tpu.memory_space<hbm>> -> memref<20000x64xf32, #tpu.memory_space<hbm>>
      tpu.wait_indirect_dma semaphore(%arg33 : memref<!tpu.dma_semaphore, #tpu.memory_space<semaphore_mem>>) src(%dma_wait3A_1213 : memref<20000x64xf32, #tpu.memory_space<hbm>>) dst(%arg18 : memref<80x64xf32, #tpu.memory_space<vmem>>)
      %dma_start3A_1214 = arith.constant 0 : i32
      %dma_start3A_1215 = tpu.memref_slice %arg13[%add3A_1206, %dma_start3A_1214] : memref<250x80xi32, #tpu.memory_space<vmem>> -> memref<1x80xi32, #tpu.memory_space<vmem>>
      %dma_start3A_1216 = tpu.memref_squeeze %dma_start3A_1215 : memref<1x80xi32, #tpu.memory_space<vmem>> -> memref<80xi32, #tpu.memory_space<vmem>>
      %dma_start3A_1217 = arith.constant 0 : i32
      %dma_start3A_1218 = arith.constant 0 : i32
      %dma_start3A_1219 = tpu.memref_slice %arg25[%dma_start3A_1217, %dma_start3A_1218] : memref<10240x64xf32, #tpu.memory_space<vmem_shared>> -> memref<10240x64xf32, #tpu.memory_space<vmem_shared>>
      tpu.enqueue_indirect_dma source(%arg18 : memref<80x64xf32, #tpu.memory_space<vmem>>) target(%dma_start3A_1219 : memref<10240x64xf32, #tpu.memory_space<vmem_shared>>) offsets(%dma_start3A_1216 : memref<80xi32, #tpu.memory_space<vmem>>) semaphore(%arg38 : memref<!tpu.dma_semaphore, #tpu.memory_space<semaphore_mem>>) {add = true}
      %convert_element_type3A_1220 = arith.extui %eq3A_0 : i1 to i32
      %cond3A_1221 = arith.constant 0 : i32
      %cond3A_1222 = arith.cmpi ne, %convert_element_type3A_1220, %cond3A_1221 : i32
      scf.if %cond3A_1222 {
        %dma_wait3A_1266 = arith.constant 0 : i32
        %dma_wait3A_1267 = arith.constant 0 : i32
        %dma_wait3A_1268 = tpu.memref_slice %arg3[%dma_wait3A_1266, %dma_wait3A_1267] : memref<320000x16xf32, #tpu.memory_space<hbm>> -> memref<80x16xf32, #tpu.memory_space<hbm>>
        %dma_wait3A_1269 = arith.constant 0 : i32
        %dma_wait3A_1270 = arith.constant 0 : i32
        %dma_wait3A_1271 = tpu.memref_slice %arg3[%dma_wait3A_1269, %dma_wait3A_1270] : memref<320000x16xf32, #tpu.memory_space<hbm>> -> memref<80x16xf32, #tpu.memory_space<hbm>>
        tpu.wait_dma2 semaphore(%arg43 : memref<!tpu.dma_semaphore, #tpu.memory_space<semaphore_mem>>) src(%dma_wait3A_1271 : memref<80x16xf32, #tpu.memory_space<hbm>>) dst(%arg23 : memref<80x16xf32, #tpu.memory_space<vmem>>)
        %dma_start3A_1272 = arith.constant 0 : i32
        %dma_start3A_1273 = tpu.memref_slice %arg13[%add3A_1206, %dma_start3A_1272] : memref<250x80xi32, #tpu.memory_space<vmem>> -> memref<1x80xi32, #tpu.memory_space<vmem>>
        %dma_start3A_1274 = tpu.memref_squeeze %dma_start3A_1273 : memref<1x80xi32, #tpu.memory_space<vmem>> -> memref<80xi32, #tpu.memory_space<vmem>>
        %dma_start3A_1275 = arith.constant 0 : i32
        %dma_start3A_1276 = arith.constant 0 : i32
        %dma_start3A_1277 = tpu.memref_slice %arg26[%dma_start3A_1275, %dma_start3A_1276] : memref<10240x16xf32, #tpu.memory_space<vmem_shared>> -> memref<10240x16xf32, #tpu.memory_space<vmem_shared>>
        tpu.enqueue_indirect_dma source(%arg23 : memref<80x16xf32, #tpu.memory_space<vmem>>) target(%dma_start3A_1277 : memref<10240x16xf32, #tpu.memory_space<vmem_shared>>) offsets(%dma_start3A_1274 : memref<80xi32, #tpu.memory_space<vmem>>) semaphore(%arg48 : memref<!tpu.dma_semaphore, #tpu.memory_space<semaphore_mem>>) {add = true}
      } else {
      }
      %ge3A_1223 = arith.constant 2 : i32
      %ge3A_1224 = arith.cmpi sge, %add3A_1206, %ge3A_1223 : i32
      %add3A_1225 = arith.constant 3 : i32
      %add3A_1226 = arith.addi %add3A_1206, %add3A_1225 : i32
      %lt3A_1227 = arith.constant 250 : i32
      %lt3A_1228 = arith.cmpi slt, %add3A_1226, %lt3A_1227 : i32
      %and3A_1229 = arith.andi %ge3A_1224, %lt3A_1228 : i1
      %convert_element_type3A_1230 = arith.extui %and3A_1229 : i1 to i32
      %cond3A_1231 = arith.constant 0 : i32
      %cond3A_1232 = arith.cmpi ne, %convert_element_type3A_1230, %cond3A_1231 : i32
      scf.if %cond3A_1232 {
        %dma_wait3A_1266 = arith.constant 0 : i32
        %dma_wait3A_1267 = arith.constant 0 : i32
        %dma_wait3A_1268 = tpu.memref_slice %arg13[%dma_wait3A_1266, %dma_wait3A_1267] : memref<250x80xi32, #tpu.memory_space<vmem>> -> memref<1x80xi32, #tpu.memory_space<vmem>>
        %dma_wait3A_1269 = tpu.memref_squeeze %dma_wait3A_1268 : memref<1x80xi32, #tpu.memory_space<vmem>> -> memref<80xi32, #tpu.memory_space<vmem>>
        %dma_wait3A_1270 = arith.constant 0 : i32
        %dma_wait3A_1271 = arith.constant 0 : i32
        %dma_wait3A_1272 = tpu.memref_slice %arg25[%dma_wait3A_1270, %dma_wait3A_1271] : memref<10240x64xf32, #tpu.memory_space<vmem_shared>> -> memref<10240x64xf32, #tpu.memory_space<vmem_shared>>
        tpu.wait_indirect_dma semaphore(%arg36 : memref<!tpu.dma_semaphore, #tpu.memory_space<semaphore_mem>>) src(%arg16 : memref<80x64xf32, #tpu.memory_space<vmem>>) dst(%dma_wait3A_1272 : memref<10240x64xf32, #tpu.memory_space<vmem_shared>>)
      } else {
      }
      %ge3A_1233 = arith.constant 2 : i32
      %ge3A_1234 = arith.cmpi sge, %add3A_1206, %ge3A_1233 : i32
      %and3A_1235 = arith.andi %eq3A_0, %ge3A_1234 : i1
      %add3A_1236 = arith.constant 3 : i32
      %add3A_1237 = arith.addi %add3A_1206, %add3A_1236 : i32
      %lt3A_1238 = arith.constant 250 : i32
      %lt3A_1239 = arith.cmpi slt, %add3A_1237, %lt3A_1238 : i32
      %and3A_1240 = arith.andi %and3A_1235, %lt3A_1239 : i1
      %convert_element_type3A_1241 = arith.extui %and3A_1240 : i1 to i32
      %cond3A_1242 = arith.constant 0 : i32
      %cond3A_1243 = arith.cmpi ne, %convert_element_type3A_1241, %cond3A_1242 : i32
      scf.if %cond3A_1243 {
        %dma_wait3A_1266 = arith.constant 0 : i32
        %dma_wait3A_1267 = arith.constant 0 : i32
        %dma_wait3A_1268 = tpu.memref_slice %arg13[%dma_wait3A_1266, %dma_wait3A_1267] : memref<250x80xi32, #tpu.memory_space<vmem>> -> memref<1x80xi32, #tpu.memory_space<vmem>>
        %dma_wait3A_1269 = tpu.memref_squeeze %dma_wait3A_1268 : memref<1x80xi32, #tpu.memory_space<vmem>> -> memref<80xi32, #tpu.memory_space<vmem>>
        %dma_wait3A_1270 = arith.constant 0 : i32
        %dma_wait3A_1271 = arith.constant 0 : i32
        %dma_wait3A_1272 = tpu.memref_slice %arg26[%dma_wait3A_1270, %dma_wait3A_1271] : memref<10240x16xf32, #tpu.memory_space<vmem_shared>> -> memref<10240x16xf32, #tpu.memory_space<vmem_shared>>
        tpu.wait_indirect_dma semaphore(%arg46 : memref<!tpu.dma_semaphore, #tpu.memory_space<semaphore_mem>>) src(%arg21 : memref<80x16xf32, #tpu.memory_space<vmem>>) dst(%dma_wait3A_1272 : memref<10240x16xf32, #tpu.memory_space<vmem_shared>>)
      } else {
      }
      %add3A_1244 = arith.constant 3 : i32
      %add3A_1245 = arith.addi %add3A_1206, %add3A_1244 : i32
      %lt3A_1246 = arith.constant 250 : i32
      %lt3A_1247 = arith.cmpi slt, %add3A_1245, %lt3A_1246 : i32
      %convert_element_type3A_1248 = arith.extui %lt3A_1247 : i1 to i32
      %cond3A_1249 = arith.constant 0 : i32
      %cond3A_1250 = arith.cmpi ne, %convert_element_type3A_1248, %cond3A_1249 : i32
      scf.if %cond3A_1250 {
        %dma_start3A_1266 = arith.constant 2 : i32
        %dma_start3A_1267 = arith.constant 0 : i32
        %dma_start3A_1268 = tpu.memref_slice %arg11[%dma_start3A_1266, %dma_start3A_1267] : memref<5x80xi32, #tpu.memory_space<vmem>> -> memref<1x80xi32, #tpu.memory_space<vmem>>
        %dma_start3A_1269 = tpu.memref_squeeze %dma_start3A_1268 : memref<1x80xi32, #tpu.memory_space<vmem>> -> memref<80xi32, #tpu.memory_space<vmem>>
        %dma_start3A_1270 = arith.constant 0 : i32
        %dma_start3A_1271 = arith.constant 0 : i32
        %dma_start3A_1272 = tpu.memref_slice %arg2[%dma_start3A_1270, %dma_start3A_1271] : memref<20000x64xf32, #tpu.memory_space<hbm>> -> memref<20000x64xf32, #tpu.memory_space<hbm>>
        tpu.enqueue_indirect_dma source(%dma_start3A_1272 : memref<20000x64xf32, #tpu.memory_space<hbm>>) target(%arg16 : memref<80x64xf32, #tpu.memory_space<vmem>>) offsets(%dma_start3A_1269 : memref<80xi32, #tpu.memory_space<vmem>>) semaphore(%arg31 : memref<!tpu.dma_semaphore, #tpu.memory_space<semaphore_mem>>)
      } else {
      }
      %add3A_1251 = arith.constant 3 : i32
      %add3A_1252 = arith.addi %add3A_1206, %add3A_1251 : i32
      %lt3A_1253 = arith.constant 250 : i32
      %lt3A_1254 = arith.cmpi slt, %add3A_1252, %lt3A_1253 : i32
      %and3A_1255 = arith.andi %eq3A_0, %lt3A_1254 : i1
      %convert_element_type3A_1256 = arith.extui %and3A_1255 : i1 to i32
      %cond3A_1257 = arith.constant 0 : i32
      %cond3A_1258 = arith.cmpi ne, %convert_element_type3A_1256, %cond3A_1257 : i32
      scf.if %cond3A_1258 {
        %add3A_1266 = arith.constant 3 : i32
        %add3A_1267 = arith.addi %add3A_1206, %add3A_1266 : i32
        %mul3A_1268 = arith.constant 80 : i32
        %mul3A_1269 = arith.muli %add3A_1267, %mul3A_1268 : i32
        %add3A_1270 = arith.addi %mul3A_35, %mul3A_1269 : i32
        %dma_start3A_1271 = arith.constant 0 : i32
        %dma_start3A_1272 = tpu.memref_slice %arg3[%add3A_1270, %dma_start3A_1271] : memref<320000x16xf32, #tpu.memory_space<hbm>> -> memref<80x16xf32, #tpu.memory_space<hbm>>
        %dma_start3A_1273 = arith.constant 0 : i32
        %dma_start3A_1274 = tpu.memref_slice %arg3[%add3A_1270, %dma_start3A_1273] : memref<320000x16xf32, #tpu.memory_space<hbm>> -> memref<80x16xf32, #tpu.memory_space<hbm>>
        tpu.enqueue_dma source(%dma_start3A_1274 : memref<80x16xf32, #tpu.memory_space<hbm>>) target(%arg21 : memref<80x16xf32, #tpu.memory_space<vmem>>) target_semaphore(%arg41 : memref<!tpu.dma_semaphore, #tpu.memory_space<semaphore_mem>>)
      } else {
      }
      %add3A_1259 = arith.constant 2 : i32
      %add3A_1260 = arith.addi %add3A_973, %add3A_1259 : i32
      %lt3A_1261 = arith.constant 50 : i32
      %lt3A_1262 = arith.cmpi slt, %add3A_1260, %lt3A_1261 : i32
      %convert_element_type3A_1263 = arith.extui %lt3A_1262 : i1 to i32
      %cond3A_1264 = arith.constant 0 : i32
      %cond3A_1265 = arith.cmpi ne, %convert_element_type3A_1263, %cond3A_1264 : i32
      scf.if %cond3A_1265 {
        %add3A_1266 = arith.constant 2 : i32
        %add3A_1267 = arith.addi %add3A_973, %add3A_1266 : i32
        %mul3A_1268 = arith.constant 5 : i32
        %mul3A_1269 = arith.muli %add3A_1267, %mul3A_1268 : i32
        %dma_start3A_1270 = arith.constant 0 : i32
        %dma_start3A_1271 = arith.constant 0 : i32
        %dma_start3A_1272 = tpu.memref_slice %arg4[%arg1, %dma_start3A_1270, %dma_start3A_1271] : memref<16x250x80xi32, #tpu.memory_space<hbm>> -> memref<1x250x80xi32, #tpu.memory_space<hbm>>
        %dma_start3A_1273 = tpu.memref_squeeze %dma_start3A_1272 : memref<1x250x80xi32, #tpu.memory_space<hbm>> -> memref<250x80xi32, #tpu.memory_space<hbm>>
        %dma_start3A_1274 = arith.constant 0 : i32
        %dma_start3A_1275 = tpu.memref_slice %dma_start3A_1273[%mul3A_1269, %dma_start3A_1274] : memref<250x80xi32, #tpu.memory_space<hbm>> -> memref<5x80xi32, #tpu.memory_space<hbm>>
        %dma_start3A_1276 = arith.constant 0 : i32
        %dma_start3A_1277 = arith.constant 0 : i32
        %dma_start3A_1278 = tpu.memref_slice %arg4[%arg1, %dma_start3A_1276, %dma_start3A_1277] : memref<16x250x80xi32, #tpu.memory_space<hbm>> -> memref<1x250x80xi32, #tpu.memory_space<hbm>>
        %dma_start3A_1279 = tpu.memref_squeeze %dma_start3A_1278 : memref<1x250x80xi32, #tpu.memory_space<hbm>> -> memref<250x80xi32, #tpu.memory_space<hbm>>
        %dma_start3A_1280 = arith.constant 0 : i32
        %dma_start3A_1281 = tpu.memref_slice %dma_start3A_1279[%mul3A_1269, %dma_start3A_1280] : memref<250x80xi32, #tpu.memory_space<hbm>> -> memref<5x80xi32, #tpu.memory_space<hbm>>
        tpu.enqueue_dma source(%dma_start3A_1281 : memref<5x80xi32, #tpu.memory_space<hbm>>) target(%arg12 : memref<5x80xi32, #tpu.memory_space<vmem>>) target_semaphore(%arg28 : memref<!tpu.dma_semaphore, #tpu.memory_space<semaphore_mem>>)
      } else {
      }
    }
    %scan3A_356 = arith.constant 25 : i32
    %dma_wait3A_357 = arith.constant 0 : i32
    %dma_wait3A_358 = arith.constant 0 : i32
    %dma_wait3A_359 = tpu.memref_slice %arg13[%dma_wait3A_357, %dma_wait3A_358] : memref<250x80xi32, #tpu.memory_space<vmem>> -> memref<1x80xi32, #tpu.memory_space<vmem>>
    %dma_wait3A_360 = tpu.memref_squeeze %dma_wait3A_359 : memref<1x80xi32, #tpu.memory_space<vmem>> -> memref<80xi32, #tpu.memory_space<vmem>>
    %dma_wait3A_361 = arith.constant 0 : i32
    %dma_wait3A_362 = arith.constant 0 : i32
    %dma_wait3A_363 = tpu.memref_slice %arg25[%dma_wait3A_361, %dma_wait3A_362] : memref<10240x64xf32, #tpu.memory_space<vmem_shared>> -> memref<10240x64xf32, #tpu.memory_space<vmem_shared>>
    tpu.wait_indirect_dma semaphore(%arg34 : memref<!tpu.dma_semaphore, #tpu.memory_space<semaphore_mem>>) src(%arg14 : memref<80x64xf32, #tpu.memory_space<vmem>>) dst(%dma_wait3A_363 : memref<10240x64xf32, #tpu.memory_space<vmem_shared>>)
    %convert_element_type3A_364 = arith.extui %eq3A_0 : i1 to i32
    %cond3A_365 = arith.constant 0 : i32
    %cond3A_366 = arith.cmpi ne, %convert_element_type3A_364, %cond3A_365 : i32
    scf.if %cond3A_366 {
      %dma_wait3A_413 = arith.constant 0 : i32
      %dma_wait3A_414 = arith.constant 0 : i32
      %dma_wait3A_415 = tpu.memref_slice %arg13[%dma_wait3A_413, %dma_wait3A_414] : memref<250x80xi32, #tpu.memory_space<vmem>> -> memref<1x80xi32, #tpu.memory_space<vmem>>
      %dma_wait3A_416 = tpu.memref_squeeze %dma_wait3A_415 : memref<1x80xi32, #tpu.memory_space<vmem>> -> memref<80xi32, #tpu.memory_space<vmem>>
      %dma_wait3A_417 = arith.constant 0 : i32
      %dma_wait3A_418 = arith.constant 0 : i32
      %dma_wait3A_419 = tpu.memref_slice %arg26[%dma_wait3A_417, %dma_wait3A_418] : memref<10240x16xf32, #tpu.memory_space<vmem_shared>> -> memref<10240x16xf32, #tpu.memory_space<vmem_shared>>
      tpu.wait_indirect_dma semaphore(%arg44 : memref<!tpu.dma_semaphore, #tpu.memory_space<semaphore_mem>>) src(%arg19 : memref<80x16xf32, #tpu.memory_space<vmem>>) dst(%dma_wait3A_419 : memref<10240x16xf32, #tpu.memory_space<vmem_shared>>)
    } else {
    }
    %dma_wait3A_367 = arith.constant 0 : i32
    %dma_wait3A_368 = arith.constant 0 : i32
    %dma_wait3A_369 = tpu.memref_slice %arg13[%dma_wait3A_367, %dma_wait3A_368] : memref<250x80xi32, #tpu.memory_space<vmem>> -> memref<1x80xi32, #tpu.memory_space<vmem>>
    %dma_wait3A_370 = tpu.memref_squeeze %dma_wait3A_369 : memref<1x80xi32, #tpu.memory_space<vmem>> -> memref<80xi32, #tpu.memory_space<vmem>>
    %dma_wait3A_371 = arith.constant 0 : i32
    %dma_wait3A_372 = arith.constant 0 : i32
    %dma_wait3A_373 = tpu.memref_slice %arg25[%dma_wait3A_371, %dma_wait3A_372] : memref<10240x64xf32, #tpu.memory_space<vmem_shared>> -> memref<10240x64xf32, #tpu.memory_space<vmem_shared>>
    tpu.wait_indirect_dma semaphore(%arg35 : memref<!tpu.dma_semaphore, #tpu.memory_space<semaphore_mem>>) src(%arg15 : memref<80x64xf32, #tpu.memory_space<vmem>>) dst(%dma_wait3A_373 : memref<10240x64xf32, #tpu.memory_space<vmem_shared>>)
    %convert_element_type3A_374 = arith.extui %eq3A_0 : i1 to i32
    %cond3A_375 = arith.constant 0 : i32
    %cond3A_376 = arith.cmpi ne, %convert_element_type3A_374, %cond3A_375 : i32
    scf.if %cond3A_376 {
      %dma_wait3A_413 = arith.constant 0 : i32
      %dma_wait3A_414 = arith.constant 0 : i32
      %dma_wait3A_415 = tpu.memref_slice %arg13[%dma_wait3A_413, %dma_wait3A_414] : memref<250x80xi32, #tpu.memory_space<vmem>> -> memref<1x80xi32, #tpu.memory_space<vmem>>
      %dma_wait3A_416 = tpu.memref_squeeze %dma_wait3A_415 : memref<1x80xi32, #tpu.memory_space<vmem>> -> memref<80xi32, #tpu.memory_space<vmem>>
      %dma_wait3A_417 = arith.constant 0 : i32
      %dma_wait3A_418 = arith.constant 0 : i32
      %dma_wait3A_419 = tpu.memref_slice %arg26[%dma_wait3A_417, %dma_wait3A_418] : memref<10240x16xf32, #tpu.memory_space<vmem_shared>> -> memref<10240x16xf32, #tpu.memory_space<vmem_shared>>
      tpu.wait_indirect_dma semaphore(%arg45 : memref<!tpu.dma_semaphore, #tpu.memory_space<semaphore_mem>>) src(%arg20 : memref<80x16xf32, #tpu.memory_space<vmem>>) dst(%dma_wait3A_419 : memref<10240x16xf32, #tpu.memory_space<vmem_shared>>)
    } else {
    }
    %dma_wait3A_377 = arith.constant 0 : i32
    %dma_wait3A_378 = arith.constant 0 : i32
    %dma_wait3A_379 = tpu.memref_slice %arg13[%dma_wait3A_377, %dma_wait3A_378] : memref<250x80xi32, #tpu.memory_space<vmem>> -> memref<1x80xi32, #tpu.memory_space<vmem>>
    %dma_wait3A_380 = tpu.memref_squeeze %dma_wait3A_379 : memref<1x80xi32, #tpu.memory_space<vmem>> -> memref<80xi32, #tpu.memory_space<vmem>>
    %dma_wait3A_381 = arith.constant 0 : i32
    %dma_wait3A_382 = arith.constant 0 : i32
    %dma_wait3A_383 = tpu.memref_slice %arg25[%dma_wait3A_381, %dma_wait3A_382] : memref<10240x64xf32, #tpu.memory_space<vmem_shared>> -> memref<10240x64xf32, #tpu.memory_space<vmem_shared>>
    tpu.wait_indirect_dma semaphore(%arg36 : memref<!tpu.dma_semaphore, #tpu.memory_space<semaphore_mem>>) src(%arg16 : memref<80x64xf32, #tpu.memory_space<vmem>>) dst(%dma_wait3A_383 : memref<10240x64xf32, #tpu.memory_space<vmem_shared>>)
    %convert_element_type3A_384 = arith.extui %eq3A_0 : i1 to i32
    %cond3A_385 = arith.constant 0 : i32
    %cond3A_386 = arith.cmpi ne, %convert_element_type3A_384, %cond3A_385 : i32
    scf.if %cond3A_386 {
      %dma_wait3A_413 = arith.constant 0 : i32
      %dma_wait3A_414 = arith.constant 0 : i32
      %dma_wait3A_415 = tpu.memref_slice %arg13[%dma_wait3A_413, %dma_wait3A_414] : memref<250x80xi32, #tpu.memory_space<vmem>> -> memref<1x80xi32, #tpu.memory_space<vmem>>
      %dma_wait3A_416 = tpu.memref_squeeze %dma_wait3A_415 : memref<1x80xi32, #tpu.memory_space<vmem>> -> memref<80xi32, #tpu.memory_space<vmem>>
      %dma_wait3A_417 = arith.constant 0 : i32
      %dma_wait3A_418 = arith.constant 0 : i32
      %dma_wait3A_419 = tpu.memref_slice %arg26[%dma_wait3A_417, %dma_wait3A_418] : memref<10240x16xf32, #tpu.memory_space<vmem_shared>> -> memref<10240x16xf32, #tpu.memory_space<vmem_shared>>
      tpu.wait_indirect_dma semaphore(%arg46 : memref<!tpu.dma_semaphore, #tpu.memory_space<semaphore_mem>>) src(%arg21 : memref<80x16xf32, #tpu.memory_space<vmem>>) dst(%dma_wait3A_419 : memref<10240x16xf32, #tpu.memory_space<vmem_shared>>)
    } else {
    }
    %dma_wait3A_387 = arith.constant 0 : i32
    %dma_wait3A_388 = arith.constant 0 : i32
    %dma_wait3A_389 = tpu.memref_slice %arg13[%dma_wait3A_387, %dma_wait3A_388] : memref<250x80xi32, #tpu.memory_space<vmem>> -> memref<1x80xi32, #tpu.memory_space<vmem>>
    %dma_wait3A_390 = tpu.memref_squeeze %dma_wait3A_389 : memref<1x80xi32, #tpu.memory_space<vmem>> -> memref<80xi32, #tpu.memory_space<vmem>>
    %dma_wait3A_391 = arith.constant 0 : i32
    %dma_wait3A_392 = arith.constant 0 : i32
    %dma_wait3A_393 = tpu.memref_slice %arg25[%dma_wait3A_391, %dma_wait3A_392] : memref<10240x64xf32, #tpu.memory_space<vmem_shared>> -> memref<10240x64xf32, #tpu.memory_space<vmem_shared>>
    tpu.wait_indirect_dma semaphore(%arg37 : memref<!tpu.dma_semaphore, #tpu.memory_space<semaphore_mem>>) src(%arg17 : memref<80x64xf32, #tpu.memory_space<vmem>>) dst(%dma_wait3A_393 : memref<10240x64xf32, #tpu.memory_space<vmem_shared>>)
    %convert_element_type3A_394 = arith.extui %eq3A_0 : i1 to i32
    %cond3A_395 = arith.constant 0 : i32
    %cond3A_396 = arith.cmpi ne, %convert_element_type3A_394, %cond3A_395 : i32
    scf.if %cond3A_396 {
      %dma_wait3A_413 = arith.constant 0 : i32
      %dma_wait3A_414 = arith.constant 0 : i32
      %dma_wait3A_415 = tpu.memref_slice %arg13[%dma_wait3A_413, %dma_wait3A_414] : memref<250x80xi32, #tpu.memory_space<vmem>> -> memref<1x80xi32, #tpu.memory_space<vmem>>
      %dma_wait3A_416 = tpu.memref_squeeze %dma_wait3A_415 : memref<1x80xi32, #tpu.memory_space<vmem>> -> memref<80xi32, #tpu.memory_space<vmem>>
      %dma_wait3A_417 = arith.constant 0 : i32
      %dma_wait3A_418 = arith.constant 0 : i32
      %dma_wait3A_419 = tpu.memref_slice %arg26[%dma_wait3A_417, %dma_wait3A_418] : memref<10240x16xf32, #tpu.memory_space<vmem_shared>> -> memref<10240x16xf32, #tpu.memory_space<vmem_shared>>
      tpu.wait_indirect_dma semaphore(%arg47 : memref<!tpu.dma_semaphore, #tpu.memory_space<semaphore_mem>>) src(%arg22 : memref<80x16xf32, #tpu.memory_space<vmem>>) dst(%dma_wait3A_419 : memref<10240x16xf32, #tpu.memory_space<vmem_shared>>)
    } else {
    }
    %dma_wait3A_397 = arith.constant 0 : i32
    %dma_wait3A_398 = arith.constant 0 : i32
    %dma_wait3A_399 = tpu.memref_slice %arg13[%dma_wait3A_397, %dma_wait3A_398] : memref<250x80xi32, #tpu.memory_space<vmem>> -> memref<1x80xi32, #tpu.memory_space<vmem>>
    %dma_wait3A_400 = tpu.memref_squeeze %dma_wait3A_399 : memref<1x80xi32, #tpu.memory_space<vmem>> -> memref<80xi32, #tpu.memory_space<vmem>>
    %dma_wait3A_401 = arith.constant 0 : i32
    %dma_wait3A_402 = arith.constant 0 : i32
    %dma_wait3A_403 = tpu.memref_slice %arg25[%dma_wait3A_401, %dma_wait3A_402] : memref<10240x64xf32, #tpu.memory_space<vmem_shared>> -> memref<10240x64xf32, #tpu.memory_space<vmem_shared>>
    tpu.wait_indirect_dma semaphore(%arg38 : memref<!tpu.dma_semaphore, #tpu.memory_space<semaphore_mem>>) src(%arg18 : memref<80x64xf32, #tpu.memory_space<vmem>>) dst(%dma_wait3A_403 : memref<10240x64xf32, #tpu.memory_space<vmem_shared>>)
    %convert_element_type3A_404 = arith.extui %eq3A_0 : i1 to i32
    %cond3A_405 = arith.constant 0 : i32
    %cond3A_406 = arith.cmpi ne, %convert_element_type3A_404, %cond3A_405 : i32
    scf.if %cond3A_406 {
      %dma_wait3A_413 = arith.constant 0 : i32
      %dma_wait3A_414 = arith.constant 0 : i32
      %dma_wait3A_415 = tpu.memref_slice %arg13[%dma_wait3A_413, %dma_wait3A_414] : memref<250x80xi32, #tpu.memory_space<vmem>> -> memref<1x80xi32, #tpu.memory_space<vmem>>
      %dma_wait3A_416 = tpu.memref_squeeze %dma_wait3A_415 : memref<1x80xi32, #tpu.memory_space<vmem>> -> memref<80xi32, #tpu.memory_space<vmem>>
      %dma_wait3A_417 = arith.constant 0 : i32
      %dma_wait3A_418 = arith.constant 0 : i32
      %dma_wait3A_419 = tpu.memref_slice %arg26[%dma_wait3A_417, %dma_wait3A_418] : memref<10240x16xf32, #tpu.memory_space<vmem_shared>> -> memref<10240x16xf32, #tpu.memory_space<vmem_shared>>
      tpu.wait_indirect_dma semaphore(%arg48 : memref<!tpu.dma_semaphore, #tpu.memory_space<semaphore_mem>>) src(%arg23 : memref<80x16xf32, #tpu.memory_space<vmem>>) dst(%dma_wait3A_419 : memref<10240x16xf32, #tpu.memory_space<vmem_shared>>)
    } else {
    }
    %barrier3A = arith.constant 0 : index
    tpu.barrier barrier_id(%barrier3A)
    "tpu.region"() ({
      %run_scoped3A = tpu.sem_alloc : memref<!tpu.dma_semaphore, #tpu.memory_space<semaphore_mem>>
      %dma_start3A_413 = arith.constant 0 : i32
      %dma_start3A_414 = arith.constant 0 : i32
      %dma_start3A_415 = tpu.memref_slice %arg8[%arg0, %dma_start3A_413, %dma_start3A_414] : memref<2x10240x64xf32, #tpu.memory_space<hbm>> -> memref<1x10240x64xf32, #tpu.memory_space<hbm>>
      %dma_start3A_416 = tpu.memref_squeeze %dma_start3A_415 : memref<1x10240x64xf32, #tpu.memory_space<hbm>> -> memref<10240x64xf32, #tpu.memory_space<hbm>>
      %dma_start3A_417 = arith.constant 0 : i32
      %dma_start3A_418 = tpu.memref_slice %dma_start3A_416[%mul3A_7, %dma_start3A_417] : memref<10240x64xf32, #tpu.memory_space<hbm>> -> memref<640x64xf32, #tpu.memory_space<hbm>>
      %dma_start3A_419 = arith.constant 0 : i32
      %dma_start3A_420 = tpu.memref_slice %arg25[%mul3A_7, %dma_start3A_419] : memref<10240x64xf32, #tpu.memory_space<vmem_shared>> -> memref<640x64xf32, #tpu.memory_space<vmem_shared>>
      tpu.enqueue_dma source(%dma_start3A_420 : memref<640x64xf32, #tpu.memory_space<vmem_shared>>) target(%dma_start3A_418 : memref<640x64xf32, #tpu.memory_space<hbm>>) target_semaphore(%run_scoped3A : memref<!tpu.dma_semaphore, #tpu.memory_space<semaphore_mem>>)
      %dma_wait3A_421 = arith.constant 0 : i32
      %dma_wait3A_422 = arith.constant 0 : i32
      %dma_wait3A_423 = tpu.memref_slice %arg8[%arg0, %dma_wait3A_421, %dma_wait3A_422] : memref<2x10240x64xf32, #tpu.memory_space<hbm>> -> memref<1x10240x64xf32, #tpu.memory_space<hbm>>
      %dma_wait3A_424 = tpu.memref_squeeze %dma_wait3A_423 : memref<1x10240x64xf32, #tpu.memory_space<hbm>> -> memref<10240x64xf32, #tpu.memory_space<hbm>>
      %dma_wait3A_425 = arith.constant 0 : i32
      %dma_wait3A_426 = tpu.memref_slice %dma_wait3A_424[%mul3A_7, %dma_wait3A_425] : memref<10240x64xf32, #tpu.memory_space<hbm>> -> memref<640x64xf32, #tpu.memory_space<hbm>>
      %dma_wait3A_427 = arith.constant 0 : i32
      %dma_wait3A_428 = tpu.memref_slice %arg25[%mul3A_7, %dma_wait3A_427] : memref<10240x64xf32, #tpu.memory_space<vmem_shared>> -> memref<640x64xf32, #tpu.memory_space<vmem_shared>>
      tpu.wait_dma2 semaphore(%run_scoped3A : memref<!tpu.dma_semaphore, #tpu.memory_space<semaphore_mem>>) src(%dma_wait3A_428 : memref<640x64xf32, #tpu.memory_space<vmem_shared>>) dst(%dma_wait3A_426 : memref<640x64xf32, #tpu.memory_space<hbm>>)
      tpu.yield
    }) : () -> ()
    %convert_element_type3A_407 = arith.extui %eq3A_0 : i1 to i32
    %cond3A_408 = arith.constant 0 : i32
    %cond3A_409 = arith.cmpi ne, %convert_element_type3A_407, %cond3A_408 : i32
    scf.if %cond3A_409 {
      "tpu.region"() ({
        %run_scoped3A = tpu.sem_alloc : memref<!tpu.dma_semaphore, #tpu.memory_space<semaphore_mem>>
        %dma_start3A_413 = arith.constant 0 : i32
        %dma_start3A_414 = tpu.memref_slice %arg9[%mul3A_7, %dma_start3A_413] : memref<10240x16xf32, #tpu.memory_space<hbm>> -> memref<640x16xf32, #tpu.memory_space<hbm>>
        %dma_start3A_415 = arith.constant 0 : i32
        %dma_start3A_416 = tpu.memref_slice %arg26[%mul3A_7, %dma_start3A_415] : memref<10240x16xf32, #tpu.memory_space<vmem_shared>> -> memref<640x16xf32, #tpu.memory_space<vmem_shared>>
        tpu.enqueue_dma source(%dma_start3A_416 : memref<640x16xf32, #tpu.memory_space<vmem_shared>>) target(%dma_start3A_414 : memref<640x16xf32, #tpu.memory_space<hbm>>) target_semaphore(%run_scoped3A : memref<!tpu.dma_semaphore, #tpu.memory_space<semaphore_mem>>)
        %dma_wait3A_417 = arith.constant 0 : i32
        %dma_wait3A_418 = tpu.memref_slice %arg9[%mul3A_7, %dma_wait3A_417] : memref<10240x16xf32, #tpu.memory_space<hbm>> -> memref<640x16xf32, #tpu.memory_space<hbm>>
        %dma_wait3A_419 = arith.constant 0 : i32
        %dma_wait3A_420 = tpu.memref_slice %arg26[%mul3A_7, %dma_wait3A_419] : memref<10240x16xf32, #tpu.memory_space<vmem_shared>> -> memref<640x16xf32, #tpu.memory_space<vmem_shared>>
        tpu.wait_dma2 semaphore(%run_scoped3A : memref<!tpu.dma_semaphore, #tpu.memory_space<semaphore_mem>>) src(%dma_wait3A_420 : memref<640x16xf32, #tpu.memory_space<vmem_shared>>) dst(%dma_wait3A_418 : memref<640x16xf32, #tpu.memory_space<hbm>>)
        tpu.yield
      }) : () -> ()
    } else {
    }
    %convert_element_type3A_410 = arith.extui %eq3A_2 : i1 to i32
    %cond3A_411 = arith.constant 0 : i32
    %cond3A_412 = arith.cmpi ne, %convert_element_type3A_410, %cond3A_411 : i32
    scf.if %cond3A_412 {
      "tpu.region"() ({
        %run_scoped3A = tpu.sem_alloc : memref<!tpu.dma_semaphore, #tpu.memory_space<semaphore_mem>>
        %dma_start3A_413 = arith.constant 0 : i32
        %dma_start3A_414 = tpu.memref_slice %arg10[%arg1, %dma_start3A_413] : memref<16x10000xf32, #tpu.memory_space<hbm>> -> memref<1x10000xf32, #tpu.memory_space<hbm>>
        %dma_start3A_415 = tpu.memref_squeeze %dma_start3A_414 : memref<1x10000xf32, #tpu.memory_space<hbm>> -> memref<10000xf32, #tpu.memory_space<hbm>>
        %dma_start3A_416 = arith.constant 0 : i32
        %dma_start3A_417 = tpu.memref_slice %arg10[%arg1, %dma_start3A_416] : memref<16x10000xf32, #tpu.memory_space<hbm>> -> memref<1x10000xf32, #tpu.memory_space<hbm>>
        %dma_start3A_418 = tpu.memref_squeeze %dma_start3A_417 : memref<1x10000xf32, #tpu.memory_space<hbm>> -> memref<10000xf32, #tpu.memory_space<hbm>>
        tpu.enqueue_dma source(%arg24 : memref<10000xf32, #tpu.memory_space<vmem>>) target(%dma_start3A_418 : memref<10000xf32, #tpu.memory_space<hbm>>) target_semaphore(%run_scoped3A : memref<!tpu.dma_semaphore, #tpu.memory_space<semaphore_mem>>)
        %dma_wait3A_419 = arith.constant 0 : i32
        %dma_wait3A_420 = tpu.memref_slice %arg10[%arg1, %dma_wait3A_419] : memref<16x10000xf32, #tpu.memory_space<hbm>> -> memref<1x10000xf32, #tpu.memory_space<hbm>>
        %dma_wait3A_421 = tpu.memref_squeeze %dma_wait3A_420 : memref<1x10000xf32, #tpu.memory_space<hbm>> -> memref<10000xf32, #tpu.memory_space<hbm>>
        %dma_wait3A_422 = arith.constant 0 : i32
        %dma_wait3A_423 = tpu.memref_slice %arg10[%arg1, %dma_wait3A_422] : memref<16x10000xf32, #tpu.memory_space<hbm>> -> memref<1x10000xf32, #tpu.memory_space<hbm>>
        %dma_wait3A_424 = tpu.memref_squeeze %dma_wait3A_423 : memref<1x10000xf32, #tpu.memory_space<hbm>> -> memref<10000xf32, #tpu.memory_space<hbm>>
        tpu.wait_dma2 semaphore(%run_scoped3A : memref<!tpu.dma_semaphore, #tpu.memory_space<semaphore_mem>>) src(%arg24 : memref<10000xf32, #tpu.memory_space<vmem>>) dst(%dma_wait3A_424 : memref<10000xf32, #tpu.memory_space<hbm>>)
        tpu.yield
      }) : () -> ()
    } else {
    }
    return
  }
}

#map = affine_map<(d0, d1) -> (0, 0)>
#map1 = affine_map<(d0, d1) -> (0, 0, 0)>
module attributes {stable_mosaic.version = 14 : i64} {
  func.func @_edge_kernel(%arg0: i32, %arg1: i32, %arg2: memref<10000x128xf32, #tpu.memory_space<hbm>>, %arg3: memref<32x200x50xi32, #tpu.memory_space<hbm>>, %arg4: memref<32x200x50xi32, #tpu.memory_space<hbm>>, %arg5: memref<320000x128xf32, #tpu.memory_space<hbm>>, %arg6: memref<200x50xi32, #tpu.memory_space<vmem>>, %arg7: memref<200x50xi32, #tpu.memory_space<vmem>>, %arg8: memref<50x128xf32, #tpu.memory_space<vmem>>, %arg9: memref<50x128xf32, #tpu.memory_space<vmem>>, %arg10: memref<50x128xf32, #tpu.memory_space<vmem>>, %arg11: memref<50x128xf32, #tpu.memory_space<vmem>>, %arg12: memref<10000x128xf32, #tpu.memory_space<vmem_shared>>, %arg13: memref<!tpu.dma_semaphore, #tpu.memory_space<semaphore_mem>>, %arg14: memref<!tpu.dma_semaphore, #tpu.memory_space<semaphore_mem>>, %arg15: memref<!tpu.dma_semaphore, #tpu.memory_space<semaphore_mem>>, %arg16: memref<!tpu.dma_semaphore, #tpu.memory_space<semaphore_mem>>, %arg17: memref<!tpu.dma_semaphore, #tpu.memory_space<semaphore_mem>>, %arg18: memref<!tpu.dma_semaphore, #tpu.memory_space<semaphore_mem>>, %arg19: memref<!tpu.dma_semaphore, #tpu.memory_space<semaphore_mem>>, %arg20: memref<!tpu.dma_semaphore, #tpu.memory_space<semaphore_mem>>, %arg21: memref<!tpu.dma_semaphore, #tpu.memory_space<semaphore_mem>>, %arg22: memref<!tpu.dma_semaphore, #tpu.memory_space<semaphore_mem>>, %arg23: memref<!tpu.dma_semaphore, #tpu.memory_space<semaphore_mem>>, %arg24: memref<!tpu.dma_semaphore, #tpu.memory_space<semaphore_mem>>) attributes {dimension_semantics = [#tpu.dimension_semantics<core_parallel>, #tpu.dimension_semantics<subcore_parallel>], iteration_bounds = array<i64: 2, 16>, scalar_prefetch = 0 : i64, scratch_operands = 19 : i64, tpu.core_type = #tpu.core_type<sc_vector_subcore>, window_params = [{transform_indices = #map}, {transform_indices = #map1}, {transform_indices = #map1}, {transform_indices = #map}]} {
    %mul3A = arith.constant 16 : i32
    %mul3A_0 = arith.muli %arg0, %mul3A : i32
    %add3A = arith.addi %mul3A_0, %arg1 : i32
    %mul3A_1 = arith.constant 625 : i32
    %mul3A_2 = arith.muli %arg1, %mul3A_1 : i32
    %mul3A_3 = arith.constant 625 : i32
    %mul3A_4 = arith.muli %arg1, %mul3A_3 : i32
    %dma_start3A = arith.constant 0 : i32
    %dma_start3A_5 = tpu.memref_slice %arg12[%mul3A_4, %dma_start3A] : memref<10000x128xf32, #tpu.memory_space<vmem_shared>> -> memref<625x128xf32, #tpu.memory_space<vmem_shared>>
    %dma_start3A_6 = arith.constant 0 : i32
    %dma_start3A_7 = tpu.memref_slice %arg2[%mul3A_2, %dma_start3A_6] : memref<10000x128xf32, #tpu.memory_space<hbm>> -> memref<625x128xf32, #tpu.memory_space<hbm>>
    tpu.enqueue_dma source(%dma_start3A_7 : memref<625x128xf32, #tpu.memory_space<hbm>>) target(%dma_start3A_5 : memref<625x128xf32, #tpu.memory_space<vmem_shared>>) target_semaphore(%arg13 : memref<!tpu.dma_semaphore, #tpu.memory_space<semaphore_mem>>)
    %dma_start3A_8 = arith.constant 0 : i32
    %dma_start3A_9 = arith.constant 0 : i32
    %dma_start3A_10 = tpu.memref_slice %arg3[%add3A, %dma_start3A_8, %dma_start3A_9] : memref<32x200x50xi32, #tpu.memory_space<hbm>> -> memref<1x200x50xi32, #tpu.memory_space<hbm>>
    %dma_start3A_11 = tpu.memref_squeeze %dma_start3A_10 : memref<1x200x50xi32, #tpu.memory_space<hbm>> -> memref<200x50xi32, #tpu.memory_space<hbm>>
    %dma_start3A_12 = arith.constant 0 : i32
    %dma_start3A_13 = arith.constant 0 : i32
    %dma_start3A_14 = tpu.memref_slice %arg3[%add3A, %dma_start3A_12, %dma_start3A_13] : memref<32x200x50xi32, #tpu.memory_space<hbm>> -> memref<1x200x50xi32, #tpu.memory_space<hbm>>
    %dma_start3A_15 = tpu.memref_squeeze %dma_start3A_14 : memref<1x200x50xi32, #tpu.memory_space<hbm>> -> memref<200x50xi32, #tpu.memory_space<hbm>>
    tpu.enqueue_dma source(%dma_start3A_15 : memref<200x50xi32, #tpu.memory_space<hbm>>) target(%arg6 : memref<200x50xi32, #tpu.memory_space<vmem>>) target_semaphore(%arg17 : memref<!tpu.dma_semaphore, #tpu.memory_space<semaphore_mem>>)
    %dma_start3A_16 = arith.constant 0 : i32
    %dma_start3A_17 = arith.constant 0 : i32
    %dma_start3A_18 = tpu.memref_slice %arg4[%add3A, %dma_start3A_16, %dma_start3A_17] : memref<32x200x50xi32, #tpu.memory_space<hbm>> -> memref<1x200x50xi32, #tpu.memory_space<hbm>>
    %dma_start3A_19 = tpu.memref_squeeze %dma_start3A_18 : memref<1x200x50xi32, #tpu.memory_space<hbm>> -> memref<200x50xi32, #tpu.memory_space<hbm>>
    %dma_start3A_20 = arith.constant 0 : i32
    %dma_start3A_21 = arith.constant 0 : i32
    %dma_start3A_22 = tpu.memref_slice %arg4[%add3A, %dma_start3A_20, %dma_start3A_21] : memref<32x200x50xi32, #tpu.memory_space<hbm>> -> memref<1x200x50xi32, #tpu.memory_space<hbm>>
    %dma_start3A_23 = tpu.memref_squeeze %dma_start3A_22 : memref<1x200x50xi32, #tpu.memory_space<hbm>> -> memref<200x50xi32, #tpu.memory_space<hbm>>
    tpu.enqueue_dma source(%dma_start3A_23 : memref<200x50xi32, #tpu.memory_space<hbm>>) target(%arg7 : memref<200x50xi32, #tpu.memory_space<vmem>>) target_semaphore(%arg21 : memref<!tpu.dma_semaphore, #tpu.memory_space<semaphore_mem>>)
    %mul3A_24 = arith.constant 625 : i32
    %mul3A_25 = arith.muli %arg1, %mul3A_24 : i32
    %mul3A_26 = arith.constant 625 : i32
    %mul3A_27 = arith.muli %arg1, %mul3A_26 : i32
    %dma_wait3A = arith.constant 0 : i32
    %dma_wait3A_28 = tpu.memref_slice %arg12[%mul3A_27, %dma_wait3A] : memref<10000x128xf32, #tpu.memory_space<vmem_shared>> -> memref<625x128xf32, #tpu.memory_space<vmem_shared>>
    %dma_wait3A_29 = arith.constant 0 : i32
    %dma_wait3A_30 = tpu.memref_slice %arg2[%mul3A_25, %dma_wait3A_29] : memref<10000x128xf32, #tpu.memory_space<hbm>> -> memref<625x128xf32, #tpu.memory_space<hbm>>
    tpu.wait_dma2 semaphore(%arg13 : memref<!tpu.dma_semaphore, #tpu.memory_space<semaphore_mem>>) src(%dma_wait3A_30 : memref<625x128xf32, #tpu.memory_space<hbm>>) dst(%dma_wait3A_28 : memref<625x128xf32, #tpu.memory_space<vmem_shared>>)
    %dma_wait3A_31 = arith.constant 0 : i32
    %dma_wait3A_32 = arith.constant 0 : i32
    %dma_wait3A_33 = tpu.memref_slice %arg3[%add3A, %dma_wait3A_31, %dma_wait3A_32] : memref<32x200x50xi32, #tpu.memory_space<hbm>> -> memref<1x200x50xi32, #tpu.memory_space<hbm>>
    %dma_wait3A_34 = tpu.memref_squeeze %dma_wait3A_33 : memref<1x200x50xi32, #tpu.memory_space<hbm>> -> memref<200x50xi32, #tpu.memory_space<hbm>>
    %dma_wait3A_35 = arith.constant 0 : i32
    %dma_wait3A_36 = arith.constant 0 : i32
    %dma_wait3A_37 = tpu.memref_slice %arg3[%add3A, %dma_wait3A_35, %dma_wait3A_36] : memref<32x200x50xi32, #tpu.memory_space<hbm>> -> memref<1x200x50xi32, #tpu.memory_space<hbm>>
    %dma_wait3A_38 = tpu.memref_squeeze %dma_wait3A_37 : memref<1x200x50xi32, #tpu.memory_space<hbm>> -> memref<200x50xi32, #tpu.memory_space<hbm>>
    tpu.wait_dma2 semaphore(%arg17 : memref<!tpu.dma_semaphore, #tpu.memory_space<semaphore_mem>>) src(%dma_wait3A_38 : memref<200x50xi32, #tpu.memory_space<hbm>>) dst(%arg6 : memref<200x50xi32, #tpu.memory_space<vmem>>)
    %dma_wait3A_39 = arith.constant 0 : i32
    %dma_wait3A_40 = arith.constant 0 : i32
    %dma_wait3A_41 = tpu.memref_slice %arg4[%add3A, %dma_wait3A_39, %dma_wait3A_40] : memref<32x200x50xi32, #tpu.memory_space<hbm>> -> memref<1x200x50xi32, #tpu.memory_space<hbm>>
    %dma_wait3A_42 = tpu.memref_squeeze %dma_wait3A_41 : memref<1x200x50xi32, #tpu.memory_space<hbm>> -> memref<200x50xi32, #tpu.memory_space<hbm>>
    %dma_wait3A_43 = arith.constant 0 : i32
    %dma_wait3A_44 = arith.constant 0 : i32
    %dma_wait3A_45 = tpu.memref_slice %arg4[%add3A, %dma_wait3A_43, %dma_wait3A_44] : memref<32x200x50xi32, #tpu.memory_space<hbm>> -> memref<1x200x50xi32, #tpu.memory_space<hbm>>
    %dma_wait3A_46 = tpu.memref_squeeze %dma_wait3A_45 : memref<1x200x50xi32, #tpu.memory_space<hbm>> -> memref<200x50xi32, #tpu.memory_space<hbm>>
    tpu.wait_dma2 semaphore(%arg21 : memref<!tpu.dma_semaphore, #tpu.memory_space<semaphore_mem>>) src(%dma_wait3A_46 : memref<200x50xi32, #tpu.memory_space<hbm>>) dst(%arg7 : memref<200x50xi32, #tpu.memory_space<vmem>>)
    %barrier3A = arith.constant 0 : index
    tpu.barrier barrier_id(%barrier3A)
    %mul3A_47 = arith.constant 10000 : i32
    %mul3A_48 = arith.muli %add3A, %mul3A_47 : i32
    %dma_start3A_49 = arith.constant 0 : i32
    %dma_start3A_50 = arith.constant 0 : i32
    %dma_start3A_51 = tpu.memref_slice %arg6[%dma_start3A_49, %dma_start3A_50] : memref<200x50xi32, #tpu.memory_space<vmem>> -> memref<1x50xi32, #tpu.memory_space<vmem>>
    %dma_start3A_52 = tpu.memref_squeeze %dma_start3A_51 : memref<1x50xi32, #tpu.memory_space<vmem>> -> memref<50xi32, #tpu.memory_space<vmem>>
    %dma_start3A_53 = arith.constant 0 : i32
    %dma_start3A_54 = arith.constant 0 : i32
    %dma_start3A_55 = tpu.memref_slice %arg12[%dma_start3A_53, %dma_start3A_54] : memref<10000x128xf32, #tpu.memory_space<vmem_shared>> -> memref<10000x128xf32, #tpu.memory_space<vmem_shared>>
    tpu.enqueue_indirect_dma source(%dma_start3A_55 : memref<10000x128xf32, #tpu.memory_space<vmem_shared>>) target(%arg8 : memref<50x128xf32, #tpu.memory_space<vmem>>) offsets(%dma_start3A_52 : memref<50xi32, #tpu.memory_space<vmem>>) semaphore(%arg13 : memref<!tpu.dma_semaphore, #tpu.memory_space<semaphore_mem>>)
    %dma_start3A_56 = arith.constant 1 : i32
    %dma_start3A_57 = arith.constant 0 : i32
    %dma_start3A_58 = tpu.memref_slice %arg6[%dma_start3A_56, %dma_start3A_57] : memref<200x50xi32, #tpu.memory_space<vmem>> -> memref<1x50xi32, #tpu.memory_space<vmem>>
    %dma_start3A_59 = tpu.memref_squeeze %dma_start3A_58 : memref<1x50xi32, #tpu.memory_space<vmem>> -> memref<50xi32, #tpu.memory_space<vmem>>
    %dma_start3A_60 = arith.constant 0 : i32
    %dma_start3A_61 = arith.constant 0 : i32
    %dma_start3A_62 = tpu.memref_slice %arg12[%dma_start3A_60, %dma_start3A_61] : memref<10000x128xf32, #tpu.memory_space<vmem_shared>> -> memref<10000x128xf32, #tpu.memory_space<vmem_shared>>
    tpu.enqueue_indirect_dma source(%dma_start3A_62 : memref<10000x128xf32, #tpu.memory_space<vmem_shared>>) target(%arg9 : memref<50x128xf32, #tpu.memory_space<vmem>>) offsets(%dma_start3A_59 : memref<50xi32, #tpu.memory_space<vmem>>) semaphore(%arg14 : memref<!tpu.dma_semaphore, #tpu.memory_space<semaphore_mem>>)
    %scan3A = arith.constant 0 : i32
    %scan3A_63 = arith.constant 50 : i32
    %scan3A_64 = arith.addi %scan3A, %scan3A_63 : i32
    %scan3A_65 = arith.constant 1 : i32
    scf.for %scan3A_83 = %scan3A to %scan3A_64 step %scan3A_65  : i32 {
      %mul3A_84 = arith.constant 1 : i32
      %mul3A_85 = arith.muli %scan3A_83, %mul3A_84 : i32
      %add3A_86 = arith.constant 0 : i32
      %add3A_87 = arith.addi %add3A_86, %mul3A_85 : i32
      %mul3A_88 = arith.constant 4 : i32
      %mul3A_89 = arith.muli %add3A_87, %mul3A_88 : i32
      %add3A_90 = arith.constant 0 : i32
      %add3A_91 = arith.addi %mul3A_89, %add3A_90 : i32
      %dma_wait3A_92 = arith.constant 0 : i32
      %dma_wait3A_93 = arith.constant 0 : i32
      %dma_wait3A_94 = tpu.memref_slice %arg6[%dma_wait3A_92, %dma_wait3A_93] : memref<200x50xi32, #tpu.memory_space<vmem>> -> memref<1x50xi32, #tpu.memory_space<vmem>>
      %dma_wait3A_95 = tpu.memref_squeeze %dma_wait3A_94 : memref<1x50xi32, #tpu.memory_space<vmem>> -> memref<50xi32, #tpu.memory_space<vmem>>
      %dma_wait3A_96 = arith.constant 0 : i32
      %dma_wait3A_97 = arith.constant 0 : i32
      %dma_wait3A_98 = tpu.memref_slice %arg12[%dma_wait3A_96, %dma_wait3A_97] : memref<10000x128xf32, #tpu.memory_space<vmem_shared>> -> memref<10000x128xf32, #tpu.memory_space<vmem_shared>>
      tpu.wait_indirect_dma semaphore(%arg13 : memref<!tpu.dma_semaphore, #tpu.memory_space<semaphore_mem>>) src(%dma_wait3A_98 : memref<10000x128xf32, #tpu.memory_space<vmem_shared>>) dst(%arg8 : memref<50x128xf32, #tpu.memory_space<vmem>>)
      %dma_start3A_99 = arith.constant 0 : i32
      %dma_start3A_100 = tpu.memref_slice %arg7[%add3A_91, %dma_start3A_99] : memref<200x50xi32, #tpu.memory_space<vmem>> -> memref<1x50xi32, #tpu.memory_space<vmem>>
      %dma_start3A_101 = tpu.memref_squeeze %dma_start3A_100 : memref<1x50xi32, #tpu.memory_space<vmem>> -> memref<50xi32, #tpu.memory_space<vmem>>
      %dma_start3A_102 = arith.constant 0 : i32
      %dma_start3A_103 = arith.constant 0 : i32
      %dma_start3A_104 = tpu.memref_slice %arg12[%dma_start3A_102, %dma_start3A_103] : memref<10000x128xf32, #tpu.memory_space<vmem_shared>> -> memref<10000x128xf32, #tpu.memory_space<vmem_shared>>
      tpu.enqueue_indirect_dma source(%dma_start3A_104 : memref<10000x128xf32, #tpu.memory_space<vmem_shared>>) target(%arg8 : memref<50x128xf32, #tpu.memory_space<vmem>>) offsets(%dma_start3A_101 : memref<50xi32, #tpu.memory_space<vmem>>) semaphore(%arg17 : memref<!tpu.dma_semaphore, #tpu.memory_space<semaphore_mem>>) {add = true}
      %dma_wait3A_105 = arith.constant 0 : i32
      %dma_wait3A_106 = arith.constant 0 : i32
      %dma_wait3A_107 = tpu.memref_slice %arg7[%dma_wait3A_105, %dma_wait3A_106] : memref<200x50xi32, #tpu.memory_space<vmem>> -> memref<1x50xi32, #tpu.memory_space<vmem>>
      %dma_wait3A_108 = tpu.memref_squeeze %dma_wait3A_107 : memref<1x50xi32, #tpu.memory_space<vmem>> -> memref<50xi32, #tpu.memory_space<vmem>>
      %dma_wait3A_109 = arith.constant 0 : i32
      %dma_wait3A_110 = arith.constant 0 : i32
      %dma_wait3A_111 = tpu.memref_slice %arg12[%dma_wait3A_109, %dma_wait3A_110] : memref<10000x128xf32, #tpu.memory_space<vmem_shared>> -> memref<10000x128xf32, #tpu.memory_space<vmem_shared>>
      tpu.wait_indirect_dma semaphore(%arg17 : memref<!tpu.dma_semaphore, #tpu.memory_space<semaphore_mem>>) src(%dma_wait3A_111 : memref<10000x128xf32, #tpu.memory_space<vmem_shared>>) dst(%arg8 : memref<50x128xf32, #tpu.memory_space<vmem>>)
      %mul3A_112 = arith.constant 50 : i32
      %mul3A_113 = arith.muli %add3A_91, %mul3A_112 : i32
      %add3A_114 = arith.addi %mul3A_48, %mul3A_113 : i32
      %dma_start3A_115 = arith.constant 0 : i32
      %dma_start3A_116 = tpu.memref_slice %arg5[%add3A_114, %dma_start3A_115] : memref<320000x128xf32, #tpu.memory_space<hbm>> -> memref<50x128xf32, #tpu.memory_space<hbm>>
      %dma_start3A_117 = arith.constant 0 : i32
      %dma_start3A_118 = tpu.memref_slice %arg5[%add3A_114, %dma_start3A_117] : memref<320000x128xf32, #tpu.memory_space<hbm>> -> memref<50x128xf32, #tpu.memory_space<hbm>>
      tpu.enqueue_dma source(%arg8 : memref<50x128xf32, #tpu.memory_space<vmem>>) target(%dma_start3A_118 : memref<50x128xf32, #tpu.memory_space<hbm>>) target_semaphore(%arg21 : memref<!tpu.dma_semaphore, #tpu.memory_space<semaphore_mem>>)
      %add3A_119 = arith.constant 2 : i32
      %add3A_120 = arith.addi %add3A_91, %add3A_119 : i32
      %lt3A = arith.constant 200 : i32
      %lt3A_121 = arith.cmpi slt, %add3A_120, %lt3A : i32
      %convert_element_type3A = arith.extui %lt3A_121 : i1 to i32
      %cond3A = arith.constant 0 : i32
      %cond3A_122 = arith.cmpi ne, %convert_element_type3A, %cond3A : i32
      scf.if %cond3A_122 {
        %ge3A = arith.constant 2 : i32
        %ge3A_237 = arith.cmpi sge, %add3A_91, %ge3A : i32
        %convert_element_type3A_238 = arith.extui %ge3A_237 : i1 to i32
        %cond3A_239 = arith.constant 0 : i32
        %cond3A_240 = arith.cmpi ne, %convert_element_type3A_238, %cond3A_239 : i32
        scf.if %cond3A_240 {
          %dma_wait3A_249 = arith.constant 0 : i32
          %dma_wait3A_250 = tpu.memref_slice %arg5[%mul3A_48, %dma_wait3A_249] : memref<320000x128xf32, #tpu.memory_space<hbm>> -> memref<50x128xf32, #tpu.memory_space<hbm>>
          %dma_wait3A_251 = arith.constant 0 : i32
          %dma_wait3A_252 = tpu.memref_slice %arg5[%mul3A_48, %dma_wait3A_251] : memref<320000x128xf32, #tpu.memory_space<hbm>> -> memref<50x128xf32, #tpu.memory_space<hbm>>
          tpu.wait_dma2 semaphore(%arg23 : memref<!tpu.dma_semaphore, #tpu.memory_space<semaphore_mem>>) src(%arg10 : memref<50x128xf32, #tpu.memory_space<vmem>>) dst(%dma_wait3A_252 : memref<50x128xf32, #tpu.memory_space<hbm>>)
        } else {
        }
        %add3A_241 = arith.constant 2 : i32
        %add3A_242 = arith.addi %add3A_91, %add3A_241 : i32
        %dma_start3A_243 = arith.constant 0 : i32
        %dma_start3A_244 = tpu.memref_slice %arg6[%add3A_242, %dma_start3A_243] : memref<200x50xi32, #tpu.memory_space<vmem>> -> memref<1x50xi32, #tpu.memory_space<vmem>>
        %dma_start3A_245 = tpu.memref_squeeze %dma_start3A_244 : memref<1x50xi32, #tpu.memory_space<vmem>> -> memref<50xi32, #tpu.memory_space<vmem>>
        %dma_start3A_246 = arith.constant 0 : i32
        %dma_start3A_247 = arith.constant 0 : i32
        %dma_start3A_248 = tpu.memref_slice %arg12[%dma_start3A_246, %dma_start3A_247] : memref<10000x128xf32, #tpu.memory_space<vmem_shared>> -> memref<10000x128xf32, #tpu.memory_space<vmem_shared>>
        tpu.enqueue_indirect_dma source(%dma_start3A_248 : memref<10000x128xf32, #tpu.memory_space<vmem_shared>>) target(%arg10 : memref<50x128xf32, #tpu.memory_space<vmem>>) offsets(%dma_start3A_245 : memref<50xi32, #tpu.memory_space<vmem>>) semaphore(%arg15 : memref<!tpu.dma_semaphore, #tpu.memory_space<semaphore_mem>>)
      } else {
      }
      %mul3A_123 = arith.constant 4 : i32
      %mul3A_124 = arith.muli %add3A_87, %mul3A_123 : i32
      %add3A_125 = arith.constant 1 : i32
      %add3A_126 = arith.addi %mul3A_124, %add3A_125 : i32
      %dma_wait3A_127 = arith.constant 0 : i32
      %dma_wait3A_128 = arith.constant 0 : i32
      %dma_wait3A_129 = tpu.memref_slice %arg6[%dma_wait3A_127, %dma_wait3A_128] : memref<200x50xi32, #tpu.memory_space<vmem>> -> memref<1x50xi32, #tpu.memory_space<vmem>>
      %dma_wait3A_130 = tpu.memref_squeeze %dma_wait3A_129 : memref<1x50xi32, #tpu.memory_space<vmem>> -> memref<50xi32, #tpu.memory_space<vmem>>
      %dma_wait3A_131 = arith.constant 0 : i32
      %dma_wait3A_132 = arith.constant 0 : i32
      %dma_wait3A_133 = tpu.memref_slice %arg12[%dma_wait3A_131, %dma_wait3A_132] : memref<10000x128xf32, #tpu.memory_space<vmem_shared>> -> memref<10000x128xf32, #tpu.memory_space<vmem_shared>>
      tpu.wait_indirect_dma semaphore(%arg14 : memref<!tpu.dma_semaphore, #tpu.memory_space<semaphore_mem>>) src(%dma_wait3A_133 : memref<10000x128xf32, #tpu.memory_space<vmem_shared>>) dst(%arg9 : memref<50x128xf32, #tpu.memory_space<vmem>>)
      %dma_start3A_134 = arith.constant 0 : i32
      %dma_start3A_135 = tpu.memref_slice %arg7[%add3A_126, %dma_start3A_134] : memref<200x50xi32, #tpu.memory_space<vmem>> -> memref<1x50xi32, #tpu.memory_space<vmem>>
      %dma_start3A_136 = tpu.memref_squeeze %dma_start3A_135 : memref<1x50xi32, #tpu.memory_space<vmem>> -> memref<50xi32, #tpu.memory_space<vmem>>
      %dma_start3A_137 = arith.constant 0 : i32
      %dma_start3A_138 = arith.constant 0 : i32
      %dma_start3A_139 = tpu.memref_slice %arg12[%dma_start3A_137, %dma_start3A_138] : memref<10000x128xf32, #tpu.memory_space<vmem_shared>> -> memref<10000x128xf32, #tpu.memory_space<vmem_shared>>
      tpu.enqueue_indirect_dma source(%dma_start3A_139 : memref<10000x128xf32, #tpu.memory_space<vmem_shared>>) target(%arg9 : memref<50x128xf32, #tpu.memory_space<vmem>>) offsets(%dma_start3A_136 : memref<50xi32, #tpu.memory_space<vmem>>) semaphore(%arg18 : memref<!tpu.dma_semaphore, #tpu.memory_space<semaphore_mem>>) {add = true}
      %dma_wait3A_140 = arith.constant 0 : i32
      %dma_wait3A_141 = arith.constant 0 : i32
      %dma_wait3A_142 = tpu.memref_slice %arg7[%dma_wait3A_140, %dma_wait3A_141] : memref<200x50xi32, #tpu.memory_space<vmem>> -> memref<1x50xi32, #tpu.memory_space<vmem>>
      %dma_wait3A_143 = tpu.memref_squeeze %dma_wait3A_142 : memref<1x50xi32, #tpu.memory_space<vmem>> -> memref<50xi32, #tpu.memory_space<vmem>>
      %dma_wait3A_144 = arith.constant 0 : i32
      %dma_wait3A_145 = arith.constant 0 : i32
      %dma_wait3A_146 = tpu.memref_slice %arg12[%dma_wait3A_144, %dma_wait3A_145] : memref<10000x128xf32, #tpu.memory_space<vmem_shared>> -> memref<10000x128xf32, #tpu.memory_space<vmem_shared>>
      tpu.wait_indirect_dma semaphore(%arg18 : memref<!tpu.dma_semaphore, #tpu.memory_space<semaphore_mem>>) src(%dma_wait3A_146 : memref<10000x128xf32, #tpu.memory_space<vmem_shared>>) dst(%arg9 : memref<50x128xf32, #tpu.memory_space<vmem>>)
      %mul3A_147 = arith.constant 50 : i32
      %mul3A_148 = arith.muli %add3A_126, %mul3A_147 : i32
      %add3A_149 = arith.addi %mul3A_48, %mul3A_148 : i32
      %dma_start3A_150 = arith.constant 0 : i32
      %dma_start3A_151 = tpu.memref_slice %arg5[%add3A_149, %dma_start3A_150] : memref<320000x128xf32, #tpu.memory_space<hbm>> -> memref<50x128xf32, #tpu.memory_space<hbm>>
      %dma_start3A_152 = arith.constant 0 : i32
      %dma_start3A_153 = tpu.memref_slice %arg5[%add3A_149, %dma_start3A_152] : memref<320000x128xf32, #tpu.memory_space<hbm>> -> memref<50x128xf32, #tpu.memory_space<hbm>>
      tpu.enqueue_dma source(%arg9 : memref<50x128xf32, #tpu.memory_space<vmem>>) target(%dma_start3A_153 : memref<50x128xf32, #tpu.memory_space<hbm>>) target_semaphore(%arg22 : memref<!tpu.dma_semaphore, #tpu.memory_space<semaphore_mem>>)
      %add3A_154 = arith.constant 2 : i32
      %add3A_155 = arith.addi %add3A_126, %add3A_154 : i32
      %lt3A_156 = arith.constant 200 : i32
      %lt3A_157 = arith.cmpi slt, %add3A_155, %lt3A_156 : i32
      %convert_element_type3A_158 = arith.extui %lt3A_157 : i1 to i32
      %cond3A_159 = arith.constant 0 : i32
      %cond3A_160 = arith.cmpi ne, %convert_element_type3A_158, %cond3A_159 : i32
      scf.if %cond3A_160 {
        %ge3A = arith.constant 2 : i32
        %ge3A_237 = arith.cmpi sge, %add3A_126, %ge3A : i32
        %convert_element_type3A_238 = arith.extui %ge3A_237 : i1 to i32
        %cond3A_239 = arith.constant 0 : i32
        %cond3A_240 = arith.cmpi ne, %convert_element_type3A_238, %cond3A_239 : i32
        scf.if %cond3A_240 {
          %dma_wait3A_249 = arith.constant 0 : i32
          %dma_wait3A_250 = tpu.memref_slice %arg5[%mul3A_48, %dma_wait3A_249] : memref<320000x128xf32, #tpu.memory_space<hbm>> -> memref<50x128xf32, #tpu.memory_space<hbm>>
          %dma_wait3A_251 = arith.constant 0 : i32
          %dma_wait3A_252 = tpu.memref_slice %arg5[%mul3A_48, %dma_wait3A_251] : memref<320000x128xf32, #tpu.memory_space<hbm>> -> memref<50x128xf32, #tpu.memory_space<hbm>>
          tpu.wait_dma2 semaphore(%arg24 : memref<!tpu.dma_semaphore, #tpu.memory_space<semaphore_mem>>) src(%arg11 : memref<50x128xf32, #tpu.memory_space<vmem>>) dst(%dma_wait3A_252 : memref<50x128xf32, #tpu.memory_space<hbm>>)
        } else {
        }
        %add3A_241 = arith.constant 2 : i32
        %add3A_242 = arith.addi %add3A_126, %add3A_241 : i32
        %dma_start3A_243 = arith.constant 0 : i32
        %dma_start3A_244 = tpu.memref_slice %arg6[%add3A_242, %dma_start3A_243] : memref<200x50xi32, #tpu.memory_space<vmem>> -> memref<1x50xi32, #tpu.memory_space<vmem>>
        %dma_start3A_245 = tpu.memref_squeeze %dma_start3A_244 : memref<1x50xi32, #tpu.memory_space<vmem>> -> memref<50xi32, #tpu.memory_space<vmem>>
        %dma_start3A_246 = arith.constant 0 : i32
        %dma_start3A_247 = arith.constant 0 : i32
        %dma_start3A_248 = tpu.memref_slice %arg12[%dma_start3A_246, %dma_start3A_247] : memref<10000x128xf32, #tpu.memory_space<vmem_shared>> -> memref<10000x128xf32, #tpu.memory_space<vmem_shared>>
        tpu.enqueue_indirect_dma source(%dma_start3A_248 : memref<10000x128xf32, #tpu.memory_space<vmem_shared>>) target(%arg11 : memref<50x128xf32, #tpu.memory_space<vmem>>) offsets(%dma_start3A_245 : memref<50xi32, #tpu.memory_space<vmem>>) semaphore(%arg16 : memref<!tpu.dma_semaphore, #tpu.memory_space<semaphore_mem>>)
      } else {
      }
      %mul3A_161 = arith.constant 4 : i32
      %mul3A_162 = arith.muli %add3A_87, %mul3A_161 : i32
      %add3A_163 = arith.constant 2 : i32
      %add3A_164 = arith.addi %mul3A_162, %add3A_163 : i32
      %dma_wait3A_165 = arith.constant 0 : i32
      %dma_wait3A_166 = arith.constant 0 : i32
      %dma_wait3A_167 = tpu.memref_slice %arg6[%dma_wait3A_165, %dma_wait3A_166] : memref<200x50xi32, #tpu.memory_space<vmem>> -> memref<1x50xi32, #tpu.memory_space<vmem>>
      %dma_wait3A_168 = tpu.memref_squeeze %dma_wait3A_167 : memref<1x50xi32, #tpu.memory_space<vmem>> -> memref<50xi32, #tpu.memory_space<vmem>>
      %dma_wait3A_169 = arith.constant 0 : i32
      %dma_wait3A_170 = arith.constant 0 : i32
      %dma_wait3A_171 = tpu.memref_slice %arg12[%dma_wait3A_169, %dma_wait3A_170] : memref<10000x128xf32, #tpu.memory_space<vmem_shared>> -> memref<10000x128xf32, #tpu.memory_space<vmem_shared>>
      tpu.wait_indirect_dma semaphore(%arg15 : memref<!tpu.dma_semaphore, #tpu.memory_space<semaphore_mem>>) src(%dma_wait3A_171 : memref<10000x128xf32, #tpu.memory_space<vmem_shared>>) dst(%arg10 : memref<50x128xf32, #tpu.memory_space<vmem>>)
      %dma_start3A_172 = arith.constant 0 : i32
      %dma_start3A_173 = tpu.memref_slice %arg7[%add3A_164, %dma_start3A_172] : memref<200x50xi32, #tpu.memory_space<vmem>> -> memref<1x50xi32, #tpu.memory_space<vmem>>
      %dma_start3A_174 = tpu.memref_squeeze %dma_start3A_173 : memref<1x50xi32, #tpu.memory_space<vmem>> -> memref<50xi32, #tpu.memory_space<vmem>>
      %dma_start3A_175 = arith.constant 0 : i32
      %dma_start3A_176 = arith.constant 0 : i32
      %dma_start3A_177 = tpu.memref_slice %arg12[%dma_start3A_175, %dma_start3A_176] : memref<10000x128xf32, #tpu.memory_space<vmem_shared>> -> memref<10000x128xf32, #tpu.memory_space<vmem_shared>>
      tpu.enqueue_indirect_dma source(%dma_start3A_177 : memref<10000x128xf32, #tpu.memory_space<vmem_shared>>) target(%arg10 : memref<50x128xf32, #tpu.memory_space<vmem>>) offsets(%dma_start3A_174 : memref<50xi32, #tpu.memory_space<vmem>>) semaphore(%arg19 : memref<!tpu.dma_semaphore, #tpu.memory_space<semaphore_mem>>) {add = true}
      %dma_wait3A_178 = arith.constant 0 : i32
      %dma_wait3A_179 = arith.constant 0 : i32
      %dma_wait3A_180 = tpu.memref_slice %arg7[%dma_wait3A_178, %dma_wait3A_179] : memref<200x50xi32, #tpu.memory_space<vmem>> -> memref<1x50xi32, #tpu.memory_space<vmem>>
      %dma_wait3A_181 = tpu.memref_squeeze %dma_wait3A_180 : memref<1x50xi32, #tpu.memory_space<vmem>> -> memref<50xi32, #tpu.memory_space<vmem>>
      %dma_wait3A_182 = arith.constant 0 : i32
      %dma_wait3A_183 = arith.constant 0 : i32
      %dma_wait3A_184 = tpu.memref_slice %arg12[%dma_wait3A_182, %dma_wait3A_183] : memref<10000x128xf32, #tpu.memory_space<vmem_shared>> -> memref<10000x128xf32, #tpu.memory_space<vmem_shared>>
      tpu.wait_indirect_dma semaphore(%arg19 : memref<!tpu.dma_semaphore, #tpu.memory_space<semaphore_mem>>) src(%dma_wait3A_184 : memref<10000x128xf32, #tpu.memory_space<vmem_shared>>) dst(%arg10 : memref<50x128xf32, #tpu.memory_space<vmem>>)
      %mul3A_185 = arith.constant 50 : i32
      %mul3A_186 = arith.muli %add3A_164, %mul3A_185 : i32
      %add3A_187 = arith.addi %mul3A_48, %mul3A_186 : i32
      %dma_start3A_188 = arith.constant 0 : i32
      %dma_start3A_189 = tpu.memref_slice %arg5[%add3A_187, %dma_start3A_188] : memref<320000x128xf32, #tpu.memory_space<hbm>> -> memref<50x128xf32, #tpu.memory_space<hbm>>
      %dma_start3A_190 = arith.constant 0 : i32
      %dma_start3A_191 = tpu.memref_slice %arg5[%add3A_187, %dma_start3A_190] : memref<320000x128xf32, #tpu.memory_space<hbm>> -> memref<50x128xf32, #tpu.memory_space<hbm>>
      tpu.enqueue_dma source(%arg10 : memref<50x128xf32, #tpu.memory_space<vmem>>) target(%dma_start3A_191 : memref<50x128xf32, #tpu.memory_space<hbm>>) target_semaphore(%arg23 : memref<!tpu.dma_semaphore, #tpu.memory_space<semaphore_mem>>)
      %add3A_192 = arith.constant 2 : i32
      %add3A_193 = arith.addi %add3A_164, %add3A_192 : i32
      %lt3A_194 = arith.constant 200 : i32
      %lt3A_195 = arith.cmpi slt, %add3A_193, %lt3A_194 : i32
      %convert_element_type3A_196 = arith.extui %lt3A_195 : i1 to i32
      %cond3A_197 = arith.constant 0 : i32
      %cond3A_198 = arith.cmpi ne, %convert_element_type3A_196, %cond3A_197 : i32
      scf.if %cond3A_198 {
        %ge3A = arith.constant 2 : i32
        %ge3A_237 = arith.cmpi sge, %add3A_164, %ge3A : i32
        %convert_element_type3A_238 = arith.extui %ge3A_237 : i1 to i32
        %cond3A_239 = arith.constant 0 : i32
        %cond3A_240 = arith.cmpi ne, %convert_element_type3A_238, %cond3A_239 : i32
        scf.if %cond3A_240 {
          %dma_wait3A_249 = arith.constant 0 : i32
          %dma_wait3A_250 = tpu.memref_slice %arg5[%mul3A_48, %dma_wait3A_249] : memref<320000x128xf32, #tpu.memory_space<hbm>> -> memref<50x128xf32, #tpu.memory_space<hbm>>
          %dma_wait3A_251 = arith.constant 0 : i32
          %dma_wait3A_252 = tpu.memref_slice %arg5[%mul3A_48, %dma_wait3A_251] : memref<320000x128xf32, #tpu.memory_space<hbm>> -> memref<50x128xf32, #tpu.memory_space<hbm>>
          tpu.wait_dma2 semaphore(%arg21 : memref<!tpu.dma_semaphore, #tpu.memory_space<semaphore_mem>>) src(%arg8 : memref<50x128xf32, #tpu.memory_space<vmem>>) dst(%dma_wait3A_252 : memref<50x128xf32, #tpu.memory_space<hbm>>)
        } else {
        }
        %add3A_241 = arith.constant 2 : i32
        %add3A_242 = arith.addi %add3A_164, %add3A_241 : i32
        %dma_start3A_243 = arith.constant 0 : i32
        %dma_start3A_244 = tpu.memref_slice %arg6[%add3A_242, %dma_start3A_243] : memref<200x50xi32, #tpu.memory_space<vmem>> -> memref<1x50xi32, #tpu.memory_space<vmem>>
        %dma_start3A_245 = tpu.memref_squeeze %dma_start3A_244 : memref<1x50xi32, #tpu.memory_space<vmem>> -> memref<50xi32, #tpu.memory_space<vmem>>
        %dma_start3A_246 = arith.constant 0 : i32
        %dma_start3A_247 = arith.constant 0 : i32
        %dma_start3A_248 = tpu.memref_slice %arg12[%dma_start3A_246, %dma_start3A_247] : memref<10000x128xf32, #tpu.memory_space<vmem_shared>> -> memref<10000x128xf32, #tpu.memory_space<vmem_shared>>
        tpu.enqueue_indirect_dma source(%dma_start3A_248 : memref<10000x128xf32, #tpu.memory_space<vmem_shared>>) target(%arg8 : memref<50x128xf32, #tpu.memory_space<vmem>>) offsets(%dma_start3A_245 : memref<50xi32, #tpu.memory_space<vmem>>) semaphore(%arg13 : memref<!tpu.dma_semaphore, #tpu.memory_space<semaphore_mem>>)
      } else {
      }
      %mul3A_199 = arith.constant 4 : i32
      %mul3A_200 = arith.muli %add3A_87, %mul3A_199 : i32
      %add3A_201 = arith.constant 3 : i32
      %add3A_202 = arith.addi %mul3A_200, %add3A_201 : i32
      %dma_wait3A_203 = arith.constant 0 : i32
      %dma_wait3A_204 = arith.constant 0 : i32
      %dma_wait3A_205 = tpu.memref_slice %arg6[%dma_wait3A_203, %dma_wait3A_204] : memref<200x50xi32, #tpu.memory_space<vmem>> -> memref<1x50xi32, #tpu.memory_space<vmem>>
      %dma_wait3A_206 = tpu.memref_squeeze %dma_wait3A_205 : memref<1x50xi32, #tpu.memory_space<vmem>> -> memref<50xi32, #tpu.memory_space<vmem>>
      %dma_wait3A_207 = arith.constant 0 : i32
      %dma_wait3A_208 = arith.constant 0 : i32
      %dma_wait3A_209 = tpu.memref_slice %arg12[%dma_wait3A_207, %dma_wait3A_208] : memref<10000x128xf32, #tpu.memory_space<vmem_shared>> -> memref<10000x128xf32, #tpu.memory_space<vmem_shared>>
      tpu.wait_indirect_dma semaphore(%arg16 : memref<!tpu.dma_semaphore, #tpu.memory_space<semaphore_mem>>) src(%dma_wait3A_209 : memref<10000x128xf32, #tpu.memory_space<vmem_shared>>) dst(%arg11 : memref<50x128xf32, #tpu.memory_space<vmem>>)
      %dma_start3A_210 = arith.constant 0 : i32
      %dma_start3A_211 = tpu.memref_slice %arg7[%add3A_202, %dma_start3A_210] : memref<200x50xi32, #tpu.memory_space<vmem>> -> memref<1x50xi32, #tpu.memory_space<vmem>>
      %dma_start3A_212 = tpu.memref_squeeze %dma_start3A_211 : memref<1x50xi32, #tpu.memory_space<vmem>> -> memref<50xi32, #tpu.memory_space<vmem>>
      %dma_start3A_213 = arith.constant 0 : i32
      %dma_start3A_214 = arith.constant 0 : i32
      %dma_start3A_215 = tpu.memref_slice %arg12[%dma_start3A_213, %dma_start3A_214] : memref<10000x128xf32, #tpu.memory_space<vmem_shared>> -> memref<10000x128xf32, #tpu.memory_space<vmem_shared>>
      tpu.enqueue_indirect_dma source(%dma_start3A_215 : memref<10000x128xf32, #tpu.memory_space<vmem_shared>>) target(%arg11 : memref<50x128xf32, #tpu.memory_space<vmem>>) offsets(%dma_start3A_212 : memref<50xi32, #tpu.memory_space<vmem>>) semaphore(%arg20 : memref<!tpu.dma_semaphore, #tpu.memory_space<semaphore_mem>>) {add = true}
      %dma_wait3A_216 = arith.constant 0 : i32
      %dma_wait3A_217 = arith.constant 0 : i32
      %dma_wait3A_218 = tpu.memref_slice %arg7[%dma_wait3A_216, %dma_wait3A_217] : memref<200x50xi32, #tpu.memory_space<vmem>> -> memref<1x50xi32, #tpu.memory_space<vmem>>
      %dma_wait3A_219 = tpu.memref_squeeze %dma_wait3A_218 : memref<1x50xi32, #tpu.memory_space<vmem>> -> memref<50xi32, #tpu.memory_space<vmem>>
      %dma_wait3A_220 = arith.constant 0 : i32
      %dma_wait3A_221 = arith.constant 0 : i32
      %dma_wait3A_222 = tpu.memref_slice %arg12[%dma_wait3A_220, %dma_wait3A_221] : memref<10000x128xf32, #tpu.memory_space<vmem_shared>> -> memref<10000x128xf32, #tpu.memory_space<vmem_shared>>
      tpu.wait_indirect_dma semaphore(%arg20 : memref<!tpu.dma_semaphore, #tpu.memory_space<semaphore_mem>>) src(%dma_wait3A_222 : memref<10000x128xf32, #tpu.memory_space<vmem_shared>>) dst(%arg11 : memref<50x128xf32, #tpu.memory_space<vmem>>)
      %mul3A_223 = arith.constant 50 : i32
      %mul3A_224 = arith.muli %add3A_202, %mul3A_223 : i32
      %add3A_225 = arith.addi %mul3A_48, %mul3A_224 : i32
      %dma_start3A_226 = arith.constant 0 : i32
      %dma_start3A_227 = tpu.memref_slice %arg5[%add3A_225, %dma_start3A_226] : memref<320000x128xf32, #tpu.memory_space<hbm>> -> memref<50x128xf32, #tpu.memory_space<hbm>>
      %dma_start3A_228 = arith.constant 0 : i32
      %dma_start3A_229 = tpu.memref_slice %arg5[%add3A_225, %dma_start3A_228] : memref<320000x128xf32, #tpu.memory_space<hbm>> -> memref<50x128xf32, #tpu.memory_space<hbm>>
      tpu.enqueue_dma source(%arg11 : memref<50x128xf32, #tpu.memory_space<vmem>>) target(%dma_start3A_229 : memref<50x128xf32, #tpu.memory_space<hbm>>) target_semaphore(%arg24 : memref<!tpu.dma_semaphore, #tpu.memory_space<semaphore_mem>>)
      %add3A_230 = arith.constant 2 : i32
      %add3A_231 = arith.addi %add3A_202, %add3A_230 : i32
      %lt3A_232 = arith.constant 200 : i32
      %lt3A_233 = arith.cmpi slt, %add3A_231, %lt3A_232 : i32
      %convert_element_type3A_234 = arith.extui %lt3A_233 : i1 to i32
      %cond3A_235 = arith.constant 0 : i32
      %cond3A_236 = arith.cmpi ne, %convert_element_type3A_234, %cond3A_235 : i32
      scf.if %cond3A_236 {
        %ge3A = arith.constant 2 : i32
        %ge3A_237 = arith.cmpi sge, %add3A_202, %ge3A : i32
        %convert_element_type3A_238 = arith.extui %ge3A_237 : i1 to i32
        %cond3A_239 = arith.constant 0 : i32
        %cond3A_240 = arith.cmpi ne, %convert_element_type3A_238, %cond3A_239 : i32
        scf.if %cond3A_240 {
          %dma_wait3A_249 = arith.constant 0 : i32
          %dma_wait3A_250 = tpu.memref_slice %arg5[%mul3A_48, %dma_wait3A_249] : memref<320000x128xf32, #tpu.memory_space<hbm>> -> memref<50x128xf32, #tpu.memory_space<hbm>>
          %dma_wait3A_251 = arith.constant 0 : i32
          %dma_wait3A_252 = tpu.memref_slice %arg5[%mul3A_48, %dma_wait3A_251] : memref<320000x128xf32, #tpu.memory_space<hbm>> -> memref<50x128xf32, #tpu.memory_space<hbm>>
          tpu.wait_dma2 semaphore(%arg22 : memref<!tpu.dma_semaphore, #tpu.memory_space<semaphore_mem>>) src(%arg9 : memref<50x128xf32, #tpu.memory_space<vmem>>) dst(%dma_wait3A_252 : memref<50x128xf32, #tpu.memory_space<hbm>>)
        } else {
        }
        %add3A_241 = arith.constant 2 : i32
        %add3A_242 = arith.addi %add3A_202, %add3A_241 : i32
        %dma_start3A_243 = arith.constant 0 : i32
        %dma_start3A_244 = tpu.memref_slice %arg6[%add3A_242, %dma_start3A_243] : memref<200x50xi32, #tpu.memory_space<vmem>> -> memref<1x50xi32, #tpu.memory_space<vmem>>
        %dma_start3A_245 = tpu.memref_squeeze %dma_start3A_244 : memref<1x50xi32, #tpu.memory_space<vmem>> -> memref<50xi32, #tpu.memory_space<vmem>>
        %dma_start3A_246 = arith.constant 0 : i32
        %dma_start3A_247 = arith.constant 0 : i32
        %dma_start3A_248 = tpu.memref_slice %arg12[%dma_start3A_246, %dma_start3A_247] : memref<10000x128xf32, #tpu.memory_space<vmem_shared>> -> memref<10000x128xf32, #tpu.memory_space<vmem_shared>>
        tpu.enqueue_indirect_dma source(%dma_start3A_248 : memref<10000x128xf32, #tpu.memory_space<vmem_shared>>) target(%arg9 : memref<50x128xf32, #tpu.memory_space<vmem>>) offsets(%dma_start3A_245 : memref<50xi32, #tpu.memory_space<vmem>>) semaphore(%arg14 : memref<!tpu.dma_semaphore, #tpu.memory_space<semaphore_mem>>)
      } else {
      }
    }
    %scan3A_66 = arith.constant 50 : i32
    %dma_wait3A_67 = arith.constant 0 : i32
    %dma_wait3A_68 = tpu.memref_slice %arg5[%mul3A_48, %dma_wait3A_67] : memref<320000x128xf32, #tpu.memory_space<hbm>> -> memref<50x128xf32, #tpu.memory_space<hbm>>
    %dma_wait3A_69 = arith.constant 0 : i32
    %dma_wait3A_70 = tpu.memref_slice %arg5[%mul3A_48, %dma_wait3A_69] : memref<320000x128xf32, #tpu.memory_space<hbm>> -> memref<50x128xf32, #tpu.memory_space<hbm>>
    tpu.wait_dma2 semaphore(%arg21 : memref<!tpu.dma_semaphore, #tpu.memory_space<semaphore_mem>>) src(%arg8 : memref<50x128xf32, #tpu.memory_space<vmem>>) dst(%dma_wait3A_70 : memref<50x128xf32, #tpu.memory_space<hbm>>)
    %dma_wait3A_71 = arith.constant 0 : i32
    %dma_wait3A_72 = tpu.memref_slice %arg5[%mul3A_48, %dma_wait3A_71] : memref<320000x128xf32, #tpu.memory_space<hbm>> -> memref<50x128xf32, #tpu.memory_space<hbm>>
    %dma_wait3A_73 = arith.constant 0 : i32
    %dma_wait3A_74 = tpu.memref_slice %arg5[%mul3A_48, %dma_wait3A_73] : memref<320000x128xf32, #tpu.memory_space<hbm>> -> memref<50x128xf32, #tpu.memory_space<hbm>>
    tpu.wait_dma2 semaphore(%arg22 : memref<!tpu.dma_semaphore, #tpu.memory_space<semaphore_mem>>) src(%arg9 : memref<50x128xf32, #tpu.memory_space<vmem>>) dst(%dma_wait3A_74 : memref<50x128xf32, #tpu.memory_space<hbm>>)
    %dma_wait3A_75 = arith.constant 0 : i32
    %dma_wait3A_76 = tpu.memref_slice %arg5[%mul3A_48, %dma_wait3A_75] : memref<320000x128xf32, #tpu.memory_space<hbm>> -> memref<50x128xf32, #tpu.memory_space<hbm>>
    %dma_wait3A_77 = arith.constant 0 : i32
    %dma_wait3A_78 = tpu.memref_slice %arg5[%mul3A_48, %dma_wait3A_77] : memref<320000x128xf32, #tpu.memory_space<hbm>> -> memref<50x128xf32, #tpu.memory_space<hbm>>
    tpu.wait_dma2 semaphore(%arg23 : memref<!tpu.dma_semaphore, #tpu.memory_space<semaphore_mem>>) src(%arg10 : memref<50x128xf32, #tpu.memory_space<vmem>>) dst(%dma_wait3A_78 : memref<50x128xf32, #tpu.memory_space<hbm>>)
    %dma_wait3A_79 = arith.constant 0 : i32
    %dma_wait3A_80 = tpu.memref_slice %arg5[%mul3A_48, %dma_wait3A_79] : memref<320000x128xf32, #tpu.memory_space<hbm>> -> memref<50x128xf32, #tpu.memory_space<hbm>>
    %dma_wait3A_81 = arith.constant 0 : i32
    %dma_wait3A_82 = tpu.memref_slice %arg5[%mul3A_48, %dma_wait3A_81] : memref<320000x128xf32, #tpu.memory_space<hbm>> -> memref<50x128xf32, #tpu.memory_space<hbm>>
    tpu.wait_dma2 semaphore(%arg24 : memref<!tpu.dma_semaphore, #tpu.memory_space<semaphore_mem>>) src(%arg11 : memref<50x128xf32, #tpu.memory_space<vmem>>) dst(%dma_wait3A_82 : memref<50x128xf32, #tpu.memory_space<hbm>>)
    return
  }
}

module attributes {stable_mosaic.version = 14 : i64} {
  func.func @_dense_body(%arg0: i32, %arg1: memref<2x1000x64xf32, #tpu.memory_space<vmem>>, %arg2: memref<1000x16xf32, #tpu.memory_space<vmem>>, %arg3: memref<1000x16xf32, #tpu.memory_space<vmem>>, %arg4: memref<1x1000x128xf32, #tpu.memory_space<vmem>>, %arg5: memref<144x128xf32, #tpu.memory_space<vmem>>, %arg6: memref<1x128xf32, #tpu.memory_space<vmem>>, %arg7: memref<256x128xf32, #tpu.memory_space<vmem>>, %arg8: memref<1x128xf32, #tpu.memory_space<vmem>>, %arg9: memref<1x1000x128xf32, #tpu.memory_space<vmem>>, %arg10: memref<1x1000x128xf32, #tpu.memory_space<vmem>>) attributes {dimension_semantics = [#tpu.dimension_semantics<arbitrary>], iteration_bounds = array<i64: 10>, scalar_prefetch = 0 : i64, scratch_operands = 0 : i64, tpu.core_type = #tpu.core_type<tc>, window_params = [{transform_indices = @transform_0, window_bounds = array<i64: 2, 1000, 64>}, {transform_indices = @transform_1, window_bounds = array<i64: 1000, 16>}, {transform_indices = @transform_2, window_bounds = array<i64: 1000, 16>}, {transform_indices = @transform_3, window_bounds = array<i64: 1, 1000, 128>}, {pipeline_mode = #tpu.pipeline_mode<synchronous>, transform_indices = @transform_4, window_bounds = array<i64: 144, 128>}, {pipeline_mode = #tpu.pipeline_mode<synchronous>, transform_indices = @transform_5, window_bounds = array<i64: 1, 128>}, {pipeline_mode = #tpu.pipeline_mode<synchronous>, transform_indices = @transform_6, window_bounds = array<i64: 256, 128>}, {pipeline_mode = #tpu.pipeline_mode<synchronous>, transform_indices = @transform_7, window_bounds = array<i64: 1, 128>}, {transform_indices = @transform_8, window_bounds = array<i64: 1, 1000, 128>}, {transform_indices = @transform_9, window_bounds = array<i64: 1, 1000, 128>}]} {
    %get3A = arith.constant 0 : index
    %get3A_0 = arith.constant 0 : index
    %get3A_1 = arith.constant 0 : index
    %get3A_2 = vector.load %arg1[%get3A, %get3A_0, %get3A_1] : memref<2x1000x64xf32, #tpu.memory_space<vmem>>, vector<1x1000x64xf32>
    %get3A_3 = vector.shape_cast %get3A_2 : vector<1x1000x64xf32> to vector<1000x64xf32>
    %get3A_4 = arith.constant 1 : index
    %get3A_5 = arith.constant 0 : index
    %get3A_6 = arith.constant 0 : index
    %get3A_7 = vector.load %arg1[%get3A_4, %get3A_5, %get3A_6] : memref<2x1000x64xf32, #tpu.memory_space<vmem>>, vector<1x1000x64xf32>
    %get3A_8 = vector.shape_cast %get3A_7 : vector<1x1000x64xf32> to vector<1000x64xf32>
    %get3A_9 = arith.constant 0 : index
    %get3A_10 = arith.constant 0 : index
    %get3A_11 = vector.load %arg2[%get3A_9, %get3A_10] : memref<1000x16xf32, #tpu.memory_space<vmem>>, vector<1000x16xf32>
    %get3A_12 = arith.constant 0 : index
    %get3A_13 = arith.constant 0 : index
    %get3A_14 = vector.load %arg3[%get3A_12, %get3A_13] : memref<1000x16xf32, #tpu.memory_space<vmem>>, vector<1000x16xf32>
    %reduce_sum3A = arith.constant dense<0.000000e+00> : vector<1000xf32>
    %reduce_sum3A_15 = vector.multi_reduction <add>, %get3A_14, %reduce_sum3A [1] : vector<1000x16xf32> to vector<1000xf32>
    %broadcast_in_dim3A = vector.shape_cast %reduce_sum3A_15 : vector<1000xf32> to vector<1000x1xf32>
    %max3A = arith.constant 1.000000e+00 : f32
    %max3A_16 = vector.broadcast %max3A : f32 to vector<1000x1xf32>
    %max3A_17 = arith.maximumf %broadcast_in_dim3A, %max3A_16 : vector<1000x1xf32>
    %div3A = arith.constant 1.000000e+00 : f32
    %div3A_18 = vector.broadcast %div3A : f32 to vector<1000x1xf32>
    %div3A_19 = arith.divf %div3A_18, %max3A_17 : vector<1000x1xf32>
    %get3A_20 = arith.constant 0 : index
    %get3A_21 = arith.constant 0 : index
    %get3A_22 = vector.load %arg5[%get3A_20, %get3A_21] : memref<144x128xf32, #tpu.memory_space<vmem>>, vector<64x128xf32>
    %get3A_23 = arith.constant 64 : index
    %get3A_24 = arith.constant 0 : index
    %get3A_25 = vector.load %arg5[%get3A_23, %get3A_24] : memref<144x128xf32, #tpu.memory_space<vmem>>, vector<64x128xf32>
    %get3A_26 = arith.constant 128 : index
    %get3A_27 = arith.constant 0 : index
    %get3A_28 = vector.load %arg5[%get3A_26, %get3A_27] : memref<144x128xf32, #tpu.memory_space<vmem>>, vector<16x128xf32>
    %mul3A = vector.broadcast %div3A_19 : vector<1000x1xf32> to vector<1000x64xf32>
    %mul3A_29 = arith.mulf %get3A_3, %mul3A : vector<1000x64xf32>
    %dot_general3A = arith.constant dense<0.000000e+00> : vector<1000x128xf32>
    %dot_general3A_30 = tpu.matmul %mul3A_29, %get3A_22, %dot_general3A {dimension_numbers = #tpu.dot_dimension_numbers<[1], [0], [0], [1], [0, 0, 1, 1], [], []>, transpose_lhs_hint = false} : vector<1000x64xf32>, vector<64x128xf32>, vector<1000x128xf32> -> vector<1000x128xf32>
    %mul3A_31 = vector.broadcast %div3A_19 : vector<1000x1xf32> to vector<1000x64xf32>
    %mul3A_32 = arith.mulf %get3A_8, %mul3A_31 : vector<1000x64xf32>
    %dot_general3A_33 = arith.constant dense<0.000000e+00> : vector<1000x128xf32>
    %dot_general3A_34 = tpu.matmul %mul3A_32, %get3A_25, %dot_general3A_33 {dimension_numbers = #tpu.dot_dimension_numbers<[1], [0], [0], [1], [0, 0, 1, 1], [], []>, transpose_lhs_hint = false} : vector<1000x64xf32>, vector<64x128xf32>, vector<1000x128xf32> -> vector<1000x128xf32>
    %add3A = arith.addf %dot_general3A_30, %dot_general3A_34 : vector<1000x128xf32>
    %mul3A_35 = vector.broadcast %div3A_19 : vector<1000x1xf32> to vector<1000x16xf32>
    %mul3A_36 = arith.mulf %get3A_11, %mul3A_35 : vector<1000x16xf32>
    %dot_general3A_37 = arith.constant dense<0.000000e+00> : vector<1000x128xf32>
    %dot_general3A_38 = tpu.matmul %mul3A_36, %get3A_28, %dot_general3A_37 {dimension_numbers = #tpu.dot_dimension_numbers<[1], [0], [0], [1], [0, 0, 1, 1], [], []>, transpose_lhs_hint = false} : vector<1000x16xf32>, vector<16x128xf32>, vector<1000x128xf32> -> vector<1000x128xf32>
    %add3A_39 = arith.addf %add3A, %dot_general3A_38 : vector<1000x128xf32>
    %gt3A = arith.constant 0.000000e+00 : f32
    %gt3A_40 = vector.broadcast %gt3A : f32 to vector<1000x1xf32>
    %gt3A_41 = arith.cmpf ogt, %broadcast_in_dim3A, %gt3A_40 : vector<1000x1xf32>
    %jit3A = arith.constant 1.000000e+00 : f32
    %jit3A_42 = arith.constant 0.000000e+00 : f32
    %broadcast_in_dim3A_43 = vector.broadcast %jit3A : f32 to vector<1000x1xf32>
    %broadcast_in_dim3A_44 = vector.broadcast %jit3A_42 : f32 to vector<1000x1xf32>
    %select_n3A = arith.select %gt3A_41, %broadcast_in_dim3A_43, %broadcast_in_dim3A_44 : vector<1000x1xi1>, vector<1000x1xf32>
    %get3A_45 = arith.constant 0 : index
    %get3A_46 = arith.constant 0 : index
    %get3A_47 = vector.load %arg6[%get3A_45, %get3A_46] : memref<1x128xf32, #tpu.memory_space<vmem>>, vector<1x128xf32>
    %get3A_48 = vector.shape_cast %get3A_47 : vector<1x128xf32> to vector<128xf32>
    %broadcast_in_dim3A_49 = vector.shape_cast %get3A_48 : vector<128xf32> to vector<1x128xf32>
    %mul3A_50 = vector.broadcast %select_n3A : vector<1000x1xf32> to vector<1000x128xf32>
    %mul3A_51 = vector.broadcast %broadcast_in_dim3A_49 : vector<1x128xf32> to vector<1000x128xf32>
    %mul3A_52 = arith.mulf %mul3A_50, %mul3A_51 : vector<1000x128xf32>
    %add3A_53 = arith.addf %add3A_39, %mul3A_52 : vector<1000x128xf32>
    %get3A_54 = arith.constant 0 : index
    %get3A_55 = arith.constant 0 : index
    %get3A_56 = vector.load %arg7[%get3A_54, %get3A_55] : memref<256x128xf32, #tpu.memory_space<vmem>>, vector<128x128xf32>
    %get3A_57 = arith.constant 128 : index
    %get3A_58 = arith.constant 0 : index
    %get3A_59 = vector.load %arg7[%get3A_57, %get3A_58] : memref<256x128xf32, #tpu.memory_space<vmem>>, vector<128x128xf32>
    %get3A_60 = arith.constant 0 : index
    %get3A_61 = arith.constant 0 : index
    %get3A_62 = arith.constant 0 : index
    %get3A_63 = vector.load %arg4[%get3A_60, %get3A_61, %get3A_62] : memref<1x1000x128xf32, #tpu.memory_space<vmem>>, vector<1x1000x128xf32>
    %get3A_64 = vector.shape_cast %get3A_63 : vector<1x1000x128xf32> to vector<1000x128xf32>
    %dot_general3A_65 = arith.constant dense<0.000000e+00> : vector<1000x128xf32>
    %dot_general3A_66 = tpu.matmul %get3A_64, %get3A_56, %dot_general3A_65 {dimension_numbers = #tpu.dot_dimension_numbers<[1], [0], [0], [1], [0, 0, 1, 1], [], []>, transpose_lhs_hint = false} : vector<1000x128xf32>, vector<128x128xf32>, vector<1000x128xf32> -> vector<1000x128xf32>
    %dot_general3A_67 = arith.constant dense<0.000000e+00> : vector<1000x128xf32>
    %dot_general3A_68 = tpu.matmul %add3A_53, %get3A_59, %dot_general3A_67 {dimension_numbers = #tpu.dot_dimension_numbers<[1], [0], [0], [1], [0, 0, 1, 1], [], []>, transpose_lhs_hint = false} : vector<1000x128xf32>, vector<128x128xf32>, vector<1000x128xf32> -> vector<1000x128xf32>
    %add3A_69 = arith.addf %dot_general3A_66, %dot_general3A_68 : vector<1000x128xf32>
    %get3A_70 = arith.constant 0 : index
    %get3A_71 = arith.constant 0 : index
    %get3A_72 = vector.load %arg8[%get3A_70, %get3A_71] : memref<1x128xf32, #tpu.memory_space<vmem>>, vector<1x128xf32>
    %get3A_73 = vector.shape_cast %get3A_72 : vector<1x128xf32> to vector<128xf32>
    %broadcast_in_dim3A_74 = vector.shape_cast %get3A_73 : vector<128xf32> to vector<1x128xf32>
    %add3A_75 = vector.broadcast %broadcast_in_dim3A_74 : vector<1x128xf32> to vector<1000x128xf32>
    %add3A_76 = arith.addf %add3A_69, %add3A_75 : vector<1000x128xf32>
    %max3A_77 = arith.constant 0.000000e+00 : f32
    %max3A_78 = vector.broadcast %max3A_77 : f32 to vector<1000x128xf32>
    %max3A_79 = arith.maximumf %add3A_76, %max3A_78 : vector<1000x128xf32>
    %swap3A = arith.constant 0 : index
    %swap3A_80 = arith.constant 0 : index
    %swap3A_81 = arith.constant 0 : index
    %swap3A_82 = vector.load %arg9[%swap3A, %swap3A_80, %swap3A_81] : memref<1x1000x128xf32, #tpu.memory_space<vmem>>, vector<1x1000x128xf32>
    %swap3A_83 = vector.shape_cast %swap3A_82 : vector<1x1000x128xf32> to vector<1000x128xf32>
    %swap3A_84 = vector.shape_cast %max3A_79 : vector<1000x128xf32> to vector<1x1000x128xf32>
    tpu.vector_store %arg9[%swap3A, %swap3A_80, %swap3A_81], %swap3A_84 {strides = array<i32>} : memref<1x1000x128xf32, #tpu.memory_space<vmem>>, vector<1x1000x128xf32>,
    %mul3A_85 = arith.constant 5.000000e-01 : f32
    %mul3A_86 = vector.broadcast %mul3A_85 : f32 to vector<1000x128xf32>
    %mul3A_87 = arith.mulf %mul3A_86, %max3A_79 : vector<1000x128xf32>
    %swap3A_88 = arith.constant 0 : index
    %swap3A_89 = arith.constant 0 : index
    %swap3A_90 = arith.constant 0 : index
    %swap3A_91 = vector.load %arg10[%swap3A_88, %swap3A_89, %swap3A_90] : memref<1x1000x128xf32, #tpu.memory_space<vmem>>, vector<1x1000x128xf32>
    %swap3A_92 = vector.shape_cast %swap3A_91 : vector<1x1000x128xf32> to vector<1000x128xf32>
    %swap3A_93 = vector.shape_cast %mul3A_87 : vector<1000x128xf32> to vector<1x1000x128xf32>
    tpu.vector_store %arg10[%swap3A_88, %swap3A_89, %swap3A_90], %swap3A_93 {strides = array<i32>} : memref<1x1000x128xf32, #tpu.memory_space<vmem>>, vector<1x1000x128xf32>,
    return
  }
  func.func @transform_0(%arg0: i32) -> (i32, i32, i32) {
    %c0_i32 = arith.constant 0 : i32
    %c0_i32_0 = arith.constant 0 : i32
    %c0_i32_1 = arith.constant 0 : i32
    return %c0_i32, %arg0, %c0_i32_0 : i32, i32, i32
  }
  func.func @transform_1(%arg0: i32) -> (i32, i32) {
    %c0_i32 = arith.constant 0 : i32
    %c0_i32_0 = arith.constant 0 : i32
    return %arg0, %c0_i32 : i32, i32
  }
  func.func @transform_2(%arg0: i32) -> (i32, i32) {
    %c0_i32 = arith.constant 0 : i32
    %c0_i32_0 = arith.constant 0 : i32
    return %arg0, %c0_i32 : i32, i32
  }
  func.func @transform_3(%arg0: i32) -> (i32, i32, i32) {
    %c0_i32 = arith.constant 0 : i32
    %c0_i32_0 = arith.constant 0 : i32
    %c0_i32_1 = arith.constant 0 : i32
    return %c0_i32, %arg0, %c0_i32_0 : i32, i32, i32
  }
  func.func @transform_4(%arg0: i32) -> (i32, i32) {
    %c0_i32 = arith.constant 0 : i32
    %c0_i32_0 = arith.constant 0 : i32
    %c0_i32_1 = arith.constant 0 : i32
    return %c0_i32, %c0_i32_0 : i32, i32
  }
  func.func @transform_5(%arg0: i32) -> (i32, i32) {
    %c0_i32 = arith.constant 0 : i32
    %c0_i32_0 = arith.constant 0 : i32
    %c0_i32_1 = arith.constant 0 : i32
    return %c0_i32, %c0_i32_0 : i32, i32
  }
  func.func @transform_6(%arg0: i32) -> (i32, i32) {
    %c0_i32 = arith.constant 0 : i32
    %c0_i32_0 = arith.constant 0 : i32
    %c0_i32_1 = arith.constant 0 : i32
    return %c0_i32, %c0_i32_0 : i32, i32
  }
  func.func @transform_7(%arg0: i32) -> (i32, i32) {
    %c0_i32 = arith.constant 0 : i32
    %c0_i32_0 = arith.constant 0 : i32
    %c0_i32_1 = arith.constant 0 : i32
    return %c0_i32, %c0_i32_0 : i32, i32
  }
  func.func @transform_8(%arg0: i32) -> (i32, i32, i32) {
    %c0_i32 = arith.constant 0 : i32
    %c0_i32_0 = arith.constant 0 : i32
    %c0_i32_1 = arith.constant 0 : i32
    return %c0_i32, %arg0, %c0_i32_0 : i32, i32, i32
  }
  func.func @transform_9(%arg0: i32) -> (i32, i32, i32) {
    %c0_i32 = arith.constant 0 : i32
    %c0_i32_0 = arith.constant 0 : i32
    %c0_i32_1 = arith.constant 0 : i32
    return %c0_i32, %arg0, %c0_i32_0 : i32, i32, i32
  }
}

</mosaic_0001>

<sc_bundles>
// kernel: kernel.5.cloned.1.call-start
scs
__scs_entry_jumppad:
0x0: {  	(pc) =	sbr.rel $0x88, $3  }
0x1: {  	(tag) =	ssettag $0x0;
	lr =	simm.s32 $0x1  }
0x2: {  	[smem:$0x3F9A] =	sst lr;
	_ =	strace $0xD0000000  }
0x3: {  	_ = 	snop  }
0x4: {  	_ = 	snop  }
0x5: {  	_ = 	snop  }
0x6: {  	_ = 	snop  }
0x7: {  	_ = 	snop  }
__scs_overlays_trampoline_lowered:
0x8: {  	[smem:$0x3FA9] =	sst s0  }
0x9: {  	[smem:$0x3FAA] =	sst s1  }
0xa: {  	[smem:$0x3FAB] =	sst s2  }
0xb: {  	[smem:$0x3FAC] =	sst s3  }
0xc: {  	[smem:$0x3FAD] =	sst s4  }
0xd: {  	[smem:$0x3FAE] =	sst s5  }
0xe: {  	[smem:$0x3FAF] =	sst s6  }
0xf: {  	[smem:$0x3FB0] =	sst s7  }
0x10: {  	[smem:$0x3FB1] =	sst s8  }
0x11: {  	[smem:$0x3FB2] =	sst s9;
	s0 =	simm.s32 @!p0 $0x0  }
0x12: {  	s1 =	sld [smem:$0x3F98];
	s0 =	simm.s32 @p0 $0x1  }
0x13: {  	[smem:$0x3FB3] =	sst s0;
	s0 =	simm.s32 @!p1 $0x0  }
0x14: {  	s2 =	sld [smem:$0x3F97];
	s0 =	simm.s32 @p1 $0x1  }
0x15: {  	[smem:$0x3FB4] =	sst s0;
	s0 =	simm.s32 @!p2 $0x0  }
0x16: {  	s3 =	sld [smem:$0x3FDB];
	s0 =	simm.s32 @p2 $0x1  }
0x17: {  	s4 =	simm.s32 $0x1BF5;
	[smem:$0x3FB6] =	sst s0  }
0x18: {  	s0 =	sld [smem:$0x3F99];
	_ =	swait.ge [sflag:s4], $0x0  }
0x19: {  	s7 =	sld [smem:$0x3F9A]  }
0x1a: {  	s8 =	sadd.s32 $0xFFFFE003, lr  }
0x1b: {  	s9 =	sadd.s32 $0xFFFFFEF7, lr;
	s5 =	simm.s32 $0xFFFFFFFF;
	p2 =	slt.u32 s8, $0xFFFFF086  }
0x1c: {  	p1 =	slt.u32 s9, $0xF7A;
	s5 =	simm.s32 @!p2 $0x0  }
0x1d: {  	s5 =	simm.s32 @p1 $0x1;
	p0 =	seq.s32 s7, s2  }
0x1e: {  	s7 =	smul.u32 @!p0 $0xF7A, s2;
	p2 =	seq.s32 @!p0 s5, $0x0  }
0x1f: {  	s9 =	smul.u32 $0xF7A, s1;
	s8 =	simm.s32 @!p0 $0x1BF5;
	p2 =	por !p2, p0  }
0x20: {  	[sflag:s8] =	ssyncset.s32 @!p0 $0xFFFFF086;
	s6 =	sadd.s32 @!p0 s3, s7;
	s7 =	simm.s32 @!p0 $0x108  }
0x21: {  	s3 =	sadd.s32 s3, s9;
	s6 =	sadd.s32 @!p0 $0x88, s6;
	s7 =	simm.s32 @p2 $0x1082  }
0x22: {  	[simem:s7], [sflag:s8] =	dma.local @!p0 [hbm:s6], $0xF7A  }
0x23: {  	s9 =	sor.u32 $0xD0000000, s2;
	s6 =	simm.s32 $0x108;
	_ =	swait.ge @!p0 [sflag:s8], $0x0  }
0x24: {  	s3 =	sadd.s32 $0x88, s3;
	s6 =	simm.s32 @!p1 $0x1082;
	[sflag:s4] =	ssyncset.s32 $0xFFFFF086  }
0x25: {  	[simem:s6], [sflag:s4] =	dma.local [hbm:s3], $0xF7A  }
0x26: {  	[smem:$0x3F9A] =	sst s1;
	(tag) =	ssettag s2;
	_ =	strace s9  }
0x27: {  	s1 =	sld [smem:$0x3FAA]  }
0x28: {  	s2 =	sld [smem:$0x3FAB]  }
0x29: {  	s4 =	sld [smem:$0x3FAD]  }
0x2a: {  	p0 =	seq.s32 s5, $0x0;
	s5 =	sld [smem:$0x3FAE]  }
0x2b: {  	s6 =	sld [smem:$0x3FAF]  }
0x2c: {  	s7 =	sld [smem:$0x3FB0]  }
0x2d: {  	s3 =	simm.s32 $0x108;
	s8 =	sld [smem:$0x3FB1]  }
0x2e: {  	s3 =	simm.s32 @!p0 $0x1082;
	s9 =	sld [smem:$0x3FB2]  }
0x2f: {  	lr =	sadd.s32 s0, s3;
	s0 =	sld [smem:$0x3FA9]  }
0x30: {  	s3 =	sld [smem:$0x3FAC]  }
0x31: {  	[smem:$0x3FB5] =	sst s10  }
0x32: {  	s10 =	sld [smem:$0x3FB3];
	_ =	sdelay $0x3  }
0x33: {  	p0 =	seq.s32 s10, $0x1;
	s10 =	sld [smem:$0x3FB5];
	_ =	sdelay $0x3  }
0x34: {  	[smem:$0x3FB5] =	sst s10  }
0x35: {  	s10 =	sld [smem:$0x3FB4];
	_ =	sdelay $0x3  }
0x36: {  	p1 =	seq.s32 s10, $0x1;
	s10 =	sld [smem:$0x3FB5];
	_ =	sdelay $0x3  }
0x37: {  	[smem:$0x3FB5] =	sst s10  }
0x38: {  	s10 =	sld [smem:$0x3FB6]  }
0x39: {  	_ = 	snop;
	(pc) =	sbr.ind lr, $3  }
0x3a: {  	_ = 	snop  }
0x3b: {  	_ = 	snop  }
0x3c: {  	p2 =	seq.s32 s10, $0x1;
	s10 =	sld [smem:$0x3FB5]  }
0x3d: {  	_ =	shalt  }
0x3e: {  	_ =	shalt  }
0x3f: {  	_ =	shalt  }
0x40: {  	_ =	shalt  }
0x41: {  	_ =	shalt  }
0x42: {  	_ =	shalt  }
0x43: {  	_ =	shalt  }
0x44: {  	_ =	shalt  }
0x45: {  	_ =	shalt  }
0x46: {  	_ =	shalt  }
0x47: {  	_ =	shalt  }
0x48: {  	_ =	shalt  }
0x49: {  	_ =	shalt  }
0x4a: {  	_ =	shalt  }
0x4b: {  	_ =	shalt  }
0x4c: {  	_ =	shalt  }
0x4d: {  	_ =	shalt  }
0x4e: {  	_ =	shalt  }
0x4f: {  	_ =	shalt  }
0x50: {  	_ =	shalt  }
0x51: {  	_ =	shalt  }
0x52: {  	_ =	shalt  }
0x53: {  	_ =	shalt  }
0x54: {  	_ =	shalt  }
0x55: {  	_ =	shalt  }
0x56: {  	_ =	shalt  }
0x57: {  	_ =	shalt  }
0x58: {  	_ =	shalt  }
0x59: {  	_ =	shalt  }
0x5a: {  	_ =	shalt  }
0x5b: {  	_ =	shalt  }
0x5c: {  	_ =	shalt  }
0x5d: {  	_ =	shalt  }
0x5e: {  	_ =	shalt  }
0x5f: {  	_ =	shalt  }
0x60: {  	_ =	shalt  }
0x61: {  	_ =	shalt  }
0x62: {  	_ =	shalt  }
0x63: {  	_ =	shalt  }
0x64: {  	_ =	shalt  }
0x65: {  	_ =	shalt  }
0x66: {  	_ =	shalt  }
0x67: {  	_ =	shalt  }
0x68: {  	_ =	shalt  }
0x69: {  	_ =	shalt  }
0x6a: {  	_ =	shalt  }
0x6b: {  	_ =	shalt  }
0x6c: {  	_ =	shalt  }
0x6d: {  	_ =	shalt  }
0x6e: {  	_ =	shalt  }
0x6f: {  	_ =	shalt  }
0x70: {  	_ =	shalt  }
0x71: {  	_ =	shalt  }
0x72: {  	_ =	shalt  }
0x73: {  	_ =	shalt  }
0x74: {  	_ =	shalt  }
0x75: {  	_ =	shalt  }
0x76: {  	_ =	shalt  }
0x77: {  	_ =	shalt  }
0x78: {  	_ =	shalt  }
0x79: {  	_ =	shalt  }
0x7a: {  	_ =	shalt  }
0x7b: {  	_ =	shalt  }
0x7c: {  	_ =	shalt  }
0x7d: {  	_ =	shalt  }
0x7e: {  	_ =	shalt  }
0x7f: {  	_ =	shalt  }
0x80: {  	_ =	shalt  }
0x81: {  	_ =	shalt  }
0x82: {  	_ =	shalt  }
0x83: {  	_ =	shalt  }
0x84: {  	_ =	shalt  }
0x85: {  	_ =	shalt  }
0x86: {  	_ =	shalt  }
0x87: {  	_ =	shalt  }
.Lfunc_end0:
.L_simem_size_0:
called_computation_lowered:
.L_overlay_start_0:
0x88: {  	s2 =	sld [smem:$0x3FD9]  }
0x89: {  	s3 =	sld [smem:$0x3FFE];
	_ =	sdelay $0x1  }
0x8a: {  	s1 =	srdreg.scid  }
0x8b: {  	s0 =	sand.u32 $0x1, s1  }
0x8c: {  	s14 =	sshll.u32 s0, $0xA;
	s2 =	sadd.s32 s3, s2  }
0x8d: {  	s2 =	sadd.s32 s2, s14  }
0x8e: {  	[smem:$0x3FC1] =	sst s2  }
0x8f: {  	_ = 	snop  }
0x90: {  	s2 =	sld [smem:$0x3FD0];
	_ =	sdelay $0x2  }
0x91: {  	s4 =	simm.s32 $0xA;
	s5 =	simm.s32 $0x10;
	s15 =	sld [smem:$0x3FC9]  }
0x92: {  	[smem:s5], [sflag:s4] =	dma.local [hbm:s2], $0x1  }
0x93: {  	_ =	swait.eq [sflag:s4], $0x1  }
0x94: {  	[sflag:s4] =	ssyncset.done $0x0  }
0x95: {  	s16 =	sld [smem:$0x10];
	[sflag:s4] =	ssyncadd.s32 $0xFFFFFFFF  }
0x96: {  	s17 =	sld [smem:$0x11];
	(tm) =	ssettm $0x1  }
0x97: {  	s18 =	sld [smem:$0x3FFB];
	_ =	sdelay $0x3  }
0x98: {  	_ =	strace s18  }
0x99: {  	s5 =	sld [smem:$0x3FFC];
	_ =	sdelay $0x3  }
0x9a: {  	_ =	strace s5  }
0x9b: {  	s5 =	sld [smem:$0x3FFD];
	_ =	sdelay $0x3  }
0x9c: {  	_ =	strace s5  }
0x9d: {  	_ =	strace $0x8FFFFFFF  }
0x9e: {  	s19 =	sld [smem:$0x3FDB];
	_ =	sdelay $0x1  }
0x9f: {  	s6 =	simm.s32 $_scs_section_size  }
0xa0: {  	s7 =	simm.s32 $_size__tile_overlayer_lowered;
	s8 =	simm.s32 $_tile_overlayer_lowered  }
0xa1: {  	s22 =	simm.s32 $0x1BFF;
	s21 =	sshll.u32 s8, $0x1;
	s5 =	sadd.s32 s6, s19  }
0xa2: {  	s9 =	simm.s32 $0x0;
	s20 =	sshll.u32 s7, $0x1;
	s7 =	sadd.s32 s21, s5  }
0xa3: {  	[timem:s9], [sflag:s22] =	dma.local [hbm:s7], s20  }
0xa4: {  	_ =	swait.ge [sflag:s22], s20  }
0xa5: {  	s6 =	ssub.s32 $0x0, s20;
	[sflag:s22] =	ssyncset.done $0x0  }
0xa6: {  	[sflag:s22] =	ssyncadd.s32 s6;
	_ =	sdelay $0x1  }
0xa7: {  	s23 =	simm.s32 $0x1B8B  }
0xa8: {  	_ =	swait.ge [sflag:s23], $0x1  }
0xa9: {  	[sflag:s23] =	ssyncset.done $0x0  }
0xaa: {  	s25 =	simm.s32 $0x1B8E;
	s24 =	sld [smem:$0x3FFE];
	[sflag:s23] =	ssyncadd.s32 $0xFFFFFFFF  }
0xab: {  	s26 =	simm.s32 $execute0_lowered;
	[smem:$0x3FD2] =	sst s25  }
0xac: {  	s7 =	sshll.u32 s26, $0x1;
	_ =	strace $0x80000046;
	[dreg:$0x1] =	wrdreg $0xFFFFFFFF  }
0xad: {  	s28 =	simm.s32 $_size_execute0_lowered;
	s5 =	sadd.s32 s5, s7;
	[dreg:$0x0] =	wrdreg $0x0  }
0xae: {  	s7 =	sshll.u32 s28, $0x1;
	[dreg:$0x2] =	wrdreg s5  }
0xaf: {  	[dreg:$0x3] =	wrdreg s7  }
0xb0: {  	[dreg:$0x4] =	wrdreg $0xC0  }
0xb1: {  	_ =	task [dreg:s9], $0x5FFFF  }
0xb2: {  	[dreg:$0x1] =	wrdreg $0xFFFFFFFF  }
0xb3: {  	[dreg:$0x0] =	wrdreg $0x60  }
0xb4: {  	[dreg:$0x2] =	wrdreg s15  }
0xb5: {  	[dreg:$0x3] =	wrdreg s24  }
0xb6: {  	[dreg:$0x4] =	wrdreg s17  }
0xb7: {  	[dreg:$0x5] =	wrdreg s16  }
0xb8: {  	[dreg:$0x6] =	wrdreg $0xF5500  }
0xb9: {  	[dreg:$0x7] =	wrdreg $0x195500  }
0xba: {  	[dreg:$0x8] =	wrdreg $0x9  }
0xbb: {  	_ =	task.clear_ibuf [dreg:s9], $0x9FFFF;
	_ =	strace $0x90000046  }
0xbc: {  	s29 =	simm.s32 $0x9;
	_ =	strace $0x80000048  }
0xbd: {  	_ =	swait.ge [sflag:s29], $0x1  }
0xbe: {  	[sflag:s29] =	ssyncadd.s32 $0xFFFFFFFF  }
0xbf: {  	_ =	strace $0x90000048  }
0xc0: {  	_ =	sfence  }
0xc1: {  	s30 =	sld [smem:$0x0];
	_ =	sdelay $0x2  }
0xc2: {  	s31 =	sshll.u32 s1, $0xD;
	s1 =	sshrl.u32 s1, $0x2  }
0xc3: {  	s3 =	sand.u32 $0x4000, s31;
	s1 =	sadd.s32 s1, s30  }
0xc4: {  	s0 =	sor.u32 s3, s0;
	s1 =	sshll.u32 s1, $0x11  }
0xc5: {  	s0 =	sor.u32 s1, s0  }
0xc6: {  	s0 =	sadd.s32 $0x8F2B, s0  }
0xc7: {  	[sflag:s0] =	ssyncadd.remote.s32 $0x1  }
0xc8: {  	_ =	sfence.sel $0xFFFF  }
0xc9: {  	[dreg:$0x0] =	wrdreg $0xFFFFFFFF;
	(pc) =	sbr.abs _section_cstart, $3  }
0xca: {  	[dreg:$0x1] =	wrdreg $0xFFFFFFFF  }
0xcb: {  	_ =	task.clear_ibuf [dreg:s9], $0x2FFFF;
	_ =	strace $0x9FFFFFFF  }
0xcc: {  	(tm) =	ssettm $0x7FFFFFFF  }
0xcd: {  	_ =	shalt  }
tec
execute0_lowered:
.L_overlay_start_1:
0x0: {  	(tag) =	ssettag $0x1  }
0x1: {  	s1 =	rddreg [dreg:$0x0]  }
0x2: {  	s2 =	rddreg [dreg:$0x1]  }
0x3: {  	s6 =	rddreg [dreg:$0x2]  }
0x4: {  	s7 =	rddreg [dreg:$0x3];
	s17 =	stileid.u32  }
0x5: {  	s3 =	rddreg [dreg:$0x4];
	s8 =	smul.u32 $0x4E20, s17  }
0x6: {  	s4 =	rddreg [dreg:$0x5];
	s5 =	simm.s32 $0x0;
	s11 =	smul.u32 $0x2800, s17  }
0x7: {  	s0 =	srdreg.scid;
	s30 =	simm.s32 $0x7940;
	s13 =	smul.u32 $0x4E2, s17  }
0x8: {  	s28 =	simm.s32 $0x8D40;
	s31 =	simm.s32 $0x7;
	s16 =	smul.u32 $0xA000, s17  }
0x9: {  	[smem:$0x7FF] =	sst s5;
	s0 =	sand.u32 $0x1, s0;
	s29 =	smul.u32 $0x4E200, s17  }
0xa: {  	s10 =	sadd.s32 $0x2200, s2;
	s26 =	sshll.u32 s17, $0x6;
	s17 =	smul.u32 $0x9C40, s17  }
0xb: {  	_ =	strace $0x80000047;
	s9 =	smul.u32 $0x14000, s0;
	s15 =	ssub.s32 $0x2, s0  }
0xc: {  	[dreg:$0x9] =	wrdreg s26;
	p0 =	sne.s32 s0, $0x0;
	p1 =	seq.s32 s0, $0x0  }
0xd: {  	v0 =	vmov s0;
	s0 =	simm.s32 $0xCE40;
	s8 =	sshrl.u32 s8, $0x3;
	s14 =	sshrl.u32 s11, $0x3  }
0xe: {  	s24 =	sshrl.u32 s15, $0x1;
	s25 =	sadd.s32 s16, s3;
	s16 =	sshrl.u32 s16, $0x3  }
0xf: {  	s18 =	sadd.s32 s11, s4;
	s21 =	sadd.s32 s10, s17;
	s11 =	simm.s32 $0x13  }
0x10: {  	s17 =	simm.s32 $0xA;
	s12 =	sadd.s32 s8, s2;
	[dreg:$0x7] =	wrdreg s25  }
0x11: {  	s9 =	sadd.s32 s9, s2;
	s14 =	sadd.s32 s14, s2;
	[dreg:$0xc] =	wrdreg s18  }
0x12: {  	s2 =	sadd.s32 s13, s2;
	s7 =	sadd.s32 s7, s16;
	[dreg:$0xf] =	wrdreg s21  }
0x13: {  	s15 =	ssub.s32 s15, s24;
	s13 =	sor.u32 $0x1C07, s26;
	[dreg:$0x8] =	wrdreg s7  }
0x14: {  	s6 =	sadd.s32 s6, s8;
	s26 =	sadd.s32 $0x3C0, s21;
	[dreg:$0xa] =	wrdreg s13  }
0x15: {  	s18 =	simm.s32 $0x5;
	s8 =	simm.s32 $0x6;
	[dreg:$0xb] =	wrdreg s6  }
0x16: {  	s19 =	sadd.s32 $0xA8400, s14;
	s7 =	sshrl.u32 s29, $0x3;
	s20 =	sadd.s32 $0x9E600, s12  }
0x17: {  	s23 =	sadd.s32 $0xAD400, s9;
	s2 =	sadd.s32 $0xDA400, s2;
	[dreg:$0x15] =	wrdreg s26  }
0x18: {  	s24 =	sadd.s32 $0xD5400, s14;
	s25 =	smax.u32 s15, $0x1;
	[dreg:$0xd] =	wrdreg s19  }
0x19: {  	s13 =	simm.s32 $0x190;
	s26 =	simm.s32 $0x5140;
	[dreg:$0xe] =	wrdreg s20  }
0x1a: {  	s15 =	simm.s32 $0x6540;
	s12 =	simm.s32 $0xA140;
	[dreg:$0x12] =	wrdreg s2  }
0x1b: {  	s14 =	simm.s32 $0x14;
	s9 =	simm.s32 $0xB;
	[dreg:$0x13] =	wrdreg s24  }
0x1c: {  	s22 =	sadd.s32 s10, s7;
	[dreg:$0x14] =	wrdreg s25;
	s29 =	sadd.s32 s16, s23  }
.Ltmp0:
0x1d: {  	s2 =	simm.s32 @!p1 $0x0;
	s25 =	simm.s32 $0x50;
	(pc) =	sbr.rel .LBB2_1-.Ltmp0, $4  }
0x1e: {  	s16 =	simm.s32 $0x3;
	s7 =	sadd.s32 $0xA0, s22;
	[dreg:$0x16] =	wrdreg s29  }
0x1f: {  	s23 =	simm.s32 $0x8;
	s6 =	sadd.s32 $0x140, s22;
	[dreg:$0x10] =	wrdreg s7  }
0x20: {  	s10 =	simm.s32 $0xC;
	s2 =	simm.s32 @p1 $0x1;
	[dreg:$0x11] =	wrdreg s6  }
0x21: {  	v1 =	vimm.f32 $0.0e+00;
	v2 =	vimm.f32 $1.000000000e+00;
	s19 =	simm.s32 $0x0;
	[smem:$0x7FD] =	sst s2;
	s7 =	simm.s32 $0x9  }
.LBB2_23:
0x22: {  	_ =	swait.ge [sflag:s23], $0x1400  }
0x23: {  	s2 =	sld [smem:$0x7FD];
	_ =	sdelay $0x2  }
0x24: {  	[sflag:s23] =	ssyncset.done $0x0;
	p1 =	seq.s32 s2, $0x1  }
0x25: {  	[sflag:s23] =	ssyncadd.s32 $0xFFFFEC00;
	s2 =	simm.s32 @p1 $0x12  }
0x26: {  	_ =	swait.ge @p1 [sflag:s2], $0x500  }
0x27: {  	[sflag:s2] =	ssyncset.done @p1 $0x0  }
0x28: {  	[sflag:s2] =	ssyncadd.s32 @p1 $0xFFFFFB00;
	s2 =	simm.s32 @p1 $0x9  }
0x29: {  	_ =	swait.ge @p1 [sflag:s2], $0x1400  }
0x2a: {  	[sflag:s2] =	ssyncset.done @p1 $0x0  }
0x2b: {  	[sflag:s2] =	ssyncadd.s32 @p1 $0xFFFFEC00;
	s2 =	simm.s32 @p1 $0x13  }
0x2c: {  	_ =	swait.ge @p1 [sflag:s2], $0x500  }
0x2d: {  	[sflag:s2] =	ssyncset.done @p1 $0x0  }
0x2e: {  	[sflag:s2] =	ssyncadd.s32 @p1 $0xFFFFFB00;
	s2 =	simm.s32 @p1 $0xA  }
0x2f: {  	_ =	swait.ge @p1 [sflag:s2], $0x1400  }
0x30: {  	[sflag:s2] =	ssyncset.done @p1 $0x0  }
0x31: {  	[sflag:s2] =	ssyncadd.s32 @p1 $0xFFFFEC00;
	s2 =	simm.s32 @p1 $0x14  }
0x32: {  	_ =	swait.ge @p1 [sflag:s2], $0x500  }
0x33: {  	[sflag:s2] =	ssyncset.done @p1 $0x0  }
0x34: {  	[sflag:s2] =	ssyncadd.s32 @p1 $0xFFFFFB00;
	s2 =	simm.s32 @p1 $0xB  }
0x35: {  	_ =	swait.ge @p1 [sflag:s2], $0x1400  }
0x36: {  	[sflag:s2] =	ssyncset.done @p1 $0x0  }
0x37: {  	[sflag:s2] =	ssyncadd.s32 @p1 $0xFFFFEC00;
	s2 =	simm.s32 @p1 $0x15  }
0x38: {  	_ =	swait.ge @p1 [sflag:s2], $0x500  }
0x39: {  	[sflag:s2] =	ssyncset.done @p1 $0x0  }
0x3a: {  	[sflag:s2] =	ssyncadd.s32 @p1 $0xFFFFFB00;
	s2 =	simm.s32 @p1 $0xC  }
0x3b: {  	_ =	swait.ge @p1 [sflag:s2], $0x1400  }
0x3c: {  	[sflag:s2] =	ssyncset.done @p1 $0x0  }
0x3d: {  	[sflag:s2] =	ssyncadd.s32 @p1 $0xFFFFEC00;
	s2 =	simm.s32 @p1 $0x16  }
0x3e: {  	_ =	swait.ge @p1 [sflag:s2], $0x500  }
0x3f: {  	[sflag:s2] =	ssyncset.done @p1 $0x0  }
0x40: {  	[sflag:s2] =	ssyncadd.s32 @p1 $0xFFFFFB00;
	s2 =	simm.s32 @!p1 $0x9  }
0x41: {  	_ =	swait.ge @!p1 [sflag:s2], $0x1400  }
0x42: {  	[sflag:s2] =	ssyncset.done @!p1 $0x0  }
0x43: {  	[sflag:s2] =	ssyncadd.s32 @!p1 $0xFFFFEC00;
	s2 =	simm.s32 @!p1 $0xA  }
0x44: {  	_ =	swait.ge @!p1 [sflag:s2], $0x1400  }
0x45: {  	[sflag:s2] =	ssyncset.done @!p1 $0x0  }
0x46: {  	[sflag:s2] =	ssyncadd.s32 @!p1 $0xFFFFEC00;
	s2 =	simm.s32 @!p1 $0xB  }
0x47: {  	_ =	swait.ge @!p1 [sflag:s2], $0x1400  }
0x48: {  	[sflag:s2] =	ssyncset.done @!p1 $0x0  }
0x49: {  	[sflag:s2] =	ssyncadd.s32 @!p1 $0xFFFFEC00;
	s2 =	simm.s32 @!p1 $0xC  }
0x4a: {  	_ =	swait.ge @!p1 [sflag:s2], $0x1400  }
0x4b: {  	[sflag:s2] =	ssyncset.done @!p1 $0x0  }
0x4c: {  	[sflag:s2] =	ssyncadd.s32 @!p1 $0xFFFFEC00  }
0x4d: {  	[bflag:$0x0] =	sbarrier.arrive $0xFFFF  }
0x4e: {  	s21 =	rddreg [dreg:$0x9]  }
0x4f: {  	s6 =	rddreg [dreg:$0x16]  }
0x50: {  	s22 =	simm.s32 $0x17;
	s13 =	rddreg [dreg:$0x18];
	s2 =	sor.u32 $0x1C17, s21  }
0x51: {  	[hbm:s6], [sflag:s2] =	dma.local [spmem:s13], $0x1400  }
0x52: {  	_ =	swait.ge [sflag:s22], $0x1400  }
0x53: {  	s6 =	simm.s32 @p0 $0x0;
	[sflag:s22] =	ssyncset.done $0x0  }
0x54: {  	s13 =	simm.s32 @p0 $0xCE40;
	s19 =	rddreg [dreg:$0x12];
	[sflag:s22] =	ssyncadd.s32 $0xFFFFEC00  }
0x55: {  	[hbm4b:s19+s6] =	stream.linear.scatter @p0 [tilespmem:s13], [sflag:$0x17], $0x2710, $0x38;
	[tilespmem:$0x1BD50] =	vst v63  }
0x56: {  	s6 =	simm.s32 @p0 $0x17  }
0x57: {  	_ =	swait.ge @p0 [sflag:s6], $0x2710  }
0x58: {  	[sflag:s6] =	ssyncset.done @p0 $0x0;
	s13 =	rddreg [dreg:$0x19]  }
0x59: {  	[sflag:s6] =	ssyncadd.s32 @p0 $0xFFFFD8F0;
	s6 =	rddreg [dreg:$0x13]  }
0x5a: {  	[hbm:s6], [sflag:s2] =	dma.local @!p0 [spmem:s13], $0x500  }
0x5b: {  	s2 =	simm.s32 @!p0 $0x17  }
0x5c: {  	_ =	swait.ge @!p0 [sflag:s2], $0x500  }
0x5d: {  	s24 =	rddreg [dreg:$0x17]  }
0x5e: {  	s29 =	rddreg [dreg:$0x14];
	s19 =	sadd.s32 $0x1, s24  }
0x5f: {  	p1 =	sne.s32 s19, s29  }
.Ltmp1:
0x60: {  	_ = 	snop;
	(pc) =	sbr.rel @!p1 .LBB2_24-.Ltmp1, $3  }
0x61: {  	_ =	sdelay $0x1  }
0x62: {  	[sflag:s2] =	ssyncset.done @!p0 $0x0  }
0x63: {  	s13 =	simm.s32 $0x190;
	[sflag:s2] =	ssyncadd.s32 @!p0 $0xFFFFFB00  }
.LBB2_1:
0x64: {  	[dreg:$0x17] =	wrdreg s19  }
0x65: {  	s2 =	rddreg [dreg:$0x7]  }
0x66: {  	s20 =	rddreg [dreg:$0x8]  }
0x67: {  	s6 =	rddreg [dreg:$0xa];
	s2 =	sshrl.u32 s2, $0x3  }
0x68: {  	[dreg:$0x18] =	wrdreg s2  }
0x69: {  	[spmem:s2], [sflag:s6] =	dma.local [hbm:s20], $0x1400  }
0x6a: {  	s21 =	simm.s32 $0x320;
	s2 =	rddreg [dreg:$0xb]  }
0x6b: {  	[tilespmem:s21], [sflag:$0xC] =	stream.linear.gather [hbm4b:s2+s5], $0x4E20, $0x38;
	[tilespmem:$0x1BD50] =	vst v63  }
0x6c: {  	s2 =	simm.s32 @p0 $0x7  }
0x6d: {  	_ =	swait.ge @p0 [sflag:s2], $0x1400  }
0x6e: {  	[sflag:s2] =	ssyncset.done @p0 $0x0  }
0x6f: {  	[sflag:s2] =	ssyncadd.s32 @p0 $0xFFFFEC00;
	s2 =	simm.s32 @p0 $0xC  }
0x70: {  	_ =	swait.ge @p0 [sflag:s2], $0x4E20  }
0x71: {  	s6 =	stileid.u32;
	[sflag:s2] =	ssyncset.done @p0 $0x0  }
0x72: {  	s19 =	sshll.u32 @!p0 s6, $0x6;
	s6 =	rddreg [dreg:$0xc];
	[sflag:s2] =	ssyncadd.s32 @p0 $0xFFFFB1E0  }
0x73: {  	s2 =	sor.u32 @!p0 $0x1C11, s19;
	s19 =	sshrl.u32 @!p0 s6, $0x3;
	s6 =	rddreg [dreg:$0xd]  }
0x74: {  	[dreg:$0x19] =	wrdreg s19  }
0x75: {  	[spmem:s19], [sflag:s2] =	dma.local @!p0 [hbm:s6], $0x500  }
0x76: {  	s2 =	simm.s32 @!p0 $0x7  }
0x77: {  	_ =	swait.ge @!p0 [sflag:s2], $0x1400  }
0x78: {  	[sflag:s2] =	ssyncset.done @!p0 $0x0  }
0x79: {  	[sflag:s2] =	ssyncadd.s32 @!p0 $0xFFFFEC00;
	s2 =	simm.s32 @!p0 $0xC  }
0x7a: {  	_ =	swait.ge @!p0 [sflag:s2], $0x4E20  }
0x7b: {  	[sflag:s2] =	ssyncset.done @!p0 $0x0  }
0x7c: {  	[sflag:s2] =	ssyncadd.s32 @!p0 $0xFFFFB1E0;
	s2 =	simm.s32 @!p0 $0x11  }
0x7d: {  	_ =	swait.ge @!p0 [sflag:s2], $0x500  }
0x7e: {  	[sflag:s2] =	ssyncset.done @!p0 $0x0  }
0x7f: {  	s22 =	rddreg [dreg:$0xe];
	[sflag:s2] =	ssyncadd.s32 @!p0 $0xFFFFFB00  }
0x80: {  	[tilespmem:s5], [sflag:$0x1] =	stream.linear.gather [hbm4b:s22+s5], $0x190, $0x38;
	[tilespmem:$0x1BD50] =	vst v63  }
0x81: {  	s24 =	simm.s32 $0x1;
	s2 =	sadd.s32 $0x32, s22  }
0x82: {  	[tilespmem:s13], [sflag:$0x2] =	stream.linear.gather [hbm4b:s2+s5], $0x190, $0x38;
	[tilespmem:$0x1BD50] =	vst v63  }
0x83: {  	_ =	swait.ge [sflag:s24], $0x190  }
0x84: {  	[sflag:s24] =	ssyncset.done $0x0  }
0x85: {  	[sflag:s24] =	ssyncadd.s32 $0xFFFFFE70  }
0x86: {  	v3 =	vld [tilespmem:$0x0]  }
0x87: {  	v4 =	vld [tilespmem:$0x10]  }
0x88: {  	v5 =	vld [tilespmem:$0x20]  }
0x89: {  	v6 =	vld [tilespmem:$0x30]  }
0x8a: {  	v7 =	vld [tilespmem:$0x40]  }
0x8b: {  	v8 =	vld [tilespmem:$0x50];
	v3 =	vshll.u32 v3, $0x1  }
0x8c: {  	v9 =	vld [tilespmem:$0x60];
	v4 =	vshll.u32 v4, $0x1;
	v3 =	vor.u32 v0, v3  }
0x8d: {  	v24 =	vld [tilespmem:$0x70];
	v23 =	vshll.u32 v5, $0x1;
	[tilespmem:$0x0] =	vst v3;
	v3 =	vor.u32 v0, v4  }
0x8e: {  	v26 =	vld [tilespmem:$0x80];
	v25 =	vshll.u32 v6, $0x1;
	[tilespmem:$0x10] =	vst v3;
	v3 =	vor.u32 v0, v23  }
0x8f: {  	v28 =	vld [tilespmem:$0x90];
	v27 =	vshll.u32 v7, $0x1;
	[tilespmem:$0x20] =	vst v3;
	v3 =	vor.u32 v0, v25  }
0x90: {  	v30 =	vld [tilespmem:$0xA0];
	v29 =	vshll.u32 v8, $0x1;
	[tilespmem:$0x30] =	vst v3;
	v3 =	vor.u32 v0, v27  }
0x91: {  	v32 =	vld [tilespmem:$0xB0];
	v31 =	vshll.u32 v9, $0x1;
	[tilespmem:$0x40] =	vst v3;
	v3 =	vor.u32 v0, v29  }
0x92: {  	v34 =	vld [tilespmem:$0xC0];
	v33 =	vshll.u32 v24, $0x1;
	[tilespmem:$0x50] =	vst v3;
	v3 =	vor.u32 v0, v31  }
0x93: {  	v36 =	vld [tilespmem:$0xD0];
	v35 =	vshll.u32 v26, $0x1;
	[tilespmem:$0x60] =	vst v3;
	v3 =	vor.u32 v0, v33  }
0x94: {  	v38 =	vld [tilespmem:$0xE0];
	v37 =	vshll.u32 v28, $0x1;
	[tilespmem:$0x70] =	vst v3;
	v3 =	vor.u32 v0, v35  }
0x95: {  	v40 =	vld [tilespmem:$0xF0];
	v39 =	vshll.u32 v30, $0x1;
	[tilespmem:$0x80] =	vst v3;
	v3 =	vor.u32 v0, v37  }
0x96: {  	v42 =	vld [tilespmem:$0x100];
	v41 =	vshll.u32 v32, $0x1;
	[tilespmem:$0x90] =	vst v3;
	v3 =	vor.u32 v0, v39  }
0x97: {  	v44 =	vld [tilespmem:$0x110];
	v43 =	vshll.u32 v34, $0x1;
	[tilespmem:$0xA0] =	vst v3;
	v3 =	vor.u32 v0, v41  }
0x98: {  	v46 =	vld [tilespmem:$0x120];
	v45 =	vshll.u32 v36, $0x1;
	[tilespmem:$0xB0] =	vst v3;
	v3 =	vor.u32 v0, v43  }
0x99: {  	v48 =	vld [tilespmem:$0x130];
	v47 =	vshll.u32 v38, $0x1;
	[tilespmem:$0xC0] =	vst v3;
	v3 =	vor.u32 v0, v45  }
0x9a: {  	v50 =	vld [tilespmem:$0x140];
	v49 =	vshll.u32 v40, $0x1;
	[tilespmem:$0xD0] =	vst v3;
	v3 =	vor.u32 v0, v47  }
0x9b: {  	v52 =	vld [tilespmem:$0x150];
	v51 =	vshll.u32 v42, $0x1;
	[tilespmem:$0xE0] =	vst v3;
	v3 =	vor.u32 v0, v49  }
0x9c: {  	v54 =	vld [tilespmem:$0x160];
	v53 =	vshll.u32 v44, $0x1;
	[tilespmem:$0xF0] =	vst v3;
	v3 =	vor.u32 v0, v51  }
0x9d: {  	v56 =	vld [tilespmem:$0x170];
	v55 =	vshll.u32 v46, $0x1;
	[tilespmem:$0x100] =	vst v3;
	v3 =	vor.u32 v0, v53  }
0x9e: {  	v58 =	vld [tilespmem:$0x180];
	v57 =	vshll.u32 v48, $0x1;
	[tilespmem:$0x110] =	vst v3;
	v3 =	vor.u32 v0, v55  }
0x9f: {  	v59 =	vshll.u32 v50, $0x1;
	[tilespmem:$0x120] =	vst v3;
	v3 =	vor.u32 v0, v57  }
0xa0: {  	v60 =	vshll.u32 v52, $0x1;
	[tilespmem:$0x130] =	vst v3;
	v3 =	vor.u32 v0, v59  }
0xa1: {  	v61 =	vshll.u32 v54, $0x1;
	[tilespmem:$0x140] =	vst v3;
	v3 =	vor.u32 v0, v60  }
0xa2: {  	v62 =	vshll.u32 v56, $0x1;
	[tilespmem:$0x150] =	vst v3;
	v3 =	vor.u32 v0, v61  }
0xa3: {  	v63 =	vshll.u32 v58, $0x1;
	[tilespmem:$0x160] =	vst v3;
	v3 =	vor.u32 v0, v62  }
0xa4: {  	[tilespmem:$0x170] =	vst v3;
	v3 =	vor.u32 v0, v63  }
0xa5: {  	[tilespmem:$0x180] =	vst v3  }
0xa6: {  	[tilespmem:s26], [sflag:$0x3] =	stream.indirect.gather [hbm4b:s1+s25], $0x40, s5, s25, $0xb8;
	[tilespmem:$0x1BD50] =	vst v63  }
.Ltmp2:
0xa7: {  	_ = 	snop;
	(pc) =	sbr.rel @p0 .LBB2_3-.Ltmp2, $4  }
0xa8: {  	_ = 	snop  }
0xa9: {  	[tilespmem:s15], [sflag:$0x4] =	stream.indirect.gather [hbm4b:s1+s25], $0x40, s25, s25, $0xb8;
	[tilespmem:$0x1BD50] =	vst v63  }
0xaa: {  	s29 =	simm.s32 $0xA0;
	s2 =	simm.s32 $0x0  }
0xab: {  	[tilespmem:s30], [sflag:$0x5] =	stream.indirect.gather [hbm4b:s1+s25], $0x40, s29, s25, $0xb8;
	[tilespmem:$0x1BD50] =	vst v63  }
0xac: {  	s2 =	rddreg [dreg:$0xf];
	s6 =	simm.s32 $0xB540  }
0xad: {  	[tilespmem:s6], [sflag:$0xD] =	stream.linear.gather [hbm4b:s2+s5], $0x500, $0x38;
	[tilespmem:$0x1BD50] =	vst v63  }
.Ltmp3:
0xae: {  	_ = 	snop;
	(pc) =	sbr.rel .LBB2_6-.Ltmp3, $4  }
0xaf: {  	s21 =	rddreg [dreg:$0x10];
	s22 =	simm.s32 $0xBA40  }
0xb0: {  	[tilespmem:s22], [sflag:$0xE] =	stream.linear.gather [hbm4b:s21+s5], $0x500, $0x38;
	[tilespmem:$0x1BD50] =	vst v63  }
0xb1: {  	s24 =	rddreg [dreg:$0x11];
	s29 =	simm.s32 $0xBF40  }
0xb2: {  	[tilespmem:s29], [sflag:$0xF] =	stream.linear.gather [hbm4b:s24+s5], $0x500, $0x38;
	[tilespmem:$0x1BD50] =	vst v63  }
.LBB2_3:
0xb3: {  	p2 =	sne.s32 s2, $0x9C00  }
.Ltmp4:
0xb4: {  	_ = 	snop;
	(pc) =	sbr.rel @p2 .LBB2_3-.Ltmp4, $3  }
0xb5: {  	_ =	sdelay $0x1  }
0xb6: {  	s19 =	sshra.s32 s2, $0x2  }
0xb7: {  	s2 =	sadd.s32 $0x40, s2;
	[tilespmem:s19+$0xCE40] =	vst v1  }
0xb8: {  	s2 =	simm.s32 $0x0  }
.LBB2_5:
0xb9: {  	s19 =	sshra.s32 s2, $0x2  }
0xba: {  	v3 =	vld [tilespmem:s19+$0x320];
	_ =	sdelay $0x7  }
0xbb: {  	[tilespmem:v3+s0+$0x0] =	vst.idx.add.f32.msk $0xffff, v2  }
0xbc: {  	v3 =	vld [tilespmem:s19+$0x330];
	_ =	sdelay $0x7  }
0xbd: {  	[tilespmem:v3+s0+$0x0] =	vst.idx.add.f32.msk $0xffff, v2  }
0xbe: {  	v3 =	vld [tilespmem:s19+$0x340];
	_ =	sdelay $0x7  }
0xbf: {  	[tilespmem:v3+s0+$0x0] =	vst.idx.add.f32.msk $0xffff, v2  }
0xc0: {  	v3 =	vld [tilespmem:s19+$0x350];
	_ =	sdelay $0x7  }
0xc1: {  	[tilespmem:v3+s0+$0x0] =	vst.idx.add.f32.msk $0xffff, v2  }
0xc2: {  	v3 =	vld [tilespmem:s19+$0x360];
	_ =	sdelay $0x2  }
0xc3: {  	p2 =	sne.s32 s2, $0x13740  }
.Ltmp5:
0xc4: {  	_ = 	snop;
	(pc) =	sbr.rel @p2 .LBB2_5-.Ltmp5, $2  }
0xc5: {  	_ =	sdelay $0x2  }
0xc6: {  	s2 =	sadd.s32 $0x140, s2;
	[tilespmem:v3+s0+$0x0] =	vst.idx.add.f32.msk $0xffff, v2  }
.LBB2_6:
.Ltmp6:
0xc7: {  	(pc) =	sbr.rel .LBB2_7-.Ltmp6, $3  }
0xc8: {  	_ =	sdelay $0x1  }
0xc9: {  	s19 =	simm.s32 $0x0  }
0xca: {  	s20 =	simm.s32 $0x4B0;
	s2 =	rddreg [dreg:$0x15];
	s29 =	simm.s32 $0x4B0  }
.LBB2_19:
0xcb: {  	s6 =	simm.s32 $0xA0  }
0xcc: {  	[tilespmem:s30], [sflag:$0x5] =	stream.indirect.gather [hbm4b:s1+s25], $0x40, s6, s25, $0xb8;
	[tilespmem:$0x1BD50] =	vst v63  }
.LBB2_21:
0xcd: {  	s6 =	sshrl.u32 s29, $0x3;
	s13 =	rddreg [dreg:$0xe]  }
0xce: {  	s19 =	sadd.s32 $0xFFFFFFFF, s19;
	s29 =	sadd.s32 $0x320, s29;
	s2 =	sadd.s32 $0x640, s2  }
0xcf: {  	s20 =	sadd.s32 $0x320, s20;
	s6 =	sadd.s32 s13, s6;
	s13 =	simm.s32 $0x190  }
0xd0: {  	[tilespmem:s13], [sflag:$0x2] =	stream.linear.gather [hbm4b:s6+s5], $0x190, $0x38;
	[tilespmem:$0x1BD50] =	vst v63  }
.LBB2_7:
0xd1: {  	s6 =	simm.s32 $0x2  }
0xd2: {  	_ =	swait.ge [sflag:s6], $0x190  }
0xd3: {  	[sflag:s6] =	ssyncset.done $0x0  }
0xd4: {  	[sflag:s6] =	ssyncadd.s32 $0xFFFFFE70  }
0xd5: {  	v3 =	vld [tilespmem:$0x190]  }
0xd6: {  	v4 =	vld [tilespmem:$0x1A0]  }
0xd7: {  	v5 =	vld [tilespmem:$0x1B0]  }
0xd8: {  	v6 =	vld [tilespmem:$0x1C0]  }
0xd9: {  	v7 =	vld [tilespmem:$0x1D0]  }
0xda: {  	v8 =	vld [tilespmem:$0x1E0];
	v3 =	vshll.u32 v3, $0x1  }
0xdb: {  	v9 =	vld [tilespmem:$0x1F0];
	v4 =	vshll.u32 v4, $0x1;
	v3 =	vor.u32 v0, v3  }
0xdc: {  	v24 =	vld [tilespmem:$0x200];
	v23 =	vshll.u32 v5, $0x1;
	[tilespmem:$0x190] =	vst v3;
	v3 =	vor.u32 v0, v4  }
0xdd: {  	v26 =	vld [tilespmem:$0x210];
	v25 =	vshll.u32 v6, $0x1;
	[tilespmem:$0x1A0] =	vst v3;
	v3 =	vor.u32 v0, v23  }
0xde: {  	v28 =	vld [tilespmem:$0x220];
	v27 =	vshll.u32 v7, $0x1;
	[tilespmem:$0x1B0] =	vst v3;
	v3 =	vor.u32 v0, v25  }
0xdf: {  	v30 =	vld [tilespmem:$0x230];
	v29 =	vshll.u32 v8, $0x1;
	[tilespmem:$0x1C0] =	vst v3;
	v3 =	vor.u32 v0, v27  }
0xe0: {  	v32 =	vld [tilespmem:$0x240];
	v31 =	vshll.u32 v9, $0x1;
	[tilespmem:$0x1D0] =	vst v3;
	v3 =	vor.u32 v0, v29  }
0xe1: {  	v34 =	vld [tilespmem:$0x250];
	v33 =	vshll.u32 v24, $0x1;
	[tilespmem:$0x1E0] =	vst v3;
	v3 =	vor.u32 v0, v31  }
0xe2: {  	v36 =	vld [tilespmem:$0x260];
	v35 =	vshll.u32 v26, $0x1;
	[tilespmem:$0x1F0] =	vst v3;
	v3 =	vor.u32 v0, v33  }
0xe3: {  	v38 =	vld [tilespmem:$0x270];
	v37 =	vshll.u32 v28, $0x1;
	[tilespmem:$0x200] =	vst v3;
	v3 =	vor.u32 v0, v35  }
0xe4: {  	v40 =	vld [tilespmem:$0x280];
	v39 =	vshll.u32 v30, $0x1;
	[tilespmem:$0x210] =	vst v3;
	v3 =	vor.u32 v0, v37  }
0xe5: {  	v42 =	vld [tilespmem:$0x290];
	v41 =	vshll.u32 v32, $0x1;
	[tilespmem:$0x220] =	vst v3;
	v3 =	vor.u32 v0, v39  }
0xe6: {  	v44 =	vld [tilespmem:$0x2A0];
	v43 =	vshll.u32 v34, $0x1;
	[tilespmem:$0x230] =	vst v3;
	v3 =	vor.u32 v0, v41  }
0xe7: {  	v46 =	vld [tilespmem:$0x2B0];
	v45 =	vshll.u32 v36, $0x1;
	[tilespmem:$0x240] =	vst v3;
	v3 =	vor.u32 v0, v43  }
0xe8: {  	v48 =	vld [tilespmem:$0x2C0];
	v47 =	vshll.u32 v38, $0x1;
	[tilespmem:$0x250] =	vst v3;
	v3 =	vor.u32 v0, v45  }
0xe9: {  	v50 =	vld [tilespmem:$0x2D0];
	v49 =	vshll.u32 v40, $0x1;
	[tilespmem:$0x260] =	vst v3;
	v3 =	vor.u32 v0, v47  }
0xea: {  	v52 =	vld [tilespmem:$0x2E0];
	v51 =	vshll.u32 v42, $0x1;
	[tilespmem:$0x270] =	vst v3;
	v3 =	vor.u32 v0, v49  }
0xeb: {  	v54 =	vld [tilespmem:$0x2F0];
	v53 =	vshll.u32 v44, $0x1;
	[tilespmem:$0x280] =	vst v3;
	v3 =	vor.u32 v0, v51  }
0xec: {  	v56 =	vld [tilespmem:$0x300];
	v55 =	vshll.u32 v46, $0x1;
	[tilespmem:$0x290] =	vst v3;
	v3 =	vor.u32 v0, v53  }
0xed: {  	v58 =	vld [tilespmem:$0x310];
	v57 =	vshll.u32 v48, $0x1;
	[tilespmem:$0x2A0] =	vst v3;
	v3 =	vor.u32 v0, v55  }
0xee: {  	v59 =	vshll.u32 v50, $0x1;
	[tilespmem:$0x2B0] =	vst v3;
	v3 =	vor.u32 v0, v57  }
0xef: {  	v60 =	vshll.u32 v52, $0x1;
	[tilespmem:$0x2C0] =	vst v3;
	v3 =	vor.u32 v0, v59  }
0xf0: {  	v61 =	vshll.u32 v54, $0x1;
	[tilespmem:$0x2D0] =	vst v3;
	v3 =	vor.u32 v0, v60  }
0xf1: {  	v62 =	vshll.u32 v56, $0x1;
	[tilespmem:$0x2E0] =	vst v3;
	v3 =	vor.u32 v0, v61  }
0xf2: {  	v63 =	vshll.u32 v58, $0x1;
	[tilespmem:$0x2F0] =	vst v3;
	v3 =	vor.u32 v0, v62  }
0xf3: {  	[tilespmem:$0x300] =	vst v3;
	v3 =	vor.u32 v0, v63  }
.Ltmp7:
0xf4: {  	[tilespmem:$0x310] =	vst v3;
	(pc) =	sbr.rel @p0 .LBB2_9-.Ltmp7, $4  }
0xf5: {  	_ =	swait.ge [sflag:s16], $0x1400  }
0xf6: {  	[sflag:s16] =	ssyncset.done $0x0  }
0xf7: {  	s21 =	sadd.s32 $0xFFFFFE70, s20;
	[sflag:s16] =	ssyncadd.s32 $0xFFFFEC00  }
0xf8: {  	[spmem:s3] =	stream.indirect.scatter.add.f32 [tilespmem:s26], [sflag:$0x8], $0x40, s21, s25, $0xb8;
	[tilespmem:$0x1BD50] =	vst v63  }
0xf9: {  	s6 =	simm.s32 $0xD  }
0xfa: {  	_ =	swait.ge [sflag:s6], $0x500  }
0xfb: {  	[sflag:s6] =	ssyncset.done $0x0  }
0xfc: {  	s15 =	simm.s32 $0xB540;
	p2 =	seq.s32 s19, $0x0;
	[sflag:s6] =	ssyncadd.s32 $0xFFFFFB00  }
0xfd: {  	[spmem:s4] =	stream.indirect.scatter.add.f32 [tilespmem:s15], [sflag:$0x12], $0x10, s21, s25, $0xb8;
	[tilespmem:$0x1BD50] =	vst v63  }
0xfe: {  	s21 =	simm.s32 @!p2 $0xB  }
0xff: {  	_ =	swait.ge @!p2 [sflag:s21], $0x1400  }
0x100: {  	[sflag:s21] =	ssyncset.done @!p2 $0x0  }
0x101: {  	[sflag:s21] =	ssyncadd.s32 @!p2 $0xFFFFEC00;
	s21 =	simm.s32 @!p2 $0x15  }
0x102: {  	_ =	swait.ge @!p2 [sflag:s21], $0x500  }
0x103: {  	[sflag:s21] =	ssyncset.done @!p2 $0x0  }
0x104: {  	s26 =	simm.s32 $0xF0;
	[sflag:s21] =	ssyncadd.s32 @!p2 $0xFFFFFB00  }
0x105: {  	[tilespmem:s28], [sflag:$0x6] =	stream.indirect.gather [hbm4b:s1+s25], $0x40, s26, s25, $0xb8;
	[tilespmem:$0x1BD50] =	vst v63  }
0x106: {  	s30 =	simm.s32 $0xC440;
	s22 =	simm.s32 $0x4;
	s6 =	sadd.s32 $0xFFFFFE20, s2  }
0x107: {  	[tilespmem:s30], [sflag:$0x10] =	stream.linear.gather [hbm4b:s6+s5], $0x500, $0x38;
	[tilespmem:$0x1BD50] =	vst v63  }
0x108: {  	_ =	swait.ge [sflag:s22], $0x1400  }
0x109: {  	s24 =	sadd.s32 $0xFFFFFEC0, s20;
	[sflag:s22] =	ssyncset.done $0x0  }
0x10a: {  	s6 =	simm.s32 $0x6540;
	[sflag:s22] =	ssyncadd.s32 $0xFFFFEC00;
	s22 =	simm.s32 $0xE  }
0x10b: {  	[spmem:s3] =	stream.indirect.scatter.add.f32 [tilespmem:s6], [sflag:$0x9], $0x40, s24, s25, $0xb8;
	[tilespmem:$0x1BD50] =	vst v63  }
0x10c: {  	_ =	swait.ge [sflag:s22], $0x500  }
0x10d: {  	[sflag:s22] =	ssyncset.done $0x0  }
0x10e: {  	s21 =	simm.s32 @!p2 $0xC;
	[sflag:s22] =	ssyncadd.s32 $0xFFFFFB00;
	s22 =	simm.s32 $0xBA40  }
0x10f: {  	[spmem:s4] =	stream.indirect.scatter.add.f32 [tilespmem:s22], [sflag:$0x13], $0x10, s24, s25, $0xb8;
	[tilespmem:$0x1BD50] =	vst v63  }
0x110: {  	_ =	swait.ge @!p2 [sflag:s21], $0x1400  }
0x111: {  	[sflag:s21] =	ssyncset.done @!p2 $0x0  }
0x112: {  	[sflag:s21] =	ssyncadd.s32 @!p2 $0xFFFFEC00;
	s21 =	simm.s32 @!p2 $0x16  }
0x113: {  	_ =	swait.ge @!p2 [sflag:s21], $0x500  }
0x114: {  	[sflag:s21] =	ssyncset.done @!p2 $0x0  }
0x115: {  	s26 =	simm.s32 $0x140;
	[sflag:s21] =	ssyncadd.s32 @!p2 $0xFFFFFB00  }
0x116: {  	[tilespmem:s12], [sflag:$0x7] =	stream.indirect.gather [hbm4b:s1+s25], $0x40, s26, s25, $0xb8;
	[tilespmem:$0x1BD50] =	vst v63  }
0x117: {  	s24 =	sadd.s32 $0xFFFFFEC0, s2;
	s26 =	simm.s32 $0xC940  }
0x118: {  	[tilespmem:s26], [sflag:$0x11] =	stream.linear.gather [hbm4b:s24+s5], $0x500, $0x38;
	[tilespmem:$0x1BD50] =	vst v63  }
0x119: {  	_ =	swait.ge [sflag:s18], $0x1400  }
0x11a: {  	[sflag:s18] =	ssyncset.done $0x0  }
0x11b: {  	s21 =	sadd.s32 $0xFFFFFF10, s20;
	s24 =	simm.s32 $0x7940;
	[sflag:s18] =	ssyncadd.s32 $0xFFFFEC00  }
0x11c: {  	[spmem:s3] =	stream.indirect.scatter.add.f32 [tilespmem:s24], [sflag:$0xA], $0x40, s21, s25, $0xb8;
	[tilespmem:$0x1BD50] =	vst v63  }
0x11d: {  	s24 =	simm.s32 $0xF  }
0x11e: {  	_ =	swait.ge [sflag:s24], $0x500  }
0x11f: {  	[sflag:s24] =	ssyncset.done $0x0  }
0x120: {  	[sflag:s24] =	ssyncadd.s32 $0xFFFFFB00;
	s24 =	simm.s32 $0xBF40  }
0x121: {  	[spmem:s4] =	stream.indirect.scatter.add.f32 [tilespmem:s24], [sflag:$0x14], $0x10, s21, s25, $0xb8;
	[tilespmem:$0x1BD50] =	vst v63  }
0x122: {  	_ =	swait.ge [sflag:s23], $0x1400  }
0x123: {  	[sflag:s23] =	ssyncset.done $0x0  }
0x124: {  	s21 =	simm.s32 $0x12;
	[sflag:s23] =	ssyncadd.s32 $0xFFFFEC00  }
0x125: {  	_ =	swait.ge [sflag:s21], $0x500  }
0x126: {  	[sflag:s21] =	ssyncset.done $0x0  }
0x127: {  	[sflag:s21] =	ssyncadd.s32 $0xFFFFFB00;
	s21 =	simm.s32 $0x5140  }
0x128: {  	[tilespmem:s21], [sflag:$0x3] =	stream.indirect.gather [hbm4b:s1+s25], $0x40, s13, s25, $0xb8;
	[tilespmem:$0x1BD50] =	vst v63  }
0x129: {  	s13 =	sadd.s32 $0xFFFFFF60, s2  }
0x12a: {  	[tilespmem:s15], [sflag:$0xD] =	stream.linear.gather [hbm4b:s13+s5], $0x500, $0x38;
	[tilespmem:$0x1BD50] =	vst v63  }
0x12b: {  	_ =	swait.ge [sflag:s8], $0x1400  }
0x12c: {  	[sflag:s8] =	ssyncset.done $0x0  }
0x12d: {  	s21 =	sadd.s32 $0xFFFFFF60, s20;
	s15 =	simm.s32 $0x10;
	[sflag:s8] =	ssyncadd.s32 $0xFFFFEC00  }
0x12e: {  	[spmem:s3] =	stream.indirect.scatter.add.f32 [tilespmem:s28], [sflag:$0xB], $0x40, s21, s25, $0xb8;
	[tilespmem:$0x1BD50] =	vst v63  }
0x12f: {  	_ =	swait.ge [sflag:s15], $0x500  }
0x130: {  	[sflag:s15] =	ssyncset.done $0x0  }
0x131: {  	[sflag:s15] =	ssyncadd.s32 $0xFFFFFB00  }
0x132: {  	[spmem:s4] =	stream.indirect.scatter.add.f32 [tilespmem:s30], [sflag:$0x15], $0x10, s21, s25, $0xb8;
	[tilespmem:$0x1BD50] =	vst v63  }
0x133: {  	_ =	swait.ge [sflag:s7], $0x1400  }
0x134: {  	[sflag:s7] =	ssyncset.done $0x0  }
0x135: {  	[sflag:s7] =	ssyncadd.s32 $0xFFFFEC00  }
0x136: {  	_ =	swait.ge [sflag:s11], $0x500  }
0x137: {  	[sflag:s11] =	ssyncset.done $0x0  }
0x138: {  	s21 =	simm.s32 $0x1E0;
	[sflag:s11] =	ssyncadd.s32 $0xFFFFFB00  }
0x139: {  	[tilespmem:s6], [sflag:$0x4] =	stream.indirect.gather [hbm4b:s1+s25], $0x40, s21, s25, $0xb8;
	[tilespmem:$0x1BD50] =	vst v63  }
0x13a: {  	_ = 	snop  }
0x13b: {  	[tilespmem:s22], [sflag:$0xE] =	stream.linear.gather [hbm4b:s2+s5], $0x500, $0x38;
	[tilespmem:$0x1BD50] =	vst v63  }
0x13c: {  	_ =	swait.ge [sflag:s31], $0x1400  }
0x13d: {  	[sflag:s31] =	ssyncset.done $0x0  }
0x13e: {  	s13 =	simm.s32 $0x11;
	s28 =	sadd.s32 $0xFFFFFFB0, s20;
	[sflag:s31] =	ssyncadd.s32 $0xFFFFEC00  }
0x13f: {  	[spmem:s3] =	stream.indirect.scatter.add.f32 [tilespmem:s12], [sflag:$0xC], $0x40, s28, s25, $0xb8;
	[tilespmem:$0x1BD50] =	vst v63  }
0x140: {  	_ =	swait.ge [sflag:s13], $0x500  }
0x141: {  	[sflag:s13] =	ssyncset.done $0x0  }
0x142: {  	[sflag:s13] =	ssyncadd.s32 $0xFFFFFB00  }
0x143: {  	[spmem:s4] =	stream.indirect.scatter.add.f32 [tilespmem:s26], [sflag:$0x16], $0x10, s28, s25, $0xb8;
	[tilespmem:$0x1BD50] =	vst v63  }
0x144: {  	_ =	swait.ge [sflag:s17], $0x1400  }
0x145: {  	[sflag:s17] =	ssyncset.done $0x0  }
0x146: {  	[sflag:s17] =	ssyncadd.s32 $0xFFFFEC00  }
0x147: {  	_ =	swait.ge [sflag:s14], $0x500  }
.Ltmp8:
0x148: {  	[sflag:s14] =	ssyncset.done $0x0;
	(pc) =	sbr.rel .LBB2_10-.Ltmp8, $4  }
0x149: {  	s30 =	simm.s32 $0x7940;
	s22 =	simm.s32 $0x230;
	[sflag:s14] =	ssyncadd.s32 $0xFFFFFB00  }
0x14a: {  	[tilespmem:s30], [sflag:$0x5] =	stream.indirect.gather [hbm4b:s1+s25], $0x40, s22, s25, $0xb8;
	[tilespmem:$0x1BD50] =	vst v63  }
0x14b: {  	s15 =	simm.s32 $0x6540;
	s26 =	simm.s32 $0x5140;
	s28 =	sadd.s32 $0xA0, s2  }
0x14c: {  	[tilespmem:s24], [sflag:$0xF] =	stream.linear.gather [hbm4b:s28+s5], $0x500, $0x38;
	[tilespmem:$0x1BD50] =	vst v63  }
.LBB2_9:
0x14d: {  	p2 =	seq.s32 s19, $0x0  }
0x14e: {  	s21 =	simm.s32 @p2 $0x50;
	s24 =	simm.s32 @p2 $0xF0;
	s22 =	simm.s32 @p2 $0x8D40  }
0x14f: {  	[tilespmem:s22], [sflag:$0x6] =	stream.indirect.gather @p2 [hbm4b:s1+s21], $0x40, s24, s21, $0xb8;
	[tilespmem:$0x1BD50] =	vst v63  }
0x150: {  	s22 =	simm.s32 @p2 $0x4  }
0x151: {  	_ =	swait.ge @p2 [sflag:s22], $0x1400  }
0x152: {  	[sflag:s22] =	ssyncset.done @p2 $0x0  }
0x153: {  	s24 =	simm.s32 @p2 $0x6540;
	[sflag:s22] =	ssyncadd.s32 @p2 $0xFFFFEC00;
	s22 =	sadd.s32 @p2 $0xFFFFFEC0, s20  }
0x154: {  	[spmem:s3] =	stream.indirect.scatter.add.f32 @p2 [tilespmem:s24], [sflag:$0x9], $0x40, s22, s21, $0xb8;
	[tilespmem:$0x1BD50] =	vst v63  }
0x155: {  	s21 =	simm.s32 @!p2 $0xB  }
0x156: {  	_ =	swait.ge @!p2 [sflag:s21], $0x1400  }
0x157: {  	s22 =	simm.s32 @!p2 $0xF0;
	[sflag:s21] =	ssyncset.done @!p2 $0x0  }
0x158: {  	s24 =	simm.s32 @!p2 $0x8D40;
	[sflag:s21] =	ssyncadd.s32 @!p2 $0xFFFFEC00;
	s21 =	simm.s32 @!p2 $0x50  }
0x159: {  	[tilespmem:s24], [sflag:$0x6] =	stream.indirect.gather @!p2 [hbm4b:s1+s21], $0x40, s22, s21, $0xb8;
	[tilespmem:$0x1BD50] =	vst v63  }
0x15a: {  	s22 =	simm.s32 @!p2 $0x4  }
0x15b: {  	_ =	swait.ge @!p2 [sflag:s22], $0x1400  }
0x15c: {  	[sflag:s22] =	ssyncset.done @!p2 $0x0  }
0x15d: {  	s24 =	simm.s32 @!p2 $0x6540;
	[sflag:s22] =	ssyncadd.s32 @!p2 $0xFFFFEC00;
	s22 =	sadd.s32 @!p2 $0xFFFFFEC0, s20  }
0x15e: {  	[spmem:s3] =	stream.indirect.scatter.add.f32 @!p2 [tilespmem:s24], [sflag:$0x9], $0x40, s22, s21, $0xb8;
	[tilespmem:$0x1BD50] =	vst v63  }
0x15f: {  	s21 =	simm.s32 @!p2 $0xC  }
0x160: {  	_ =	swait.ge @!p2 [sflag:s21], $0x1400  }
0x161: {  	[sflag:s21] =	ssyncset.done @!p2 $0x0  }
0x162: {  	s6 =	simm.s32 $0x140;
	[sflag:s21] =	ssyncadd.s32 @!p2 $0xFFFFEC00  }
0x163: {  	[tilespmem:s12], [sflag:$0x7] =	stream.indirect.gather [hbm4b:s1+s25], $0x40, s6, s25, $0xb8;
	[tilespmem:$0x1BD50] =	vst v63  }
0x164: {  	_ =	swait.ge [sflag:s18], $0x1400  }
0x165: {  	[sflag:s18] =	ssyncset.done $0x0  }
0x166: {  	s6 =	sadd.s32 $0xFFFFFF10, s20;
	[sflag:s18] =	ssyncadd.s32 $0xFFFFEC00  }
0x167: {  	[spmem:s3] =	stream.indirect.scatter.add.f32 [tilespmem:s30], [sflag:$0xA], $0x40, s6, s25, $0xb8;
	[tilespmem:$0x1BD50] =	vst v63  }
0x168: {  	_ =	swait.ge [sflag:s23], $0x1400  }
0x169: {  	[sflag:s23] =	ssyncset.done $0x0  }
0x16a: {  	[sflag:s23] =	ssyncadd.s32 $0xFFFFEC00  }
0x16b: {  	[tilespmem:s26], [sflag:$0x3] =	stream.indirect.gather [hbm4b:s1+s25], $0x40, s13, s25, $0xb8;
	[tilespmem:$0x1BD50] =	vst v63  }
0x16c: {  	_ =	swait.ge [sflag:s8], $0x1400  }
0x16d: {  	[sflag:s8] =	ssyncset.done $0x0  }
0x16e: {  	s13 =	sadd.s32 $0xFFFFFF60, s20;
	[sflag:s8] =	ssyncadd.s32 $0xFFFFEC00  }
0x16f: {  	[spmem:s3] =	stream.indirect.scatter.add.f32 [tilespmem:s28], [sflag:$0xB], $0x40, s13, s25, $0xb8;
	[tilespmem:$0x1BD50] =	vst v63  }
0x170: {  	_ =	swait.ge [sflag:s7], $0x1400  }
0x171: {  	[sflag:s7] =	ssyncset.done $0x0  }
0x172: {  	s22 =	simm.s32 $0x1E0;
	[sflag:s7] =	ssyncadd.s32 $0xFFFFEC00  }
0x173: {  	[tilespmem:s15], [sflag:$0x4] =	stream.indirect.gather [hbm4b:s1+s25], $0x40, s22, s25, $0xb8;
	[tilespmem:$0x1BD50] =	vst v63  }
0x174: {  	_ =	swait.ge [sflag:s31], $0x1400  }
0x175: {  	[sflag:s31] =	ssyncset.done $0x0  }
0x176: {  	s24 =	sadd.s32 $0xFFFFFFB0, s20;
	[sflag:s31] =	ssyncadd.s32 $0xFFFFEC00  }
0x177: {  	[spmem:s3] =	stream.indirect.scatter.add.f32 [tilespmem:s12], [sflag:$0xC], $0x40, s24, s25, $0xb8;
	[tilespmem:$0x1BD50] =	vst v63  }
0x178: {  	_ =	swait.ge [sflag:s17], $0x1400  }
0x179: {  	[sflag:s17] =	ssyncset.done $0x0  }
0x17a: {  	s28 =	simm.s32 $0x230;
	[sflag:s17] =	ssyncadd.s32 $0xFFFFEC00  }
0x17b: {  	[tilespmem:s30], [sflag:$0x5] =	stream.indirect.gather [hbm4b:s1+s25], $0x40, s28, s25, $0xb8;
	[tilespmem:$0x1BD50] =	vst v63  }
.LBB2_10:
0x17c: {  	p1 =	seq.s32 s19, $0xFFFFFFE8  }
.Ltmp9:
0x17d: {  	_ = 	snop;
	(pc) =	sbr.rel @p1 .LBB2_12-.Ltmp9, $4  }
0x17e: {  	_ = 	snop  }
0x17f: {  	s6 =	simm.s32 @!p1 $0x0  }
0x180: {  	s6 =	simm.s32 @p1 $0x1  }
0x181: {  	[smem:$0x7FC] =	sst s6  }
0x182: {  	s21 =	sadd.s32 $0xFFFFFE70, s29  }
0x183: {  	s6 =	rddreg [dreg:$0xe];
	s21 =	sshrl.u32 s21, $0x3  }
0x184: {  	s28 =	simm.s32 $0x1;
	s21 =	sadd.s32 s6, s21  }
0x185: {  	[tilespmem:s5], [sflag:$0x1] =	stream.linear.gather [hbm4b:s21+s5], $0x190, $0x38;
	[tilespmem:$0x1BD50] =	vst v63  }
0x186: {  	_ =	swait.ge [sflag:s28], $0x190  }
0x187: {  	[sflag:s28] =	ssyncset.done $0x0  }
0x188: {  	[sflag:s28] =	ssyncadd.s32 $0xFFFFFE70  }
0x189: {  	v3 =	vld [tilespmem:$0x0]  }
0x18a: {  	v4 =	vld [tilespmem:$0x10]  }
0x18b: {  	v5 =	vld [tilespmem:$0x20]  }
0x18c: {  	v6 =	vld [tilespmem:$0x30]  }
0x18d: {  	v7 =	vld [tilespmem:$0x40]  }
0x18e: {  	v8 =	vld [tilespmem:$0x50];
	v3 =	vshll.u32 v3, $0x1  }
0x18f: {  	v9 =	vld [tilespmem:$0x60];
	v4 =	vshll.u32 v4, $0x1;
	v3 =	vor.u32 v0, v3  }
0x190: {  	v24 =	vld [tilespmem:$0x70];
	v23 =	vshll.u32 v5, $0x1;
	[tilespmem:$0x0] =	vst v3;
	v3 =	vor.u32 v0, v4  }
0x191: {  	v26 =	vld [tilespmem:$0x80];
	v25 =	vshll.u32 v6, $0x1;
	[tilespmem:$0x10] =	vst v3;
	v3 =	vor.u32 v0, v23  }
0x192: {  	v28 =	vld [tilespmem:$0x90];
	v27 =	vshll.u32 v7, $0x1;
	[tilespmem:$0x20] =	vst v3;
	v3 =	vor.u32 v0, v25  }
0x193: {  	v30 =	vld [tilespmem:$0xA0];
	v29 =	vshll.u32 v8, $0x1;
	[tilespmem:$0x30] =	vst v3;
	v3 =	vor.u32 v0, v27  }
0x194: {  	v32 =	vld [tilespmem:$0xB0];
	v31 =	vshll.u32 v9, $0x1;
	[tilespmem:$0x40] =	vst v3;
	v3 =	vor.u32 v0, v29  }
0x195: {  	v34 =	vld [tilespmem:$0xC0];
	v33 =	vshll.u32 v24, $0x1;
	[tilespmem:$0x50] =	vst v3;
	v3 =	vor.u32 v0, v31  }
0x196: {  	v36 =	vld [tilespmem:$0xD0];
	v35 =	vshll.u32 v26, $0x1;
	[tilespmem:$0x60] =	vst v3;
	v3 =	vor.u32 v0, v33  }
0x197: {  	v38 =	vld [tilespmem:$0xE0];
	v37 =	vshll.u32 v28, $0x1;
	[tilespmem:$0x70] =	vst v3;
	v3 =	vor.u32 v0, v35  }
0x198: {  	v40 =	vld [tilespmem:$0xF0];
	v39 =	vshll.u32 v30, $0x1;
	[tilespmem:$0x80] =	vst v3;
	v3 =	vor.u32 v0, v37  }
0x199: {  	v42 =	vld [tilespmem:$0x100];
	v41 =	vshll.u32 v32, $0x1;
	[tilespmem:$0x90] =	vst v3;
	v3 =	vor.u32 v0, v39  }
0x19a: {  	v44 =	vld [tilespmem:$0x110];
	v43 =	vshll.u32 v34, $0x1;
	[tilespmem:$0xA0] =	vst v3;
	v3 =	vor.u32 v0, v41  }
0x19b: {  	v46 =	vld [tilespmem:$0x120];
	v45 =	vshll.u32 v36, $0x1;
	[tilespmem:$0xB0] =	vst v3;
	v3 =	vor.u32 v0, v43  }
0x19c: {  	v48 =	vld [tilespmem:$0x130];
	v47 =	vshll.u32 v38, $0x1;
	[tilespmem:$0xC0] =	vst v3;
	v3 =	vor.u32 v0, v45  }
0x19d: {  	v50 =	vld [tilespmem:$0x140];
	v49 =	vshll.u32 v40, $0x1;
	[tilespmem:$0xD0] =	vst v3;
	v3 =	vor.u32 v0, v47  }
0x19e: {  	v52 =	vld [tilespmem:$0x150];
	v51 =	vshll.u32 v42, $0x1;
	[tilespmem:$0xE0] =	vst v3;
	v3 =	vor.u32 v0, v49  }
0x19f: {  	v54 =	vld [tilespmem:$0x160];
	v53 =	vshll.u32 v44, $0x1;
	[tilespmem:$0xF0] =	vst v3;
	v3 =	vor.u32 v0, v51  }
0x1a0: {  	v56 =	vld [tilespmem:$0x170];
	v55 =	vshll.u32 v46, $0x1;
	[tilespmem:$0x100] =	vst v3;
	v3 =	vor.u32 v0, v53  }
0x1a1: {  	v58 =	vld [tilespmem:$0x180];
	v57 =	vshll.u32 v48, $0x1;
	[tilespmem:$0x110] =	vst v3;
	v3 =	vor.u32 v0, v55  }
0x1a2: {  	v59 =	vshll.u32 v50, $0x1;
	[tilespmem:$0x120] =	vst v3;
	v3 =	vor.u32 v0, v57  }
0x1a3: {  	v60 =	vshll.u32 v52, $0x1;
	[tilespmem:$0x130] =	vst v3;
	v3 =	vor.u32 v0, v59  }
0x1a4: {  	v61 =	vshll.u32 v54, $0x1;
	[tilespmem:$0x140] =	vst v3;
	v3 =	vor.u32 v0, v60  }
0x1a5: {  	v62 =	vshll.u32 v56, $0x1;
	[tilespmem:$0x150] =	vst v3;
	v3 =	vor.u32 v0, v61  }
0x1a6: {  	v63 =	vshll.u32 v58, $0x1;
	[tilespmem:$0x160] =	vst v3;
	v3 =	vor.u32 v0, v62  }
0x1a7: {  	[tilespmem:$0x170] =	vst v3;
	v3 =	vor.u32 v0, v63  }
0x1a8: {  	[tilespmem:$0x180] =	vst v3  }
.LBB2_12:
0x1a9: {  	_ =	swait.ge [sflag:s16], $0x1400  }
0x1aa: {  	[sflag:s16] =	ssyncset.done $0x0  }
0x1ab: {  	s21 =	simm.s32 @!p0 $0xD;
	[sflag:s16] =	ssyncadd.s32 $0xFFFFEC00  }
0x1ac: {  	[spmem:s3] =	stream.indirect.scatter.add.f32 [tilespmem:s26], [sflag:$0x8], $0x40, s20, s25, $0xb8;
	[tilespmem:$0x1BD50] =	vst v63  }
0x1ad: {  	_ =	swait.ge @!p0 [sflag:s21], $0x500  }
0x1ae: {  	[sflag:s21] =	ssyncset.done @!p0 $0x0  }
0x1af: {  	s24 =	simm.s32 @!p0 $0x50;
	[sflag:s21] =	ssyncadd.s32 @!p0 $0xFFFFFB00;
	s21 =	simm.s32 @!p0 $0xB540  }
0x1b0: {  	[spmem:s4] =	stream.indirect.scatter.add.f32 @!p0 [tilespmem:s21], [sflag:$0x12], $0x10, s20, s24, $0xb8;
	[tilespmem:$0x1BD50] =	vst v63  }
0x1b1: {  	_ =	swait.ge [sflag:s9], $0x1400  }
0x1b2: {  	s22 =	simm.s32 @p0 $0x50;
	[sflag:s9] =	ssyncset.done $0x0  }
0x1b3: {  	s28 =	simm.s32 @p0 $0x8D40;
	s21 =	simm.s32 @p0 $0x280;
	[sflag:s9] =	ssyncadd.s32 $0xFFFFEC00  }
0x1b4: {  	[tilespmem:s28], [sflag:$0x6] =	stream.indirect.gather @p0 [hbm4b:s1+s22], $0x40, s21, s22, $0xb8;
	[tilespmem:$0x1BD50] =	vst v63  }
0x1b5: {  	s21 =	simm.s32 @p0 $0x4  }
0x1b6: {  	_ =	swait.ge @p0 [sflag:s21], $0x1400  }
0x1b7: {  	[sflag:s21] =	ssyncset.done @p0 $0x0  }
0x1b8: {  	s28 =	simm.s32 @p0 $0x6540;
	[sflag:s21] =	ssyncadd.s32 @p0 $0xFFFFEC00;
	s21 =	sadd.s32 @p0 $0x50, s20  }
0x1b9: {  	[spmem:s3] =	stream.indirect.scatter.add.f32 @p0 [tilespmem:s28], [sflag:$0x9], $0x40, s21, s22, $0xb8;
	[tilespmem:$0x1BD50] =	vst v63  }
0x1ba: {  	s21 =	simm.s32 @!p0 $0x15  }
0x1bb: {  	_ =	swait.ge @!p0 [sflag:s21], $0x500  }
0x1bc: {  	[sflag:s21] =	ssyncset.done @!p0 $0x0  }
0x1bd: {  	s28 =	simm.s32 @!p0 $0x8D40;
	[sflag:s21] =	ssyncadd.s32 @!p0 $0xFFFFFB00;
	s21 =	simm.s32 @!p0 $0x280  }
0x1be: {  	[tilespmem:s28], [sflag:$0x6] =	stream.indirect.gather @!p0 [hbm4b:s1+s24], $0x40, s21, s24, $0xb8;
	[tilespmem:$0x1BD50] =	vst v63  }
0x1bf: {  	s6 =	simm.s32 @!p0 $0x0;
	s28 =	sadd.s32 @!p0 $0x140, s2;
	s21 =	simm.s32 @!p0 $0xC440  }
0x1c0: {  	[tilespmem:s21], [sflag:$0x10] =	stream.linear.gather @!p0 [hbm4b:s28+s6], $0x500, $0x38;
	[tilespmem:$0x1BD50] =	vst v63  }
0x1c1: {  	s28 =	simm.s32 @!p0 $0x4  }
0x1c2: {  	_ =	swait.ge @!p0 [sflag:s28], $0x1400  }
0x1c3: {  	[sflag:s28] =	ssyncset.done @!p0 $0x0  }
0x1c4: {  	s13 =	simm.s32 @!p0 $0x6540;
	[sflag:s28] =	ssyncadd.s32 @!p0 $0xFFFFEC00;
	s28 =	sadd.s32 @!p0 $0x50, s20  }
0x1c5: {  	[spmem:s3] =	stream.indirect.scatter.add.f32 @!p0 [tilespmem:s13], [sflag:$0x9], $0x40, s28, s24, $0xb8;
	[tilespmem:$0x1BD50] =	vst v63  }
0x1c6: {  	s13 =	simm.s32 @!p0 $0xE  }
0x1c7: {  	_ =	swait.ge @!p0 [sflag:s13], $0x500  }
0x1c8: {  	[sflag:s13] =	ssyncset.done @!p0 $0x0  }
0x1c9: {  	[sflag:s13] =	ssyncadd.s32 @!p0 $0xFFFFFB00;
	s13 =	simm.s32 @!p0 $0xBA40  }
0x1ca: {  	[spmem:s4] =	stream.indirect.scatter.add.f32 @!p0 [tilespmem:s13], [sflag:$0x13], $0x10, s28, s24, $0xb8;
	[tilespmem:$0x1BD50] =	vst v63  }
0x1cb: {  	_ =	swait.ge [sflag:s10], $0x1400  }
0x1cc: {  	[sflag:s10] =	ssyncset.done $0x0  }
0x1cd: {  	s13 =	simm.s32 @p0 $0x2D0;
	s28 =	simm.s32 @p0 $0xA140;
	[sflag:s10] =	ssyncadd.s32 $0xFFFFEC00  }
0x1ce: {  	[tilespmem:s28], [sflag:$0x7] =	stream.indirect.gather @p0 [hbm4b:s1+s22], $0x40, s13, s22, $0xb8;
	[tilespmem:$0x1BD50] =	vst v63  }
0x1cf: {  	s13 =	simm.s32 @p0 $0x5  }
0x1d0: {  	p3 =	seq.s32 @p0 s19, $0xFFFFFFE8;
	_ =	swait.ge @p0 [sflag:s13], $0x1400  }
0x1d1: {  	p4 =	por p3, !p0;
	[sflag:s13] =	ssyncset.done @p0 $0x0  }
0x1d2: {  	s28 =	simm.s32 @p0 $0x7940;
	[sflag:s13] =	ssyncadd.s32 @p0 $0xFFFFEC00;
	s13 =	sadd.s32 @p0 $0xA0, s20  }
0x1d3: {  	[spmem:s3] =	stream.indirect.scatter.add.f32 @p0 [tilespmem:s28], [sflag:$0xA], $0x40, s13, s22, $0xb8;
	[tilespmem:$0x1BD50] =	vst v63  }
0x1d4: {  	s13 =	simm.s32 @!p4 $0x8  }
0x1d5: {  	_ =	swait.ge @!p4 [sflag:s13], $0x1400  }
0x1d6: {  	s22 =	simm.s32 @!p4 $0x0;
	[sflag:s13] =	ssyncset.done @!p4 $0x0  }
0x1d7: {  	s28 =	simm.s32 @!p4 $0x5140;
	[sflag:s13] =	ssyncadd.s32 @!p4 $0xFFFFEC00;
	s13 =	simm.s32 @!p4 $0x50  }
0x1d8: {  	[tilespmem:s28], [sflag:$0x3] =	stream.indirect.gather @!p4 [hbm4b:s1+s13], $0x40, s22, s13, $0xb8;
	[tilespmem:$0x1BD50] =	vst v63  }
0x1d9: {  	s13 =	simm.s32 @!p0 $0x16  }
0x1da: {  	_ =	swait.ge @!p0 [sflag:s13], $0x500  }
0x1db: {  	[sflag:s13] =	ssyncset.done @!p0 $0x0  }
0x1dc: {  	s22 =	simm.s32 @!p0 $0xA140;
	[sflag:s13] =	ssyncadd.s32 @!p0 $0xFFFFFB00;
	s13 =	simm.s32 @!p0 $0x2D0  }
0x1dd: {  	[tilespmem:s22], [sflag:$0x7] =	stream.indirect.gather @!p0 [hbm4b:s1+s24], $0x40, s13, s24, $0xb8;
	[tilespmem:$0x1BD50] =	vst v63  }
0x1de: {  	s13 =	sadd.s32 @!p0 $0x1E0, s2;
	s22 =	simm.s32 @!p0 $0xC940  }
0x1df: {  	[tilespmem:s22], [sflag:$0x11] =	stream.linear.gather @!p0 [hbm4b:s13+s6], $0x500, $0x38;
	[tilespmem:$0x1BD50] =	vst v63  }
0x1e0: {  	s6 =	simm.s32 @!p0 $0x5  }
0x1e1: {  	_ =	swait.ge @!p0 [sflag:s6], $0x1400  }
0x1e2: {  	[sflag:s6] =	ssyncset.done @!p0 $0x0  }
0x1e3: {  	s13 =	simm.s32 @!p0 $0x7940;
	[sflag:s6] =	ssyncadd.s32 @!p0 $0xFFFFEC00;
	s6 =	sadd.s32 @!p0 $0xA0, s20  }
0x1e4: {  	[spmem:s3] =	stream.indirect.scatter.add.f32 @!p0 [tilespmem:s13], [sflag:$0xA], $0x40, s6, s24, $0xb8;
	[tilespmem:$0x1BD50] =	vst v63  }
0x1e5: {  	s13 =	simm.s32 @!p0 $0xF  }
0x1e6: {  	_ =	swait.ge @!p0 [sflag:s13], $0x500  }
0x1e7: {  	p5 =	seq.s32 @!p0 s19, $0xFFFFFFE8;
	[sflag:s13] =	ssyncset.done @!p0 $0x0  }
0x1e8: {  	p6 =	por p5, p0;
	[sflag:s13] =	ssyncadd.s32 @!p0 $0xFFFFFB00;
	s13 =	simm.s32 @!p0 $0xBF40  }
0x1e9: {  	[spmem:s4] =	stream.indirect.scatter.add.f32 @!p0 [tilespmem:s13], [sflag:$0x14], $0x10, s6, s24, $0xb8;
	[tilespmem:$0x1BD50] =	vst v63  }
0x1ea: {  	s6 =	simm.s32 @!p6 $0x8  }
0x1eb: {  	_ =	swait.ge @!p6 [sflag:s6], $0x1400  }
0x1ec: {  	[sflag:s6] =	ssyncset.done @!p6 $0x0  }
0x1ed: {  	[sflag:s6] =	ssyncadd.s32 @!p6 $0xFFFFEC00;
	s6 =	simm.s32 @!p6 $0x12  }
0x1ee: {  	_ =	swait.ge @!p6 [sflag:s6], $0x500  }
0x1ef: {  	s22 =	simm.s32 @!p6 $0x5140;
	[sflag:s6] =	ssyncset.done @!p6 $0x0  }
0x1f0: {  	s13 =	simm.s32 @!p6 $0x0;
	[sflag:s6] =	ssyncadd.s32 @!p6 $0xFFFFFB00;
	s6 =	simm.s32 @!p6 $0x50  }
0x1f1: {  	[tilespmem:s22], [sflag:$0x3] =	stream.indirect.gather @!p6 [hbm4b:s1+s6], $0x40, s13, s6, $0xb8;
	[tilespmem:$0x1BD50] =	vst v63  }
0x1f2: {  	s6 =	sadd.s32 @!p6 $0x280, s2;
	s22 =	simm.s32 @!p6 $0xB540  }
0x1f3: {  	[tilespmem:s22], [sflag:$0xD] =	stream.linear.gather @!p6 [hbm4b:s6+s13], $0x500, $0x38;
	[tilespmem:$0x1BD50] =	vst v63  }
0x1f4: {  	_ =	swait.ge [sflag:s8], $0x1400  }
0x1f5: {  	s28 =	simm.s32 $0x8D40;
	[sflag:s8] =	ssyncset.done $0x0  }
0x1f6: {  	s6 =	sadd.s32 $0xF0, s20;
	s13 =	simm.s32 @!p0 $0x10;
	[sflag:s8] =	ssyncadd.s32 $0xFFFFEC00  }
0x1f7: {  	[spmem:s3] =	stream.indirect.scatter.add.f32 [tilespmem:s28], [sflag:$0xB], $0x40, s6, s25, $0xb8;
	[tilespmem:$0x1BD50] =	vst v63  }
0x1f8: {  	_ =	swait.ge @!p0 [sflag:s13], $0x500  }
0x1f9: {  	[sflag:s13] =	ssyncset.done @!p0 $0x0  }
0x1fa: {  	[sflag:s13] =	ssyncadd.s32 @!p0 $0xFFFFFB00  }
0x1fb: {  	[spmem:s4] =	stream.indirect.scatter.add.f32 @!p0 [tilespmem:s21], [sflag:$0x15], $0x10, s6, s24, $0xb8;
	[tilespmem:$0x1BD50] =	vst v63  }
0x1fc: {  	s24 =	sld [smem:$0x7FC];
	_ =	sdelay $0x1  }
0x1fd: {  	p1 =	por @p0 $0x0, $0x0;
	p3 =	por !p3, !p0;
	p4 =	por @!p4 $0x0, $0x0  }
0x1fe: {  	p4 =	por @!p3 p1, p1;
	p1 =	seq.s32 s24, $0x1  }
.Ltmp10:
0x1ff: {  	_ = 	snop;
	(pc) =	sbr.rel @!p1 .LBB2_13-.Ltmp10, $4  }
0x200: {  	_ = 	snop  }
0x201: {  	p2 =	por @!p0 $0x0, $0x0;
	p5 =	por !p5, p0;
	p6 =	por @!p6 $0x1, $0x1  }
0x202: {  	p6 =	por @!p5 p2, p2  }
0x203: {  	p4 =	por @!p0 p6, p6  }
.Ltmp11:
0x204: {  	(pc) =	sbr.rel @!p4 .LBB2_17-.Ltmp11, $4  }
.Ltmp12:
0x205: {  	(pc) =	sbr.rel @p4 .LBB2_16-.Ltmp12, $4  }
0x206: {  	_ = 	snop  }
0x207: {  	_ = 	snop  }
0x208: {  	_ = 	snop  }
0x209: {  	_ = 	snop  }
.LBB2_13:
.Ltmp13:
0x20a: {  	(pc) =	sbr.rel @!p4 .LBB2_14-.Ltmp13, $4  }
0x20b: {  	_ = 	snop  }
0x20c: {  	_ =	swait.ge [sflag:s7], $0x1400  }
0x20d: {  	[sflag:s7] =	ssyncset.done $0x0  }
0x20e: {  	[sflag:s7] =	ssyncadd.s32 $0xFFFFEC00  }
.LBB2_16:
0x20f: {  	_ =	swait.ge [sflag:s11], $0x500  }
.Ltmp14:
0x210: {  	[sflag:s11] =	ssyncset.done $0x0;
	(pc) =	sbr.rel .LBB2_17-.Ltmp14, $4  }
0x211: {  	[sflag:s11] =	ssyncadd.s32 $0xFFFFFB00  }
0x212: {  	[tilespmem:s15], [sflag:$0x4] =	stream.indirect.gather [hbm4b:s1+s25], $0x40, s25, s25, $0xb8;
	[tilespmem:$0x1BD50] =	vst v63  }
0x213: {  	s6 =	sadd.s32 $0x320, s2;
	s13 =	simm.s32 $0xBA40  }
0x214: {  	[tilespmem:s13], [sflag:$0xE] =	stream.linear.gather [hbm4b:s6+s5], $0x500, $0x38;
	[tilespmem:$0x1BD50] =	vst v63  }
.LBB2_14:
0x215: {  	[tilespmem:s15], [sflag:$0x4] =	stream.indirect.gather [hbm4b:s1+s25], $0x40, s25, s25, $0xb8;
	[tilespmem:$0x1BD50] =	vst v63  }
.LBB2_17:
0x216: {  	_ =	swait.ge [sflag:s31], $0x1400  }
0x217: {  	[sflag:s31] =	ssyncset.done $0x0  }
0x218: {  	s6 =	sadd.s32 $0x140, s20;
	[sflag:s31] =	ssyncadd.s32 $0xFFFFEC00  }
0x219: {  	[spmem:s3] =	stream.indirect.scatter.add.f32 [tilespmem:s12], [sflag:$0xC], $0x40, s6, s25, $0xb8;
	[tilespmem:$0x1BD50] =	vst v63  }
.Ltmp15:
0x21a: {  	s13 =	simm.s32 @!p0 $0x11;
	(pc) =	sbr.rel @!p1 .LBB2_18-.Ltmp15, $4  }
0x21b: {  	_ =	swait.ge @!p0 [sflag:s13], $0x500  }
0x21c: {  	[sflag:s13] =	ssyncset.done @!p0 $0x0  }
0x21d: {  	s21 =	simm.s32 @!p0 $0xC940;
	[sflag:s13] =	ssyncadd.s32 @!p0 $0xFFFFFB00;
	s13 =	simm.s32 @!p0 $0x50  }
0x21e: {  	[spmem:s4] =	stream.indirect.scatter.add.f32 @!p0 [tilespmem:s21], [sflag:$0x16], $0x10, s6, s13, $0xb8;
	[tilespmem:$0x1BD50] =	vst v63  }
.Ltmp16:
0x21f: {  	(pc) =	sbr.rel @p4 .LBB2_20-.Ltmp16, $4  }
.Ltmp17:
0x220: {  	(pc) =	sbr.rel @!p4 .LBB2_23-.Ltmp17, $4  }
0x221: {  	_ = 	snop  }
0x222: {  	_ = 	snop  }
0x223: {  	_ = 	snop  }
0x224: {  	_ = 	snop  }
.LBB2_18:
.Ltmp18:
0x225: {  	(pc) =	sbr.rel @!p4 .LBB2_19-.Ltmp18, $4  }
0x226: {  	_ = 	snop  }
0x227: {  	_ =	swait.ge [sflag:s17], $0x1400  }
0x228: {  	[sflag:s17] =	ssyncset.done $0x0  }
0x229: {  	[sflag:s17] =	ssyncadd.s32 $0xFFFFEC00  }
.LBB2_20:
0x22a: {  	_ =	swait.ge [sflag:s14], $0x500  }
.Ltmp19:
0x22b: {  	[sflag:s14] =	ssyncset.done $0x0;
	(pc) =	sbr.rel @!p1 .LBB2_21-.Ltmp19, $4  }
.Ltmp20:
0x22c: {  	s6 =	simm.s32 $0xA0;
	[sflag:s14] =	ssyncadd.s32 $0xFFFFFB00;
	(pc) =	sbr.rel @p1 .LBB2_23-.Ltmp20, $4  }
0x22d: {  	[tilespmem:s30], [sflag:$0x5] =	stream.indirect.gather [hbm4b:s1+s25], $0x40, s6, s25, $0xb8;
	[tilespmem:$0x1BD50] =	vst v63  }
0x22e: {  	s24 =	sadd.s32 $0x3C0, s2;
	s13 =	simm.s32 $0xBF40  }
0x22f: {  	[tilespmem:s13], [sflag:$0xF] =	stream.linear.gather [hbm4b:s24+s5], $0x500, $0x38;
	[tilespmem:$0x1BD50] =	vst v63  }
0x230: {  	_ = 	snop  }
.LBB2_24:
0x231: {  	_ =	sfence.sel $0x180000  }
0x232: {  	[bflag:$0x0] =	sbarrier.arrive $0xFFFF  }
0x233: {  	_ =	strace $0x90000047  }
0x234: {  	s0 =	stileid.u32;
	[bflag:$0x2] =	sbarrier.arrive $0xFFFF  }
0x235: {  	p0 =	sne.s32 s0, $0x0;
	s0 =	rddreg [dreg:$0x6]  }
0x236: {  	s0 =	sadd.s32 @!p0 $0x100000, s0  }
0x237: {  	[sflag:s0] =	ssyncadd.tile.s32 @!p0 $0x1;
	_ =	shalt  }
.Lfunc_end2:
_tile_overlayer_lowered:
.L_overlay_start_2:
0x238: {  	(tag) =	ssettag $0x2  }
0x239: {  	s0 =	rddreg [dreg:$0x0];
	s2 =	stileid.u32  }
0x23a: {  	s1 =	rddreg [dreg:$0x1];
	p0 =	sne.s32 s2, $0x0  }
0x23b: {  	s3 =	rddreg [dreg:$0x2];
	[bflag:$0x3] =	sbarrier.arrive $0xFFFF;
	s2 =	simm.s32 @!p0 $0x1C17  }
0x23c: {  	[timem:s3], [sflag:s2] =	dma.local @!p0 [hbm:s0], s1  }
0x23d: {  	s0 =	simm.s32 @!p0 $0x17  }
0x23e: {  	_ =	swait.ge @!p0 [sflag:s0], s1  }
0x23f: {  	s1 =	ssub.s32 @!p0 $0x0, s1;
	[sflag:s0] =	ssyncset.done @!p0 $0x0  }
0x240: {  	[sflag:s0] =	ssyncadd.s32 @!p0 s1  }
0x241: {  	[bflag:$0x3] =	sbarrier.arrive $0xFFFF  }
0x242: {  	_ =	shalt  }

// kernel: kernel.8.cloned.1.call-start
scs
__scs_entry_jumppad:
0x0: {  	(pc) =	sbr.rel $0x88, $3  }
0x1: {  	(tag) =	ssettag $0x0;
	lr =	simm.s32 $0x1  }
0x2: {  	[smem:$0x3F9A] =	sst lr;
	_ =	strace $0xD0000000  }
0x3: {  	_ = 	snop  }
0x4: {  	_ = 	snop  }
0x5: {  	_ = 	snop  }
0x6: {  	_ = 	snop  }
0x7: {  	_ = 	snop  }
__scs_overlays_trampoline_lowered:
0x8: {  	[smem:$0x3FA9] =	sst s0  }
0x9: {  	[smem:$0x3FAA] =	sst s1  }
0xa: {  	[smem:$0x3FAB] =	sst s2  }
0xb: {  	[smem:$0x3FAC] =	sst s3  }
0xc: {  	[smem:$0x3FAD] =	sst s4  }
0xd: {  	[smem:$0x3FAE] =	sst s5  }
0xe: {  	[smem:$0x3FAF] =	sst s6  }
0xf: {  	[smem:$0x3FB0] =	sst s7  }
0x10: {  	[smem:$0x3FB1] =	sst s8  }
0x11: {  	[smem:$0x3FB2] =	sst s9;
	s0 =	simm.s32 @!p0 $0x0  }
0x12: {  	s1 =	sld [smem:$0x3F98];
	s0 =	simm.s32 @p0 $0x1  }
0x13: {  	[smem:$0x3FB3] =	sst s0;
	s0 =	simm.s32 @!p1 $0x0  }
0x14: {  	s2 =	sld [smem:$0x3F97];
	s0 =	simm.s32 @p1 $0x1  }
0x15: {  	[smem:$0x3FB4] =	sst s0;
	s0 =	simm.s32 @!p2 $0x0  }
0x16: {  	s3 =	sld [smem:$0x3FDB];
	s0 =	simm.s32 @p2 $0x1  }
0x17: {  	s4 =	simm.s32 $0x1BF5;
	[smem:$0x3FB6] =	sst s0  }
0x18: {  	s0 =	sld [smem:$0x3F99];
	_ =	swait.ge [sflag:s4], $0x0  }
0x19: {  	s7 =	sld [smem:$0x3F9A]  }
0x1a: {  	s8 =	sadd.s32 $0xFFFFE003, lr  }
0x1b: {  	s9 =	sadd.s32 $0xFFFFFEF7, lr;
	s5 =	simm.s32 $0xFFFFFFFF;
	p2 =	slt.u32 s8, $0xFFFFF086  }
0x1c: {  	p1 =	slt.u32 s9, $0xF7A;
	s5 =	simm.s32 @!p2 $0x0  }
0x1d: {  	s5 =	simm.s32 @p1 $0x1;
	p0 =	seq.s32 s7, s2  }
0x1e: {  	s7 =	smul.u32 @!p0 $0xF7A, s2;
	p2 =	seq.s32 @!p0 s5, $0x0  }
0x1f: {  	s9 =	smul.u32 $0xF7A, s1;
	s8 =	simm.s32 @!p0 $0x1BF5;
	p2 =	por !p2, p0  }
0x20: {  	[sflag:s8] =	ssyncset.s32 @!p0 $0xFFFFF086;
	s6 =	sadd.s32 @!p0 s3, s7;
	s7 =	simm.s32 @!p0 $0x108  }
0x21: {  	s3 =	sadd.s32 s3, s9;
	s6 =	sadd.s32 @!p0 $0x88, s6;
	s7 =	simm.s32 @p2 $0x1082  }
0x22: {  	[simem:s7], [sflag:s8] =	dma.local @!p0 [hbm:s6], $0xF7A  }
0x23: {  	s9 =	sor.u32 $0xD0000000, s2;
	s6 =	simm.s32 $0x108;
	_ =	swait.ge @!p0 [sflag:s8], $0x0  }
0x24: {  	s3 =	sadd.s32 $0x88, s3;
	s6 =	simm.s32 @!p1 $0x1082;
	[sflag:s4] =	ssyncset.s32 $0xFFFFF086  }
0x25: {  	[simem:s6], [sflag:s4] =	dma.local [hbm:s3], $0xF7A  }
0x26: {  	[smem:$0x3F9A] =	sst s1;
	(tag) =	ssettag s2;
	_ =	strace s9  }
0x27: {  	s1 =	sld [smem:$0x3FAA]  }
0x28: {  	s2 =	sld [smem:$0x3FAB]  }
0x29: {  	s4 =	sld [smem:$0x3FAD]  }
0x2a: {  	p0 =	seq.s32 s5, $0x0;
	s5 =	sld [smem:$0x3FAE]  }
0x2b: {  	s6 =	sld [smem:$0x3FAF]  }
0x2c: {  	s7 =	sld [smem:$0x3FB0]  }
0x2d: {  	s3 =	simm.s32 $0x108;
	s8 =	sld [smem:$0x3FB1]  }
0x2e: {  	s3 =	simm.s32 @!p0 $0x1082;
	s9 =	sld [smem:$0x3FB2]  }
0x2f: {  	lr =	sadd.s32 s0, s3;
	s0 =	sld [smem:$0x3FA9]  }
0x30: {  	s3 =	sld [smem:$0x3FAC]  }
0x31: {  	[smem:$0x3FB5] =	sst s10  }
0x32: {  	s10 =	sld [smem:$0x3FB3];
	_ =	sdelay $0x3  }
0x33: {  	p0 =	seq.s32 s10, $0x1;
	s10 =	sld [smem:$0x3FB5];
	_ =	sdelay $0x3  }
0x34: {  	[smem:$0x3FB5] =	sst s10  }
0x35: {  	s10 =	sld [smem:$0x3FB4];
	_ =	sdelay $0x3  }
0x36: {  	p1 =	seq.s32 s10, $0x1;
	s10 =	sld [smem:$0x3FB5];
	_ =	sdelay $0x3  }
0x37: {  	[smem:$0x3FB5] =	sst s10  }
0x38: {  	s10 =	sld [smem:$0x3FB6]  }
0x39: {  	_ = 	snop;
	(pc) =	sbr.ind lr, $3  }
0x3a: {  	_ = 	snop  }
0x3b: {  	_ = 	snop  }
0x3c: {  	p2 =	seq.s32 s10, $0x1;
	s10 =	sld [smem:$0x3FB5]  }
0x3d: {  	_ =	shalt  }
0x3e: {  	_ =	shalt  }
0x3f: {  	_ =	shalt  }
0x40: {  	_ =	shalt  }
0x41: {  	_ =	shalt  }
0x42: {  	_ =	shalt  }
0x43: {  	_ =	shalt  }
0x44: {  	_ =	shalt  }
0x45: {  	_ =	shalt  }
0x46: {  	_ =	shalt  }
0x47: {  	_ =	shalt  }
0x48: {  	_ =	shalt  }
0x49: {  	_ =	shalt  }
0x4a: {  	_ =	shalt  }
0x4b: {  	_ =	shalt  }
0x4c: {  	_ =	shalt  }
0x4d: {  	_ =	shalt  }
0x4e: {  	_ =	shalt  }
0x4f: {  	_ =	shalt  }
0x50: {  	_ =	shalt  }
0x51: {  	_ =	shalt  }
0x52: {  	_ =	shalt  }
0x53: {  	_ =	shalt  }
0x54: {  	_ =	shalt  }
0x55: {  	_ =	shalt  }
0x56: {  	_ =	shalt  }
0x57: {  	_ =	shalt  }
0x58: {  	_ =	shalt  }
0x59: {  	_ =	shalt  }
0x5a: {  	_ =	shalt  }
0x5b: {  	_ =	shalt  }
0x5c: {  	_ =	shalt  }
0x5d: {  	_ =	shalt  }
0x5e: {  	_ =	shalt  }
0x5f: {  	_ =	shalt  }
0x60: {  	_ =	shalt  }
0x61: {  	_ =	shalt  }
0x62: {  	_ =	shalt  }
0x63: {  	_ =	shalt  }
0x64: {  	_ =	shalt  }
0x65: {  	_ =	shalt  }
0x66: {  	_ =	shalt  }
0x67: {  	_ =	shalt  }
0x68: {  	_ =	shalt  }
0x69: {  	_ =	shalt  }
0x6a: {  	_ =	shalt  }
0x6b: {  	_ =	shalt  }
0x6c: {  	_ =	shalt  }
0x6d: {  	_ =	shalt  }
0x6e: {  	_ =	shalt  }
0x6f: {  	_ =	shalt  }
0x70: {  	_ =	shalt  }
0x71: {  	_ =	shalt  }
0x72: {  	_ =	shalt  }
0x73: {  	_ =	shalt  }
0x74: {  	_ =	shalt  }
0x75: {  	_ =	shalt  }
0x76: {  	_ =	shalt  }
0x77: {  	_ =	shalt  }
0x78: {  	_ =	shalt  }
0x79: {  	_ =	shalt  }
0x7a: {  	_ =	shalt  }
0x7b: {  	_ =	shalt  }
0x7c: {  	_ =	shalt  }
0x7d: {  	_ =	shalt  }
0x7e: {  	_ =	shalt  }
0x7f: {  	_ =	shalt  }
0x80: {  	_ =	shalt  }
0x81: {  	_ =	shalt  }
0x82: {  	_ =	shalt  }
0x83: {  	_ =	shalt  }
0x84: {  	_ =	shalt  }
0x85: {  	_ =	shalt  }
0x86: {  	_ =	shalt  }
0x87: {  	_ =	shalt  }
.Lfunc_end0:
.L_simem_size_0:
called_computation.1_lowered:
.L_overlay_start_0:
0x88: {  	s2 =	sld [smem:$0x3FD9]  }
0x89: {  	s3 =	sld [smem:$0x3FFE];
	_ =	sdelay $0x1  }
0x8a: {  	s1 =	srdreg.scid  }
0x8b: {  	s0 =	sand.u32 $0x1, s1  }
0x8c: {  	s14 =	sshll.u32 s0, $0xA;
	s2 =	sadd.s32 s3, s2  }
0x8d: {  	s2 =	sadd.s32 s2, s14  }
0x8e: {  	[smem:$0x3FC1] =	sst s2  }
0x8f: {  	_ = 	snop  }
0x90: {  	s2 =	sld [smem:$0x3FD0];
	_ =	sdelay $0x2  }
0x91: {  	s15 =	simm.s32 $0xA;
	s4 =	simm.s32 $0x10  }
0x92: {  	[smem:s4], [sflag:s15] =	dma.local [hbm:s2], $0x1  }
0x93: {  	_ =	swait.eq [sflag:s15], $0x1  }
0x94: {  	[sflag:s15] =	ssyncset.done $0x0  }
0x95: {  	[sflag:s15] =	ssyncadd.s32 $0xFFFFFFFF  }
0x96: {  	s16 =	sld [smem:$0x11];
	(tm) =	ssettm $0x1  }
0x97: {  	s17 =	sld [smem:$0x3FFB];
	_ =	sdelay $0x3  }
0x98: {  	_ =	strace s17  }
0x99: {  	s3 =	sld [smem:$0x3FFC];
	_ =	sdelay $0x3  }
0x9a: {  	_ =	strace s3  }
0x9b: {  	s3 =	sld [smem:$0x3FFD];
	_ =	sdelay $0x3  }
0x9c: {  	_ =	strace s3  }
0x9d: {  	_ =	strace $0x8FFFFFFF  }
0x9e: {  	s18 =	sld [smem:$0x3FDB];
	_ =	sdelay $0x1  }
0x9f: {  	s19 =	simm.s32 $_scs_section_size  }
0xa0: {  	s5 =	simm.s32 $_size__tile_overlayer_lowered;
	s6 =	simm.s32 $_tile_overlayer_lowered  }
0xa1: {  	s22 =	simm.s32 $0x1BFF;
	s21 =	sshll.u32 s6, $0x1;
	s3 =	sadd.s32 s19, s18  }
0xa2: {  	s7 =	simm.s32 $0x0;
	s20 =	sshll.u32 s5, $0x1;
	s5 =	sadd.s32 s21, s3  }
0xa3: {  	[timem:s7], [sflag:s22] =	dma.local [hbm:s5], s20  }
0xa4: {  	_ =	swait.ge [sflag:s22], s20  }
0xa5: {  	s4 =	ssub.s32 $0x0, s20;
	[sflag:s22] =	ssyncset.done $0x0  }
0xa6: {  	[sflag:s22] =	ssyncadd.s32 s4;
	_ =	sdelay $0x1  }
0xa7: {  	s23 =	simm.s32 $0x1B8B  }
0xa8: {  	_ =	swait.ge [sflag:s23], $0x1  }
0xa9: {  	[sflag:s23] =	ssyncset.done $0x0  }
0xaa: {  	s25 =	simm.s32 $0x1B8E;
	s24 =	sld [smem:$0x3FFE];
	[sflag:s23] =	ssyncadd.s32 $0xFFFFFFFF  }
0xab: {  	s26 =	simm.s32 $execute0_lowered;
	[smem:$0x3FD2] =	sst s25  }
0xac: {  	s5 =	sshll.u32 s26, $0x1;
	_ =	strace $0x80000049;
	[dreg:$0x1] =	wrdreg $0xFFFFFFFF  }
0xad: {  	s28 =	simm.s32 $_size_execute0_lowered;
	s3 =	sadd.s32 s3, s5;
	[dreg:$0x0] =	wrdreg $0x0  }
0xae: {  	s5 =	sshll.u32 s28, $0x1;
	[dreg:$0x2] =	wrdreg s3  }
0xaf: {  	[dreg:$0x3] =	wrdreg s5  }
0xb0: {  	[dreg:$0x4] =	wrdreg $0xC0  }
0xb1: {  	_ =	task [dreg:s7], $0x5FFFF  }
0xb2: {  	[dreg:$0x1] =	wrdreg $0xFFFFFFFF  }
0xb3: {  	[dreg:$0x0] =	wrdreg $0x60  }
0xb4: {  	[dreg:$0x2] =	wrdreg s24  }
0xb5: {  	[dreg:$0x3] =	wrdreg s16  }
0xb6: {  	[dreg:$0x4] =	wrdreg $0xBB800  }
0xb7: {  	[dreg:$0x5] =	wrdreg $0x9  }
0xb8: {  	_ =	task.clear_ibuf [dreg:s7], $0x6FFFF;
	_ =	strace $0x90000049  }
0xb9: {  	s29 =	simm.s32 $0x9;
	_ =	strace $0x8000004B  }
0xba: {  	_ =	swait.ge [sflag:s29], $0x1  }
0xbb: {  	[sflag:s29] =	ssyncadd.s32 $0xFFFFFFFF  }
0xbc: {  	_ =	strace $0x9000004B  }
0xbd: {  	_ =	sfence  }
0xbe: {  	s30 =	sld [smem:$0x0];
	_ =	sdelay $0x2  }
0xbf: {  	s31 =	sshll.u32 s1, $0xD;
	s1 =	sshrl.u32 s1, $0x2  }
0xc0: {  	s3 =	sand.u32 $0x4000, s31;
	s1 =	sadd.s32 s1, s30  }
0xc1: {  	s0 =	sor.u32 s3, s0;
	s1 =	sshll.u32 s1, $0x11  }
0xc2: {  	s0 =	sor.u32 s1, s0  }
0xc3: {  	s0 =	sadd.s32 $0x8F2B, s0  }
0xc4: {  	[sflag:s0] =	ssyncadd.remote.s32 $0x1  }
0xc5: {  	_ =	sfence.sel $0xFFFF  }
0xc6: {  	[dreg:$0x0] =	wrdreg $0xFFFFFFFF;
	(pc) =	sbr.abs _section_cstart, $3  }
0xc7: {  	[dreg:$0x1] =	wrdreg $0xFFFFFFFF  }
0xc8: {  	_ =	task.clear_ibuf [dreg:s7], $0x2FFFF;
	_ =	strace $0x9FFFFFFF  }
0xc9: {  	(tm) =	ssettm $0x7FFFFFFF  }
tec
execute0_lowered:
.L_overlay_start_1:
0x0: {  	(tag) =	ssettag $0x1  }
0x1: {  	s0 =	rddreg [dreg:$0x0]  }
0x2: {  	s1 =	rddreg [dreg:$0x1]  }
0x3: {  	s2 =	rddreg [dreg:$0x2]  }
0x4: {  	s3 =	srdreg.scid;
	s11 =	stileid.u32;
	s15 =	simm.s32 $0x1  }
0x5: {  	s28 =	simm.s32 $0x7;
	s29 =	simm.s32 $0x4;
	s30 =	simm.s32 $0x8  }
0x6: {  	s31 =	simm.s32 $0xA;
	s14 =	simm.s32 $0x0;
	s5 =	smul.u32 $0x13880, s11  }
0x7: {  	s4 =	sand.u32 $0x1, s3;
	s3 =	simm.s32 $0x0;
	s10 =	smul.u32 $0x2710, s11  }
0x8: {  	s19 =	sshll.u32 s11, $0x6;
	s21 =	smul.u32 $0x27100, s11;
	s6 =	sshll.u32 s4, $0x4  }
0x9: {  	[smem:$0x7FF] =	sst s3;
	s8 =	ssub.s32 $0x2, s4;
	s17 =	smul.u32 $0x27100, s4  }
0xa: {  	s4 =	smul.u32 $0x271000, s4;
	s6 =	sor.u32 s11, s6;
	s7 =	sshrl.u32 s5, $0x3  }
0xb: {  	_ =	strace $0x8000004A;
	s9 =	sshrl.u32 s8, $0x1;
	s18 =	sadd.s32 s5, s2  }
0xc: {  	s5 =	sor.u32 $0x1C01, s19;
	s19 =	simm.s32 $0x5780;
	s6 =	smul.u32 $0x578, s6  }
0xd: {  	s7 =	sadd.s32 s7, s0;
	s16 =	ssub.s32 s8, s9;
	[dreg:$0x5] =	wrdreg s5  }
0xe: {  	s22 =	sadd.s32 s10, s17;
	s23 =	sadd.s32 s4, s1;
	s13 =	sshrl.u32 s18, $0x3  }
0xf: {  	s17 =	simm.s32 $0x9;
	s18 =	simm.s32 $0x32;
	s7 =	sadd.s32 $0x2200, s7  }
0x10: {  	s24 =	sshll.u32 s22, $0x4;
	s22 =	simm.s32 $0x8980;
	s0 =	sadd.s32 s6, s0  }
0x11: {  	[dreg:$0x4] =	wrdreg s7;
	s6 =	smax.u32 s16, $0x1;
	s25 =	sadd.s32 s1, s24  }
0x12: {  	s16 =	simm.s32 $0x5;
	s20 =	sadd.s32 $0xDF400, s0;
	[dreg:$0x8] =	wrdreg s6  }
0x13: {  	s24 =	simm.s32 $0x6;
	s0 =	sadd.s32 $0xEA400, s0;
	[dreg:$0x6] =	wrdreg s20  }
.Ltmp0:
0x14: {  	s1 =	sadd.s32 $0x960, s25;
	[dreg:$0x7] =	wrdreg s0;
	(pc) =	sbr.rel .LBB2_1-.Ltmp0, $4  }
0x15: {  	s26 =	sadd.s32 $0x320, s25;
	s0 =	sadd.s32 s21, s23;
	[dreg:$0xa] =	wrdreg s1  }
0x16: {  	[dreg:$0xb] =	wrdreg s26;
	s20 =	sadd.s32 $0x640, s25;
	s21 =	simm.s32 $0x7080  }
0x17: {  	s23 =	simm.s32 $0x2;
	s25 =	simm.s32 $0xA280;
	s26 =	simm.s32 $0x3  }
0x18: {  	s1 =	simm.s32 $0xC;
	[dreg:$0x9] =	wrdreg s0;
	s0 =	simm.s32 $0xB  }
.LBB2_4:
0x19: {  	_ =	swait.ge [sflag:s17], $0x1900  }
0x1a: {  	[sflag:s17] =	ssyncset.done $0x0  }
0x1b: {  	[sflag:s17] =	ssyncadd.s32 $0xFFFFE700  }
0x1c: {  	_ =	swait.ge [sflag:s31], $0x1900  }
0x1d: {  	[sflag:s31] =	ssyncset.done $0x0  }
0x1e: {  	[sflag:s31] =	ssyncadd.s32 $0xFFFFE700  }
0x1f: {  	_ =	swait.ge [sflag:s0], $0x1900  }
0x20: {  	[sflag:s0] =	ssyncset.done $0x0  }
0x21: {  	[sflag:s0] =	ssyncadd.s32 $0xFFFFE700  }
0x22: {  	_ =	swait.ge [sflag:s1], $0x1900  }
0x23: {  	s14 =	sadd.s32 $0x1, s14;
	s4 =	rddreg [dreg:$0x8]  }
0x24: {  	p0 =	sne.s32 s14, s4  }
.Ltmp1:
0x25: {  	_ = 	snop;
	(pc) =	sbr.rel @!p0 .LBB2_5-.Ltmp1, $3  }
0x26: {  	_ =	sdelay $0x1  }
0x27: {  	[sflag:s1] =	ssyncset.done $0x0  }
0x28: {  	[sflag:s1] =	ssyncadd.s32 $0xFFFFE700  }
.LBB2_1:
0x29: {  	s4 =	rddreg [dreg:$0x4]  }
0x2a: {  	s5 =	rddreg [dreg:$0x5]  }
0x2b: {  	[spmem:s13], [sflag:s5] =	dma.local [hbm:s4], $0x2710  }
0x2c: {  	s4 =	rddreg [dreg:$0x6]  }
0x2d: {  	[tilespmem:s3], [sflag:$0x5] =	stream.linear.gather [hbm4b:s4+s3], $0x2BC0, $0x38;
	[tilespmem:$0x1F400] =	vst v63  }
0x2e: {  	s11 =	simm.s32 $0x2BC0;
	s10 =	rddreg [dreg:$0x7]  }
0x2f: {  	[tilespmem:s11], [sflag:$0x9] =	stream.linear.gather [hbm4b:s10+s3], $0x2BC0, $0x38;
	[tilespmem:$0x1F400] =	vst v63  }
0x30: {  	_ =	swait.ge [sflag:s15], $0x2710  }
0x31: {  	[sflag:s15] =	ssyncset.done $0x0  }
0x32: {  	[sflag:s15] =	ssyncadd.s32 $0xFFFFD8F0  }
0x33: {  	_ =	swait.ge [sflag:s16], $0x2BC0  }
0x34: {  	[sflag:s16] =	ssyncset.done $0x0  }
0x35: {  	[sflag:s16] =	ssyncadd.s32 $0xFFFFD440  }
0x36: {  	_ =	swait.ge [sflag:s17], $0x2BC0  }
0x37: {  	[sflag:s17] =	ssyncset.done $0x0  }
0x38: {  	[sflag:s17] =	ssyncadd.s32 $0xFFFFD440  }
0x39: {  	[bflag:$0x0] =	sbarrier.arrive $0xFFFF  }
0x3a: {  	[tilespmem:s19], [sflag:$0x1] =	stream.indirect.gather [spmem:s2], $0x80, s3, s18, $0xb8;
	[tilespmem:$0x1F400] =	vst v63  }
0x3b: {  	s11 =	rddreg [dreg:$0xb]  }
0x3c: {  	s12 =	simm.s32 $0x38;
	s10 =	rddreg [dreg:$0xa]  }
0x3d: {  	[tilespmem:s21], [sflag:$0x2] =	stream.indirect.gather [spmem:s2], $0x80, s12, s18, $0xb8;
	[tilespmem:$0x1F400] =	vst v63  }
0x3e: {  	s6 =	simm.s32 $0x0;
	s9 =	rddreg [dreg:$0x9];
	s12 =	smov.u32 s20  }
.LBB2_2:
0x3f: {  	_ =	swait.ge [sflag:s15], $0x1900  }
0x40: {  	s8 =	sshra.s32 s6, $0x2;
	[sflag:s15] =	ssyncset.done $0x0  }
0x41: {  	s7 =	sadd.s32 $0x2BC0, s8;
	[sflag:s15] =	ssyncadd.s32 $0xFFFFE700  }
0x42: {  	[tilespmem:s19], [sflag:$0x5] =	stream.indirect.gather.add.f32 [spmem:s2], $0x80, s7, s18, $0xb8;
	[tilespmem:$0x1F400] =	vst v63  }
0x43: {  	_ =	swait.ge [sflag:s16], $0x1900  }
0x44: {  	p0 =	seq.s32 s6, $0x0;
	[sflag:s16] =	ssyncset.done $0x0  }
0x45: {  	s7 =	simm.s32 @!p0 $0xB;
	[sflag:s16] =	ssyncadd.s32 $0xFFFFE700  }
0x46: {  	[hbm4b:s9+s3] =	stream.linear.scatter [tilespmem:s19], [sflag:$0x9], $0x1900, $0x38;
	[tilespmem:$0x1F400] =	vst v63  }
0x47: {  	_ =	swait.ge @!p0 [sflag:s7], $0x1900  }
0x48: {  	[sflag:s7] =	ssyncset.done @!p0 $0x0  }
0x49: {  	s4 =	sadd.s32 $0x70, s8;
	[sflag:s7] =	ssyncadd.s32 @!p0 $0xFFFFE700  }
0x4a: {  	[tilespmem:s22], [sflag:$0x3] =	stream.indirect.gather [spmem:s2], $0x80, s4, s18, $0xb8;
	[tilespmem:$0x1F400] =	vst v63  }
0x4b: {  	_ =	swait.ge [sflag:s23], $0x1900  }
0x4c: {  	[sflag:s23] =	ssyncset.done $0x0  }
0x4d: {  	s5 =	sadd.s32 $0x2BF8, s8;
	[sflag:s23] =	ssyncadd.s32 $0xFFFFE700  }
0x4e: {  	[tilespmem:s21], [sflag:$0x6] =	stream.indirect.gather.add.f32 [spmem:s2], $0x80, s5, s18, $0xb8;
	[tilespmem:$0x1F400] =	vst v63  }
0x4f: {  	_ =	swait.ge [sflag:s24], $0x1900  }
0x50: {  	[sflag:s24] =	ssyncset.done $0x0  }
0x51: {  	s7 =	simm.s32 @!p0 $0xC;
	[sflag:s24] =	ssyncadd.s32 $0xFFFFE700  }
0x52: {  	[hbm4b:s11+s3] =	stream.linear.scatter [tilespmem:s21], [sflag:$0xA], $0x1900, $0x38;
	[tilespmem:$0x1F400] =	vst v63  }
0x53: {  	_ =	swait.ge @!p0 [sflag:s7], $0x1900  }
0x54: {  	[sflag:s7] =	ssyncset.done @!p0 $0x0  }
0x55: {  	s4 =	sadd.s32 $0xA8, s8;
	[sflag:s7] =	ssyncadd.s32 @!p0 $0xFFFFE700  }
0x56: {  	[tilespmem:s25], [sflag:$0x4] =	stream.indirect.gather [spmem:s2], $0x80, s4, s18, $0xb8;
	[tilespmem:$0x1F400] =	vst v63  }
0x57: {  	_ =	swait.ge [sflag:s26], $0x1900  }
0x58: {  	[sflag:s26] =	ssyncset.done $0x0  }
0x59: {  	s5 =	sadd.s32 $0x2C30, s8;
	[sflag:s26] =	ssyncadd.s32 $0xFFFFE700  }
0x5a: {  	[tilespmem:s22], [sflag:$0x7] =	stream.indirect.gather.add.f32 [spmem:s2], $0x80, s5, s18, $0xb8;
	[tilespmem:$0x1F400] =	vst v63  }
0x5b: {  	_ =	swait.ge [sflag:s28], $0x1900  }
0x5c: {  	p0 =	seq.s32 s6, $0xAB80;
	[sflag:s28] =	ssyncset.done $0x0  }
0x5d: {  	s7 =	simm.s32 @!p0 $0x9;
	[sflag:s28] =	ssyncadd.s32 $0xFFFFE700  }
0x5e: {  	[hbm4b:s12+s3] =	stream.linear.scatter [tilespmem:s22], [sflag:$0xB], $0x1900, $0x38;
	[tilespmem:$0x1F400] =	vst v63  }
0x5f: {  	_ =	swait.ge @!p0 [sflag:s7], $0x1900  }
0x60: {  	[sflag:s7] =	ssyncset.done @!p0 $0x0  }
0x61: {  	[sflag:s7] =	ssyncadd.s32 @!p0 $0xFFFFE700;
	s7 =	sshra.s32 @!p0 s6, $0x2  }
0x62: {  	s4 =	simm.s32 @!p0 $0x5780;
	s5 =	simm.s32 @!p0 $0x32;
	s7 =	sadd.s32 @!p0 $0xE0, s7  }
0x63: {  	[tilespmem:s4], [sflag:$0x1] =	stream.indirect.gather @!p0 [spmem:s2], $0x80, s7, s5, $0xb8;
	[tilespmem:$0x1F400] =	vst v63  }
0x64: {  	_ =	swait.ge [sflag:s29], $0x1900  }
0x65: {  	[sflag:s29] =	ssyncset.done $0x0  }
0x66: {  	s7 =	sadd.s32 $0x2C68, s8;
	[sflag:s29] =	ssyncadd.s32 $0xFFFFE700  }
0x67: {  	[tilespmem:s25], [sflag:$0x8] =	stream.indirect.gather.add.f32 [spmem:s2], $0x80, s7, s18, $0xb8;
	[tilespmem:$0x1F400] =	vst v63  }
.Ltmp2:
0x68: {  	_ = 	snop;
	(pc) =	sbr.rel @p0 .LBB2_4-.Ltmp2, $4  }
0x69: {  	_ =	swait.ge [sflag:s30], $0x1900  }
0x6a: {  	[sflag:s30] =	ssyncset.done $0x0  }
0x6b: {  	[sflag:s30] =	ssyncadd.s32 $0xFFFFE700  }
0x6c: {  	[hbm4b:s10+s3] =	stream.linear.scatter [tilespmem:s25], [sflag:$0xC], $0x1900, $0x38;
	[tilespmem:$0x1F400] =	vst v63  }
.Ltmp3:
0x6d: {  	(pc) =	sbr.rel .LBB2_2-.Ltmp3, $4  }
0x6e: {  	_ =	swait.ge [sflag:s31], $0x1900;
	s4 =	sadd.s32 $0x118, s8;
	s9 =	sadd.s32 $0xC80, s9  }
0x6f: {  	s6 =	sadd.s32 $0x380, s6;
	s10 =	sadd.s32 $0xC80, s10;
	[sflag:s31] =	ssyncset.done $0x0  }
0x70: {  	s11 =	sadd.s32 $0xC80, s11;
	s12 =	sadd.s32 $0xC80, s12;
	[sflag:s31] =	ssyncadd.s32 $0xFFFFE700  }
0x71: {  	[tilespmem:s21], [sflag:$0x2] =	stream.indirect.gather [spmem:s2], $0x80, s4, s18, $0xb8;
	[tilespmem:$0x1F400] =	vst v63  }
.LBB2_5:
0x72: {  	_ =	sfence.sel $0x180000  }
0x73: {  	[bflag:$0x0] =	sbarrier.arrive $0xFFFF  }
0x74: {  	_ =	strace $0x9000004A  }
0x75: {  	s0 =	stileid.u32;
	[bflag:$0x2] =	sbarrier.arrive $0xFFFF  }
0x76: {  	p0 =	sne.s32 s0, $0x0;
	s0 =	rddreg [dreg:$0x3]  }
0x77: {  	s0 =	sadd.s32 @!p0 $0x100000, s0  }
0x78: {  	[sflag:s0] =	ssyncadd.tile.s32 @!p0 $0x1;
	_ =	shalt  }
.Lfunc_end2:
_tile_overlayer_lowered:
.L_overlay_start_2:
0x79: {  	(tag) =	ssettag $0x2  }
0x7a: {  	s0 =	rddreg [dreg:$0x0];
	s2 =	stileid.u32  }
0x7b: {  	s1 =	rddreg [dreg:$0x1];
	p0 =	sne.s32 s2, $0x0  }
0x7c: {  	s3 =	rddreg [dreg:$0x2];
	[bflag:$0x3] =	sbarrier.arrive $0xFFFF;
	s2 =	simm.s32 @!p0 $0x1C0D  }
0x7d: {  	[timem:s3], [sflag:s2] =	dma.local @!p0 [hbm:s0], s1  }
0x7e: {  	s0 =	simm.s32 @!p0 $0xD  }
0x7f: {  	_ =	swait.ge @!p0 [sflag:s0], s1  }
0x80: {  	s1 =	ssub.s32 @!p0 $0x0, s1;
	[sflag:s0] =	ssyncset.done @!p0 $0x0  }
0x81: {  	[sflag:s0] =	ssyncadd.s32 @!p0 s1  }
0x82: {  	[bflag:$0x3] =	sbarrier.arrive $0xFFFF  }
0x83: {  	_ =	shalt  }

</sc_bundles>
